<compile_context>
chip_gen: v7x
topology: tpu7x:2x2x1
jax: 0.10.2.dev20260603
libtpu: 0.0.44.dev20260713+nightly
codegen_flags: <defaults>
</compile_context>

<pallas_src>
import functools

import jax
import jax.numpy as jnp
from jax import lax
from jax.experimental import pallas as pl
from jax.experimental.pallas import tpu as pltpu
from jax.experimental.pallas import tpu_sc as plsc

NC = 2
NS = 16
NW = NC * NS
DEPTH = 4


def _mesh():
    return plsc.VectorSubcoreMesh(
        core_axis_name="c", subcore_axis_name="s", num_cores=NC, num_subcores=NS
    )


def _make_sc_count(E, n_pad, slice_len, chunk):
    epw = E // NW
    nchunks = epw // chunk

    @functools.partial(
        pl.kernel,
        out_type=jax.ShapeDtypeStruct((NC * n_pad,), jnp.float32),
        mesh=_mesh(),
        scratch_types=(
            [pltpu.VMEM((chunk,), jnp.int32) for _ in range(DEPTH)]
            + [
                pltpu.VMEM((chunk,), jnp.float32),
                pltpu.VMEM((slice_len,), jnp.float32),
                pltpu.VMEM_SHARED((n_pad,), jnp.float32),
            ]
            + [pltpu.SemaphoreType.DMA for _ in range(DEPTH)]
        ),
    )
    def count_kernel(edge_hbm, zeros_hbm, ones_hbm, out_hbm, *scratch):
        didx = scratch[:DEPTH]
        onesv, stagev, accsh = scratch[DEPTH:DEPTH + 3]
        sems = scratch[DEPTH + 3:]
        cid = lax.axis_index("c")
        sid = lax.axis_index("s")
        wid = sid * NC + cid
        pltpu.sync_copy(zeros_hbm, stagev)
        pltpu.sync_copy(stagev, accsh.at[pl.ds(sid * slice_len, slice_len)])
        pltpu.sync_copy(ones_hbm, onesv)
        plsc.subcore_barrier()
        base = E + wid * epw
        prev = None
        for i in range(nchunks):
            r = i % DEPTH
            pltpu.sync_copy(edge_hbm.at[pl.ds(base + i * chunk, chunk)], didx[r])
            if prev is not None:
                prev.wait()
            prev = pltpu.async_copy(onesv, accsh.at[didx[r]], sems[0], add=True)
        prev.wait()
        plsc.subcore_barrier()
        pltpu.sync_copy(accsh.at[pl.ds(sid * slice_len, slice_len)], stagev)
        pltpu.sync_copy(stagev, out_hbm.at[pl.ds(cid * n_pad + sid * slice_len, slice_len)])

    return count_kernel


def _make_sc_gather_scatter(E, n_pad, slice_len, chunk):
    epw = E // NW
    nchunks = epw // chunk

    @functools.partial(
        pl.kernel,
        out_type=jax.ShapeDtypeStruct((NC * n_pad,), jnp.float32),
        mesh=_mesh(),
        scratch_types=(
            [pltpu.VMEM((chunk,), jnp.int32) for _ in range(2 * DEPTH)]
            + [pltpu.VMEM((chunk,), jnp.float32) for _ in range(DEPTH)]
            + [
                pltpu.VMEM((slice_len,), jnp.float32),
                pltpu.VMEM_SHARED((n_pad,), jnp.float32),
                pltpu.VMEM_SHARED((n_pad,), jnp.float32),
            ]
            + [pltpu.SemaphoreType.DMA for _ in range(2 * DEPTH)]
        ),
    )
    def gs_kernel(edge_hbm, table_hbm, zeros_hbm, out_hbm, *scratch):
        sidx = scratch[:DEPTH]
        didx = scratch[DEPTH:2 * DEPTH]
        vals = scratch[2 * DEPTH:3 * DEPTH]
        stagev, tabsh, accsh = scratch[3 * DEPTH:3 * DEPTH + 3]
        semg = scratch[3 * DEPTH + 3:3 * DEPTH + 3 + DEPTH]
        sems = scratch[3 * DEPTH + 3 + DEPTH:]
        cid = lax.axis_index("c")
        sid = lax.axis_index("s")
        wid = sid * NC + cid
        sl = pl.ds(sid * slice_len, slice_len)
        pltpu.sync_copy(zeros_hbm, stagev)
        pltpu.sync_copy(stagev, accsh.at[sl])
        pltpu.sync_copy(table_hbm.at[sl], stagev)
        pltpu.sync_copy(stagev, tabsh.at[sl])
        plsc.subcore_barrier()
        base = wid * epw
        gat = [None] * DEPTH
        prev = None
        for i in range(nchunks):
            r = i % DEPTH
            off = base + i * chunk
            pltpu.sync_copy(edge_hbm.at[pl.ds(off, chunk)], sidx[r])
            pltpu.sync_copy(edge_hbm.at[pl.ds(E + off, chunk)], didx[r])
            gat[r] = pltpu.async_copy(tabsh.at[sidx[r]], vals[r], semg[r])
            if i >= 1:
                rp = (i - 1) % DEPTH
                gat[rp].wait()
                gat[rp] = None
                if prev is not None:
                    prev.wait()
                prev = pltpu.async_copy(
                    vals[rp], accsh.at[didx[rp]], sems[0], add=True)
        rl = (nchunks - 1) % DEPTH
        gat[rl].wait()
        if prev is not None:
            prev.wait()
        prev = pltpu.async_copy(vals[rl], accsh.at[didx[rl]], sems[0], add=True)
        prev.wait()
        plsc.subcore_barrier()
        pltpu.sync_copy(accsh.at[sl], stagev)
        pltpu.sync_copy(stagev, out_hbm.at[pl.ds(cid * n_pad + sid * slice_len, slice_len)])

    return gs_kernel


def _tc1_body(cnt_ref, xp_ref, dinv_ref, u1_ref):
    deg = cnt_ref[0] + cnt_ref[1] + 1.0
    dinv = lax.rsqrt(deg)
    dinv_ref[...] = dinv
    u1_ref[...] = dinv * xp_ref[...]


def _tc2_body(t1_ref, dinv_ref, xp_ref, w1_ref, b1_ref, w2_ref, y_ref, u2_ref):
    dinv = dinv_ref[...]
    s = dinv * (t1_ref[0] + t1_ref[1]) + dinv * dinv * xp_ref[...]
    y = jnp.zeros_like(s)
    for j in range(16):
        y = y + jnp.maximum(s * w1_ref[0, j] + b1_ref[0, j], 0.0) * w2_ref[0, j]
    y_ref[...] = y
    u2_ref[...] = dinv * y


def _tc3_body(t2_ref, dinv_ref, y_ref, b2_ref, out_ref):
    dinv = dinv_ref[...]
    out_ref[...] = dinv * (t2_ref[0] + t2_ref[1]) + dinv * dinv * y_ref[...] + b2_ref[0, 0]


def kernel(x, edge_index, W1, b1, W2, b2):
    N = x.shape[0]
    E = edge_index.shape[1]
    assert E % NW == 0
    epw = E // NW
    chunk_cnt = 10000
    chunk_gs = 5000
    assert epw % chunk_cnt == 0 and epw % chunk_gs == 0
    slice_len = (-(-N // NS) + 7) // 8 * 8
    n_pad = slice_len * NS
    rows = n_pad // 128

    sc_count = _make_sc_count(E, n_pad, slice_len, chunk_cnt)
    sc_gs = _make_sc_gather_scatter(E, n_pad, slice_len, chunk_gs)

    zeros_s = jnp.zeros((slice_len,), jnp.float32)
    ones_c = jnp.ones((chunk_cnt,), jnp.float32)
    xp = jnp.pad(x[:, 0], (0, n_pad - N)).reshape(rows, 128)

    ei_flat = edge_index.reshape(2 * E)
    cnt = sc_count(ei_flat, zeros_s, ones_c)

    dinv, u1 = pl.pallas_call(
        _tc1_body,
        out_shape=[
            jax.ShapeDtypeStruct((rows, 128), jnp.float32),
            jax.ShapeDtypeStruct((rows, 128), jnp.float32),
        ],
    )(cnt.reshape(2, rows, 128), xp)

    t1 = sc_gs(ei_flat, u1.reshape(n_pad), zeros_s)

    y, u2 = pl.pallas_call(
        _tc2_body,
        out_shape=[
            jax.ShapeDtypeStruct((rows, 128), jnp.float32),
            jax.ShapeDtypeStruct((rows, 128), jnp.float32),
        ],
    )(t1.reshape(2, rows, 128), dinv, xp, W1, b1.reshape(1, 16), W2.reshape(1, 16))

    t2 = sc_gs(ei_flat, u2.reshape(n_pad), zeros_s)

    out = pl.pallas_call(
        _tc3_body,
        out_shape=jax.ShapeDtypeStruct((rows, 128), jnp.float32),
    )(t2.reshape(2, rows, 128), dinv, y, b2.reshape(1, 1))

    return out.reshape(n_pad)[:N].reshape(N, 1)

# --- scband reference (transcript-rebuilt; emitter-appended) ---
"""Pipeline reference for scband-gnn-1005022347276 (READ-ONLY COPY).

The authoritative reference and input builder live on the scoring server;
editing this copy changes nothing except your own understanding.
"""

import jax
import jax.numpy as jnp
import numpy as np

N = 100000
E = 3200000
HIDDEN = 16


def setup_inputs(seed: int = 0) -> dict:
    key = jax.random.key(seed)
    k1, k2, k3, k4 = jax.random.split(key, 4)
    x = jax.random.normal(k1, (N, 1), dtype=jnp.float32)
    edge_index = jax.random.randint(k2, (2, E), 0, N, dtype=jnp.int32)
    # GCNConv(1, 16) weights (glorot-style init)
    W1 = jax.random.normal(k3, (1, HIDDEN), dtype=jnp.float32) * (1.0 / np.sqrt(1 + HIDDEN))
    b1 = jnp.zeros((HIDDEN,), dtype=jnp.float32)
    # GCNConv(16, 1) weights
    W2 = jax.random.normal(k4, (HIDDEN, 1), dtype=jnp.float32) * (1.0 / np.sqrt(HIDDEN + 1))
    b2 = jnp.zeros((1,), dtype=jnp.float32)
    return {"x": x, "edge_index": edge_index, "W1": W1, "b1": b1, "W2": W2, "b2": b2}


def _gcn_norm(edge_index, num_nodes):
    # add self loops (GCNConv default add_self_loops=True)
    loop = jnp.arange(num_nodes, dtype=edge_index.dtype)
    src = jnp.concatenate([edge_index[0], loop])
    dst = jnp.concatenate([edge_index[1], loop])
    deg = jax.ops.segment_sum(jnp.ones_like(src, dtype=jnp.float32), dst, num_segments=num_nodes)
    dinv = jnp.where(deg > 0, 1.0 / jnp.sqrt(deg), 0.0)
    norm = dinv[src] * dinv[dst]
    return src, dst, norm


def _gcn_conv(x, src, dst, norm, W, b, num_nodes):
    xw = x @ W
    msg = xw[src] * norm[:, None]
    out = jax.ops.segment_sum(msg, dst, num_segments=num_nodes)
    return out + b


def reference(x, edge_index, W1, b1, W2, b2):
    num_nodes = x.shape[0]
    src, dst, norm = _gcn_norm(edge_index, num_nodes)
    h = _gcn_conv(x, src, dst, norm, W1, b1, num_nodes)
    h = jax.nn.relu(h)
    out = _gcn_conv(h, src, dst, norm, W2, b2, num_nodes)
    return out

if __name__ == "__main__":
    import jax
    _d = setup_inputs()
    print(jax.jit(kernel)(*tuple(_d.values())))

</pallas_src>

<mosaic_0001>
#map = affine_map<(d0, d1) -> (0)>
module attributes {stable_mosaic.version = 14 : i64} {
  func.func @gs_kernel(%arg0: i32, %arg1: i32, %arg2: memref<6400000xi32, #tpu.memory_space<hbm>>, %arg3: memref<100096xf32, #tpu.memory_space<hbm>>, %arg4: memref<6256xf32, #tpu.memory_space<hbm>>, %arg5: memref<200192xf32, #tpu.memory_space<hbm>>, %arg6: memref<5000xi32, #tpu.memory_space<vmem>>, %arg7: memref<5000xi32, #tpu.memory_space<vmem>>, %arg8: memref<5000xi32, #tpu.memory_space<vmem>>, %arg9: memref<5000xi32, #tpu.memory_space<vmem>>, %arg10: memref<5000xi32, #tpu.memory_space<vmem>>, %arg11: memref<5000xi32, #tpu.memory_space<vmem>>, %arg12: memref<5000xi32, #tpu.memory_space<vmem>>, %arg13: memref<5000xi32, #tpu.memory_space<vmem>>, %arg14: memref<5000xf32, #tpu.memory_space<vmem>>, %arg15: memref<5000xf32, #tpu.memory_space<vmem>>, %arg16: memref<5000xf32, #tpu.memory_space<vmem>>, %arg17: memref<5000xf32, #tpu.memory_space<vmem>>, %arg18: memref<6256xf32, #tpu.memory_space<vmem>>, %arg19: memref<100096xf32, #tpu.memory_space<vmem_shared>>, %arg20: memref<100096xf32, #tpu.memory_space<vmem_shared>>, %arg21: memref<!tpu.dma_semaphore, #tpu.memory_space<semaphore_mem>>, %arg22: memref<!tpu.dma_semaphore, #tpu.memory_space<semaphore_mem>>, %arg23: memref<!tpu.dma_semaphore, #tpu.memory_space<semaphore_mem>>, %arg24: memref<!tpu.dma_semaphore, #tpu.memory_space<semaphore_mem>>, %arg25: memref<!tpu.dma_semaphore, #tpu.memory_space<semaphore_mem>>, %arg26: memref<!tpu.dma_semaphore, #tpu.memory_space<semaphore_mem>>, %arg27: memref<!tpu.dma_semaphore, #tpu.memory_space<semaphore_mem>>, %arg28: memref<!tpu.dma_semaphore, #tpu.memory_space<semaphore_mem>>) attributes {dimension_semantics = [#tpu.dimension_semantics<core_parallel>, #tpu.dimension_semantics<subcore_parallel>], iteration_bounds = array<i64: 2, 16>, scalar_prefetch = 0 : i64, scratch_operands = 23 : i64, tpu.core_type = #tpu.core_type<sc_vector_subcore>, window_params = [{transform_indices = #map}, {transform_indices = #map}, {transform_indices = #map}, {transform_indices = #map}]} {
    %mul3A = arith.constant 2 : i32
    %mul3A_0 = arith.muli %arg1, %mul3A : i32
    %add3A = arith.addi %mul3A_0, %arg0 : i32
    %mul3A_1 = arith.constant 6256 : i32
    %mul3A_2 = arith.muli %arg1, %mul3A_1 : i32
    "tpu.region"() ({
      %run_scoped3A = tpu.sem_alloc : memref<!tpu.dma_semaphore, #tpu.memory_space<semaphore_mem>>
      tpu.enqueue_dma source(%arg4 : memref<6256xf32, #tpu.memory_space<hbm>>) target(%arg18 : memref<6256xf32, #tpu.memory_space<vmem>>) target_semaphore(%run_scoped3A : memref<!tpu.dma_semaphore, #tpu.memory_space<semaphore_mem>>)
      tpu.wait_dma2 semaphore(%run_scoped3A : memref<!tpu.dma_semaphore, #tpu.memory_space<semaphore_mem>>) src(%arg4 : memref<6256xf32, #tpu.memory_space<hbm>>) dst(%arg18 : memref<6256xf32, #tpu.memory_space<vmem>>)
      tpu.yield
    }) : () -> ()
    "tpu.region"() ({
      %run_scoped3A = tpu.sem_alloc : memref<!tpu.dma_semaphore, #tpu.memory_space<semaphore_mem>>
      %dma_start3A_249 = tpu.memref_slice %arg20[%mul3A_2] : memref<100096xf32, #tpu.memory_space<vmem_shared>> -> memref<6256xf32, #tpu.memory_space<vmem_shared>>
      %dma_start3A_250 = tpu.memref_slice %arg20[%mul3A_2] : memref<100096xf32, #tpu.memory_space<vmem_shared>> -> memref<6256xf32, #tpu.memory_space<vmem_shared>>
      tpu.enqueue_dma source(%arg18 : memref<6256xf32, #tpu.memory_space<vmem>>) target(%dma_start3A_250 : memref<6256xf32, #tpu.memory_space<vmem_shared>>) target_semaphore(%run_scoped3A : memref<!tpu.dma_semaphore, #tpu.memory_space<semaphore_mem>>)
      %dma_wait3A_251 = tpu.memref_slice %arg20[%mul3A_2] : memref<100096xf32, #tpu.memory_space<vmem_shared>> -> memref<6256xf32, #tpu.memory_space<vmem_shared>>
      %dma_wait3A_252 = tpu.memref_slice %arg20[%mul3A_2] : memref<100096xf32, #tpu.memory_space<vmem_shared>> -> memref<6256xf32, #tpu.memory_space<vmem_shared>>
      tpu.wait_dma2 semaphore(%run_scoped3A : memref<!tpu.dma_semaphore, #tpu.memory_space<semaphore_mem>>) src(%arg18 : memref<6256xf32, #tpu.memory_space<vmem>>) dst(%dma_wait3A_252 : memref<6256xf32, #tpu.memory_space<vmem_shared>>)
      tpu.yield
    }) : () -> ()
    "tpu.region"() ({
      %run_scoped3A = tpu.sem_alloc : memref<!tpu.dma_semaphore, #tpu.memory_space<semaphore_mem>>
      %dma_start3A_249 = tpu.memref_slice %arg3[%mul3A_2] : memref<100096xf32, #tpu.memory_space<hbm>> -> memref<6256xf32, #tpu.memory_space<hbm>>
      %dma_start3A_250 = tpu.memref_slice %arg3[%mul3A_2] : memref<100096xf32, #tpu.memory_space<hbm>> -> memref<6256xf32, #tpu.memory_space<hbm>>
      tpu.enqueue_dma source(%dma_start3A_250 : memref<6256xf32, #tpu.memory_space<hbm>>) target(%arg18 : memref<6256xf32, #tpu.memory_space<vmem>>) target_semaphore(%run_scoped3A : memref<!tpu.dma_semaphore, #tpu.memory_space<semaphore_mem>>)
      %dma_wait3A_251 = tpu.memref_slice %arg3[%mul3A_2] : memref<100096xf32, #tpu.memory_space<hbm>> -> memref<6256xf32, #tpu.memory_space<hbm>>
      %dma_wait3A_252 = tpu.memref_slice %arg3[%mul3A_2] : memref<100096xf32, #tpu.memory_space<hbm>> -> memref<6256xf32, #tpu.memory_space<hbm>>
      tpu.wait_dma2 semaphore(%run_scoped3A : memref<!tpu.dma_semaphore, #tpu.memory_space<semaphore_mem>>) src(%dma_wait3A_252 : memref<6256xf32, #tpu.memory_space<hbm>>) dst(%arg18 : memref<6256xf32, #tpu.memory_space<vmem>>)
      tpu.yield
    }) : () -> ()
    "tpu.region"() ({
      %run_scoped3A = tpu.sem_alloc : memref<!tpu.dma_semaphore, #tpu.memory_space<semaphore_mem>>
      %dma_start3A_249 = tpu.memref_slice %arg19[%mul3A_2] : memref<100096xf32, #tpu.memory_space<vmem_shared>> -> memref<6256xf32, #tpu.memory_space<vmem_shared>>
      %dma_start3A_250 = tpu.memref_slice %arg19[%mul3A_2] : memref<100096xf32, #tpu.memory_space<vmem_shared>> -> memref<6256xf32, #tpu.memory_space<vmem_shared>>
      tpu.enqueue_dma source(%arg18 : memref<6256xf32, #tpu.memory_space<vmem>>) target(%dma_start3A_250 : memref<6256xf32, #tpu.memory_space<vmem_shared>>) target_semaphore(%run_scoped3A : memref<!tpu.dma_semaphore, #tpu.memory_space<semaphore_mem>>)
      %dma_wait3A_251 = tpu.memref_slice %arg19[%mul3A_2] : memref<100096xf32, #tpu.memory_space<vmem_shared>> -> memref<6256xf32, #tpu.memory_space<vmem_shared>>
      %dma_wait3A_252 = tpu.memref_slice %arg19[%mul3A_2] : memref<100096xf32, #tpu.memory_space<vmem_shared>> -> memref<6256xf32, #tpu.memory_space<vmem_shared>>
      tpu.wait_dma2 semaphore(%run_scoped3A : memref<!tpu.dma_semaphore, #tpu.memory_space<semaphore_mem>>) src(%arg18 : memref<6256xf32, #tpu.memory_space<vmem>>) dst(%dma_wait3A_252 : memref<6256xf32, #tpu.memory_space<vmem_shared>>)
      tpu.yield
    }) : () -> ()
    %barrier3A = arith.constant 0 : index
    tpu.barrier barrier_id(%barrier3A)
    %mul3A_3 = arith.constant 100000 : i32
    %mul3A_4 = arith.muli %add3A, %mul3A_3 : i32
    %add3A_5 = arith.constant 0 : i32
    %add3A_6 = arith.addi %mul3A_4, %add3A_5 : i32
    "tpu.region"() ({
      %run_scoped3A = tpu.sem_alloc : memref<!tpu.dma_semaphore, #tpu.memory_space<semaphore_mem>>
      %dma_start3A_249 = tpu.memref_slice %arg2[%add3A_6] : memref<6400000xi32, #tpu.memory_space<hbm>> -> memref<5000xi32, #tpu.memory_space<hbm>>
      %dma_start3A_250 = tpu.memref_slice %arg2[%add3A_6] : memref<6400000xi32, #tpu.memory_space<hbm>> -> memref<5000xi32, #tpu.memory_space<hbm>>
      tpu.enqueue_dma source(%dma_start3A_250 : memref<5000xi32, #tpu.memory_space<hbm>>) target(%arg6 : memref<5000xi32, #tpu.memory_space<vmem>>) target_semaphore(%run_scoped3A : memref<!tpu.dma_semaphore, #tpu.memory_space<semaphore_mem>>)
      %dma_wait3A_251 = tpu.memref_slice %arg2[%add3A_6] : memref<6400000xi32, #tpu.memory_space<hbm>> -> memref<5000xi32, #tpu.memory_space<hbm>>
      %dma_wait3A_252 = tpu.memref_slice %arg2[%add3A_6] : memref<6400000xi32, #tpu.memory_space<hbm>> -> memref<5000xi32, #tpu.memory_space<hbm>>
      tpu.wait_dma2 semaphore(%run_scoped3A : memref<!tpu.dma_semaphore, #tpu.memory_space<semaphore_mem>>) src(%dma_wait3A_252 : memref<5000xi32, #tpu.memory_space<hbm>>) dst(%arg6 : memref<5000xi32, #tpu.memory_space<vmem>>)
      tpu.yield
    }) : () -> ()
    %add3A_7 = arith.constant 3200000 : i32
    %add3A_8 = arith.addi %add3A_7, %add3A_6 : i32
    "tpu.region"() ({
      %run_scoped3A = tpu.sem_alloc : memref<!tpu.dma_semaphore, #tpu.memory_space<semaphore_mem>>
      %dma_start3A_249 = tpu.memref_slice %arg2[%add3A_8] : memref<6400000xi32, #tpu.memory_space<hbm>> -> memref<5000xi32, #tpu.memory_space<hbm>>
      %dma_start3A_250 = tpu.memref_slice %arg2[%add3A_8] : memref<6400000xi32, #tpu.memory_space<hbm>> -> memref<5000xi32, #tpu.memory_space<hbm>>
      tpu.enqueue_dma source(%dma_start3A_250 : memref<5000xi32, #tpu.memory_space<hbm>>) target(%arg10 : memref<5000xi32, #tpu.memory_space<vmem>>) target_semaphore(%run_scoped3A : memref<!tpu.dma_semaphore, #tpu.memory_space<semaphore_mem>>)
      %dma_wait3A_251 = tpu.memref_slice %arg2[%add3A_8] : memref<6400000xi32, #tpu.memory_space<hbm>> -> memref<5000xi32, #tpu.memory_space<hbm>>
      %dma_wait3A_252 = tpu.memref_slice %arg2[%add3A_8] : memref<6400000xi32, #tpu.memory_space<hbm>> -> memref<5000xi32, #tpu.memory_space<hbm>>
      tpu.wait_dma2 semaphore(%run_scoped3A : memref<!tpu.dma_semaphore, #tpu.memory_space<semaphore_mem>>) src(%dma_wait3A_252 : memref<5000xi32, #tpu.memory_space<hbm>>) dst(%arg10 : memref<5000xi32, #tpu.memory_space<vmem>>)
      tpu.yield
    }) : () -> ()
    %dma_start3A = arith.constant 0 : i32
    %dma_start3A_9 = tpu.memref_slice %arg19[%dma_start3A] : memref<100096xf32, #tpu.memory_space<vmem_shared>> -> memref<100096xf32, #tpu.memory_space<vmem_shared>>
    tpu.enqueue_indirect_dma source(%dma_start3A_9 : memref<100096xf32, #tpu.memory_space<vmem_shared>>) target(%arg14 : memref<5000xf32, #tpu.memory_space<vmem>>) offsets(%arg6 : memref<5000xi32, #tpu.memory_space<vmem>>) semaphore(%arg21 : memref<!tpu.dma_semaphore, #tpu.memory_space<semaphore_mem>>)
    %add3A_10 = arith.constant 5000 : i32
    %add3A_11 = arith.addi %mul3A_4, %add3A_10 : i32
    "tpu.region"() ({
      %run_scoped3A = tpu.sem_alloc : memref<!tpu.dma_semaphore, #tpu.memory_space<semaphore_mem>>
      %dma_start3A_249 = tpu.memref_slice %arg2[%add3A_11] : memref<6400000xi32, #tpu.memory_space<hbm>> -> memref<5000xi32, #tpu.memory_space<hbm>>
      %dma_start3A_250 = tpu.memref_slice %arg2[%add3A_11] : memref<6400000xi32, #tpu.memory_space<hbm>> -> memref<5000xi32, #tpu.memory_space<hbm>>
      tpu.enqueue_dma source(%dma_start3A_250 : memref<5000xi32, #tpu.memory_space<hbm>>) target(%arg7 : memref<5000xi32, #tpu.memory_space<vmem>>) target_semaphore(%run_scoped3A : memref<!tpu.dma_semaphore, #tpu.memory_space<semaphore_mem>>)
      %dma_wait3A_251 = tpu.memref_slice %arg2[%add3A_11] : memref<6400000xi32, #tpu.memory_space<hbm>> -> memref<5000xi32, #tpu.memory_space<hbm>>
      %dma_wait3A_252 = tpu.memref_slice %arg2[%add3A_11] : memref<6400000xi32, #tpu.memory_space<hbm>> -> memref<5000xi32, #tpu.memory_space<hbm>>
      tpu.wait_dma2 semaphore(%run_scoped3A : memref<!tpu.dma_semaphore, #tpu.memory_space<semaphore_mem>>) src(%dma_wait3A_252 : memref<5000xi32, #tpu.memory_space<hbm>>) dst(%arg7 : memref<5000xi32, #tpu.memory_space<vmem>>)
      tpu.yield
    }) : () -> ()
    %add3A_12 = arith.constant 3200000 : i32
    %add3A_13 = arith.addi %add3A_12, %add3A_11 : i32
    "tpu.region"() ({
      %run_scoped3A = tpu.sem_alloc : memref<!tpu.dma_semaphore, #tpu.memory_space<semaphore_mem>>
      %dma_start3A_249 = tpu.memref_slice %arg2[%add3A_13] : memref<6400000xi32, #tpu.memory_space<hbm>> -> memref<5000xi32, #tpu.memory_space<hbm>>
      %dma_start3A_250 = tpu.memref_slice %arg2[%add3A_13] : memref<6400000xi32, #tpu.memory_space<hbm>> -> memref<5000xi32, #tpu.memory_space<hbm>>
      tpu.enqueue_dma source(%dma_start3A_250 : memref<5000xi32, #tpu.memory_space<hbm>>) target(%arg11 : memref<5000xi32, #tpu.memory_space<vmem>>) target_semaphore(%run_scoped3A : memref<!tpu.dma_semaphore, #tpu.memory_space<semaphore_mem>>)
      %dma_wait3A_251 = tpu.memref_slice %arg2[%add3A_13] : memref<6400000xi32, #tpu.memory_space<hbm>> -> memref<5000xi32, #tpu.memory_space<hbm>>
      %dma_wait3A_252 = tpu.memref_slice %arg2[%add3A_13] : memref<6400000xi32, #tpu.memory_space<hbm>> -> memref<5000xi32, #tpu.memory_space<hbm>>
      tpu.wait_dma2 semaphore(%run_scoped3A : memref<!tpu.dma_semaphore, #tpu.memory_space<semaphore_mem>>) src(%dma_wait3A_252 : memref<5000xi32, #tpu.memory_space<hbm>>) dst(%arg11 : memref<5000xi32, #tpu.memory_space<vmem>>)
      tpu.yield
    }) : () -> ()
    %dma_start3A_14 = arith.constant 0 : i32
    %dma_start3A_15 = tpu.memref_slice %arg19[%dma_start3A_14] : memref<100096xf32, #tpu.memory_space<vmem_shared>> -> memref<100096xf32, #tpu.memory_space<vmem_shared>>
    tpu.enqueue_indirect_dma source(%dma_start3A_15 : memref<100096xf32, #tpu.memory_space<vmem_shared>>) target(%arg15 : memref<5000xf32, #tpu.memory_space<vmem>>) offsets(%arg7 : memref<5000xi32, #tpu.memory_space<vmem>>) semaphore(%arg22 : memref<!tpu.dma_semaphore, #tpu.memory_space<semaphore_mem>>)
    %dma_wait3A = arith.constant 0 : i32
    %dma_wait3A_16 = tpu.memref_slice %arg19[%dma_wait3A] : memref<100096xf32, #tpu.memory_space<vmem_shared>> -> memref<100096xf32, #tpu.memory_space<vmem_shared>>
    tpu.wait_indirect_dma semaphore(%arg21 : memref<!tpu.dma_semaphore, #tpu.memory_space<semaphore_mem>>) src(%dma_wait3A_16 : memref<100096xf32, #tpu.memory_space<vmem_shared>>) dst(%arg14 : memref<5000xf32, #tpu.memory_space<vmem>>)
    %dma_start3A_17 = arith.constant 0 : i32
    %dma_start3A_18 = tpu.memref_slice %arg20[%dma_start3A_17] : memref<100096xf32, #tpu.memory_space<vmem_shared>> -> memref<100096xf32, #tpu.memory_space<vmem_shared>>
    tpu.enqueue_indirect_dma source(%arg14 : memref<5000xf32, #tpu.memory_space<vmem>>) target(%dma_start3A_18 : memref<100096xf32, #tpu.memory_space<vmem_shared>>) offsets(%arg10 : memref<5000xi32, #tpu.memory_space<vmem>>) semaphore(%arg25 : memref<!tpu.dma_semaphore, #tpu.memory_space<semaphore_mem>>) {add = true}
    %add3A_19 = arith.constant 10000 : i32
    %add3A_20 = arith.addi %mul3A_4, %add3A_19 : i32
    "tpu.region"() ({
      %run_scoped3A = tpu.sem_alloc : memref<!tpu.dma_semaphore, #tpu.memory_space<semaphore_mem>>
      %dma_start3A_249 = tpu.memref_slice %arg2[%add3A_20] : memref<6400000xi32, #tpu.memory_space<hbm>> -> memref<5000xi32, #tpu.memory_space<hbm>>
      %dma_start3A_250 = tpu.memref_slice %arg2[%add3A_20] : memref<6400000xi32, #tpu.memory_space<hbm>> -> memref<5000xi32, #tpu.memory_space<hbm>>
      tpu.enqueue_dma source(%dma_start3A_250 : memref<5000xi32, #tpu.memory_space<hbm>>) target(%arg8 : memref<5000xi32, #tpu.memory_space<vmem>>) target_semaphore(%run_scoped3A : memref<!tpu.dma_semaphore, #tpu.memory_space<semaphore_mem>>)
      %dma_wait3A_251 = tpu.memref_slice %arg2[%add3A_20] : memref<6400000xi32, #tpu.memory_space<hbm>> -> memref<5000xi32, #tpu.memory_space<hbm>>
      %dma_wait3A_252 = tpu.memref_slice %arg2[%add3A_20] : memref<6400000xi32, #tpu.memory_space<hbm>> -> memref<5000xi32, #tpu.memory_space<hbm>>
      tpu.wait_dma2 semaphore(%run_scoped3A : memref<!tpu.dma_semaphore, #tpu.memory_space<semaphore_mem>>) src(%dma_wait3A_252 : memref<5000xi32, #tpu.memory_space<hbm>>) dst(%arg8 : memref<5000xi32, #tpu.memory_space<vmem>>)
      tpu.yield
    }) : () -> ()
    %add3A_21 = arith.constant 3200000 : i32
    %add3A_22 = arith.addi %add3A_21, %add3A_20 : i32
    "tpu.region"() ({
      %run_scoped3A = tpu.sem_alloc : memref<!tpu.dma_semaphore, #tpu.memory_space<semaphore_mem>>
      %dma_start3A_249 = tpu.memref_slice %arg2[%add3A_22] : memref<6400000xi32, #tpu.memory_space<hbm>> -> memref<5000xi32, #tpu.memory_space<hbm>>
      %dma_start3A_250 = tpu.memref_slice %arg2[%add3A_22] : memref<6400000xi32, #tpu.memory_space<hbm>> -> memref<5000xi32, #tpu.memory_space<hbm>>
      tpu.enqueue_dma source(%dma_start3A_250 : memref<5000xi32, #tpu.memory_space<hbm>>) target(%arg12 : memref<5000xi32, #tpu.memory_space<vmem>>) target_semaphore(%run_scoped3A : memref<!tpu.dma_semaphore, #tpu.memory_space<semaphore_mem>>)
      %dma_wait3A_251 = tpu.memref_slice %arg2[%add3A_22] : memref<6400000xi32, #tpu.memory_space<hbm>> -> memref<5000xi32, #tpu.memory_space<hbm>>
      %dma_wait3A_252 = tpu.memref_slice %arg2[%add3A_22] : memref<6400000xi32, #tpu.memory_space<hbm>> -> memref<5000xi32, #tpu.memory_space<hbm>>
      tpu.wait_dma2 semaphore(%run_scoped3A : memref<!tpu.dma_semaphore, #tpu.memory_space<semaphore_mem>>) src(%dma_wait3A_252 : memref<5000xi32, #tpu.memory_space<hbm>>) dst(%arg12 : memref<5000xi32, #tpu.memory_space<vmem>>)
      tpu.yield
    }) : () -> ()
    %dma_start3A_23 = arith.constant 0 : i32
    %dma_start3A_24 = tpu.memref_slice %arg19[%dma_start3A_23] : memref<100096xf32, #tpu.memory_space<vmem_shared>> -> memref<100096xf32, #tpu.memory_space<vmem_shared>>
    tpu.enqueue_indirect_dma source(%dma_start3A_24 : memref<100096xf32, #tpu.memory_space<vmem_shared>>) target(%arg16 : memref<5000xf32, #tpu.memory_space<vmem>>) offsets(%arg8 : memref<5000xi32, #tpu.memory_space<vmem>>) semaphore(%arg23 : memref<!tpu.dma_semaphore, #tpu.memory_space<semaphore_mem>>)
    %dma_wait3A_25 = arith.constant 0 : i32
    %dma_wait3A_26 = tpu.memref_slice %arg19[%dma_wait3A_25] : memref<100096xf32, #tpu.memory_space<vmem_shared>> -> memref<100096xf32, #tpu.memory_space<vmem_shared>>
    tpu.wait_indirect_dma semaphore(%arg22 : memref<!tpu.dma_semaphore, #tpu.memory_space<semaphore_mem>>) src(%dma_wait3A_26 : memref<100096xf32, #tpu.memory_space<vmem_shared>>) dst(%arg15 : memref<5000xf32, #tpu.memory_space<vmem>>)
    %dma_wait3A_27 = arith.constant 0 : i32
    %dma_wait3A_28 = tpu.memref_slice %arg20[%dma_wait3A_27] : memref<100096xf32, #tpu.memory_space<vmem_shared>> -> memref<100096xf32, #tpu.memory_space<vmem_shared>>
    tpu.wait_indirect_dma semaphore(%arg25 : memref<!tpu.dma_semaphore, #tpu.memory_space<semaphore_mem>>) src(%arg14 : memref<5000xf32, #tpu.memory_space<vmem>>) dst(%dma_wait3A_28 : memref<100096xf32, #tpu.memory_space<vmem_shared>>)
    %dma_start3A_29 = arith.constant 0 : i32
    %dma_start3A_30 = tpu.memref_slice %arg20[%dma_start3A_29] : memref<100096xf32, #tpu.memory_space<vmem_shared>> -> memref<100096xf32, #tpu.memory_space<vmem_shared>>
    tpu.enqueue_indirect_dma source(%arg15 : memref<5000xf32, #tpu.memory_space<vmem>>) target(%dma_start3A_30 : memref<100096xf32, #tpu.memory_space<vmem_shared>>) offsets(%arg11 : memref<5000xi32, #tpu.memory_space<vmem>>) semaphore(%arg25 : memref<!tpu.dma_semaphore, #tpu.memory_space<semaphore_mem>>) {add = true}
    %add3A_31 = arith.constant 15000 : i32
    %add3A_32 = arith.addi %mul3A_4, %add3A_31 : i32
    "tpu.region"() ({
      %run_scoped3A = tpu.sem_alloc : memref<!tpu.dma_semaphore, #tpu.memory_space<semaphore_mem>>
      %dma_start3A_249 = tpu.memref_slice %arg2[%add3A_32] : memref<6400000xi32, #tpu.memory_space<hbm>> -> memref<5000xi32, #tpu.memory_space<hbm>>
      %dma_start3A_250 = tpu.memref_slice %arg2[%add3A_32] : memref<6400000xi32, #tpu.memory_space<hbm>> -> memref<5000xi32, #tpu.memory_space<hbm>>
      tpu.enqueue_dma source(%dma_start3A_250 : memref<5000xi32, #tpu.memory_space<hbm>>) target(%arg9 : memref<5000xi32, #tpu.memory_space<vmem>>) target_semaphore(%run_scoped3A : memref<!tpu.dma_semaphore, #tpu.memory_space<semaphore_mem>>)
      %dma_wait3A_251 = tpu.memref_slice %arg2[%add3A_32] : memref<6400000xi32, #tpu.memory_space<hbm>> -> memref<5000xi32, #tpu.memory_space<hbm>>
      %dma_wait3A_252 = tpu.memref_slice %arg2[%add3A_32] : memref<6400000xi32, #tpu.memory_space<hbm>> -> memref<5000xi32, #tpu.memory_space<hbm>>
      tpu.wait_dma2 semaphore(%run_scoped3A : memref<!tpu.dma_semaphore, #tpu.memory_space<semaphore_mem>>) src(%dma_wait3A_252 : memref<5000xi32, #tpu.memory_space<hbm>>) dst(%arg9 : memref<5000xi32, #tpu.memory_space<vmem>>)
      tpu.yield
    }) : () -> ()
    %add3A_33 = arith.constant 3200000 : i32
    %add3A_34 = arith.addi %add3A_33, %add3A_32 : i32
    "tpu.region"() ({
      %run_scoped3A = tpu.sem_alloc : memref<!tpu.dma_semaphore, #tpu.memory_space<semaphore_mem>>
      %dma_start3A_249 = tpu.memref_slice %arg2[%add3A_34] : memref<6400000xi32, #tpu.memory_space<hbm>> -> memref<5000xi32, #tpu.memory_space<hbm>>
      %dma_start3A_250 = tpu.memref_slice %arg2[%add3A_34] : memref<6400000xi32, #tpu.memory_space<hbm>> -> memref<5000xi32, #tpu.memory_space<hbm>>
      tpu.enqueue_dma source(%dma_start3A_250 : memref<5000xi32, #tpu.memory_space<hbm>>) target(%arg13 : memref<5000xi32, #tpu.memory_space<vmem>>) target_semaphore(%run_scoped3A : memref<!tpu.dma_semaphore, #tpu.memory_space<semaphore_mem>>)
      %dma_wait3A_251 = tpu.memref_slice %arg2[%add3A_34] : memref<6400000xi32, #tpu.memory_space<hbm>> -> memref<5000xi32, #tpu.memory_space<hbm>>
      %dma_wait3A_252 = tpu.memref_slice %arg2[%add3A_34] : memref<6400000xi32, #tpu.memory_space<hbm>> -> memref<5000xi32, #tpu.memory_space<hbm>>
      tpu.wait_dma2 semaphore(%run_scoped3A : memref<!tpu.dma_semaphore, #tpu.memory_space<semaphore_mem>>) src(%dma_wait3A_252 : memref<5000xi32, #tpu.memory_space<hbm>>) dst(%arg13 : memref<5000xi32, #tpu.memory_space<vmem>>)
      tpu.yield
    }) : () -> ()
    %dma_start3A_35 = arith.constant 0 : i32
    %dma_start3A_36 = tpu.memref_slice %arg19[%dma_start3A_35] : memref<100096xf32, #tpu.memory_space<vmem_shared>> -> memref<100096xf32, #tpu.memory_space<vmem_shared>>
    tpu.enqueue_indirect_dma source(%dma_start3A_36 : memref<100096xf32, #tpu.memory_space<vmem_shared>>) target(%arg17 : memref<5000xf32, #tpu.memory_space<vmem>>) offsets(%arg9 : memref<5000xi32, #tpu.memory_space<vmem>>) semaphore(%arg24 : memref<!tpu.dma_semaphore, #tpu.memory_space<semaphore_mem>>)
    %dma_wait3A_37 = arith.constant 0 : i32
    %dma_wait3A_38 = tpu.memref_slice %arg19[%dma_wait3A_37] : memref<100096xf32, #tpu.memory_space<vmem_shared>> -> memref<100096xf32, #tpu.memory_space<vmem_shared>>
    tpu.wait_indirect_dma semaphore(%arg23 : memref<!tpu.dma_semaphore, #tpu.memory_space<semaphore_mem>>) src(%dma_wait3A_38 : memref<100096xf32, #tpu.memory_space<vmem_shared>>) dst(%arg16 : memref<5000xf32, #tpu.memory_space<vmem>>)
    %dma_wait3A_39 = arith.constant 0 : i32
    %dma_wait3A_40 = tpu.memref_slice %arg20[%dma_wait3A_39] : memref<100096xf32, #tpu.memory_space<vmem_shared>> -> memref<100096xf32, #tpu.memory_space<vmem_shared>>
    tpu.wait_indirect_dma semaphore(%arg25 : memref<!tpu.dma_semaphore, #tpu.memory_space<semaphore_mem>>) src(%arg15 : memref<5000xf32, #tpu.memory_space<vmem>>) dst(%dma_wait3A_40 : memref<100096xf32, #tpu.memory_space<vmem_shared>>)
    %dma_start3A_41 = arith.constant 0 : i32
    %dma_start3A_42 = tpu.memref_slice %arg20[%dma_start3A_41] : memref<100096xf32, #tpu.memory_space<vmem_shared>> -> memref<100096xf32, #tpu.memory_space<vmem_shared>>
    tpu.enqueue_indirect_dma source(%arg16 : memref<5000xf32, #tpu.memory_space<vmem>>) target(%dma_start3A_42 : memref<100096xf32, #tpu.memory_space<vmem_shared>>) offsets(%arg12 : memref<5000xi32, #tpu.memory_space<vmem>>) semaphore(%arg25 : memref<!tpu.dma_semaphore, #tpu.memory_space<semaphore_mem>>) {add = true}
    %add3A_43 = arith.constant 20000 : i32
    %add3A_44 = arith.addi %mul3A_4, %add3A_43 : i32
    "tpu.region"() ({
      %run_scoped3A = tpu.sem_alloc : memref<!tpu.dma_semaphore, #tpu.memory_space<semaphore_mem>>
      %dma_start3A_249 = tpu.memref_slice %arg2[%add3A_44] : memref<6400000xi32, #tpu.memory_space<hbm>> -> memref<5000xi32, #tpu.memory_space<hbm>>
      %dma_start3A_250 = tpu.memref_slice %arg2[%add3A_44] : memref<6400000xi32, #tpu.memory_space<hbm>> -> memref<5000xi32, #tpu.memory_space<hbm>>
      tpu.enqueue_dma source(%dma_start3A_250 : memref<5000xi32, #tpu.memory_space<hbm>>) target(%arg6 : memref<5000xi32, #tpu.memory_space<vmem>>) target_semaphore(%run_scoped3A : memref<!tpu.dma_semaphore, #tpu.memory_space<semaphore_mem>>)
      %dma_wait3A_251 = tpu.memref_slice %arg2[%add3A_44] : memref<6400000xi32, #tpu.memory_space<hbm>> -> memref<5000xi32, #tpu.memory_space<hbm>>
      %dma_wait3A_252 = tpu.memref_slice %arg2[%add3A_44] : memref<6400000xi32, #tpu.memory_space<hbm>> -> memref<5000xi32, #tpu.memory_space<hbm>>
      tpu.wait_dma2 semaphore(%run_scoped3A : memref<!tpu.dma_semaphore, #tpu.memory_space<semaphore_mem>>) src(%dma_wait3A_252 : memref<5000xi32, #tpu.memory_space<hbm>>) dst(%arg6 : memref<5000xi32, #tpu.memory_space<vmem>>)
      tpu.yield
    }) : () -> ()
    %add3A_45 = arith.constant 3200000 : i32
    %add3A_46 = arith.addi %add3A_45, %add3A_44 : i32
    "tpu.region"() ({
      %run_scoped3A = tpu.sem_alloc : memref<!tpu.dma_semaphore, #tpu.memory_space<semaphore_mem>>
      %dma_start3A_249 = tpu.memref_slice %arg2[%add3A_46] : memref<6400000xi32, #tpu.memory_space<hbm>> -> memref<5000xi32, #tpu.memory_space<hbm>>
      %dma_start3A_250 = tpu.memref_slice %arg2[%add3A_46] : memref<6400000xi32, #tpu.memory_space<hbm>> -> memref<5000xi32, #tpu.memory_space<hbm>>
      tpu.enqueue_dma source(%dma_start3A_250 : memref<5000xi32, #tpu.memory_space<hbm>>) target(%arg10 : memref<5000xi32, #tpu.memory_space<vmem>>) target_semaphore(%run_scoped3A : memref<!tpu.dma_semaphore, #tpu.memory_space<semaphore_mem>>)
      %dma_wait3A_251 = tpu.memref_slice %arg2[%add3A_46] : memref<6400000xi32, #tpu.memory_space<hbm>> -> memref<5000xi32, #tpu.memory_space<hbm>>
      %dma_wait3A_252 = tpu.memref_slice %arg2[%add3A_46] : memref<6400000xi32, #tpu.memory_space<hbm>> -> memref<5000xi32, #tpu.memory_space<hbm>>
      tpu.wait_dma2 semaphore(%run_scoped3A : memref<!tpu.dma_semaphore, #tpu.memory_space<semaphore_mem>>) src(%dma_wait3A_252 : memref<5000xi32, #tpu.memory_space<hbm>>) dst(%arg10 : memref<5000xi32, #tpu.memory_space<vmem>>)
      tpu.yield
    }) : () -> ()
    %dma_start3A_47 = arith.constant 0 : i32
    %dma_start3A_48 = tpu.memref_slice %arg19[%dma_start3A_47] : memref<100096xf32, #tpu.memory_space<vmem_shared>> -> memref<100096xf32, #tpu.memory_space<vmem_shared>>
    tpu.enqueue_indirect_dma source(%dma_start3A_48 : memref<100096xf32, #tpu.memory_space<vmem_shared>>) target(%arg14 : memref<5000xf32, #tpu.memory_space<vmem>>) offsets(%arg6 : memref<5000xi32, #tpu.memory_space<vmem>>) semaphore(%arg21 : memref<!tpu.dma_semaphore, #tpu.memory_space<semaphore_mem>>)
    %dma_wait3A_49 = arith.constant 0 : i32
    %dma_wait3A_50 = tpu.memref_slice %arg19[%dma_wait3A_49] : memref<100096xf32, #tpu.memory_space<vmem_shared>> -> memref<100096xf32, #tpu.memory_space<vmem_shared>>
    tpu.wait_indirect_dma semaphore(%arg24 : memref<!tpu.dma_semaphore, #tpu.memory_space<semaphore_mem>>) src(%dma_wait3A_50 : memref<100096xf32, #tpu.memory_space<vmem_shared>>) dst(%arg17 : memref<5000xf32, #tpu.memory_space<vmem>>)
    %dma_wait3A_51 = arith.constant 0 : i32
    %dma_wait3A_52 = tpu.memref_slice %arg20[%dma_wait3A_51] : memref<100096xf32, #tpu.memory_space<vmem_shared>> -> memref<100096xf32, #tpu.memory_space<vmem_shared>>
    tpu.wait_indirect_dma semaphore(%arg25 : memref<!tpu.dma_semaphore, #tpu.memory_space<semaphore_mem>>) src(%arg16 : memref<5000xf32, #tpu.memory_space<vmem>>) dst(%dma_wait3A_52 : memref<100096xf32, #tpu.memory_space<vmem_shared>>)
    %dma_start3A_53 = arith.constant 0 : i32
    %dma_start3A_54 = tpu.memref_slice %arg20[%dma_start3A_53] : memref<100096xf32, #tpu.memory_space<vmem_shared>> -> memref<100096xf32, #tpu.memory_space<vmem_shared>>
    tpu.enqueue_indirect_dma source(%arg17 : memref<5000xf32, #tpu.memory_space<vmem>>) target(%dma_start3A_54 : memref<100096xf32, #tpu.memory_space<vmem_shared>>) offsets(%arg13 : memref<5000xi32, #tpu.memory_space<vmem>>) semaphore(%arg25 : memref<!tpu.dma_semaphore, #tpu.memory_space<semaphore_mem>>) {add = true}
    %add3A_55 = arith.constant 25000 : i32
    %add3A_56 = arith.addi %mul3A_4, %add3A_55 : i32
    "tpu.region"() ({
      %run_scoped3A = tpu.sem_alloc : memref<!tpu.dma_semaphore, #tpu.memory_space<semaphore_mem>>
      %dma_start3A_249 = tpu.memref_slice %arg2[%add3A_56] : memref<6400000xi32, #tpu.memory_space<hbm>> -> memref<5000xi32, #tpu.memory_space<hbm>>
      %dma_start3A_250 = tpu.memref_slice %arg2[%add3A_56] : memref<6400000xi32, #tpu.memory_space<hbm>> -> memref<5000xi32, #tpu.memory_space<hbm>>
      tpu.enqueue_dma source(%dma_start3A_250 : memref<5000xi32, #tpu.memory_space<hbm>>) target(%arg7 : memref<5000xi32, #tpu.memory_space<vmem>>) target_semaphore(%run_scoped3A : memref<!tpu.dma_semaphore, #tpu.memory_space<semaphore_mem>>)
      %dma_wait3A_251 = tpu.memref_slice %arg2[%add3A_56] : memref<6400000xi32, #tpu.memory_space<hbm>> -> memref<5000xi32, #tpu.memory_space<hbm>>
      %dma_wait3A_252 = tpu.memref_slice %arg2[%add3A_56] : memref<6400000xi32, #tpu.memory_space<hbm>> -> memref<5000xi32, #tpu.memory_space<hbm>>
      tpu.wait_dma2 semaphore(%run_scoped3A : memref<!tpu.dma_semaphore, #tpu.memory_space<semaphore_mem>>) src(%dma_wait3A_252 : memref<5000xi32, #tpu.memory_space<hbm>>) dst(%arg7 : memref<5000xi32, #tpu.memory_space<vmem>>)
      tpu.yield
    }) : () -> ()
    %add3A_57 = arith.constant 3200000 : i32
    %add3A_58 = arith.addi %add3A_57, %add3A_56 : i32
    "tpu.region"() ({
      %run_scoped3A = tpu.sem_alloc : memref<!tpu.dma_semaphore, #tpu.memory_space<semaphore_mem>>
      %dma_start3A_249 = tpu.memref_slice %arg2[%add3A_58] : memref<6400000xi32, #tpu.memory_space<hbm>> -> memref<5000xi32, #tpu.memory_space<hbm>>
      %dma_start3A_250 = tpu.memref_slice %arg2[%add3A_58] : memref<6400000xi32, #tpu.memory_space<hbm>> -> memref<5000xi32, #tpu.memory_space<hbm>>
      tpu.enqueue_dma source(%dma_start3A_250 : memref<5000xi32, #tpu.memory_space<hbm>>) target(%arg11 : memref<5000xi32, #tpu.memory_space<vmem>>) target_semaphore(%run_scoped3A : memref<!tpu.dma_semaphore, #tpu.memory_space<semaphore_mem>>)
      %dma_wait3A_251 = tpu.memref_slice %arg2[%add3A_58] : memref<6400000xi32, #tpu.memory_space<hbm>> -> memref<5000xi32, #tpu.memory_space<hbm>>
      %dma_wait3A_252 = tpu.memref_slice %arg2[%add3A_58] : memref<6400000xi32, #tpu.memory_space<hbm>> -> memref<5000xi32, #tpu.memory_space<hbm>>
      tpu.wait_dma2 semaphore(%run_scoped3A : memref<!tpu.dma_semaphore, #tpu.memory_space<semaphore_mem>>) src(%dma_wait3A_252 : memref<5000xi32, #tpu.memory_space<hbm>>) dst(%arg11 : memref<5000xi32, #tpu.memory_space<vmem>>)
      tpu.yield
    }) : () -> ()
    %dma_start3A_59 = arith.constant 0 : i32
    %dma_start3A_60 = tpu.memref_slice %arg19[%dma_start3A_59] : memref<100096xf32, #tpu.memory_space<vmem_shared>> -> memref<100096xf32, #tpu.memory_space<vmem_shared>>
    tpu.enqueue_indirect_dma source(%dma_start3A_60 : memref<100096xf32, #tpu.memory_space<vmem_shared>>) target(%arg15 : memref<5000xf32, #tpu.memory_space<vmem>>) offsets(%arg7 : memref<5000xi32, #tpu.memory_space<vmem>>) semaphore(%arg22 : memref<!tpu.dma_semaphore, #tpu.memory_space<semaphore_mem>>)
    %dma_wait3A_61 = arith.constant 0 : i32
    %dma_wait3A_62 = tpu.memref_slice %arg19[%dma_wait3A_61] : memref<100096xf32, #tpu.memory_space<vmem_shared>> -> memref<100096xf32, #tpu.memory_space<vmem_shared>>
    tpu.wait_indirect_dma semaphore(%arg21 : memref<!tpu.dma_semaphore, #tpu.memory_space<semaphore_mem>>) src(%dma_wait3A_62 : memref<100096xf32, #tpu.memory_space<vmem_shared>>) dst(%arg14 : memref<5000xf32, #tpu.memory_space<vmem>>)
    %dma_wait3A_63 = arith.constant 0 : i32
    %dma_wait3A_64 = tpu.memref_slice %arg20[%dma_wait3A_63] : memref<100096xf32, #tpu.memory_space<vmem_shared>> -> memref<100096xf32, #tpu.memory_space<vmem_shared>>
    tpu.wait_indirect_dma semaphore(%arg25 : memref<!tpu.dma_semaphore, #tpu.memory_space<semaphore_mem>>) src(%arg17 : memref<5000xf32, #tpu.memory_space<vmem>>) dst(%dma_wait3A_64 : memref<100096xf32, #tpu.memory_space<vmem_shared>>)
    %dma_start3A_65 = arith.constant 0 : i32
    %dma_start3A_66 = tpu.memref_slice %arg20[%dma_start3A_65] : memref<100096xf32, #tpu.memory_space<vmem_shared>> -> memref<100096xf32, #tpu.memory_space<vmem_shared>>
    tpu.enqueue_indirect_dma source(%arg14 : memref<5000xf32, #tpu.memory_space<vmem>>) target(%dma_start3A_66 : memref<100096xf32, #tpu.memory_space<vmem_shared>>) offsets(%arg10 : memref<5000xi32, #tpu.memory_space<vmem>>) semaphore(%arg25 : memref<!tpu.dma_semaphore, #tpu.memory_space<semaphore_mem>>) {add = true}
    %add3A_67 = arith.constant 30000 : i32
    %add3A_68 = arith.addi %mul3A_4, %add3A_67 : i32
    "tpu.region"() ({
      %run_scoped3A = tpu.sem_alloc : memref<!tpu.dma_semaphore, #tpu.memory_space<semaphore_mem>>
      %dma_start3A_249 = tpu.memref_slice %arg2[%add3A_68] : memref<6400000xi32, #tpu.memory_space<hbm>> -> memref<5000xi32, #tpu.memory_space<hbm>>
      %dma_start3A_250 = tpu.memref_slice %arg2[%add3A_68] : memref<6400000xi32, #tpu.memory_space<hbm>> -> memref<5000xi32, #tpu.memory_space<hbm>>
      tpu.enqueue_dma source(%dma_start3A_250 : memref<5000xi32, #tpu.memory_space<hbm>>) target(%arg8 : memref<5000xi32, #tpu.memory_space<vmem>>) target_semaphore(%run_scoped3A : memref<!tpu.dma_semaphore, #tpu.memory_space<semaphore_mem>>)
      %dma_wait3A_251 = tpu.memref_slice %arg2[%add3A_68] : memref<6400000xi32, #tpu.memory_space<hbm>> -> memref<5000xi32, #tpu.memory_space<hbm>>
      %dma_wait3A_252 = tpu.memref_slice %arg2[%add3A_68] : memref<6400000xi32, #tpu.memory_space<hbm>> -> memref<5000xi32, #tpu.memory_space<hbm>>
      tpu.wait_dma2 semaphore(%run_scoped3A : memref<!tpu.dma_semaphore, #tpu.memory_space<semaphore_mem>>) src(%dma_wait3A_252 : memref<5000xi32, #tpu.memory_space<hbm>>) dst(%arg8 : memref<5000xi32, #tpu.memory_space<vmem>>)
      tpu.yield
    }) : () -> ()
    %add3A_69 = arith.constant 3200000 : i32
    %add3A_70 = arith.addi %add3A_69, %add3A_68 : i32
    "tpu.region"() ({
      %run_scoped3A = tpu.sem_alloc : memref<!tpu.dma_semaphore, #tpu.memory_space<semaphore_mem>>
      %dma_start3A_249 = tpu.memref_slice %arg2[%add3A_70] : memref<6400000xi32, #tpu.memory_space<hbm>> -> memref<5000xi32, #tpu.memory_space<hbm>>
      %dma_start3A_250 = tpu.memref_slice %arg2[%add3A_70] : memref<6400000xi32, #tpu.memory_space<hbm>> -> memref<5000xi32, #tpu.memory_space<hbm>>
      tpu.enqueue_dma source(%dma_start3A_250 : memref<5000xi32, #tpu.memory_space<hbm>>) target(%arg12 : memref<5000xi32, #tpu.memory_space<vmem>>) target_semaphore(%run_scoped3A : memref<!tpu.dma_semaphore, #tpu.memory_space<semaphore_mem>>)
      %dma_wait3A_251 = tpu.memref_slice %arg2[%add3A_70] : memref<6400000xi32, #tpu.memory_space<hbm>> -> memref<5000xi32, #tpu.memory_space<hbm>>
      %dma_wait3A_252 = tpu.memref_slice %arg2[%add3A_70] : memref<6400000xi32, #tpu.memory_space<hbm>> -> memref<5000xi32, #tpu.memory_space<hbm>>
      tpu.wait_dma2 semaphore(%run_scoped3A : memref<!tpu.dma_semaphore, #tpu.memory_space<semaphore_mem>>) src(%dma_wait3A_252 : memref<5000xi32, #tpu.memory_space<hbm>>) dst(%arg12 : memref<5000xi32, #tpu.memory_space<vmem>>)
      tpu.yield
    }) : () -> ()
    %dma_start3A_71 = arith.constant 0 : i32
    %dma_start3A_72 = tpu.memref_slice %arg19[%dma_start3A_71] : memref<100096xf32, #tpu.memory_space<vmem_shared>> -> memref<100096xf32, #tpu.memory_space<vmem_shared>>
    tpu.enqueue_indirect_dma source(%dma_start3A_72 : memref<100096xf32, #tpu.memory_space<vmem_shared>>) target(%arg16 : memref<5000xf32, #tpu.memory_space<vmem>>) offsets(%arg8 : memref<5000xi32, #tpu.memory_space<vmem>>) semaphore(%arg23 : memref<!tpu.dma_semaphore, #tpu.memory_space<semaphore_mem>>)
    %dma_wait3A_73 = arith.constant 0 : i32
    %dma_wait3A_74 = tpu.memref_slice %arg19[%dma_wait3A_73] : memref<100096xf32, #tpu.memory_space<vmem_shared>> -> memref<100096xf32, #tpu.memory_space<vmem_shared>>
    tpu.wait_indirect_dma semaphore(%arg22 : memref<!tpu.dma_semaphore, #tpu.memory_space<semaphore_mem>>) src(%dma_wait3A_74 : memref<100096xf32, #tpu.memory_space<vmem_shared>>) dst(%arg15 : memref<5000xf32, #tpu.memory_space<vmem>>)
    %dma_wait3A_75 = arith.constant 0 : i32
    %dma_wait3A_76 = tpu.memref_slice %arg20[%dma_wait3A_75] : memref<100096xf32, #tpu.memory_space<vmem_shared>> -> memref<100096xf32, #tpu.memory_space<vmem_shared>>
    tpu.wait_indirect_dma semaphore(%arg25 : memref<!tpu.dma_semaphore, #tpu.memory_space<semaphore_mem>>) src(%arg14 : memref<5000xf32, #tpu.memory_space<vmem>>) dst(%dma_wait3A_76 : memref<100096xf32, #tpu.memory_space<vmem_shared>>)
    %dma_start3A_77 = arith.constant 0 : i32
    %dma_start3A_78 = tpu.memref_slice %arg20[%dma_start3A_77] : memref<100096xf32, #tpu.memory_space<vmem_shared>> -> memref<100096xf32, #tpu.memory_space<vmem_shared>>
    tpu.enqueue_indirect_dma source(%arg15 : memref<5000xf32, #tpu.memory_space<vmem>>) target(%dma_start3A_78 : memref<100096xf32, #tpu.memory_space<vmem_shared>>) offsets(%arg11 : memref<5000xi32, #tpu.memory_space<vmem>>) semaphore(%arg25 : memref<!tpu.dma_semaphore, #tpu.memory_space<semaphore_mem>>) {add = true}
    %add3A_79 = arith.constant 35000 : i32
    %add3A_80 = arith.addi %mul3A_4, %add3A_79 : i32
    "tpu.region"() ({
      %run_scoped3A = tpu.sem_alloc : memref<!tpu.dma_semaphore, #tpu.memory_space<semaphore_mem>>
      %dma_start3A_249 = tpu.memref_slice %arg2[%add3A_80] : memref<6400000xi32, #tpu.memory_space<hbm>> -> memref<5000xi32, #tpu.memory_space<hbm>>
      %dma_start3A_250 = tpu.memref_slice %arg2[%add3A_80] : memref<6400000xi32, #tpu.memory_space<hbm>> -> memref<5000xi32, #tpu.memory_space<hbm>>
      tpu.enqueue_dma source(%dma_start3A_250 : memref<5000xi32, #tpu.memory_space<hbm>>) target(%arg9 : memref<5000xi32, #tpu.memory_space<vmem>>) target_semaphore(%run_scoped3A : memref<!tpu.dma_semaphore, #tpu.memory_space<semaphore_mem>>)
      %dma_wait3A_251 = tpu.memref_slice %arg2[%add3A_80] : memref<6400000xi32, #tpu.memory_space<hbm>> -> memref<5000xi32, #tpu.memory_space<hbm>>
      %dma_wait3A_252 = tpu.memref_slice %arg2[%add3A_80] : memref<6400000xi32, #tpu.memory_space<hbm>> -> memref<5000xi32, #tpu.memory_space<hbm>>
      tpu.wait_dma2 semaphore(%run_scoped3A : memref<!tpu.dma_semaphore, #tpu.memory_space<semaphore_mem>>) src(%dma_wait3A_252 : memref<5000xi32, #tpu.memory_space<hbm>>) dst(%arg9 : memref<5000xi32, #tpu.memory_space<vmem>>)
      tpu.yield
    }) : () -> ()
    %add3A_81 = arith.constant 3200000 : i32
    %add3A_82 = arith.addi %add3A_81, %add3A_80 : i32
    "tpu.region"() ({
      %run_scoped3A = tpu.sem_alloc : memref<!tpu.dma_semaphore, #tpu.memory_space<semaphore_mem>>
      %dma_start3A_249 = tpu.memref_slice %arg2[%add3A_82] : memref<6400000xi32, #tpu.memory_space<hbm>> -> memref<5000xi32, #tpu.memory_space<hbm>>
      %dma_start3A_250 = tpu.memref_slice %arg2[%add3A_82] : memref<6400000xi32, #tpu.memory_space<hbm>> -> memref<5000xi32, #tpu.memory_space<hbm>>
      tpu.enqueue_dma source(%dma_start3A_250 : memref<5000xi32, #tpu.memory_space<hbm>>) target(%arg13 : memref<5000xi32, #tpu.memory_space<vmem>>) target_semaphore(%run_scoped3A : memref<!tpu.dma_semaphore, #tpu.memory_space<semaphore_mem>>)
      %dma_wait3A_251 = tpu.memref_slice %arg2[%add3A_82] : memref<6400000xi32, #tpu.memory_space<hbm>> -> memref<5000xi32, #tpu.memory_space<hbm>>
      %dma_wait3A_252 = tpu.memref_slice %arg2[%add3A_82] : memref<6400000xi32, #tpu.memory_space<hbm>> -> memref<5000xi32, #tpu.memory_space<hbm>>
      tpu.wait_dma2 semaphore(%run_scoped3A : memref<!tpu.dma_semaphore, #tpu.memory_space<semaphore_mem>>) src(%dma_wait3A_252 : memref<5000xi32, #tpu.memory_space<hbm>>) dst(%arg13 : memref<5000xi32, #tpu.memory_space<vmem>>)
      tpu.yield
    }) : () -> ()
    %dma_start3A_83 = arith.constant 0 : i32
    %dma_start3A_84 = tpu.memref_slice %arg19[%dma_start3A_83] : memref<100096xf32, #tpu.memory_space<vmem_shared>> -> memref<100096xf32, #tpu.memory_space<vmem_shared>>
    tpu.enqueue_indirect_dma source(%dma_start3A_84 : memref<100096xf32, #tpu.memory_space<vmem_shared>>) target(%arg17 : memref<5000xf32, #tpu.memory_space<vmem>>) offsets(%arg9 : memref<5000xi32, #tpu.memory_space<vmem>>) semaphore(%arg24 : memref<!tpu.dma_semaphore, #tpu.memory_space<semaphore_mem>>)
    %dma_wait3A_85 = arith.constant 0 : i32
    %dma_wait3A_86 = tpu.memref_slice %arg19[%dma_wait3A_85] : memref<100096xf32, #tpu.memory_space<vmem_shared>> -> memref<100096xf32, #tpu.memory_space<vmem_shared>>
    tpu.wait_indirect_dma semaphore(%arg23 : memref<!tpu.dma_semaphore, #tpu.memory_space<semaphore_mem>>) src(%dma_wait3A_86 : memref<100096xf32, #tpu.memory_space<vmem_shared>>) dst(%arg16 : memref<5000xf32, #tpu.memory_space<vmem>>)
    %dma_wait3A_87 = arith.constant 0 : i32
    %dma_wait3A_88 = tpu.memref_slice %arg20[%dma_wait3A_87] : memref<100096xf32, #tpu.memory_space<vmem_shared>> -> memref<100096xf32, #tpu.memory_space<vmem_shared>>
    tpu.wait_indirect_dma semaphore(%arg25 : memref<!tpu.dma_semaphore, #tpu.memory_space<semaphore_mem>>) src(%arg15 : memref<5000xf32, #tpu.memory_space<vmem>>) dst(%dma_wait3A_88 : memref<100096xf32, #tpu.memory_space<vmem_shared>>)
    %dma_start3A_89 = arith.constant 0 : i32
    %dma_start3A_90 = tpu.memref_slice %arg20[%dma_start3A_89] : memref<100096xf32, #tpu.memory_space<vmem_shared>> -> memref<100096xf32, #tpu.memory_space<vmem_shared>>
    tpu.enqueue_indirect_dma source(%arg16 : memref<5000xf32, #tpu.memory_space<vmem>>) target(%dma_start3A_90 : memref<100096xf32, #tpu.memory_space<vmem_shared>>) offsets(%arg12 : memref<5000xi32, #tpu.memory_space<vmem>>) semaphore(%arg25 : memref<!tpu.dma_semaphore, #tpu.memory_space<semaphore_mem>>) {add = true}
    %add3A_91 = arith.constant 40000 : i32
    %add3A_92 = arith.addi %mul3A_4, %add3A_91 : i32
    "tpu.region"() ({
      %run_scoped3A = tpu.sem_alloc : memref<!tpu.dma_semaphore, #tpu.memory_space<semaphore_mem>>
      %dma_start3A_249 = tpu.memref_slice %arg2[%add3A_92] : memref<6400000xi32, #tpu.memory_space<hbm>> -> memref<5000xi32, #tpu.memory_space<hbm>>
      %dma_start3A_250 = tpu.memref_slice %arg2[%add3A_92] : memref<6400000xi32, #tpu.memory_space<hbm>> -> memref<5000xi32, #tpu.memory_space<hbm>>
      tpu.enqueue_dma source(%dma_start3A_250 : memref<5000xi32, #tpu.memory_space<hbm>>) target(%arg6 : memref<5000xi32, #tpu.memory_space<vmem>>) target_semaphore(%run_scoped3A : memref<!tpu.dma_semaphore, #tpu.memory_space<semaphore_mem>>)
      %dma_wait3A_251 = tpu.memref_slice %arg2[%add3A_92] : memref<6400000xi32, #tpu.memory_space<hbm>> -> memref<5000xi32, #tpu.memory_space<hbm>>
      %dma_wait3A_252 = tpu.memref_slice %arg2[%add3A_92] : memref<6400000xi32, #tpu.memory_space<hbm>> -> memref<5000xi32, #tpu.memory_space<hbm>>
      tpu.wait_dma2 semaphore(%run_scoped3A : memref<!tpu.dma_semaphore, #tpu.memory_space<semaphore_mem>>) src(%dma_wait3A_252 : memref<5000xi32, #tpu.memory_space<hbm>>) dst(%arg6 : memref<5000xi32, #tpu.memory_space<vmem>>)
      tpu.yield
    }) : () -> ()
    %add3A_93 = arith.constant 3200000 : i32
    %add3A_94 = arith.addi %add3A_93, %add3A_92 : i32
    "tpu.region"() ({
      %run_scoped3A = tpu.sem_alloc : memref<!tpu.dma_semaphore, #tpu.memory_space<semaphore_mem>>
      %dma_start3A_249 = tpu.memref_slice %arg2[%add3A_94] : memref<6400000xi32, #tpu.memory_space<hbm>> -> memref<5000xi32, #tpu.memory_space<hbm>>
      %dma_start3A_250 = tpu.memref_slice %arg2[%add3A_94] : memref<6400000xi32, #tpu.memory_space<hbm>> -> memref<5000xi32, #tpu.memory_space<hbm>>
      tpu.enqueue_dma source(%dma_start3A_250 : memref<5000xi32, #tpu.memory_space<hbm>>) target(%arg10 : memref<5000xi32, #tpu.memory_space<vmem>>) target_semaphore(%run_scoped3A : memref<!tpu.dma_semaphore, #tpu.memory_space<semaphore_mem>>)
      %dma_wait3A_251 = tpu.memref_slice %arg2[%add3A_94] : memref<6400000xi32, #tpu.memory_space<hbm>> -> memref<5000xi32, #tpu.memory_space<hbm>>
      %dma_wait3A_252 = tpu.memref_slice %arg2[%add3A_94] : memref<6400000xi32, #tpu.memory_space<hbm>> -> memref<5000xi32, #tpu.memory_space<hbm>>
      tpu.wait_dma2 semaphore(%run_scoped3A : memref<!tpu.dma_semaphore, #tpu.memory_space<semaphore_mem>>) src(%dma_wait3A_252 : memref<5000xi32, #tpu.memory_space<hbm>>) dst(%arg10 : memref<5000xi32, #tpu.memory_space<vmem>>)
      tpu.yield
    }) : () -> ()
    %dma_start3A_95 = arith.constant 0 : i32
    %dma_start3A_96 = tpu.memref_slice %arg19[%dma_start3A_95] : memref<100096xf32, #tpu.memory_space<vmem_shared>> -> memref<100096xf32, #tpu.memory_space<vmem_shared>>
    tpu.enqueue_indirect_dma source(%dma_start3A_96 : memref<100096xf32, #tpu.memory_space<vmem_shared>>) target(%arg14 : memref<5000xf32, #tpu.memory_space<vmem>>) offsets(%arg6 : memref<5000xi32, #tpu.memory_space<vmem>>) semaphore(%arg21 : memref<!tpu.dma_semaphore, #tpu.memory_space<semaphore_mem>>)
    %dma_wait3A_97 = arith.constant 0 : i32
    %dma_wait3A_98 = tpu.memref_slice %arg19[%dma_wait3A_97] : memref<100096xf32, #tpu.memory_space<vmem_shared>> -> memref<100096xf32, #tpu.memory_space<vmem_shared>>
    tpu.wait_indirect_dma semaphore(%arg24 : memref<!tpu.dma_semaphore, #tpu.memory_space<semaphore_mem>>) src(%dma_wait3A_98 : memref<100096xf32, #tpu.memory_space<vmem_shared>>) dst(%arg17 : memref<5000xf32, #tpu.memory_space<vmem>>)
    %dma_wait3A_99 = arith.constant 0 : i32
    %dma_wait3A_100 = tpu.memref_slice %arg20[%dma_wait3A_99] : memref<100096xf32, #tpu.memory_space<vmem_shared>> -> memref<100096xf32, #tpu.memory_space<vmem_shared>>
    tpu.wait_indirect_dma semaphore(%arg25 : memref<!tpu.dma_semaphore, #tpu.memory_space<semaphore_mem>>) src(%arg16 : memref<5000xf32, #tpu.memory_space<vmem>>) dst(%dma_wait3A_100 : memref<100096xf32, #tpu.memory_space<vmem_shared>>)
    %dma_start3A_101 = arith.constant 0 : i32
    %dma_start3A_102 = tpu.memref_slice %arg20[%dma_start3A_101] : memref<100096xf32, #tpu.memory_space<vmem_shared>> -> memref<100096xf32, #tpu.memory_space<vmem_shared>>
    tpu.enqueue_indirect_dma source(%arg17 : memref<5000xf32, #tpu.memory_space<vmem>>) target(%dma_start3A_102 : memref<100096xf32, #tpu.memory_space<vmem_shared>>) offsets(%arg13 : memref<5000xi32, #tpu.memory_space<vmem>>) semaphore(%arg25 : memref<!tpu.dma_semaphore, #tpu.memory_space<semaphore_mem>>) {add = true}
    %add3A_103 = arith.constant 45000 : i32
    %add3A_104 = arith.addi %mul3A_4, %add3A_103 : i32
    "tpu.region"() ({
      %run_scoped3A = tpu.sem_alloc : memref<!tpu.dma_semaphore, #tpu.memory_space<semaphore_mem>>
      %dma_start3A_249 = tpu.memref_slice %arg2[%add3A_104] : memref<6400000xi32, #tpu.memory_space<hbm>> -> memref<5000xi32, #tpu.memory_space<hbm>>
      %dma_start3A_250 = tpu.memref_slice %arg2[%add3A_104] : memref<6400000xi32, #tpu.memory_space<hbm>> -> memref<5000xi32, #tpu.memory_space<hbm>>
      tpu.enqueue_dma source(%dma_start3A_250 : memref<5000xi32, #tpu.memory_space<hbm>>) target(%arg7 : memref<5000xi32, #tpu.memory_space<vmem>>) target_semaphore(%run_scoped3A : memref<!tpu.dma_semaphore, #tpu.memory_space<semaphore_mem>>)
      %dma_wait3A_251 = tpu.memref_slice %arg2[%add3A_104] : memref<6400000xi32, #tpu.memory_space<hbm>> -> memref<5000xi32, #tpu.memory_space<hbm>>
      %dma_wait3A_252 = tpu.memref_slice %arg2[%add3A_104] : memref<6400000xi32, #tpu.memory_space<hbm>> -> memref<5000xi32, #tpu.memory_space<hbm>>
      tpu.wait_dma2 semaphore(%run_scoped3A : memref<!tpu.dma_semaphore, #tpu.memory_space<semaphore_mem>>) src(%dma_wait3A_252 : memref<5000xi32, #tpu.memory_space<hbm>>) dst(%arg7 : memref<5000xi32, #tpu.memory_space<vmem>>)
      tpu.yield
    }) : () -> ()
    %add3A_105 = arith.constant 3200000 : i32
    %add3A_106 = arith.addi %add3A_105, %add3A_104 : i32
    "tpu.region"() ({
      %run_scoped3A = tpu.sem_alloc : memref<!tpu.dma_semaphore, #tpu.memory_space<semaphore_mem>>
      %dma_start3A_249 = tpu.memref_slice %arg2[%add3A_106] : memref<6400000xi32, #tpu.memory_space<hbm>> -> memref<5000xi32, #tpu.memory_space<hbm>>
      %dma_start3A_250 = tpu.memref_slice %arg2[%add3A_106] : memref<6400000xi32, #tpu.memory_space<hbm>> -> memref<5000xi32, #tpu.memory_space<hbm>>
      tpu.enqueue_dma source(%dma_start3A_250 : memref<5000xi32, #tpu.memory_space<hbm>>) target(%arg11 : memref<5000xi32, #tpu.memory_space<vmem>>) target_semaphore(%run_scoped3A : memref<!tpu.dma_semaphore, #tpu.memory_space<semaphore_mem>>)
      %dma_wait3A_251 = tpu.memref_slice %arg2[%add3A_106] : memref<6400000xi32, #tpu.memory_space<hbm>> -> memref<5000xi32, #tpu.memory_space<hbm>>
      %dma_wait3A_252 = tpu.memref_slice %arg2[%add3A_106] : memref<6400000xi32, #tpu.memory_space<hbm>> -> memref<5000xi32, #tpu.memory_space<hbm>>
      tpu.wait_dma2 semaphore(%run_scoped3A : memref<!tpu.dma_semaphore, #tpu.memory_space<semaphore_mem>>) src(%dma_wait3A_252 : memref<5000xi32, #tpu.memory_space<hbm>>) dst(%arg11 : memref<5000xi32, #tpu.memory_space<vmem>>)
      tpu.yield
    }) : () -> ()
    %dma_start3A_107 = arith.constant 0 : i32
    %dma_start3A_108 = tpu.memref_slice %arg19[%dma_start3A_107] : memref<100096xf32, #tpu.memory_space<vmem_shared>> -> memref<100096xf32, #tpu.memory_space<vmem_shared>>
    tpu.enqueue_indirect_dma source(%dma_start3A_108 : memref<100096xf32, #tpu.memory_space<vmem_shared>>) target(%arg15 : memref<5000xf32, #tpu.memory_space<vmem>>) offsets(%arg7 : memref<5000xi32, #tpu.memory_space<vmem>>) semaphore(%arg22 : memref<!tpu.dma_semaphore, #tpu.memory_space<semaphore_mem>>)
    %dma_wait3A_109 = arith.constant 0 : i32
    %dma_wait3A_110 = tpu.memref_slice %arg19[%dma_wait3A_109] : memref<100096xf32, #tpu.memory_space<vmem_shared>> -> memref<100096xf32, #tpu.memory_space<vmem_shared>>
    tpu.wait_indirect_dma semaphore(%arg21 : memref<!tpu.dma_semaphore, #tpu.memory_space<semaphore_mem>>) src(%dma_wait3A_110 : memref<100096xf32, #tpu.memory_space<vmem_shared>>) dst(%arg14 : memref<5000xf32, #tpu.memory_space<vmem>>)
    %dma_wait3A_111 = arith.constant 0 : i32
    %dma_wait3A_112 = tpu.memref_slice %arg20[%dma_wait3A_111] : memref<100096xf32, #tpu.memory_space<vmem_shared>> -> memref<100096xf32, #tpu.memory_space<vmem_shared>>
    tpu.wait_indirect_dma semaphore(%arg25 : memref<!tpu.dma_semaphore, #tpu.memory_space<semaphore_mem>>) src(%arg17 : memref<5000xf32, #tpu.memory_space<vmem>>) dst(%dma_wait3A_112 : memref<100096xf32, #tpu.memory_space<vmem_shared>>)
    %dma_start3A_113 = arith.constant 0 : i32
    %dma_start3A_114 = tpu.memref_slice %arg20[%dma_start3A_113] : memref<100096xf32, #tpu.memory_space<vmem_shared>> -> memref<100096xf32, #tpu.memory_space<vmem_shared>>
    tpu.enqueue_indirect_dma source(%arg14 : memref<5000xf32, #tpu.memory_space<vmem>>) target(%dma_start3A_114 : memref<100096xf32, #tpu.memory_space<vmem_shared>>) offsets(%arg10 : memref<5000xi32, #tpu.memory_space<vmem>>) semaphore(%arg25 : memref<!tpu.dma_semaphore, #tpu.memory_space<semaphore_mem>>) {add = true}
    %add3A_115 = arith.constant 50000 : i32
    %add3A_116 = arith.addi %mul3A_4, %add3A_115 : i32
    "tpu.region"() ({
      %run_scoped3A = tpu.sem_alloc : memref<!tpu.dma_semaphore, #tpu.memory_space<semaphore_mem>>
      %dma_start3A_249 = tpu.memref_slice %arg2[%add3A_116] : memref<6400000xi32, #tpu.memory_space<hbm>> -> memref<5000xi32, #tpu.memory_space<hbm>>
      %dma_start3A_250 = tpu.memref_slice %arg2[%add3A_116] : memref<6400000xi32, #tpu.memory_space<hbm>> -> memref<5000xi32, #tpu.memory_space<hbm>>
      tpu.enqueue_dma source(%dma_start3A_250 : memref<5000xi32, #tpu.memory_space<hbm>>) target(%arg8 : memref<5000xi32, #tpu.memory_space<vmem>>) target_semaphore(%run_scoped3A : memref<!tpu.dma_semaphore, #tpu.memory_space<semaphore_mem>>)
      %dma_wait3A_251 = tpu.memref_slice %arg2[%add3A_116] : memref<6400000xi32, #tpu.memory_space<hbm>> -> memref<5000xi32, #tpu.memory_space<hbm>>
      %dma_wait3A_252 = tpu.memref_slice %arg2[%add3A_116] : memref<6400000xi32, #tpu.memory_space<hbm>> -> memref<5000xi32, #tpu.memory_space<hbm>>
      tpu.wait_dma2 semaphore(%run_scoped3A : memref<!tpu.dma_semaphore, #tpu.memory_space<semaphore_mem>>) src(%dma_wait3A_252 : memref<5000xi32, #tpu.memory_space<hbm>>) dst(%arg8 : memref<5000xi32, #tpu.memory_space<vmem>>)
      tpu.yield
    }) : () -> ()
    %add3A_117 = arith.constant 3200000 : i32
    %add3A_118 = arith.addi %add3A_117, %add3A_116 : i32
    "tpu.region"() ({
      %run_scoped3A = tpu.sem_alloc : memref<!tpu.dma_semaphore, #tpu.memory_space<semaphore_mem>>
      %dma_start3A_249 = tpu.memref_slice %arg2[%add3A_118] : memref<6400000xi32, #tpu.memory_space<hbm>> -> memref<5000xi32, #tpu.memory_space<hbm>>
      %dma_start3A_250 = tpu.memref_slice %arg2[%add3A_118] : memref<6400000xi32, #tpu.memory_space<hbm>> -> memref<5000xi32, #tpu.memory_space<hbm>>
      tpu.enqueue_dma source(%dma_start3A_250 : memref<5000xi32, #tpu.memory_space<hbm>>) target(%arg12 : memref<5000xi32, #tpu.memory_space<vmem>>) target_semaphore(%run_scoped3A : memref<!tpu.dma_semaphore, #tpu.memory_space<semaphore_mem>>)
      %dma_wait3A_251 = tpu.memref_slice %arg2[%add3A_118] : memref<6400000xi32, #tpu.memory_space<hbm>> -> memref<5000xi32, #tpu.memory_space<hbm>>
      %dma_wait3A_252 = tpu.memref_slice %arg2[%add3A_118] : memref<6400000xi32, #tpu.memory_space<hbm>> -> memref<5000xi32, #tpu.memory_space<hbm>>
      tpu.wait_dma2 semaphore(%run_scoped3A : memref<!tpu.dma_semaphore, #tpu.memory_space<semaphore_mem>>) src(%dma_wait3A_252 : memref<5000xi32, #tpu.memory_space<hbm>>) dst(%arg12 : memref<5000xi32, #tpu.memory_space<vmem>>)
      tpu.yield
    }) : () -> ()
    %dma_start3A_119 = arith.constant 0 : i32
    %dma_start3A_120 = tpu.memref_slice %arg19[%dma_start3A_119] : memref<100096xf32, #tpu.memory_space<vmem_shared>> -> memref<100096xf32, #tpu.memory_space<vmem_shared>>
    tpu.enqueue_indirect_dma source(%dma_start3A_120 : memref<100096xf32, #tpu.memory_space<vmem_shared>>) target(%arg16 : memref<5000xf32, #tpu.memory_space<vmem>>) offsets(%arg8 : memref<5000xi32, #tpu.memory_space<vmem>>) semaphore(%arg23 : memref<!tpu.dma_semaphore, #tpu.memory_space<semaphore_mem>>)
    %dma_wait3A_121 = arith.constant 0 : i32
    %dma_wait3A_122 = tpu.memref_slice %arg19[%dma_wait3A_121] : memref<100096xf32, #tpu.memory_space<vmem_shared>> -> memref<100096xf32, #tpu.memory_space<vmem_shared>>
    tpu.wait_indirect_dma semaphore(%arg22 : memref<!tpu.dma_semaphore, #tpu.memory_space<semaphore_mem>>) src(%dma_wait3A_122 : memref<100096xf32, #tpu.memory_space<vmem_shared>>) dst(%arg15 : memref<5000xf32, #tpu.memory_space<vmem>>)
    %dma_wait3A_123 = arith.constant 0 : i32
    %dma_wait3A_124 = tpu.memref_slice %arg20[%dma_wait3A_123] : memref<100096xf32, #tpu.memory_space<vmem_shared>> -> memref<100096xf32, #tpu.memory_space<vmem_shared>>
    tpu.wait_indirect_dma semaphore(%arg25 : memref<!tpu.dma_semaphore, #tpu.memory_space<semaphore_mem>>) src(%arg14 : memref<5000xf32, #tpu.memory_space<vmem>>) dst(%dma_wait3A_124 : memref<100096xf32, #tpu.memory_space<vmem_shared>>)
    %dma_start3A_125 = arith.constant 0 : i32
    %dma_start3A_126 = tpu.memref_slice %arg20[%dma_start3A_125] : memref<100096xf32, #tpu.memory_space<vmem_shared>> -> memref<100096xf32, #tpu.memory_space<vmem_shared>>
    tpu.enqueue_indirect_dma source(%arg15 : memref<5000xf32, #tpu.memory_space<vmem>>) target(%dma_start3A_126 : memref<100096xf32, #tpu.memory_space<vmem_shared>>) offsets(%arg11 : memref<5000xi32, #tpu.memory_space<vmem>>) semaphore(%arg25 : memref<!tpu.dma_semaphore, #tpu.memory_space<semaphore_mem>>) {add = true}
    %add3A_127 = arith.constant 55000 : i32
    %add3A_128 = arith.addi %mul3A_4, %add3A_127 : i32
    "tpu.region"() ({
      %run_scoped3A = tpu.sem_alloc : memref<!tpu.dma_semaphore, #tpu.memory_space<semaphore_mem>>
      %dma_start3A_249 = tpu.memref_slice %arg2[%add3A_128] : memref<6400000xi32, #tpu.memory_space<hbm>> -> memref<5000xi32, #tpu.memory_space<hbm>>
      %dma_start3A_250 = tpu.memref_slice %arg2[%add3A_128] : memref<6400000xi32, #tpu.memory_space<hbm>> -> memref<5000xi32, #tpu.memory_space<hbm>>
      tpu.enqueue_dma source(%dma_start3A_250 : memref<5000xi32, #tpu.memory_space<hbm>>) target(%arg9 : memref<5000xi32, #tpu.memory_space<vmem>>) target_semaphore(%run_scoped3A : memref<!tpu.dma_semaphore, #tpu.memory_space<semaphore_mem>>)
      %dma_wait3A_251 = tpu.memref_slice %arg2[%add3A_128] : memref<6400000xi32, #tpu.memory_space<hbm>> -> memref<5000xi32, #tpu.memory_space<hbm>>
      %dma_wait3A_252 = tpu.memref_slice %arg2[%add3A_128] : memref<6400000xi32, #tpu.memory_space<hbm>> -> memref<5000xi32, #tpu.memory_space<hbm>>
      tpu.wait_dma2 semaphore(%run_scoped3A : memref<!tpu.dma_semaphore, #tpu.memory_space<semaphore_mem>>) src(%dma_wait3A_252 : memref<5000xi32, #tpu.memory_space<hbm>>) dst(%arg9 : memref<5000xi32, #tpu.memory_space<vmem>>)
      tpu.yield
    }) : () -> ()
    %add3A_129 = arith.constant 3200000 : i32
    %add3A_130 = arith.addi %add3A_129, %add3A_128 : i32
    "tpu.region"() ({
      %run_scoped3A = tpu.sem_alloc : memref<!tpu.dma_semaphore, #tpu.memory_space<semaphore_mem>>
      %dma_start3A_249 = tpu.memref_slice %arg2[%add3A_130] : memref<6400000xi32, #tpu.memory_space<hbm>> -> memref<5000xi32, #tpu.memory_space<hbm>>
      %dma_start3A_250 = tpu.memref_slice %arg2[%add3A_130] : memref<6400000xi32, #tpu.memory_space<hbm>> -> memref<5000xi32, #tpu.memory_space<hbm>>
      tpu.enqueue_dma source(%dma_start3A_250 : memref<5000xi32, #tpu.memory_space<hbm>>) target(%arg13 : memref<5000xi32, #tpu.memory_space<vmem>>) target_semaphore(%run_scoped3A : memref<!tpu.dma_semaphore, #tpu.memory_space<semaphore_mem>>)
      %dma_wait3A_251 = tpu.memref_slice %arg2[%add3A_130] : memref<6400000xi32, #tpu.memory_space<hbm>> -> memref<5000xi32, #tpu.memory_space<hbm>>
      %dma_wait3A_252 = tpu.memref_slice %arg2[%add3A_130] : memref<6400000xi32, #tpu.memory_space<hbm>> -> memref<5000xi32, #tpu.memory_space<hbm>>
      tpu.wait_dma2 semaphore(%run_scoped3A : memref<!tpu.dma_semaphore, #tpu.memory_space<semaphore_mem>>) src(%dma_wait3A_252 : memref<5000xi32, #tpu.memory_space<hbm>>) dst(%arg13 : memref<5000xi32, #tpu.memory_space<vmem>>)
      tpu.yield
    }) : () -> ()
    %dma_start3A_131 = arith.constant 0 : i32
    %dma_start3A_132 = tpu.memref_slice %arg19[%dma_start3A_131] : memref<100096xf32, #tpu.memory_space<vmem_shared>> -> memref<100096xf32, #tpu.memory_space<vmem_shared>>
    tpu.enqueue_indirect_dma source(%dma_start3A_132 : memref<100096xf32, #tpu.memory_space<vmem_shared>>) target(%arg17 : memref<5000xf32, #tpu.memory_space<vmem>>) offsets(%arg9 : memref<5000xi32, #tpu.memory_space<vmem>>) semaphore(%arg24 : memref<!tpu.dma_semaphore, #tpu.memory_space<semaphore_mem>>)
    %dma_wait3A_133 = arith.constant 0 : i32
    %dma_wait3A_134 = tpu.memref_slice %arg19[%dma_wait3A_133] : memref<100096xf32, #tpu.memory_space<vmem_shared>> -> memref<100096xf32, #tpu.memory_space<vmem_shared>>
    tpu.wait_indirect_dma semaphore(%arg23 : memref<!tpu.dma_semaphore, #tpu.memory_space<semaphore_mem>>) src(%dma_wait3A_134 : memref<100096xf32, #tpu.memory_space<vmem_shared>>) dst(%arg16 : memref<5000xf32, #tpu.memory_space<vmem>>)
    %dma_wait3A_135 = arith.constant 0 : i32
    %dma_wait3A_136 = tpu.memref_slice %arg20[%dma_wait3A_135] : memref<100096xf32, #tpu.memory_space<vmem_shared>> -> memref<100096xf32, #tpu.memory_space<vmem_shared>>
    tpu.wait_indirect_dma semaphore(%arg25 : memref<!tpu.dma_semaphore, #tpu.memory_space<semaphore_mem>>) src(%arg15 : memref<5000xf32, #tpu.memory_space<vmem>>) dst(%dma_wait3A_136 : memref<100096xf32, #tpu.memory_space<vmem_shared>>)
    %dma_start3A_137 = arith.constant 0 : i32
    %dma_start3A_138 = tpu.memref_slice %arg20[%dma_start3A_137] : memref<100096xf32, #tpu.memory_space<vmem_shared>> -> memref<100096xf32, #tpu.memory_space<vmem_shared>>
    tpu.enqueue_indirect_dma source(%arg16 : memref<5000xf32, #tpu.memory_space<vmem>>) target(%dma_start3A_138 : memref<100096xf32, #tpu.memory_space<vmem_shared>>) offsets(%arg12 : memref<5000xi32, #tpu.memory_space<vmem>>) semaphore(%arg25 : memref<!tpu.dma_semaphore, #tpu.memory_space<semaphore_mem>>) {add = true}
    %add3A_139 = arith.constant 60000 : i32
    %add3A_140 = arith.addi %mul3A_4, %add3A_139 : i32
    "tpu.region"() ({
      %run_scoped3A = tpu.sem_alloc : memref<!tpu.dma_semaphore, #tpu.memory_space<semaphore_mem>>
      %dma_start3A_249 = tpu.memref_slice %arg2[%add3A_140] : memref<6400000xi32, #tpu.memory_space<hbm>> -> memref<5000xi32, #tpu.memory_space<hbm>>
      %dma_start3A_250 = tpu.memref_slice %arg2[%add3A_140] : memref<6400000xi32, #tpu.memory_space<hbm>> -> memref<5000xi32, #tpu.memory_space<hbm>>
      tpu.enqueue_dma source(%dma_start3A_250 : memref<5000xi32, #tpu.memory_space<hbm>>) target(%arg6 : memref<5000xi32, #tpu.memory_space<vmem>>) target_semaphore(%run_scoped3A : memref<!tpu.dma_semaphore, #tpu.memory_space<semaphore_mem>>)
      %dma_wait3A_251 = tpu.memref_slice %arg2[%add3A_140] : memref<6400000xi32, #tpu.memory_space<hbm>> -> memref<5000xi32, #tpu.memory_space<hbm>>
      %dma_wait3A_252 = tpu.memref_slice %arg2[%add3A_140] : memref<6400000xi32, #tpu.memory_space<hbm>> -> memref<5000xi32, #tpu.memory_space<hbm>>
      tpu.wait_dma2 semaphore(%run_scoped3A : memref<!tpu.dma_semaphore, #tpu.memory_space<semaphore_mem>>) src(%dma_wait3A_252 : memref<5000xi32, #tpu.memory_space<hbm>>) dst(%arg6 : memref<5000xi32, #tpu.memory_space<vmem>>)
      tpu.yield
    }) : () -> ()
    %add3A_141 = arith.constant 3200000 : i32
    %add3A_142 = arith.addi %add3A_141, %add3A_140 : i32
    "tpu.region"() ({
      %run_scoped3A = tpu.sem_alloc : memref<!tpu.dma_semaphore, #tpu.memory_space<semaphore_mem>>
      %dma_start3A_249 = tpu.memref_slice %arg2[%add3A_142] : memref<6400000xi32, #tpu.memory_space<hbm>> -> memref<5000xi32, #tpu.memory_space<hbm>>
      %dma_start3A_250 = tpu.memref_slice %arg2[%add3A_142] : memref<6400000xi32, #tpu.memory_space<hbm>> -> memref<5000xi32, #tpu.memory_space<hbm>>
      tpu.enqueue_dma source(%dma_start3A_250 : memref<5000xi32, #tpu.memory_space<hbm>>) target(%arg10 : memref<5000xi32, #tpu.memory_space<vmem>>) target_semaphore(%run_scoped3A : memref<!tpu.dma_semaphore, #tpu.memory_space<semaphore_mem>>)
      %dma_wait3A_251 = tpu.memref_slice %arg2[%add3A_142] : memref<6400000xi32, #tpu.memory_space<hbm>> -> memref<5000xi32, #tpu.memory_space<hbm>>
      %dma_wait3A_252 = tpu.memref_slice %arg2[%add3A_142] : memref<6400000xi32, #tpu.memory_space<hbm>> -> memref<5000xi32, #tpu.memory_space<hbm>>
      tpu.wait_dma2 semaphore(%run_scoped3A : memref<!tpu.dma_semaphore, #tpu.memory_space<semaphore_mem>>) src(%dma_wait3A_252 : memref<5000xi32, #tpu.memory_space<hbm>>) dst(%arg10 : memref<5000xi32, #tpu.memory_space<vmem>>)
      tpu.yield
    }) : () -> ()
    %dma_start3A_143 = arith.constant 0 : i32
    %dma_start3A_144 = tpu.memref_slice %arg19[%dma_start3A_143] : memref<100096xf32, #tpu.memory_space<vmem_shared>> -> memref<100096xf32, #tpu.memory_space<vmem_shared>>
    tpu.enqueue_indirect_dma source(%dma_start3A_144 : memref<100096xf32, #tpu.memory_space<vmem_shared>>) target(%arg14 : memref<5000xf32, #tpu.memory_space<vmem>>) offsets(%arg6 : memref<5000xi32, #tpu.memory_space<vmem>>) semaphore(%arg21 : memref<!tpu.dma_semaphore, #tpu.memory_space<semaphore_mem>>)
    %dma_wait3A_145 = arith.constant 0 : i32
    %dma_wait3A_146 = tpu.memref_slice %arg19[%dma_wait3A_145] : memref<100096xf32, #tpu.memory_space<vmem_shared>> -> memref<100096xf32, #tpu.memory_space<vmem_shared>>
    tpu.wait_indirect_dma semaphore(%arg24 : memref<!tpu.dma_semaphore, #tpu.memory_space<semaphore_mem>>) src(%dma_wait3A_146 : memref<100096xf32, #tpu.memory_space<vmem_shared>>) dst(%arg17 : memref<5000xf32, #tpu.memory_space<vmem>>)
    %dma_wait3A_147 = arith.constant 0 : i32
    %dma_wait3A_148 = tpu.memref_slice %arg20[%dma_wait3A_147] : memref<100096xf32, #tpu.memory_space<vmem_shared>> -> memref<100096xf32, #tpu.memory_space<vmem_shared>>
    tpu.wait_indirect_dma semaphore(%arg25 : memref<!tpu.dma_semaphore, #tpu.memory_space<semaphore_mem>>) src(%arg16 : memref<5000xf32, #tpu.memory_space<vmem>>) dst(%dma_wait3A_148 : memref<100096xf32, #tpu.memory_space<vmem_shared>>)
    %dma_start3A_149 = arith.constant 0 : i32
    %dma_start3A_150 = tpu.memref_slice %arg20[%dma_start3A_149] : memref<100096xf32, #tpu.memory_space<vmem_shared>> -> memref<100096xf32, #tpu.memory_space<vmem_shared>>
    tpu.enqueue_indirect_dma source(%arg17 : memref<5000xf32, #tpu.memory_space<vmem>>) target(%dma_start3A_150 : memref<100096xf32, #tpu.memory_space<vmem_shared>>) offsets(%arg13 : memref<5000xi32, #tpu.memory_space<vmem>>) semaphore(%arg25 : memref<!tpu.dma_semaphore, #tpu.memory_space<semaphore_mem>>) {add = true}
    %add3A_151 = arith.constant 65000 : i32
    %add3A_152 = arith.addi %mul3A_4, %add3A_151 : i32
    "tpu.region"() ({
      %run_scoped3A = tpu.sem_alloc : memref<!tpu.dma_semaphore, #tpu.memory_space<semaphore_mem>>
      %dma_start3A_249 = tpu.memref_slice %arg2[%add3A_152] : memref<6400000xi32, #tpu.memory_space<hbm>> -> memref<5000xi32, #tpu.memory_space<hbm>>
      %dma_start3A_250 = tpu.memref_slice %arg2[%add3A_152] : memref<6400000xi32, #tpu.memory_space<hbm>> -> memref<5000xi32, #tpu.memory_space<hbm>>
      tpu.enqueue_dma source(%dma_start3A_250 : memref<5000xi32, #tpu.memory_space<hbm>>) target(%arg7 : memref<5000xi32, #tpu.memory_space<vmem>>) target_semaphore(%run_scoped3A : memref<!tpu.dma_semaphore, #tpu.memory_space<semaphore_mem>>)
      %dma_wait3A_251 = tpu.memref_slice %arg2[%add3A_152] : memref<6400000xi32, #tpu.memory_space<hbm>> -> memref<5000xi32, #tpu.memory_space<hbm>>
      %dma_wait3A_252 = tpu.memref_slice %arg2[%add3A_152] : memref<6400000xi32, #tpu.memory_space<hbm>> -> memref<5000xi32, #tpu.memory_space<hbm>>
      tpu.wait_dma2 semaphore(%run_scoped3A : memref<!tpu.dma_semaphore, #tpu.memory_space<semaphore_mem>>) src(%dma_wait3A_252 : memref<5000xi32, #tpu.memory_space<hbm>>) dst(%arg7 : memref<5000xi32, #tpu.memory_space<vmem>>)
      tpu.yield
    }) : () -> ()
    %add3A_153 = arith.constant 3200000 : i32
    %add3A_154 = arith.addi %add3A_153, %add3A_152 : i32
    "tpu.region"() ({
      %run_scoped3A = tpu.sem_alloc : memref<!tpu.dma_semaphore, #tpu.memory_space<semaphore_mem>>
      %dma_start3A_249 = tpu.memref_slice %arg2[%add3A_154] : memref<6400000xi32, #tpu.memory_space<hbm>> -> memref<5000xi32, #tpu.memory_space<hbm>>
      %dma_start3A_250 = tpu.memref_slice %arg2[%add3A_154] : memref<6400000xi32, #tpu.memory_space<hbm>> -> memref<5000xi32, #tpu.memory_space<hbm>>
      tpu.enqueue_dma source(%dma_start3A_250 : memref<5000xi32, #tpu.memory_space<hbm>>) target(%arg11 : memref<5000xi32, #tpu.memory_space<vmem>>) target_semaphore(%run_scoped3A : memref<!tpu.dma_semaphore, #tpu.memory_space<semaphore_mem>>)
      %dma_wait3A_251 = tpu.memref_slice %arg2[%add3A_154] : memref<6400000xi32, #tpu.memory_space<hbm>> -> memref<5000xi32, #tpu.memory_space<hbm>>
      %dma_wait3A_252 = tpu.memref_slice %arg2[%add3A_154] : memref<6400000xi32, #tpu.memory_space<hbm>> -> memref<5000xi32, #tpu.memory_space<hbm>>
      tpu.wait_dma2 semaphore(%run_scoped3A : memref<!tpu.dma_semaphore, #tpu.memory_space<semaphore_mem>>) src(%dma_wait3A_252 : memref<5000xi32, #tpu.memory_space<hbm>>) dst(%arg11 : memref<5000xi32, #tpu.memory_space<vmem>>)
      tpu.yield
    }) : () -> ()
    %dma_start3A_155 = arith.constant 0 : i32
    %dma_start3A_156 = tpu.memref_slice %arg19[%dma_start3A_155] : memref<100096xf32, #tpu.memory_space<vmem_shared>> -> memref<100096xf32, #tpu.memory_space<vmem_shared>>
    tpu.enqueue_indirect_dma source(%dma_start3A_156 : memref<100096xf32, #tpu.memory_space<vmem_shared>>) target(%arg15 : memref<5000xf32, #tpu.memory_space<vmem>>) offsets(%arg7 : memref<5000xi32, #tpu.memory_space<vmem>>) semaphore(%arg22 : memref<!tpu.dma_semaphore, #tpu.memory_space<semaphore_mem>>)
    %dma_wait3A_157 = arith.constant 0 : i32
    %dma_wait3A_158 = tpu.memref_slice %arg19[%dma_wait3A_157] : memref<100096xf32, #tpu.memory_space<vmem_shared>> -> memref<100096xf32, #tpu.memory_space<vmem_shared>>
    tpu.wait_indirect_dma semaphore(%arg21 : memref<!tpu.dma_semaphore, #tpu.memory_space<semaphore_mem>>) src(%dma_wait3A_158 : memref<100096xf32, #tpu.memory_space<vmem_shared>>) dst(%arg14 : memref<5000xf32, #tpu.memory_space<vmem>>)
    %dma_wait3A_159 = arith.constant 0 : i32
    %dma_wait3A_160 = tpu.memref_slice %arg20[%dma_wait3A_159] : memref<100096xf32, #tpu.memory_space<vmem_shared>> -> memref<100096xf32, #tpu.memory_space<vmem_shared>>
    tpu.wait_indirect_dma semaphore(%arg25 : memref<!tpu.dma_semaphore, #tpu.memory_space<semaphore_mem>>) src(%arg17 : memref<5000xf32, #tpu.memory_space<vmem>>) dst(%dma_wait3A_160 : memref<100096xf32, #tpu.memory_space<vmem_shared>>)
    %dma_start3A_161 = arith.constant 0 : i32
    %dma_start3A_162 = tpu.memref_slice %arg20[%dma_start3A_161] : memref<100096xf32, #tpu.memory_space<vmem_shared>> -> memref<100096xf32, #tpu.memory_space<vmem_shared>>
    tpu.enqueue_indirect_dma source(%arg14 : memref<5000xf32, #tpu.memory_space<vmem>>) target(%dma_start3A_162 : memref<100096xf32, #tpu.memory_space<vmem_shared>>) offsets(%arg10 : memref<5000xi32, #tpu.memory_space<vmem>>) semaphore(%arg25 : memref<!tpu.dma_semaphore, #tpu.memory_space<semaphore_mem>>) {add = true}
    %add3A_163 = arith.constant 70000 : i32
    %add3A_164 = arith.addi %mul3A_4, %add3A_163 : i32
    "tpu.region"() ({
      %run_scoped3A = tpu.sem_alloc : memref<!tpu.dma_semaphore, #tpu.memory_space<semaphore_mem>>
      %dma_start3A_249 = tpu.memref_slice %arg2[%add3A_164] : memref<6400000xi32, #tpu.memory_space<hbm>> -> memref<5000xi32, #tpu.memory_space<hbm>>
      %dma_start3A_250 = tpu.memref_slice %arg2[%add3A_164] : memref<6400000xi32, #tpu.memory_space<hbm>> -> memref<5000xi32, #tpu.memory_space<hbm>>
      tpu.enqueue_dma source(%dma_start3A_250 : memref<5000xi32, #tpu.memory_space<hbm>>) target(%arg8 : memref<5000xi32, #tpu.memory_space<vmem>>) target_semaphore(%run_scoped3A : memref<!tpu.dma_semaphore, #tpu.memory_space<semaphore_mem>>)
      %dma_wait3A_251 = tpu.memref_slice %arg2[%add3A_164] : memref<6400000xi32, #tpu.memory_space<hbm>> -> memref<5000xi32, #tpu.memory_space<hbm>>
      %dma_wait3A_252 = tpu.memref_slice %arg2[%add3A_164] : memref<6400000xi32, #tpu.memory_space<hbm>> -> memref<5000xi32, #tpu.memory_space<hbm>>
      tpu.wait_dma2 semaphore(%run_scoped3A : memref<!tpu.dma_semaphore, #tpu.memory_space<semaphore_mem>>) src(%dma_wait3A_252 : memref<5000xi32, #tpu.memory_space<hbm>>) dst(%arg8 : memref<5000xi32, #tpu.memory_space<vmem>>)
      tpu.yield
    }) : () -> ()
    %add3A_165 = arith.constant 3200000 : i32
    %add3A_166 = arith.addi %add3A_165, %add3A_164 : i32
    "tpu.region"() ({
      %run_scoped3A = tpu.sem_alloc : memref<!tpu.dma_semaphore, #tpu.memory_space<semaphore_mem>>
      %dma_start3A_249 = tpu.memref_slice %arg2[%add3A_166] : memref<6400000xi32, #tpu.memory_space<hbm>> -> memref<5000xi32, #tpu.memory_space<hbm>>
      %dma_start3A_250 = tpu.memref_slice %arg2[%add3A_166] : memref<6400000xi32, #tpu.memory_space<hbm>> -> memref<5000xi32, #tpu.memory_space<hbm>>
      tpu.enqueue_dma source(%dma_start3A_250 : memref<5000xi32, #tpu.memory_space<hbm>>) target(%arg12 : memref<5000xi32, #tpu.memory_space<vmem>>) target_semaphore(%run_scoped3A : memref<!tpu.dma_semaphore, #tpu.memory_space<semaphore_mem>>)
      %dma_wait3A_251 = tpu.memref_slice %arg2[%add3A_166] : memref<6400000xi32, #tpu.memory_space<hbm>> -> memref<5000xi32, #tpu.memory_space<hbm>>
      %dma_wait3A_252 = tpu.memref_slice %arg2[%add3A_166] : memref<6400000xi32, #tpu.memory_space<hbm>> -> memref<5000xi32, #tpu.memory_space<hbm>>
      tpu.wait_dma2 semaphore(%run_scoped3A : memref<!tpu.dma_semaphore, #tpu.memory_space<semaphore_mem>>) src(%dma_wait3A_252 : memref<5000xi32, #tpu.memory_space<hbm>>) dst(%arg12 : memref<5000xi32, #tpu.memory_space<vmem>>)
      tpu.yield
    }) : () -> ()
    %dma_start3A_167 = arith.constant 0 : i32
    %dma_start3A_168 = tpu.memref_slice %arg19[%dma_start3A_167] : memref<100096xf32, #tpu.memory_space<vmem_shared>> -> memref<100096xf32, #tpu.memory_space<vmem_shared>>
    tpu.enqueue_indirect_dma source(%dma_start3A_168 : memref<100096xf32, #tpu.memory_space<vmem_shared>>) target(%arg16 : memref<5000xf32, #tpu.memory_space<vmem>>) offsets(%arg8 : memref<5000xi32, #tpu.memory_space<vmem>>) semaphore(%arg23 : memref<!tpu.dma_semaphore, #tpu.memory_space<semaphore_mem>>)
    %dma_wait3A_169 = arith.constant 0 : i32
    %dma_wait3A_170 = tpu.memref_slice %arg19[%dma_wait3A_169] : memref<100096xf32, #tpu.memory_space<vmem_shared>> -> memref<100096xf32, #tpu.memory_space<vmem_shared>>
    tpu.wait_indirect_dma semaphore(%arg22 : memref<!tpu.dma_semaphore, #tpu.memory_space<semaphore_mem>>) src(%dma_wait3A_170 : memref<100096xf32, #tpu.memory_space<vmem_shared>>) dst(%arg15 : memref<5000xf32, #tpu.memory_space<vmem>>)
    %dma_wait3A_171 = arith.constant 0 : i32
    %dma_wait3A_172 = tpu.memref_slice %arg20[%dma_wait3A_171] : memref<100096xf32, #tpu.memory_space<vmem_shared>> -> memref<100096xf32, #tpu.memory_space<vmem_shared>>
    tpu.wait_indirect_dma semaphore(%arg25 : memref<!tpu.dma_semaphore, #tpu.memory_space<semaphore_mem>>) src(%arg14 : memref<5000xf32, #tpu.memory_space<vmem>>) dst(%dma_wait3A_172 : memref<100096xf32, #tpu.memory_space<vmem_shared>>)
    %dma_start3A_173 = arith.constant 0 : i32
    %dma_start3A_174 = tpu.memref_slice %arg20[%dma_start3A_173] : memref<100096xf32, #tpu.memory_space<vmem_shared>> -> memref<100096xf32, #tpu.memory_space<vmem_shared>>
    tpu.enqueue_indirect_dma source(%arg15 : memref<5000xf32, #tpu.memory_space<vmem>>) target(%dma_start3A_174 : memref<100096xf32, #tpu.memory_space<vmem_shared>>) offsets(%arg11 : memref<5000xi32, #tpu.memory_space<vmem>>) semaphore(%arg25 : memref<!tpu.dma_semaphore, #tpu.memory_space<semaphore_mem>>) {add = true}
    %add3A_175 = arith.constant 75000 : i32
    %add3A_176 = arith.addi %mul3A_4, %add3A_175 : i32
    "tpu.region"() ({
      %run_scoped3A = tpu.sem_alloc : memref<!tpu.dma_semaphore, #tpu.memory_space<semaphore_mem>>
      %dma_start3A_249 = tpu.memref_slice %arg2[%add3A_176] : memref<6400000xi32, #tpu.memory_space<hbm>> -> memref<5000xi32, #tpu.memory_space<hbm>>
      %dma_start3A_250 = tpu.memref_slice %arg2[%add3A_176] : memref<6400000xi32, #tpu.memory_space<hbm>> -> memref<5000xi32, #tpu.memory_space<hbm>>
      tpu.enqueue_dma source(%dma_start3A_250 : memref<5000xi32, #tpu.memory_space<hbm>>) target(%arg9 : memref<5000xi32, #tpu.memory_space<vmem>>) target_semaphore(%run_scoped3A : memref<!tpu.dma_semaphore, #tpu.memory_space<semaphore_mem>>)
      %dma_wait3A_251 = tpu.memref_slice %arg2[%add3A_176] : memref<6400000xi32, #tpu.memory_space<hbm>> -> memref<5000xi32, #tpu.memory_space<hbm>>
      %dma_wait3A_252 = tpu.memref_slice %arg2[%add3A_176] : memref<6400000xi32, #tpu.memory_space<hbm>> -> memref<5000xi32, #tpu.memory_space<hbm>>
      tpu.wait_dma2 semaphore(%run_scoped3A : memref<!tpu.dma_semaphore, #tpu.memory_space<semaphore_mem>>) src(%dma_wait3A_252 : memref<5000xi32, #tpu.memory_space<hbm>>) dst(%arg9 : memref<5000xi32, #tpu.memory_space<vmem>>)
      tpu.yield
    }) : () -> ()
    %add3A_177 = arith.constant 3200000 : i32
    %add3A_178 = arith.addi %add3A_177, %add3A_176 : i32
    "tpu.region"() ({
      %run_scoped3A = tpu.sem_alloc : memref<!tpu.dma_semaphore, #tpu.memory_space<semaphore_mem>>
      %dma_start3A_249 = tpu.memref_slice %arg2[%add3A_178] : memref<6400000xi32, #tpu.memory_space<hbm>> -> memref<5000xi32, #tpu.memory_space<hbm>>
      %dma_start3A_250 = tpu.memref_slice %arg2[%add3A_178] : memref<6400000xi32, #tpu.memory_space<hbm>> -> memref<5000xi32, #tpu.memory_space<hbm>>
      tpu.enqueue_dma source(%dma_start3A_250 : memref<5000xi32, #tpu.memory_space<hbm>>) target(%arg13 : memref<5000xi32, #tpu.memory_space<vmem>>) target_semaphore(%run_scoped3A : memref<!tpu.dma_semaphore, #tpu.memory_space<semaphore_mem>>)
      %dma_wait3A_251 = tpu.memref_slice %arg2[%add3A_178] : memref<6400000xi32, #tpu.memory_space<hbm>> -> memref<5000xi32, #tpu.memory_space<hbm>>
      %dma_wait3A_252 = tpu.memref_slice %arg2[%add3A_178] : memref<6400000xi32, #tpu.memory_space<hbm>> -> memref<5000xi32, #tpu.memory_space<hbm>>
      tpu.wait_dma2 semaphore(%run_scoped3A : memref<!tpu.dma_semaphore, #tpu.memory_space<semaphore_mem>>) src(%dma_wait3A_252 : memref<5000xi32, #tpu.memory_space<hbm>>) dst(%arg13 : memref<5000xi32, #tpu.memory_space<vmem>>)
      tpu.yield
    }) : () -> ()
    %dma_start3A_179 = arith.constant 0 : i32
    %dma_start3A_180 = tpu.memref_slice %arg19[%dma_start3A_179] : memref<100096xf32, #tpu.memory_space<vmem_shared>> -> memref<100096xf32, #tpu.memory_space<vmem_shared>>
    tpu.enqueue_indirect_dma source(%dma_start3A_180 : memref<100096xf32, #tpu.memory_space<vmem_shared>>) target(%arg17 : memref<5000xf32, #tpu.memory_space<vmem>>) offsets(%arg9 : memref<5000xi32, #tpu.memory_space<vmem>>) semaphore(%arg24 : memref<!tpu.dma_semaphore, #tpu.memory_space<semaphore_mem>>)
    %dma_wait3A_181 = arith.constant 0 : i32
    %dma_wait3A_182 = tpu.memref_slice %arg19[%dma_wait3A_181] : memref<100096xf32, #tpu.memory_space<vmem_shared>> -> memref<100096xf32, #tpu.memory_space<vmem_shared>>
    tpu.wait_indirect_dma semaphore(%arg23 : memref<!tpu.dma_semaphore, #tpu.memory_space<semaphore_mem>>) src(%dma_wait3A_182 : memref<100096xf32, #tpu.memory_space<vmem_shared>>) dst(%arg16 : memref<5000xf32, #tpu.memory_space<vmem>>)
    %dma_wait3A_183 = arith.constant 0 : i32
    %dma_wait3A_184 = tpu.memref_slice %arg20[%dma_wait3A_183] : memref<100096xf32, #tpu.memory_space<vmem_shared>> -> memref<100096xf32, #tpu.memory_space<vmem_shared>>
    tpu.wait_indirect_dma semaphore(%arg25 : memref<!tpu.dma_semaphore, #tpu.memory_space<semaphore_mem>>) src(%arg15 : memref<5000xf32, #tpu.memory_space<vmem>>) dst(%dma_wait3A_184 : memref<100096xf32, #tpu.memory_space<vmem_shared>>)
    %dma_start3A_185 = arith.constant 0 : i32
    %dma_start3A_186 = tpu.memref_slice %arg20[%dma_start3A_185] : memref<100096xf32, #tpu.memory_space<vmem_shared>> -> memref<100096xf32, #tpu.memory_space<vmem_shared>>
    tpu.enqueue_indirect_dma source(%arg16 : memref<5000xf32, #tpu.memory_space<vmem>>) target(%dma_start3A_186 : memref<100096xf32, #tpu.memory_space<vmem_shared>>) offsets(%arg12 : memref<5000xi32, #tpu.memory_space<vmem>>) semaphore(%arg25 : memref<!tpu.dma_semaphore, #tpu.memory_space<semaphore_mem>>) {add = true}
    %add3A_187 = arith.constant 80000 : i32
    %add3A_188 = arith.addi %mul3A_4, %add3A_187 : i32
    "tpu.region"() ({
      %run_scoped3A = tpu.sem_alloc : memref<!tpu.dma_semaphore, #tpu.memory_space<semaphore_mem>>
      %dma_start3A_249 = tpu.memref_slice %arg2[%add3A_188] : memref<6400000xi32, #tpu.memory_space<hbm>> -> memref<5000xi32, #tpu.memory_space<hbm>>
      %dma_start3A_250 = tpu.memref_slice %arg2[%add3A_188] : memref<6400000xi32, #tpu.memory_space<hbm>> -> memref<5000xi32, #tpu.memory_space<hbm>>
      tpu.enqueue_dma source(%dma_start3A_250 : memref<5000xi32, #tpu.memory_space<hbm>>) target(%arg6 : memref<5000xi32, #tpu.memory_space<vmem>>) target_semaphore(%run_scoped3A : memref<!tpu.dma_semaphore, #tpu.memory_space<semaphore_mem>>)
      %dma_wait3A_251 = tpu.memref_slice %arg2[%add3A_188] : memref<6400000xi32, #tpu.memory_space<hbm>> -> memref<5000xi32, #tpu.memory_space<hbm>>
      %dma_wait3A_252 = tpu.memref_slice %arg2[%add3A_188] : memref<6400000xi32, #tpu.memory_space<hbm>> -> memref<5000xi32, #tpu.memory_space<hbm>>
      tpu.wait_dma2 semaphore(%run_scoped3A : memref<!tpu.dma_semaphore, #tpu.memory_space<semaphore_mem>>) src(%dma_wait3A_252 : memref<5000xi32, #tpu.memory_space<hbm>>) dst(%arg6 : memref<5000xi32, #tpu.memory_space<vmem>>)
      tpu.yield
    }) : () -> ()
    %add3A_189 = arith.constant 3200000 : i32
    %add3A_190 = arith.addi %add3A_189, %add3A_188 : i32
    "tpu.region"() ({
      %run_scoped3A = tpu.sem_alloc : memref<!tpu.dma_semaphore, #tpu.memory_space<semaphore_mem>>
      %dma_start3A_249 = tpu.memref_slice %arg2[%add3A_190] : memref<6400000xi32, #tpu.memory_space<hbm>> -> memref<5000xi32, #tpu.memory_space<hbm>>
      %dma_start3A_250 = tpu.memref_slice %arg2[%add3A_190] : memref<6400000xi32, #tpu.memory_space<hbm>> -> memref<5000xi32, #tpu.memory_space<hbm>>
      tpu.enqueue_dma source(%dma_start3A_250 : memref<5000xi32, #tpu.memory_space<hbm>>) target(%arg10 : memref<5000xi32, #tpu.memory_space<vmem>>) target_semaphore(%run_scoped3A : memref<!tpu.dma_semaphore, #tpu.memory_space<semaphore_mem>>)
      %dma_wait3A_251 = tpu.memref_slice %arg2[%add3A_190] : memref<6400000xi32, #tpu.memory_space<hbm>> -> memref<5000xi32, #tpu.memory_space<hbm>>
      %dma_wait3A_252 = tpu.memref_slice %arg2[%add3A_190] : memref<6400000xi32, #tpu.memory_space<hbm>> -> memref<5000xi32, #tpu.memory_space<hbm>>
      tpu.wait_dma2 semaphore(%run_scoped3A : memref<!tpu.dma_semaphore, #tpu.memory_space<semaphore_mem>>) src(%dma_wait3A_252 : memref<5000xi32, #tpu.memory_space<hbm>>) dst(%arg10 : memref<5000xi32, #tpu.memory_space<vmem>>)
      tpu.yield
    }) : () -> ()
    %dma_start3A_191 = arith.constant 0 : i32
    %dma_start3A_192 = tpu.memref_slice %arg19[%dma_start3A_191] : memref<100096xf32, #tpu.memory_space<vmem_shared>> -> memref<100096xf32, #tpu.memory_space<vmem_shared>>
    tpu.enqueue_indirect_dma source(%dma_start3A_192 : memref<100096xf32, #tpu.memory_space<vmem_shared>>) target(%arg14 : memref<5000xf32, #tpu.memory_space<vmem>>) offsets(%arg6 : memref<5000xi32, #tpu.memory_space<vmem>>) semaphore(%arg21 : memref<!tpu.dma_semaphore, #tpu.memory_space<semaphore_mem>>)
    %dma_wait3A_193 = arith.constant 0 : i32
    %dma_wait3A_194 = tpu.memref_slice %arg19[%dma_wait3A_193] : memref<100096xf32, #tpu.memory_space<vmem_shared>> -> memref<100096xf32, #tpu.memory_space<vmem_shared>>
    tpu.wait_indirect_dma semaphore(%arg24 : memref<!tpu.dma_semaphore, #tpu.memory_space<semaphore_mem>>) src(%dma_wait3A_194 : memref<100096xf32, #tpu.memory_space<vmem_shared>>) dst(%arg17 : memref<5000xf32, #tpu.memory_space<vmem>>)
    %dma_wait3A_195 = arith.constant 0 : i32
    %dma_wait3A_196 = tpu.memref_slice %arg20[%dma_wait3A_195] : memref<100096xf32, #tpu.memory_space<vmem_shared>> -> memref<100096xf32, #tpu.memory_space<vmem_shared>>
    tpu.wait_indirect_dma semaphore(%arg25 : memref<!tpu.dma_semaphore, #tpu.memory_space<semaphore_mem>>) src(%arg16 : memref<5000xf32, #tpu.memory_space<vmem>>) dst(%dma_wait3A_196 : memref<100096xf32, #tpu.memory_space<vmem_shared>>)
    %dma_start3A_197 = arith.constant 0 : i32
    %dma_start3A_198 = tpu.memref_slice %arg20[%dma_start3A_197] : memref<100096xf32, #tpu.memory_space<vmem_shared>> -> memref<100096xf32, #tpu.memory_space<vmem_shared>>
    tpu.enqueue_indirect_dma source(%arg17 : memref<5000xf32, #tpu.memory_space<vmem>>) target(%dma_start3A_198 : memref<100096xf32, #tpu.memory_space<vmem_shared>>) offsets(%arg13 : memref<5000xi32, #tpu.memory_space<vmem>>) semaphore(%arg25 : memref<!tpu.dma_semaphore, #tpu.memory_space<semaphore_mem>>) {add = true}
    %add3A_199 = arith.constant 85000 : i32
    %add3A_200 = arith.addi %mul3A_4, %add3A_199 : i32
    "tpu.region"() ({
      %run_scoped3A = tpu.sem_alloc : memref<!tpu.dma_semaphore, #tpu.memory_space<semaphore_mem>>
      %dma_start3A_249 = tpu.memref_slice %arg2[%add3A_200] : memref<6400000xi32, #tpu.memory_space<hbm>> -> memref<5000xi32, #tpu.memory_space<hbm>>
      %dma_start3A_250 = tpu.memref_slice %arg2[%add3A_200] : memref<6400000xi32, #tpu.memory_space<hbm>> -> memref<5000xi32, #tpu.memory_space<hbm>>
      tpu.enqueue_dma source(%dma_start3A_250 : memref<5000xi32, #tpu.memory_space<hbm>>) target(%arg7 : memref<5000xi32, #tpu.memory_space<vmem>>) target_semaphore(%run_scoped3A : memref<!tpu.dma_semaphore, #tpu.memory_space<semaphore_mem>>)
      %dma_wait3A_251 = tpu.memref_slice %arg2[%add3A_200] : memref<6400000xi32, #tpu.memory_space<hbm>> -> memref<5000xi32, #tpu.memory_space<hbm>>
      %dma_wait3A_252 = tpu.memref_slice %arg2[%add3A_200] : memref<6400000xi32, #tpu.memory_space<hbm>> -> memref<5000xi32, #tpu.memory_space<hbm>>
      tpu.wait_dma2 semaphore(%run_scoped3A : memref<!tpu.dma_semaphore, #tpu.memory_space<semaphore_mem>>) src(%dma_wait3A_252 : memref<5000xi32, #tpu.memory_space<hbm>>) dst(%arg7 : memref<5000xi32, #tpu.memory_space<vmem>>)
      tpu.yield
    }) : () -> ()
    %add3A_201 = arith.constant 3200000 : i32
    %add3A_202 = arith.addi %add3A_201, %add3A_200 : i32
    "tpu.region"() ({
      %run_scoped3A = tpu.sem_alloc : memref<!tpu.dma_semaphore, #tpu.memory_space<semaphore_mem>>
      %dma_start3A_249 = tpu.memref_slice %arg2[%add3A_202] : memref<6400000xi32, #tpu.memory_space<hbm>> -> memref<5000xi32, #tpu.memory_space<hbm>>
      %dma_start3A_250 = tpu.memref_slice %arg2[%add3A_202] : memref<6400000xi32, #tpu.memory_space<hbm>> -> memref<5000xi32, #tpu.memory_space<hbm>>
      tpu.enqueue_dma source(%dma_start3A_250 : memref<5000xi32, #tpu.memory_space<hbm>>) target(%arg11 : memref<5000xi32, #tpu.memory_space<vmem>>) target_semaphore(%run_scoped3A : memref<!tpu.dma_semaphore, #tpu.memory_space<semaphore_mem>>)
      %dma_wait3A_251 = tpu.memref_slice %arg2[%add3A_202] : memref<6400000xi32, #tpu.memory_space<hbm>> -> memref<5000xi32, #tpu.memory_space<hbm>>
      %dma_wait3A_252 = tpu.memref_slice %arg2[%add3A_202] : memref<6400000xi32, #tpu.memory_space<hbm>> -> memref<5000xi32, #tpu.memory_space<hbm>>
      tpu.wait_dma2 semaphore(%run_scoped3A : memref<!tpu.dma_semaphore, #tpu.memory_space<semaphore_mem>>) src(%dma_wait3A_252 : memref<5000xi32, #tpu.memory_space<hbm>>) dst(%arg11 : memref<5000xi32, #tpu.memory_space<vmem>>)
      tpu.yield
    }) : () -> ()
    %dma_start3A_203 = arith.constant 0 : i32
    %dma_start3A_204 = tpu.memref_slice %arg19[%dma_start3A_203] : memref<100096xf32, #tpu.memory_space<vmem_shared>> -> memref<100096xf32, #tpu.memory_space<vmem_shared>>
    tpu.enqueue_indirect_dma source(%dma_start3A_204 : memref<100096xf32, #tpu.memory_space<vmem_shared>>) target(%arg15 : memref<5000xf32, #tpu.memory_space<vmem>>) offsets(%arg7 : memref<5000xi32, #tpu.memory_space<vmem>>) semaphore(%arg22 : memref<!tpu.dma_semaphore, #tpu.memory_space<semaphore_mem>>)
    %dma_wait3A_205 = arith.constant 0 : i32
    %dma_wait3A_206 = tpu.memref_slice %arg19[%dma_wait3A_205] : memref<100096xf32, #tpu.memory_space<vmem_shared>> -> memref<100096xf32, #tpu.memory_space<vmem_shared>>
    tpu.wait_indirect_dma semaphore(%arg21 : memref<!tpu.dma_semaphore, #tpu.memory_space<semaphore_mem>>) src(%dma_wait3A_206 : memref<100096xf32, #tpu.memory_space<vmem_shared>>) dst(%arg14 : memref<5000xf32, #tpu.memory_space<vmem>>)
    %dma_wait3A_207 = arith.constant 0 : i32
    %dma_wait3A_208 = tpu.memref_slice %arg20[%dma_wait3A_207] : memref<100096xf32, #tpu.memory_space<vmem_shared>> -> memref<100096xf32, #tpu.memory_space<vmem_shared>>
    tpu.wait_indirect_dma semaphore(%arg25 : memref<!tpu.dma_semaphore, #tpu.memory_space<semaphore_mem>>) src(%arg17 : memref<5000xf32, #tpu.memory_space<vmem>>) dst(%dma_wait3A_208 : memref<100096xf32, #tpu.memory_space<vmem_shared>>)
    %dma_start3A_209 = arith.constant 0 : i32
    %dma_start3A_210 = tpu.memref_slice %arg20[%dma_start3A_209] : memref<100096xf32, #tpu.memory_space<vmem_shared>> -> memref<100096xf32, #tpu.memory_space<vmem_shared>>
    tpu.enqueue_indirect_dma source(%arg14 : memref<5000xf32, #tpu.memory_space<vmem>>) target(%dma_start3A_210 : memref<100096xf32, #tpu.memory_space<vmem_shared>>) offsets(%arg10 : memref<5000xi32, #tpu.memory_space<vmem>>) semaphore(%arg25 : memref<!tpu.dma_semaphore, #tpu.memory_space<semaphore_mem>>) {add = true}
    %add3A_211 = arith.constant 90000 : i32
    %add3A_212 = arith.addi %mul3A_4, %add3A_211 : i32
    "tpu.region"() ({
      %run_scoped3A = tpu.sem_alloc : memref<!tpu.dma_semaphore, #tpu.memory_space<semaphore_mem>>
      %dma_start3A_249 = tpu.memref_slice %arg2[%add3A_212] : memref<6400000xi32, #tpu.memory_space<hbm>> -> memref<5000xi32, #tpu.memory_space<hbm>>
      %dma_start3A_250 = tpu.memref_slice %arg2[%add3A_212] : memref<6400000xi32, #tpu.memory_space<hbm>> -> memref<5000xi32, #tpu.memory_space<hbm>>
      tpu.enqueue_dma source(%dma_start3A_250 : memref<5000xi32, #tpu.memory_space<hbm>>) target(%arg8 : memref<5000xi32, #tpu.memory_space<vmem>>) target_semaphore(%run_scoped3A : memref<!tpu.dma_semaphore, #tpu.memory_space<semaphore_mem>>)
      %dma_wait3A_251 = tpu.memref_slice %arg2[%add3A_212] : memref<6400000xi32, #tpu.memory_space<hbm>> -> memref<5000xi32, #tpu.memory_space<hbm>>
      %dma_wait3A_252 = tpu.memref_slice %arg2[%add3A_212] : memref<6400000xi32, #tpu.memory_space<hbm>> -> memref<5000xi32, #tpu.memory_space<hbm>>
      tpu.wait_dma2 semaphore(%run_scoped3A : memref<!tpu.dma_semaphore, #tpu.memory_space<semaphore_mem>>) src(%dma_wait3A_252 : memref<5000xi32, #tpu.memory_space<hbm>>) dst(%arg8 : memref<5000xi32, #tpu.memory_space<vmem>>)
      tpu.yield
    }) : () -> ()
    %add3A_213 = arith.constant 3200000 : i32
    %add3A_214 = arith.addi %add3A_213, %add3A_212 : i32
    "tpu.region"() ({
      %run_scoped3A = tpu.sem_alloc : memref<!tpu.dma_semaphore, #tpu.memory_space<semaphore_mem>>
      %dma_start3A_249 = tpu.memref_slice %arg2[%add3A_214] : memref<6400000xi32, #tpu.memory_space<hbm>> -> memref<5000xi32, #tpu.memory_space<hbm>>
      %dma_start3A_250 = tpu.memref_slice %arg2[%add3A_214] : memref<6400000xi32, #tpu.memory_space<hbm>> -> memref<5000xi32, #tpu.memory_space<hbm>>
      tpu.enqueue_dma source(%dma_start3A_250 : memref<5000xi32, #tpu.memory_space<hbm>>) target(%arg12 : memref<5000xi32, #tpu.memory_space<vmem>>) target_semaphore(%run_scoped3A : memref<!tpu.dma_semaphore, #tpu.memory_space<semaphore_mem>>)
      %dma_wait3A_251 = tpu.memref_slice %arg2[%add3A_214] : memref<6400000xi32, #tpu.memory_space<hbm>> -> memref<5000xi32, #tpu.memory_space<hbm>>
      %dma_wait3A_252 = tpu.memref_slice %arg2[%add3A_214] : memref<6400000xi32, #tpu.memory_space<hbm>> -> memref<5000xi32, #tpu.memory_space<hbm>>
      tpu.wait_dma2 semaphore(%run_scoped3A : memref<!tpu.dma_semaphore, #tpu.memory_space<semaphore_mem>>) src(%dma_wait3A_252 : memref<5000xi32, #tpu.memory_space<hbm>>) dst(%arg12 : memref<5000xi32, #tpu.memory_space<vmem>>)
      tpu.yield
    }) : () -> ()
    %dma_start3A_215 = arith.constant 0 : i32
    %dma_start3A_216 = tpu.memref_slice %arg19[%dma_start3A_215] : memref<100096xf32, #tpu.memory_space<vmem_shared>> -> memref<100096xf32, #tpu.memory_space<vmem_shared>>
    tpu.enqueue_indirect_dma source(%dma_start3A_216 : memref<100096xf32, #tpu.memory_space<vmem_shared>>) target(%arg16 : memref<5000xf32, #tpu.memory_space<vmem>>) offsets(%arg8 : memref<5000xi32, #tpu.memory_space<vmem>>) semaphore(%arg23 : memref<!tpu.dma_semaphore, #tpu.memory_space<semaphore_mem>>)
    %dma_wait3A_217 = arith.constant 0 : i32
    %dma_wait3A_218 = tpu.memref_slice %arg19[%dma_wait3A_217] : memref<100096xf32, #tpu.memory_space<vmem_shared>> -> memref<100096xf32, #tpu.memory_space<vmem_shared>>
    tpu.wait_indirect_dma semaphore(%arg22 : memref<!tpu.dma_semaphore, #tpu.memory_space<semaphore_mem>>) src(%dma_wait3A_218 : memref<100096xf32, #tpu.memory_space<vmem_shared>>) dst(%arg15 : memref<5000xf32, #tpu.memory_space<vmem>>)
    %dma_wait3A_219 = arith.constant 0 : i32
    %dma_wait3A_220 = tpu.memref_slice %arg20[%dma_wait3A_219] : memref<100096xf32, #tpu.memory_space<vmem_shared>> -> memref<100096xf32, #tpu.memory_space<vmem_shared>>
    tpu.wait_indirect_dma semaphore(%arg25 : memref<!tpu.dma_semaphore, #tpu.memory_space<semaphore_mem>>) src(%arg14 : memref<5000xf32, #tpu.memory_space<vmem>>) dst(%dma_wait3A_220 : memref<100096xf32, #tpu.memory_space<vmem_shared>>)
    %dma_start3A_221 = arith.constant 0 : i32
    %dma_start3A_222 = tpu.memref_slice %arg20[%dma_start3A_221] : memref<100096xf32, #tpu.memory_space<vmem_shared>> -> memref<100096xf32, #tpu.memory_space<vmem_shared>>
    tpu.enqueue_indirect_dma source(%arg15 : memref<5000xf32, #tpu.memory_space<vmem>>) target(%dma_start3A_222 : memref<100096xf32, #tpu.memory_space<vmem_shared>>) offsets(%arg11 : memref<5000xi32, #tpu.memory_space<vmem>>) semaphore(%arg25 : memref<!tpu.dma_semaphore, #tpu.memory_space<semaphore_mem>>) {add = true}
    %add3A_223 = arith.constant 95000 : i32
    %add3A_224 = arith.addi %mul3A_4, %add3A_223 : i32
    "tpu.region"() ({
      %run_scoped3A = tpu.sem_alloc : memref<!tpu.dma_semaphore, #tpu.memory_space<semaphore_mem>>
      %dma_start3A_249 = tpu.memref_slice %arg2[%add3A_224] : memref<6400000xi32, #tpu.memory_space<hbm>> -> memref<5000xi32, #tpu.memory_space<hbm>>
      %dma_start3A_250 = tpu.memref_slice %arg2[%add3A_224] : memref<6400000xi32, #tpu.memory_space<hbm>> -> memref<5000xi32, #tpu.memory_space<hbm>>
      tpu.enqueue_dma source(%dma_start3A_250 : memref<5000xi32, #tpu.memory_space<hbm>>) target(%arg9 : memref<5000xi32, #tpu.memory_space<vmem>>) target_semaphore(%run_scoped3A : memref<!tpu.dma_semaphore, #tpu.memory_space<semaphore_mem>>)
      %dma_wait3A_251 = tpu.memref_slice %arg2[%add3A_224] : memref<6400000xi32, #tpu.memory_space<hbm>> -> memref<5000xi32, #tpu.memory_space<hbm>>
      %dma_wait3A_252 = tpu.memref_slice %arg2[%add3A_224] : memref<6400000xi32, #tpu.memory_space<hbm>> -> memref<5000xi32, #tpu.memory_space<hbm>>
      tpu.wait_dma2 semaphore(%run_scoped3A : memref<!tpu.dma_semaphore, #tpu.memory_space<semaphore_mem>>) src(%dma_wait3A_252 : memref<5000xi32, #tpu.memory_space<hbm>>) dst(%arg9 : memref<5000xi32, #tpu.memory_space<vmem>>)
      tpu.yield
    }) : () -> ()
    %add3A_225 = arith.constant 3200000 : i32
    %add3A_226 = arith.addi %add3A_225, %add3A_224 : i32
    "tpu.region"() ({
      %run_scoped3A = tpu.sem_alloc : memref<!tpu.dma_semaphore, #tpu.memory_space<semaphore_mem>>
      %dma_start3A_249 = tpu.memref_slice %arg2[%add3A_226] : memref<6400000xi32, #tpu.memory_space<hbm>> -> memref<5000xi32, #tpu.memory_space<hbm>>
      %dma_start3A_250 = tpu.memref_slice %arg2[%add3A_226] : memref<6400000xi32, #tpu.memory_space<hbm>> -> memref<5000xi32, #tpu.memory_space<hbm>>
      tpu.enqueue_dma source(%dma_start3A_250 : memref<5000xi32, #tpu.memory_space<hbm>>) target(%arg13 : memref<5000xi32, #tpu.memory_space<vmem>>) target_semaphore(%run_scoped3A : memref<!tpu.dma_semaphore, #tpu.memory_space<semaphore_mem>>)
      %dma_wait3A_251 = tpu.memref_slice %arg2[%add3A_226] : memref<6400000xi32, #tpu.memory_space<hbm>> -> memref<5000xi32, #tpu.memory_space<hbm>>
      %dma_wait3A_252 = tpu.memref_slice %arg2[%add3A_226] : memref<6400000xi32, #tpu.memory_space<hbm>> -> memref<5000xi32, #tpu.memory_space<hbm>>
      tpu.wait_dma2 semaphore(%run_scoped3A : memref<!tpu.dma_semaphore, #tpu.memory_space<semaphore_mem>>) src(%dma_wait3A_252 : memref<5000xi32, #tpu.memory_space<hbm>>) dst(%arg13 : memref<5000xi32, #tpu.memory_space<vmem>>)
      tpu.yield
    }) : () -> ()
    %dma_start3A_227 = arith.constant 0 : i32
    %dma_start3A_228 = tpu.memref_slice %arg19[%dma_start3A_227] : memref<100096xf32, #tpu.memory_space<vmem_shared>> -> memref<100096xf32, #tpu.memory_space<vmem_shared>>
    tpu.enqueue_indirect_dma source(%dma_start3A_228 : memref<100096xf32, #tpu.memory_space<vmem_shared>>) target(%arg17 : memref<5000xf32, #tpu.memory_space<vmem>>) offsets(%arg9 : memref<5000xi32, #tpu.memory_space<vmem>>) semaphore(%arg24 : memref<!tpu.dma_semaphore, #tpu.memory_space<semaphore_mem>>)
    %dma_wait3A_229 = arith.constant 0 : i32
    %dma_wait3A_230 = tpu.memref_slice %arg19[%dma_wait3A_229] : memref<100096xf32, #tpu.memory_space<vmem_shared>> -> memref<100096xf32, #tpu.memory_space<vmem_shared>>
    tpu.wait_indirect_dma semaphore(%arg23 : memref<!tpu.dma_semaphore, #tpu.memory_space<semaphore_mem>>) src(%dma_wait3A_230 : memref<100096xf32, #tpu.memory_space<vmem_shared>>) dst(%arg16 : memref<5000xf32, #tpu.memory_space<vmem>>)
    %dma_wait3A_231 = arith.constant 0 : i32
    %dma_wait3A_232 = tpu.memref_slice %arg20[%dma_wait3A_231] : memref<100096xf32, #tpu.memory_space<vmem_shared>> -> memref<100096xf32, #tpu.memory_space<vmem_shared>>
    tpu.wait_indirect_dma semaphore(%arg25 : memref<!tpu.dma_semaphore, #tpu.memory_space<semaphore_mem>>) src(%arg15 : memref<5000xf32, #tpu.memory_space<vmem>>) dst(%dma_wait3A_232 : memref<100096xf32, #tpu.memory_space<vmem_shared>>)
    %dma_start3A_233 = arith.constant 0 : i32
    %dma_start3A_234 = tpu.memref_slice %arg20[%dma_start3A_233] : memref<100096xf32, #tpu.memory_space<vmem_shared>> -> memref<100096xf32, #tpu.memory_space<vmem_shared>>
    tpu.enqueue_indirect_dma source(%arg16 : memref<5000xf32, #tpu.memory_space<vmem>>) target(%dma_start3A_234 : memref<100096xf32, #tpu.memory_space<vmem_shared>>) offsets(%arg12 : memref<5000xi32, #tpu.memory_space<vmem>>) semaphore(%arg25 : memref<!tpu.dma_semaphore, #tpu.memory_space<semaphore_mem>>) {add = true}
    %dma_wait3A_235 = arith.constant 0 : i32
    %dma_wait3A_236 = tpu.memref_slice %arg19[%dma_wait3A_235] : memref<100096xf32, #tpu.memory_space<vmem_shared>> -> memref<100096xf32, #tpu.memory_space<vmem_shared>>
    tpu.wait_indirect_dma semaphore(%arg24 : memref<!tpu.dma_semaphore, #tpu.memory_space<semaphore_mem>>) src(%dma_wait3A_236 : memref<100096xf32, #tpu.memory_space<vmem_shared>>) dst(%arg17 : memref<5000xf32, #tpu.memory_space<vmem>>)
    %dma_wait3A_237 = arith.constant 0 : i32
    %dma_wait3A_238 = tpu.memref_slice %arg20[%dma_wait3A_237] : memref<100096xf32, #tpu.memory_space<vmem_shared>> -> memref<100096xf32, #tpu.memory_space<vmem_shared>>
    tpu.wait_indirect_dma semaphore(%arg25 : memref<!tpu.dma_semaphore, #tpu.memory_space<semaphore_mem>>) src(%arg16 : memref<5000xf32, #tpu.memory_space<vmem>>) dst(%dma_wait3A_238 : memref<100096xf32, #tpu.memory_space<vmem_shared>>)
    %dma_start3A_239 = arith.constant 0 : i32
    %dma_start3A_240 = tpu.memref_slice %arg20[%dma_start3A_239] : memref<100096xf32, #tpu.memory_space<vmem_shared>> -> memref<100096xf32, #tpu.memory_space<vmem_shared>>
    tpu.enqueue_indirect_dma source(%arg17 : memref<5000xf32, #tpu.memory_space<vmem>>) target(%dma_start3A_240 : memref<100096xf32, #tpu.memory_space<vmem_shared>>) offsets(%arg13 : memref<5000xi32, #tpu.memory_space<vmem>>) semaphore(%arg25 : memref<!tpu.dma_semaphore, #tpu.memory_space<semaphore_mem>>) {add = true}
    %dma_wait3A_241 = arith.constant 0 : i32
    %dma_wait3A_242 = tpu.memref_slice %arg20[%dma_wait3A_241] : memref<100096xf32, #tpu.memory_space<vmem_shared>> -> memref<100096xf32, #tpu.memory_space<vmem_shared>>
    tpu.wait_indirect_dma semaphore(%arg25 : memref<!tpu.dma_semaphore, #tpu.memory_space<semaphore_mem>>) src(%arg17 : memref<5000xf32, #tpu.memory_space<vmem>>) dst(%dma_wait3A_242 : memref<100096xf32, #tpu.memory_space<vmem_shared>>)
    %barrier3A_243 = arith.constant 0 : index
    tpu.barrier barrier_id(%barrier3A_243)
    "tpu.region"() ({
      %run_scoped3A = tpu.sem_alloc : memref<!tpu.dma_semaphore, #tpu.memory_space<semaphore_mem>>
      %dma_start3A_249 = tpu.memref_slice %arg20[%mul3A_2] : memref<100096xf32, #tpu.memory_space<vmem_shared>> -> memref<6256xf32, #tpu.memory_space<vmem_shared>>
      %dma_start3A_250 = tpu.memref_slice %arg20[%mul3A_2] : memref<100096xf32, #tpu.memory_space<vmem_shared>> -> memref<6256xf32, #tpu.memory_space<vmem_shared>>
      tpu.enqueue_dma source(%dma_start3A_250 : memref<6256xf32, #tpu.memory_space<vmem_shared>>) target(%arg18 : memref<6256xf32, #tpu.memory_space<vmem>>) target_semaphore(%run_scoped3A : memref<!tpu.dma_semaphore, #tpu.memory_space<semaphore_mem>>)
      %dma_wait3A_251 = tpu.memref_slice %arg20[%mul3A_2] : memref<100096xf32, #tpu.memory_space<vmem_shared>> -> memref<6256xf32, #tpu.memory_space<vmem_shared>>
      %dma_wait3A_252 = tpu.memref_slice %arg20[%mul3A_2] : memref<100096xf32, #tpu.memory_space<vmem_shared>> -> memref<6256xf32, #tpu.memory_space<vmem_shared>>
      tpu.wait_dma2 semaphore(%run_scoped3A : memref<!tpu.dma_semaphore, #tpu.memory_space<semaphore_mem>>) src(%dma_wait3A_252 : memref<6256xf32, #tpu.memory_space<vmem_shared>>) dst(%arg18 : memref<6256xf32, #tpu.memory_space<vmem>>)
      tpu.yield
    }) : () -> ()
    %mul3A_244 = arith.constant 100096 : i32
    %mul3A_245 = arith.muli %arg0, %mul3A_244 : i32
    %mul3A_246 = arith.constant 6256 : i32
    %mul3A_247 = arith.muli %arg1, %mul3A_246 : i32
    %add3A_248 = arith.addi %mul3A_245, %mul3A_247 : i32
    "tpu.region"() ({
      %run_scoped3A = tpu.sem_alloc : memref<!tpu.dma_semaphore, #tpu.memory_space<semaphore_mem>>
      %dma_start3A_249 = tpu.memref_slice %arg5[%add3A_248] : memref<200192xf32, #tpu.memory_space<hbm>> -> memref<6256xf32, #tpu.memory_space<hbm>>
      %dma_start3A_250 = tpu.memref_slice %arg5[%add3A_248] : memref<200192xf32, #tpu.memory_space<hbm>> -> memref<6256xf32, #tpu.memory_space<hbm>>
      tpu.enqueue_dma source(%arg18 : memref<6256xf32, #tpu.memory_space<vmem>>) target(%dma_start3A_250 : memref<6256xf32, #tpu.memory_space<hbm>>) target_semaphore(%run_scoped3A : memref<!tpu.dma_semaphore, #tpu.memory_space<semaphore_mem>>)
      %dma_wait3A_251 = tpu.memref_slice %arg5[%add3A_248] : memref<200192xf32, #tpu.memory_space<hbm>> -> memref<6256xf32, #tpu.memory_space<hbm>>
      %dma_wait3A_252 = tpu.memref_slice %arg5[%add3A_248] : memref<200192xf32, #tpu.memory_space<hbm>> -> memref<6256xf32, #tpu.memory_space<hbm>>
      tpu.wait_dma2 semaphore(%run_scoped3A : memref<!tpu.dma_semaphore, #tpu.memory_space<semaphore_mem>>) src(%arg18 : memref<6256xf32, #tpu.memory_space<vmem>>) dst(%dma_wait3A_252 : memref<6256xf32, #tpu.memory_space<hbm>>)
      tpu.yield
    }) : () -> ()
    return
  }
}

#map = affine_map<(d0, d1) -> (0)>
module attributes {stable_mosaic.version = 14 : i64} {
  func.func @count_kernel(%arg0: i32, %arg1: i32, %arg2: memref<6400000xi32, #tpu.memory_space<hbm>>, %arg3: memref<6256xf32, #tpu.memory_space<hbm>>, %arg4: memref<10000xf32, #tpu.memory_space<hbm>>, %arg5: memref<200192xf32, #tpu.memory_space<hbm>>, %arg6: memref<10000xi32, #tpu.memory_space<vmem>>, %arg7: memref<10000xi32, #tpu.memory_space<vmem>>, %arg8: memref<10000xi32, #tpu.memory_space<vmem>>, %arg9: memref<10000xi32, #tpu.memory_space<vmem>>, %arg10: memref<10000xf32, #tpu.memory_space<vmem>>, %arg11: memref<6256xf32, #tpu.memory_space<vmem>>, %arg12: memref<100096xf32, #tpu.memory_space<vmem_shared>>, %arg13: memref<!tpu.dma_semaphore, #tpu.memory_space<semaphore_mem>>, %arg14: memref<!tpu.dma_semaphore, #tpu.memory_space<semaphore_mem>>, %arg15: memref<!tpu.dma_semaphore, #tpu.memory_space<semaphore_mem>>, %arg16: memref<!tpu.dma_semaphore, #tpu.memory_space<semaphore_mem>>) attributes {dimension_semantics = [#tpu.dimension_semantics<core_parallel>, #tpu.dimension_semantics<subcore_parallel>], iteration_bounds = array<i64: 2, 16>, scalar_prefetch = 0 : i64, scratch_operands = 11 : i64, tpu.core_type = #tpu.core_type<sc_vector_subcore>, window_params = [{transform_indices = #map}, {transform_indices = #map}, {transform_indices = #map}, {transform_indices = #map}]} {
    %mul3A = arith.constant 2 : i32
    %mul3A_0 = arith.muli %arg1, %mul3A : i32
    %add3A = arith.addi %mul3A_0, %arg0 : i32
    "tpu.region"() ({
      %run_scoped3A = tpu.sem_alloc : memref<!tpu.dma_semaphore, #tpu.memory_space<semaphore_mem>>
      tpu.enqueue_dma source(%arg3 : memref<6256xf32, #tpu.memory_space<hbm>>) target(%arg11 : memref<6256xf32, #tpu.memory_space<vmem>>) target_semaphore(%run_scoped3A : memref<!tpu.dma_semaphore, #tpu.memory_space<semaphore_mem>>)
      tpu.wait_dma2 semaphore(%run_scoped3A : memref<!tpu.dma_semaphore, #tpu.memory_space<semaphore_mem>>) src(%arg3 : memref<6256xf32, #tpu.memory_space<hbm>>) dst(%arg11 : memref<6256xf32, #tpu.memory_space<vmem>>)
      tpu.yield
    }) : () -> ()
    %mul3A_1 = arith.constant 6256 : i32
    %mul3A_2 = arith.muli %arg1, %mul3A_1 : i32
    "tpu.region"() ({
      %run_scoped3A = tpu.sem_alloc : memref<!tpu.dma_semaphore, #tpu.memory_space<semaphore_mem>>
      %dma_start3A_73 = tpu.memref_slice %arg12[%mul3A_2] : memref<100096xf32, #tpu.memory_space<vmem_shared>> -> memref<6256xf32, #tpu.memory_space<vmem_shared>>
      %dma_start3A_74 = tpu.memref_slice %arg12[%mul3A_2] : memref<100096xf32, #tpu.memory_space<vmem_shared>> -> memref<6256xf32, #tpu.memory_space<vmem_shared>>
      tpu.enqueue_dma source(%arg11 : memref<6256xf32, #tpu.memory_space<vmem>>) target(%dma_start3A_74 : memref<6256xf32, #tpu.memory_space<vmem_shared>>) target_semaphore(%run_scoped3A : memref<!tpu.dma_semaphore, #tpu.memory_space<semaphore_mem>>)
      %dma_wait3A_75 = tpu.memref_slice %arg12[%mul3A_2] : memref<100096xf32, #tpu.memory_space<vmem_shared>> -> memref<6256xf32, #tpu.memory_space<vmem_shared>>
      %dma_wait3A_76 = tpu.memref_slice %arg12[%mul3A_2] : memref<100096xf32, #tpu.memory_space<vmem_shared>> -> memref<6256xf32, #tpu.memory_space<vmem_shared>>
      tpu.wait_dma2 semaphore(%run_scoped3A : memref<!tpu.dma_semaphore, #tpu.memory_space<semaphore_mem>>) src(%arg11 : memref<6256xf32, #tpu.memory_space<vmem>>) dst(%dma_wait3A_76 : memref<6256xf32, #tpu.memory_space<vmem_shared>>)
      tpu.yield
    }) : () -> ()
    "tpu.region"() ({
      %run_scoped3A = tpu.sem_alloc : memref<!tpu.dma_semaphore, #tpu.memory_space<semaphore_mem>>
      tpu.enqueue_dma source(%arg4 : memref<10000xf32, #tpu.memory_space<hbm>>) target(%arg10 : memref<10000xf32, #tpu.memory_space<vmem>>) target_semaphore(%run_scoped3A : memref<!tpu.dma_semaphore, #tpu.memory_space<semaphore_mem>>)
      tpu.wait_dma2 semaphore(%run_scoped3A : memref<!tpu.dma_semaphore, #tpu.memory_space<semaphore_mem>>) src(%arg4 : memref<10000xf32, #tpu.memory_space<hbm>>) dst(%arg10 : memref<10000xf32, #tpu.memory_space<vmem>>)
      tpu.yield
    }) : () -> ()
    %barrier3A = arith.constant 0 : index
    tpu.barrier barrier_id(%barrier3A)
    %mul3A_3 = arith.constant 100000 : i32
    %mul3A_4 = arith.muli %add3A, %mul3A_3 : i32
    %add3A_5 = arith.constant 3200000 : i32
    %add3A_6 = arith.addi %add3A_5, %mul3A_4 : i32
    %add3A_7 = arith.constant 0 : i32
    %add3A_8 = arith.addi %add3A_6, %add3A_7 : i32
    "tpu.region"() ({
      %run_scoped3A = tpu.sem_alloc : memref<!tpu.dma_semaphore, #tpu.memory_space<semaphore_mem>>
      %dma_start3A_73 = tpu.memref_slice %arg2[%add3A_8] : memref<6400000xi32, #tpu.memory_space<hbm>> -> memref<10000xi32, #tpu.memory_space<hbm>>
      %dma_start3A_74 = tpu.memref_slice %arg2[%add3A_8] : memref<6400000xi32, #tpu.memory_space<hbm>> -> memref<10000xi32, #tpu.memory_space<hbm>>
      tpu.enqueue_dma source(%dma_start3A_74 : memref<10000xi32, #tpu.memory_space<hbm>>) target(%arg6 : memref<10000xi32, #tpu.memory_space<vmem>>) target_semaphore(%run_scoped3A : memref<!tpu.dma_semaphore, #tpu.memory_space<semaphore_mem>>)
      %dma_wait3A_75 = tpu.memref_slice %arg2[%add3A_8] : memref<6400000xi32, #tpu.memory_space<hbm>> -> memref<10000xi32, #tpu.memory_space<hbm>>
      %dma_wait3A_76 = tpu.memref_slice %arg2[%add3A_8] : memref<6400000xi32, #tpu.memory_space<hbm>> -> memref<10000xi32, #tpu.memory_space<hbm>>
      tpu.wait_dma2 semaphore(%run_scoped3A : memref<!tpu.dma_semaphore, #tpu.memory_space<semaphore_mem>>) src(%dma_wait3A_76 : memref<10000xi32, #tpu.memory_space<hbm>>) dst(%arg6 : memref<10000xi32, #tpu.memory_space<vmem>>)
      tpu.yield
    }) : () -> ()
    %dma_start3A = arith.constant 0 : i32
    %dma_start3A_9 = tpu.memref_slice %arg12[%dma_start3A] : memref<100096xf32, #tpu.memory_space<vmem_shared>> -> memref<100096xf32, #tpu.memory_space<vmem_shared>>
    tpu.enqueue_indirect_dma source(%arg10 : memref<10000xf32, #tpu.memory_space<vmem>>) target(%dma_start3A_9 : memref<100096xf32, #tpu.memory_space<vmem_shared>>) offsets(%arg6 : memref<10000xi32, #tpu.memory_space<vmem>>) semaphore(%arg13 : memref<!tpu.dma_semaphore, #tpu.memory_space<semaphore_mem>>) {add = true}
    %add3A_10 = arith.constant 10000 : i32
    %add3A_11 = arith.addi %add3A_6, %add3A_10 : i32
    "tpu.region"() ({
      %run_scoped3A = tpu.sem_alloc : memref<!tpu.dma_semaphore, #tpu.memory_space<semaphore_mem>>
      %dma_start3A_73 = tpu.memref_slice %arg2[%add3A_11] : memref<6400000xi32, #tpu.memory_space<hbm>> -> memref<10000xi32, #tpu.memory_space<hbm>>
      %dma_start3A_74 = tpu.memref_slice %arg2[%add3A_11] : memref<6400000xi32, #tpu.memory_space<hbm>> -> memref<10000xi32, #tpu.memory_space<hbm>>
      tpu.enqueue_dma source(%dma_start3A_74 : memref<10000xi32, #tpu.memory_space<hbm>>) target(%arg7 : memref<10000xi32, #tpu.memory_space<vmem>>) target_semaphore(%run_scoped3A : memref<!tpu.dma_semaphore, #tpu.memory_space<semaphore_mem>>)
      %dma_wait3A_75 = tpu.memref_slice %arg2[%add3A_11] : memref<6400000xi32, #tpu.memory_space<hbm>> -> memref<10000xi32, #tpu.memory_space<hbm>>
      %dma_wait3A_76 = tpu.memref_slice %arg2[%add3A_11] : memref<6400000xi32, #tpu.memory_space<hbm>> -> memref<10000xi32, #tpu.memory_space<hbm>>
      tpu.wait_dma2 semaphore(%run_scoped3A : memref<!tpu.dma_semaphore, #tpu.memory_space<semaphore_mem>>) src(%dma_wait3A_76 : memref<10000xi32, #tpu.memory_space<hbm>>) dst(%arg7 : memref<10000xi32, #tpu.memory_space<vmem>>)
      tpu.yield
    }) : () -> ()
    %dma_wait3A = arith.constant 0 : i32
    %dma_wait3A_12 = tpu.memref_slice %arg12[%dma_wait3A] : memref<100096xf32, #tpu.memory_space<vmem_shared>> -> memref<100096xf32, #tpu.memory_space<vmem_shared>>
    tpu.wait_indirect_dma semaphore(%arg13 : memref<!tpu.dma_semaphore, #tpu.memory_space<semaphore_mem>>) src(%arg10 : memref<10000xf32, #tpu.memory_space<vmem>>) dst(%dma_wait3A_12 : memref<100096xf32, #tpu.memory_space<vmem_shared>>)
    %dma_start3A_13 = arith.constant 0 : i32
    %dma_start3A_14 = tpu.memref_slice %arg12[%dma_start3A_13] : memref<100096xf32, #tpu.memory_space<vmem_shared>> -> memref<100096xf32, #tpu.memory_space<vmem_shared>>
    tpu.enqueue_indirect_dma source(%arg10 : memref<10000xf32, #tpu.memory_space<vmem>>) target(%dma_start3A_14 : memref<100096xf32, #tpu.memory_space<vmem_shared>>) offsets(%arg7 : memref<10000xi32, #tpu.memory_space<vmem>>) semaphore(%arg13 : memref<!tpu.dma_semaphore, #tpu.memory_space<semaphore_mem>>) {add = true}
    %add3A_15 = arith.constant 20000 : i32
    %add3A_16 = arith.addi %add3A_6, %add3A_15 : i32
    "tpu.region"() ({
      %run_scoped3A = tpu.sem_alloc : memref<!tpu.dma_semaphore, #tpu.memory_space<semaphore_mem>>
      %dma_start3A_73 = tpu.memref_slice %arg2[%add3A_16] : memref<6400000xi32, #tpu.memory_space<hbm>> -> memref<10000xi32, #tpu.memory_space<hbm>>
      %dma_start3A_74 = tpu.memref_slice %arg2[%add3A_16] : memref<6400000xi32, #tpu.memory_space<hbm>> -> memref<10000xi32, #tpu.memory_space<hbm>>
      tpu.enqueue_dma source(%dma_start3A_74 : memref<10000xi32, #tpu.memory_space<hbm>>) target(%arg8 : memref<10000xi32, #tpu.memory_space<vmem>>) target_semaphore(%run_scoped3A : memref<!tpu.dma_semaphore, #tpu.memory_space<semaphore_mem>>)
      %dma_wait3A_75 = tpu.memref_slice %arg2[%add3A_16] : memref<6400000xi32, #tpu.memory_space<hbm>> -> memref<10000xi32, #tpu.memory_space<hbm>>
      %dma_wait3A_76 = tpu.memref_slice %arg2[%add3A_16] : memref<6400000xi32, #tpu.memory_space<hbm>> -> memref<10000xi32, #tpu.memory_space<hbm>>
      tpu.wait_dma2 semaphore(%run_scoped3A : memref<!tpu.dma_semaphore, #tpu.memory_space<semaphore_mem>>) src(%dma_wait3A_76 : memref<10000xi32, #tpu.memory_space<hbm>>) dst(%arg8 : memref<10000xi32, #tpu.memory_space<vmem>>)
      tpu.yield
    }) : () -> ()
    %dma_wait3A_17 = arith.constant 0 : i32
    %dma_wait3A_18 = tpu.memref_slice %arg12[%dma_wait3A_17] : memref<100096xf32, #tpu.memory_space<vmem_shared>> -> memref<100096xf32, #tpu.memory_space<vmem_shared>>
    tpu.wait_indirect_dma semaphore(%arg13 : memref<!tpu.dma_semaphore, #tpu.memory_space<semaphore_mem>>) src(%arg10 : memref<10000xf32, #tpu.memory_space<vmem>>) dst(%dma_wait3A_18 : memref<100096xf32, #tpu.memory_space<vmem_shared>>)
    %dma_start3A_19 = arith.constant 0 : i32
    %dma_start3A_20 = tpu.memref_slice %arg12[%dma_start3A_19] : memref<100096xf32, #tpu.memory_space<vmem_shared>> -> memref<100096xf32, #tpu.memory_space<vmem_shared>>
    tpu.enqueue_indirect_dma source(%arg10 : memref<10000xf32, #tpu.memory_space<vmem>>) target(%dma_start3A_20 : memref<100096xf32, #tpu.memory_space<vmem_shared>>) offsets(%arg8 : memref<10000xi32, #tpu.memory_space<vmem>>) semaphore(%arg13 : memref<!tpu.dma_semaphore, #tpu.memory_space<semaphore_mem>>) {add = true}
    %add3A_21 = arith.constant 30000 : i32
    %add3A_22 = arith.addi %add3A_6, %add3A_21 : i32
    "tpu.region"() ({
      %run_scoped3A = tpu.sem_alloc : memref<!tpu.dma_semaphore, #tpu.memory_space<semaphore_mem>>
      %dma_start3A_73 = tpu.memref_slice %arg2[%add3A_22] : memref<6400000xi32, #tpu.memory_space<hbm>> -> memref<10000xi32, #tpu.memory_space<hbm>>
      %dma_start3A_74 = tpu.memref_slice %arg2[%add3A_22] : memref<6400000xi32, #tpu.memory_space<hbm>> -> memref<10000xi32, #tpu.memory_space<hbm>>
      tpu.enqueue_dma source(%dma_start3A_74 : memref<10000xi32, #tpu.memory_space<hbm>>) target(%arg9 : memref<10000xi32, #tpu.memory_space<vmem>>) target_semaphore(%run_scoped3A : memref<!tpu.dma_semaphore, #tpu.memory_space<semaphore_mem>>)
      %dma_wait3A_75 = tpu.memref_slice %arg2[%add3A_22] : memref<6400000xi32, #tpu.memory_space<hbm>> -> memref<10000xi32, #tpu.memory_space<hbm>>
      %dma_wait3A_76 = tpu.memref_slice %arg2[%add3A_22] : memref<6400000xi32, #tpu.memory_space<hbm>> -> memref<10000xi32, #tpu.memory_space<hbm>>
      tpu.wait_dma2 semaphore(%run_scoped3A : memref<!tpu.dma_semaphore, #tpu.memory_space<semaphore_mem>>) src(%dma_wait3A_76 : memref<10000xi32, #tpu.memory_space<hbm>>) dst(%arg9 : memref<10000xi32, #tpu.memory_space<vmem>>)
      tpu.yield
    }) : () -> ()
    %dma_wait3A_23 = arith.constant 0 : i32
    %dma_wait3A_24 = tpu.memref_slice %arg12[%dma_wait3A_23] : memref<100096xf32, #tpu.memory_space<vmem_shared>> -> memref<100096xf32, #tpu.memory_space<vmem_shared>>
    tpu.wait_indirect_dma semaphore(%arg13 : memref<!tpu.dma_semaphore, #tpu.memory_space<semaphore_mem>>) src(%arg10 : memref<10000xf32, #tpu.memory_space<vmem>>) dst(%dma_wait3A_24 : memref<100096xf32, #tpu.memory_space<vmem_shared>>)
    %dma_start3A_25 = arith.constant 0 : i32
    %dma_start3A_26 = tpu.memref_slice %arg12[%dma_start3A_25] : memref<100096xf32, #tpu.memory_space<vmem_shared>> -> memref<100096xf32, #tpu.memory_space<vmem_shared>>
    tpu.enqueue_indirect_dma source(%arg10 : memref<10000xf32, #tpu.memory_space<vmem>>) target(%dma_start3A_26 : memref<100096xf32, #tpu.memory_space<vmem_shared>>) offsets(%arg9 : memref<10000xi32, #tpu.memory_space<vmem>>) semaphore(%arg13 : memref<!tpu.dma_semaphore, #tpu.memory_space<semaphore_mem>>) {add = true}
    %add3A_27 = arith.constant 40000 : i32
    %add3A_28 = arith.addi %add3A_6, %add3A_27 : i32
    "tpu.region"() ({
      %run_scoped3A = tpu.sem_alloc : memref<!tpu.dma_semaphore, #tpu.memory_space<semaphore_mem>>
      %dma_start3A_73 = tpu.memref_slice %arg2[%add3A_28] : memref<6400000xi32, #tpu.memory_space<hbm>> -> memref<10000xi32, #tpu.memory_space<hbm>>
      %dma_start3A_74 = tpu.memref_slice %arg2[%add3A_28] : memref<6400000xi32, #tpu.memory_space<hbm>> -> memref<10000xi32, #tpu.memory_space<hbm>>
      tpu.enqueue_dma source(%dma_start3A_74 : memref<10000xi32, #tpu.memory_space<hbm>>) target(%arg6 : memref<10000xi32, #tpu.memory_space<vmem>>) target_semaphore(%run_scoped3A : memref<!tpu.dma_semaphore, #tpu.memory_space<semaphore_mem>>)
      %dma_wait3A_75 = tpu.memref_slice %arg2[%add3A_28] : memref<6400000xi32, #tpu.memory_space<hbm>> -> memref<10000xi32, #tpu.memory_space<hbm>>
      %dma_wait3A_76 = tpu.memref_slice %arg2[%add3A_28] : memref<6400000xi32, #tpu.memory_space<hbm>> -> memref<10000xi32, #tpu.memory_space<hbm>>
      tpu.wait_dma2 semaphore(%run_scoped3A : memref<!tpu.dma_semaphore, #tpu.memory_space<semaphore_mem>>) src(%dma_wait3A_76 : memref<10000xi32, #tpu.memory_space<hbm>>) dst(%arg6 : memref<10000xi32, #tpu.memory_space<vmem>>)
      tpu.yield
    }) : () -> ()
    %dma_wait3A_29 = arith.constant 0 : i32
    %dma_wait3A_30 = tpu.memref_slice %arg12[%dma_wait3A_29] : memref<100096xf32, #tpu.memory_space<vmem_shared>> -> memref<100096xf32, #tpu.memory_space<vmem_shared>>
    tpu.wait_indirect_dma semaphore(%arg13 : memref<!tpu.dma_semaphore, #tpu.memory_space<semaphore_mem>>) src(%arg10 : memref<10000xf32, #tpu.memory_space<vmem>>) dst(%dma_wait3A_30 : memref<100096xf32, #tpu.memory_space<vmem_shared>>)
    %dma_start3A_31 = arith.constant 0 : i32
    %dma_start3A_32 = tpu.memref_slice %arg12[%dma_start3A_31] : memref<100096xf32, #tpu.memory_space<vmem_shared>> -> memref<100096xf32, #tpu.memory_space<vmem_shared>>
    tpu.enqueue_indirect_dma source(%arg10 : memref<10000xf32, #tpu.memory_space<vmem>>) target(%dma_start3A_32 : memref<100096xf32, #tpu.memory_space<vmem_shared>>) offsets(%arg6 : memref<10000xi32, #tpu.memory_space<vmem>>) semaphore(%arg13 : memref<!tpu.dma_semaphore, #tpu.memory_space<semaphore_mem>>) {add = true}
    %add3A_33 = arith.constant 50000 : i32
    %add3A_34 = arith.addi %add3A_6, %add3A_33 : i32
    "tpu.region"() ({
      %run_scoped3A = tpu.sem_alloc : memref<!tpu.dma_semaphore, #tpu.memory_space<semaphore_mem>>
      %dma_start3A_73 = tpu.memref_slice %arg2[%add3A_34] : memref<6400000xi32, #tpu.memory_space<hbm>> -> memref<10000xi32, #tpu.memory_space<hbm>>
      %dma_start3A_74 = tpu.memref_slice %arg2[%add3A_34] : memref<6400000xi32, #tpu.memory_space<hbm>> -> memref<10000xi32, #tpu.memory_space<hbm>>
      tpu.enqueue_dma source(%dma_start3A_74 : memref<10000xi32, #tpu.memory_space<hbm>>) target(%arg7 : memref<10000xi32, #tpu.memory_space<vmem>>) target_semaphore(%run_scoped3A : memref<!tpu.dma_semaphore, #tpu.memory_space<semaphore_mem>>)
      %dma_wait3A_75 = tpu.memref_slice %arg2[%add3A_34] : memref<6400000xi32, #tpu.memory_space<hbm>> -> memref<10000xi32, #tpu.memory_space<hbm>>
      %dma_wait3A_76 = tpu.memref_slice %arg2[%add3A_34] : memref<6400000xi32, #tpu.memory_space<hbm>> -> memref<10000xi32, #tpu.memory_space<hbm>>
      tpu.wait_dma2 semaphore(%run_scoped3A : memref<!tpu.dma_semaphore, #tpu.memory_space<semaphore_mem>>) src(%dma_wait3A_76 : memref<10000xi32, #tpu.memory_space<hbm>>) dst(%arg7 : memref<10000xi32, #tpu.memory_space<vmem>>)
      tpu.yield
    }) : () -> ()
    %dma_wait3A_35 = arith.constant 0 : i32
    %dma_wait3A_36 = tpu.memref_slice %arg12[%dma_wait3A_35] : memref<100096xf32, #tpu.memory_space<vmem_shared>> -> memref<100096xf32, #tpu.memory_space<vmem_shared>>
    tpu.wait_indirect_dma semaphore(%arg13 : memref<!tpu.dma_semaphore, #tpu.memory_space<semaphore_mem>>) src(%arg10 : memref<10000xf32, #tpu.memory_space<vmem>>) dst(%dma_wait3A_36 : memref<100096xf32, #tpu.memory_space<vmem_shared>>)
    %dma_start3A_37 = arith.constant 0 : i32
    %dma_start3A_38 = tpu.memref_slice %arg12[%dma_start3A_37] : memref<100096xf32, #tpu.memory_space<vmem_shared>> -> memref<100096xf32, #tpu.memory_space<vmem_shared>>
    tpu.enqueue_indirect_dma source(%arg10 : memref<10000xf32, #tpu.memory_space<vmem>>) target(%dma_start3A_38 : memref<100096xf32, #tpu.memory_space<vmem_shared>>) offsets(%arg7 : memref<10000xi32, #tpu.memory_space<vmem>>) semaphore(%arg13 : memref<!tpu.dma_semaphore, #tpu.memory_space<semaphore_mem>>) {add = true}
    %add3A_39 = arith.constant 60000 : i32
    %add3A_40 = arith.addi %add3A_6, %add3A_39 : i32
    "tpu.region"() ({
      %run_scoped3A = tpu.sem_alloc : memref<!tpu.dma_semaphore, #tpu.memory_space<semaphore_mem>>
      %dma_start3A_73 = tpu.memref_slice %arg2[%add3A_40] : memref<6400000xi32, #tpu.memory_space<hbm>> -> memref<10000xi32, #tpu.memory_space<hbm>>
      %dma_start3A_74 = tpu.memref_slice %arg2[%add3A_40] : memref<6400000xi32, #tpu.memory_space<hbm>> -> memref<10000xi32, #tpu.memory_space<hbm>>
      tpu.enqueue_dma source(%dma_start3A_74 : memref<10000xi32, #tpu.memory_space<hbm>>) target(%arg8 : memref<10000xi32, #tpu.memory_space<vmem>>) target_semaphore(%run_scoped3A : memref<!tpu.dma_semaphore, #tpu.memory_space<semaphore_mem>>)
      %dma_wait3A_75 = tpu.memref_slice %arg2[%add3A_40] : memref<6400000xi32, #tpu.memory_space<hbm>> -> memref<10000xi32, #tpu.memory_space<hbm>>
      %dma_wait3A_76 = tpu.memref_slice %arg2[%add3A_40] : memref<6400000xi32, #tpu.memory_space<hbm>> -> memref<10000xi32, #tpu.memory_space<hbm>>
      tpu.wait_dma2 semaphore(%run_scoped3A : memref<!tpu.dma_semaphore, #tpu.memory_space<semaphore_mem>>) src(%dma_wait3A_76 : memref<10000xi32, #tpu.memory_space<hbm>>) dst(%arg8 : memref<10000xi32, #tpu.memory_space<vmem>>)
      tpu.yield
    }) : () -> ()
    %dma_wait3A_41 = arith.constant 0 : i32
    %dma_wait3A_42 = tpu.memref_slice %arg12[%dma_wait3A_41] : memref<100096xf32, #tpu.memory_space<vmem_shared>> -> memref<100096xf32, #tpu.memory_space<vmem_shared>>
    tpu.wait_indirect_dma semaphore(%arg13 : memref<!tpu.dma_semaphore, #tpu.memory_space<semaphore_mem>>) src(%arg10 : memref<10000xf32, #tpu.memory_space<vmem>>) dst(%dma_wait3A_42 : memref<100096xf32, #tpu.memory_space<vmem_shared>>)
    %dma_start3A_43 = arith.constant 0 : i32
    %dma_start3A_44 = tpu.memref_slice %arg12[%dma_start3A_43] : memref<100096xf32, #tpu.memory_space<vmem_shared>> -> memref<100096xf32, #tpu.memory_space<vmem_shared>>
    tpu.enqueue_indirect_dma source(%arg10 : memref<10000xf32, #tpu.memory_space<vmem>>) target(%dma_start3A_44 : memref<100096xf32, #tpu.memory_space<vmem_shared>>) offsets(%arg8 : memref<10000xi32, #tpu.memory_space<vmem>>) semaphore(%arg13 : memref<!tpu.dma_semaphore, #tpu.memory_space<semaphore_mem>>) {add = true}
    %add3A_45 = arith.constant 70000 : i32
    %add3A_46 = arith.addi %add3A_6, %add3A_45 : i32
    "tpu.region"() ({
      %run_scoped3A = tpu.sem_alloc : memref<!tpu.dma_semaphore, #tpu.memory_space<semaphore_mem>>
      %dma_start3A_73 = tpu.memref_slice %arg2[%add3A_46] : memref<6400000xi32, #tpu.memory_space<hbm>> -> memref<10000xi32, #tpu.memory_space<hbm>>
      %dma_start3A_74 = tpu.memref_slice %arg2[%add3A_46] : memref<6400000xi32, #tpu.memory_space<hbm>> -> memref<10000xi32, #tpu.memory_space<hbm>>
      tpu.enqueue_dma source(%dma_start3A_74 : memref<10000xi32, #tpu.memory_space<hbm>>) target(%arg9 : memref<10000xi32, #tpu.memory_space<vmem>>) target_semaphore(%run_scoped3A : memref<!tpu.dma_semaphore, #tpu.memory_space<semaphore_mem>>)
      %dma_wait3A_75 = tpu.memref_slice %arg2[%add3A_46] : memref<6400000xi32, #tpu.memory_space<hbm>> -> memref<10000xi32, #tpu.memory_space<hbm>>
      %dma_wait3A_76 = tpu.memref_slice %arg2[%add3A_46] : memref<6400000xi32, #tpu.memory_space<hbm>> -> memref<10000xi32, #tpu.memory_space<hbm>>
      tpu.wait_dma2 semaphore(%run_scoped3A : memref<!tpu.dma_semaphore, #tpu.memory_space<semaphore_mem>>) src(%dma_wait3A_76 : memref<10000xi32, #tpu.memory_space<hbm>>) dst(%arg9 : memref<10000xi32, #tpu.memory_space<vmem>>)
      tpu.yield
    }) : () -> ()
    %dma_wait3A_47 = arith.constant 0 : i32
    %dma_wait3A_48 = tpu.memref_slice %arg12[%dma_wait3A_47] : memref<100096xf32, #tpu.memory_space<vmem_shared>> -> memref<100096xf32, #tpu.memory_space<vmem_shared>>
    tpu.wait_indirect_dma semaphore(%arg13 : memref<!tpu.dma_semaphore, #tpu.memory_space<semaphore_mem>>) src(%arg10 : memref<10000xf32, #tpu.memory_space<vmem>>) dst(%dma_wait3A_48 : memref<100096xf32, #tpu.memory_space<vmem_shared>>)
    %dma_start3A_49 = arith.constant 0 : i32
    %dma_start3A_50 = tpu.memref_slice %arg12[%dma_start3A_49] : memref<100096xf32, #tpu.memory_space<vmem_shared>> -> memref<100096xf32, #tpu.memory_space<vmem_shared>>
    tpu.enqueue_indirect_dma source(%arg10 : memref<10000xf32, #tpu.memory_space<vmem>>) target(%dma_start3A_50 : memref<100096xf32, #tpu.memory_space<vmem_shared>>) offsets(%arg9 : memref<10000xi32, #tpu.memory_space<vmem>>) semaphore(%arg13 : memref<!tpu.dma_semaphore, #tpu.memory_space<semaphore_mem>>) {add = true}
    %add3A_51 = arith.constant 80000 : i32
    %add3A_52 = arith.addi %add3A_6, %add3A_51 : i32
    "tpu.region"() ({
      %run_scoped3A = tpu.sem_alloc : memref<!tpu.dma_semaphore, #tpu.memory_space<semaphore_mem>>
      %dma_start3A_73 = tpu.memref_slice %arg2[%add3A_52] : memref<6400000xi32, #tpu.memory_space<hbm>> -> memref<10000xi32, #tpu.memory_space<hbm>>
      %dma_start3A_74 = tpu.memref_slice %arg2[%add3A_52] : memref<6400000xi32, #tpu.memory_space<hbm>> -> memref<10000xi32, #tpu.memory_space<hbm>>
      tpu.enqueue_dma source(%dma_start3A_74 : memref<10000xi32, #tpu.memory_space<hbm>>) target(%arg6 : memref<10000xi32, #tpu.memory_space<vmem>>) target_semaphore(%run_scoped3A : memref<!tpu.dma_semaphore, #tpu.memory_space<semaphore_mem>>)
      %dma_wait3A_75 = tpu.memref_slice %arg2[%add3A_52] : memref<6400000xi32, #tpu.memory_space<hbm>> -> memref<10000xi32, #tpu.memory_space<hbm>>
      %dma_wait3A_76 = tpu.memref_slice %arg2[%add3A_52] : memref<6400000xi32, #tpu.memory_space<hbm>> -> memref<10000xi32, #tpu.memory_space<hbm>>
      tpu.wait_dma2 semaphore(%run_scoped3A : memref<!tpu.dma_semaphore, #tpu.memory_space<semaphore_mem>>) src(%dma_wait3A_76 : memref<10000xi32, #tpu.memory_space<hbm>>) dst(%arg6 : memref<10000xi32, #tpu.memory_space<vmem>>)
      tpu.yield
    }) : () -> ()
    %dma_wait3A_53 = arith.constant 0 : i32
    %dma_wait3A_54 = tpu.memref_slice %arg12[%dma_wait3A_53] : memref<100096xf32, #tpu.memory_space<vmem_shared>> -> memref<100096xf32, #tpu.memory_space<vmem_shared>>
    tpu.wait_indirect_dma semaphore(%arg13 : memref<!tpu.dma_semaphore, #tpu.memory_space<semaphore_mem>>) src(%arg10 : memref<10000xf32, #tpu.memory_space<vmem>>) dst(%dma_wait3A_54 : memref<100096xf32, #tpu.memory_space<vmem_shared>>)
    %dma_start3A_55 = arith.constant 0 : i32
    %dma_start3A_56 = tpu.memref_slice %arg12[%dma_start3A_55] : memref<100096xf32, #tpu.memory_space<vmem_shared>> -> memref<100096xf32, #tpu.memory_space<vmem_shared>>
    tpu.enqueue_indirect_dma source(%arg10 : memref<10000xf32, #tpu.memory_space<vmem>>) target(%dma_start3A_56 : memref<100096xf32, #tpu.memory_space<vmem_shared>>) offsets(%arg6 : memref<10000xi32, #tpu.memory_space<vmem>>) semaphore(%arg13 : memref<!tpu.dma_semaphore, #tpu.memory_space<semaphore_mem>>) {add = true}
    %add3A_57 = arith.constant 90000 : i32
    %add3A_58 = arith.addi %add3A_6, %add3A_57 : i32
    "tpu.region"() ({
      %run_scoped3A = tpu.sem_alloc : memref<!tpu.dma_semaphore, #tpu.memory_space<semaphore_mem>>
      %dma_start3A_73 = tpu.memref_slice %arg2[%add3A_58] : memref<6400000xi32, #tpu.memory_space<hbm>> -> memref<10000xi32, #tpu.memory_space<hbm>>
      %dma_start3A_74 = tpu.memref_slice %arg2[%add3A_58] : memref<6400000xi32, #tpu.memory_space<hbm>> -> memref<10000xi32, #tpu.memory_space<hbm>>
      tpu.enqueue_dma source(%dma_start3A_74 : memref<10000xi32, #tpu.memory_space<hbm>>) target(%arg7 : memref<10000xi32, #tpu.memory_space<vmem>>) target_semaphore(%run_scoped3A : memref<!tpu.dma_semaphore, #tpu.memory_space<semaphore_mem>>)
      %dma_wait3A_75 = tpu.memref_slice %arg2[%add3A_58] : memref<6400000xi32, #tpu.memory_space<hbm>> -> memref<10000xi32, #tpu.memory_space<hbm>>
      %dma_wait3A_76 = tpu.memref_slice %arg2[%add3A_58] : memref<6400000xi32, #tpu.memory_space<hbm>> -> memref<10000xi32, #tpu.memory_space<hbm>>
      tpu.wait_dma2 semaphore(%run_scoped3A : memref<!tpu.dma_semaphore, #tpu.memory_space<semaphore_mem>>) src(%dma_wait3A_76 : memref<10000xi32, #tpu.memory_space<hbm>>) dst(%arg7 : memref<10000xi32, #tpu.memory_space<vmem>>)
      tpu.yield
    }) : () -> ()
    %dma_wait3A_59 = arith.constant 0 : i32
    %dma_wait3A_60 = tpu.memref_slice %arg12[%dma_wait3A_59] : memref<100096xf32, #tpu.memory_space<vmem_shared>> -> memref<100096xf32, #tpu.memory_space<vmem_shared>>
    tpu.wait_indirect_dma semaphore(%arg13 : memref<!tpu.dma_semaphore, #tpu.memory_space<semaphore_mem>>) src(%arg10 : memref<10000xf32, #tpu.memory_space<vmem>>) dst(%dma_wait3A_60 : memref<100096xf32, #tpu.memory_space<vmem_shared>>)
    %dma_start3A_61 = arith.constant 0 : i32
    %dma_start3A_62 = tpu.memref_slice %arg12[%dma_start3A_61] : memref<100096xf32, #tpu.memory_space<vmem_shared>> -> memref<100096xf32, #tpu.memory_space<vmem_shared>>
    tpu.enqueue_indirect_dma source(%arg10 : memref<10000xf32, #tpu.memory_space<vmem>>) target(%dma_start3A_62 : memref<100096xf32, #tpu.memory_space<vmem_shared>>) offsets(%arg7 : memref<10000xi32, #tpu.memory_space<vmem>>) semaphore(%arg13 : memref<!tpu.dma_semaphore, #tpu.memory_space<semaphore_mem>>) {add = true}
    %dma_wait3A_63 = arith.constant 0 : i32
    %dma_wait3A_64 = tpu.memref_slice %arg12[%dma_wait3A_63] : memref<100096xf32, #tpu.memory_space<vmem_shared>> -> memref<100096xf32, #tpu.memory_space<vmem_shared>>
    tpu.wait_indirect_dma semaphore(%arg13 : memref<!tpu.dma_semaphore, #tpu.memory_space<semaphore_mem>>) src(%arg10 : memref<10000xf32, #tpu.memory_space<vmem>>) dst(%dma_wait3A_64 : memref<100096xf32, #tpu.memory_space<vmem_shared>>)
    %barrier3A_65 = arith.constant 0 : index
    tpu.barrier barrier_id(%barrier3A_65)
    %mul3A_66 = arith.constant 6256 : i32
    %mul3A_67 = arith.muli %arg1, %mul3A_66 : i32
    "tpu.region"() ({
      %run_scoped3A = tpu.sem_alloc : memref<!tpu.dma_semaphore, #tpu.memory_space<semaphore_mem>>
      %dma_start3A_73 = tpu.memref_slice %arg12[%mul3A_67] : memref<100096xf32, #tpu.memory_space<vmem_shared>> -> memref<6256xf32, #tpu.memory_space<vmem_shared>>
      %dma_start3A_74 = tpu.memref_slice %arg12[%mul3A_67] : memref<100096xf32, #tpu.memory_space<vmem_shared>> -> memref<6256xf32, #tpu.memory_space<vmem_shared>>
      tpu.enqueue_dma source(%dma_start3A_74 : memref<6256xf32, #tpu.memory_space<vmem_shared>>) target(%arg11 : memref<6256xf32, #tpu.memory_space<vmem>>) target_semaphore(%run_scoped3A : memref<!tpu.dma_semaphore, #tpu.memory_space<semaphore_mem>>)
      %dma_wait3A_75 = tpu.memref_slice %arg12[%mul3A_67] : memref<100096xf32, #tpu.memory_space<vmem_shared>> -> memref<6256xf32, #tpu.memory_space<vmem_shared>>
      %dma_wait3A_76 = tpu.memref_slice %arg12[%mul3A_67] : memref<100096xf32, #tpu.memory_space<vmem_shared>> -> memref<6256xf32, #tpu.memory_space<vmem_shared>>
      tpu.wait_dma2 semaphore(%run_scoped3A : memref<!tpu.dma_semaphore, #tpu.memory_space<semaphore_mem>>) src(%dma_wait3A_76 : memref<6256xf32, #tpu.memory_space<vmem_shared>>) dst(%arg11 : memref<6256xf32, #tpu.memory_space<vmem>>)
      tpu.yield
    }) : () -> ()
    %mul3A_68 = arith.constant 100096 : i32
    %mul3A_69 = arith.muli %arg0, %mul3A_68 : i32
    %mul3A_70 = arith.constant 6256 : i32
    %mul3A_71 = arith.muli %arg1, %mul3A_70 : i32
    %add3A_72 = arith.addi %mul3A_69, %mul3A_71 : i32
    "tpu.region"() ({
      %run_scoped3A = tpu.sem_alloc : memref<!tpu.dma_semaphore, #tpu.memory_space<semaphore_mem>>
      %dma_start3A_73 = tpu.memref_slice %arg5[%add3A_72] : memref<200192xf32, #tpu.memory_space<hbm>> -> memref<6256xf32, #tpu.memory_space<hbm>>
      %dma_start3A_74 = tpu.memref_slice %arg5[%add3A_72] : memref<200192xf32, #tpu.memory_space<hbm>> -> memref<6256xf32, #tpu.memory_space<hbm>>
      tpu.enqueue_dma source(%arg11 : memref<6256xf32, #tpu.memory_space<vmem>>) target(%dma_start3A_74 : memref<6256xf32, #tpu.memory_space<hbm>>) target_semaphore(%run_scoped3A : memref<!tpu.dma_semaphore, #tpu.memory_space<semaphore_mem>>)
      %dma_wait3A_75 = tpu.memref_slice %arg5[%add3A_72] : memref<200192xf32, #tpu.memory_space<hbm>> -> memref<6256xf32, #tpu.memory_space<hbm>>
      %dma_wait3A_76 = tpu.memref_slice %arg5[%add3A_72] : memref<200192xf32, #tpu.memory_space<hbm>> -> memref<6256xf32, #tpu.memory_space<hbm>>
      tpu.wait_dma2 semaphore(%run_scoped3A : memref<!tpu.dma_semaphore, #tpu.memory_space<semaphore_mem>>) src(%arg11 : memref<6256xf32, #tpu.memory_space<vmem>>) dst(%dma_wait3A_76 : memref<6256xf32, #tpu.memory_space<hbm>>)
      tpu.yield
    }) : () -> ()
    return
  }
}

#map = affine_map<(d0, d1) -> (0)>
module attributes {stable_mosaic.version = 14 : i64} {
  func.func @gs_kernel(%arg0: i32, %arg1: i32, %arg2: memref<6400000xi32, #tpu.memory_space<hbm>>, %arg3: memref<100096xf32, #tpu.memory_space<hbm>>, %arg4: memref<6256xf32, #tpu.memory_space<hbm>>, %arg5: memref<200192xf32, #tpu.memory_space<hbm>>, %arg6: memref<5000xi32, #tpu.memory_space<vmem>>, %arg7: memref<5000xi32, #tpu.memory_space<vmem>>, %arg8: memref<5000xi32, #tpu.memory_space<vmem>>, %arg9: memref<5000xi32, #tpu.memory_space<vmem>>, %arg10: memref<5000xi32, #tpu.memory_space<vmem>>, %arg11: memref<5000xi32, #tpu.memory_space<vmem>>, %arg12: memref<5000xi32, #tpu.memory_space<vmem>>, %arg13: memref<5000xi32, #tpu.memory_space<vmem>>, %arg14: memref<5000xf32, #tpu.memory_space<vmem>>, %arg15: memref<5000xf32, #tpu.memory_space<vmem>>, %arg16: memref<5000xf32, #tpu.memory_space<vmem>>, %arg17: memref<5000xf32, #tpu.memory_space<vmem>>, %arg18: memref<6256xf32, #tpu.memory_space<vmem>>, %arg19: memref<100096xf32, #tpu.memory_space<vmem_shared>>, %arg20: memref<100096xf32, #tpu.memory_space<vmem_shared>>, %arg21: memref<!tpu.dma_semaphore, #tpu.memory_space<semaphore_mem>>, %arg22: memref<!tpu.dma_semaphore, #tpu.memory_space<semaphore_mem>>, %arg23: memref<!tpu.dma_semaphore, #tpu.memory_space<semaphore_mem>>, %arg24: memref<!tpu.dma_semaphore, #tpu.memory_space<semaphore_mem>>, %arg25: memref<!tpu.dma_semaphore, #tpu.memory_space<semaphore_mem>>, %arg26: memref<!tpu.dma_semaphore, #tpu.memory_space<semaphore_mem>>, %arg27: memref<!tpu.dma_semaphore, #tpu.memory_space<semaphore_mem>>, %arg28: memref<!tpu.dma_semaphore, #tpu.memory_space<semaphore_mem>>) attributes {dimension_semantics = [#tpu.dimension_semantics<core_parallel>, #tpu.dimension_semantics<subcore_parallel>], iteration_bounds = array<i64: 2, 16>, scalar_prefetch = 0 : i64, scratch_operands = 23 : i64, tpu.core_type = #tpu.core_type<sc_vector_subcore>, window_params = [{transform_indices = #map}, {transform_indices = #map}, {transform_indices = #map}, {transform_indices = #map}]} {
    %mul3A = arith.constant 2 : i32
    %mul3A_0 = arith.muli %arg1, %mul3A : i32
    %add3A = arith.addi %mul3A_0, %arg0 : i32
    %mul3A_1 = arith.constant 6256 : i32
    %mul3A_2 = arith.muli %arg1, %mul3A_1 : i32
    "tpu.region"() ({
      %run_scoped3A = tpu.sem_alloc : memref<!tpu.dma_semaphore, #tpu.memory_space<semaphore_mem>>
      tpu.enqueue_dma source(%arg4 : memref<6256xf32, #tpu.memory_space<hbm>>) target(%arg18 : memref<6256xf32, #tpu.memory_space<vmem>>) target_semaphore(%run_scoped3A : memref<!tpu.dma_semaphore, #tpu.memory_space<semaphore_mem>>)
      tpu.wait_dma2 semaphore(%run_scoped3A : memref<!tpu.dma_semaphore, #tpu.memory_space<semaphore_mem>>) src(%arg4 : memref<6256xf32, #tpu.memory_space<hbm>>) dst(%arg18 : memref<6256xf32, #tpu.memory_space<vmem>>)
      tpu.yield
    }) : () -> ()
    "tpu.region"() ({
      %run_scoped3A = tpu.sem_alloc : memref<!tpu.dma_semaphore, #tpu.memory_space<semaphore_mem>>
      %dma_start3A_249 = tpu.memref_slice %arg20[%mul3A_2] : memref<100096xf32, #tpu.memory_space<vmem_shared>> -> memref<6256xf32, #tpu.memory_space<vmem_shared>>
      %dma_start3A_250 = tpu.memref_slice %arg20[%mul3A_2] : memref<100096xf32, #tpu.memory_space<vmem_shared>> -> memref<6256xf32, #tpu.memory_space<vmem_shared>>
      tpu.enqueue_dma source(%arg18 : memref<6256xf32, #tpu.memory_space<vmem>>) target(%dma_start3A_250 : memref<6256xf32, #tpu.memory_space<vmem_shared>>) target_semaphore(%run_scoped3A : memref<!tpu.dma_semaphore, #tpu.memory_space<semaphore_mem>>)
      %dma_wait3A_251 = tpu.memref_slice %arg20[%mul3A_2] : memref<100096xf32, #tpu.memory_space<vmem_shared>> -> memref<6256xf32, #tpu.memory_space<vmem_shared>>
      %dma_wait3A_252 = tpu.memref_slice %arg20[%mul3A_2] : memref<100096xf32, #tpu.memory_space<vmem_shared>> -> memref<6256xf32, #tpu.memory_space<vmem_shared>>
      tpu.wait_dma2 semaphore(%run_scoped3A : memref<!tpu.dma_semaphore, #tpu.memory_space<semaphore_mem>>) src(%arg18 : memref<6256xf32, #tpu.memory_space<vmem>>) dst(%dma_wait3A_252 : memref<6256xf32, #tpu.memory_space<vmem_shared>>)
      tpu.yield
    }) : () -> ()
    "tpu.region"() ({
      %run_scoped3A = tpu.sem_alloc : memref<!tpu.dma_semaphore, #tpu.memory_space<semaphore_mem>>
      %dma_start3A_249 = tpu.memref_slice %arg3[%mul3A_2] : memref<100096xf32, #tpu.memory_space<hbm>> -> memref<6256xf32, #tpu.memory_space<hbm>>
      %dma_start3A_250 = tpu.memref_slice %arg3[%mul3A_2] : memref<100096xf32, #tpu.memory_space<hbm>> -> memref<6256xf32, #tpu.memory_space<hbm>>
      tpu.enqueue_dma source(%dma_start3A_250 : memref<6256xf32, #tpu.memory_space<hbm>>) target(%arg18 : memref<6256xf32, #tpu.memory_space<vmem>>) target_semaphore(%run_scoped3A : memref<!tpu.dma_semaphore, #tpu.memory_space<semaphore_mem>>)
      %dma_wait3A_251 = tpu.memref_slice %arg3[%mul3A_2] : memref<100096xf32, #tpu.memory_space<hbm>> -> memref<6256xf32, #tpu.memory_space<hbm>>
      %dma_wait3A_252 = tpu.memref_slice %arg3[%mul3A_2] : memref<100096xf32, #tpu.memory_space<hbm>> -> memref<6256xf32, #tpu.memory_space<hbm>>
      tpu.wait_dma2 semaphore(%run_scoped3A : memref<!tpu.dma_semaphore, #tpu.memory_space<semaphore_mem>>) src(%dma_wait3A_252 : memref<6256xf32, #tpu.memory_space<hbm>>) dst(%arg18 : memref<6256xf32, #tpu.memory_space<vmem>>)
      tpu.yield
    }) : () -> ()
    "tpu.region"() ({
      %run_scoped3A = tpu.sem_alloc : memref<!tpu.dma_semaphore, #tpu.memory_space<semaphore_mem>>
      %dma_start3A_249 = tpu.memref_slice %arg19[%mul3A_2] : memref<100096xf32, #tpu.memory_space<vmem_shared>> -> memref<6256xf32, #tpu.memory_space<vmem_shared>>
      %dma_start3A_250 = tpu.memref_slice %arg19[%mul3A_2] : memref<100096xf32, #tpu.memory_space<vmem_shared>> -> memref<6256xf32, #tpu.memory_space<vmem_shared>>
      tpu.enqueue_dma source(%arg18 : memref<6256xf32, #tpu.memory_space<vmem>>) target(%dma_start3A_250 : memref<6256xf32, #tpu.memory_space<vmem_shared>>) target_semaphore(%run_scoped3A : memref<!tpu.dma_semaphore, #tpu.memory_space<semaphore_mem>>)
      %dma_wait3A_251 = tpu.memref_slice %arg19[%mul3A_2] : memref<100096xf32, #tpu.memory_space<vmem_shared>> -> memref<6256xf32, #tpu.memory_space<vmem_shared>>
      %dma_wait3A_252 = tpu.memref_slice %arg19[%mul3A_2] : memref<100096xf32, #tpu.memory_space<vmem_shared>> -> memref<6256xf32, #tpu.memory_space<vmem_shared>>
      tpu.wait_dma2 semaphore(%run_scoped3A : memref<!tpu.dma_semaphore, #tpu.memory_space<semaphore_mem>>) src(%arg18 : memref<6256xf32, #tpu.memory_space<vmem>>) dst(%dma_wait3A_252 : memref<6256xf32, #tpu.memory_space<vmem_shared>>)
      tpu.yield
    }) : () -> ()
    %barrier3A = arith.constant 0 : index
    tpu.barrier barrier_id(%barrier3A)
    %mul3A_3 = arith.constant 100000 : i32
    %mul3A_4 = arith.muli %add3A, %mul3A_3 : i32
    %add3A_5 = arith.constant 0 : i32
    %add3A_6 = arith.addi %mul3A_4, %add3A_5 : i32
    "tpu.region"() ({
      %run_scoped3A = tpu.sem_alloc : memref<!tpu.dma_semaphore, #tpu.memory_space<semaphore_mem>>
      %dma_start3A_249 = tpu.memref_slice %arg2[%add3A_6] : memref<6400000xi32, #tpu.memory_space<hbm>> -> memref<5000xi32, #tpu.memory_space<hbm>>
      %dma_start3A_250 = tpu.memref_slice %arg2[%add3A_6] : memref<6400000xi32, #tpu.memory_space<hbm>> -> memref<5000xi32, #tpu.memory_space<hbm>>
      tpu.enqueue_dma source(%dma_start3A_250 : memref<5000xi32, #tpu.memory_space<hbm>>) target(%arg6 : memref<5000xi32, #tpu.memory_space<vmem>>) target_semaphore(%run_scoped3A : memref<!tpu.dma_semaphore, #tpu.memory_space<semaphore_mem>>)
      %dma_wait3A_251 = tpu.memref_slice %arg2[%add3A_6] : memref<6400000xi32, #tpu.memory_space<hbm>> -> memref<5000xi32, #tpu.memory_space<hbm>>
      %dma_wait3A_252 = tpu.memref_slice %arg2[%add3A_6] : memref<6400000xi32, #tpu.memory_space<hbm>> -> memref<5000xi32, #tpu.memory_space<hbm>>
      tpu.wait_dma2 semaphore(%run_scoped3A : memref<!tpu.dma_semaphore, #tpu.memory_space<semaphore_mem>>) src(%dma_wait3A_252 : memref<5000xi32, #tpu.memory_space<hbm>>) dst(%arg6 : memref<5000xi32, #tpu.memory_space<vmem>>)
      tpu.yield
    }) : () -> ()
    %add3A_7 = arith.constant 3200000 : i32
    %add3A_8 = arith.addi %add3A_7, %add3A_6 : i32
    "tpu.region"() ({
      %run_scoped3A = tpu.sem_alloc : memref<!tpu.dma_semaphore, #tpu.memory_space<semaphore_mem>>
      %dma_start3A_249 = tpu.memref_slice %arg2[%add3A_8] : memref<6400000xi32, #tpu.memory_space<hbm>> -> memref<5000xi32, #tpu.memory_space<hbm>>
      %dma_start3A_250 = tpu.memref_slice %arg2[%add3A_8] : memref<6400000xi32, #tpu.memory_space<hbm>> -> memref<5000xi32, #tpu.memory_space<hbm>>
      tpu.enqueue_dma source(%dma_start3A_250 : memref<5000xi32, #tpu.memory_space<hbm>>) target(%arg10 : memref<5000xi32, #tpu.memory_space<vmem>>) target_semaphore(%run_scoped3A : memref<!tpu.dma_semaphore, #tpu.memory_space<semaphore_mem>>)
      %dma_wait3A_251 = tpu.memref_slice %arg2[%add3A_8] : memref<6400000xi32, #tpu.memory_space<hbm>> -> memref<5000xi32, #tpu.memory_space<hbm>>
      %dma_wait3A_252 = tpu.memref_slice %arg2[%add3A_8] : memref<6400000xi32, #tpu.memory_space<hbm>> -> memref<5000xi32, #tpu.memory_space<hbm>>
      tpu.wait_dma2 semaphore(%run_scoped3A : memref<!tpu.dma_semaphore, #tpu.memory_space<semaphore_mem>>) src(%dma_wait3A_252 : memref<5000xi32, #tpu.memory_space<hbm>>) dst(%arg10 : memref<5000xi32, #tpu.memory_space<vmem>>)
      tpu.yield
    }) : () -> ()
    %dma_start3A = arith.constant 0 : i32
    %dma_start3A_9 = tpu.memref_slice %arg19[%dma_start3A] : memref<100096xf32, #tpu.memory_space<vmem_shared>> -> memref<100096xf32, #tpu.memory_space<vmem_shared>>
    tpu.enqueue_indirect_dma source(%dma_start3A_9 : memref<100096xf32, #tpu.memory_space<vmem_shared>>) target(%arg14 : memref<5000xf32, #tpu.memory_space<vmem>>) offsets(%arg6 : memref<5000xi32, #tpu.memory_space<vmem>>) semaphore(%arg21 : memref<!tpu.dma_semaphore, #tpu.memory_space<semaphore_mem>>)
    %add3A_10 = arith.constant 5000 : i32
    %add3A_11 = arith.addi %mul3A_4, %add3A_10 : i32
    "tpu.region"() ({
      %run_scoped3A = tpu.sem_alloc : memref<!tpu.dma_semaphore, #tpu.memory_space<semaphore_mem>>
      %dma_start3A_249 = tpu.memref_slice %arg2[%add3A_11] : memref<6400000xi32, #tpu.memory_space<hbm>> -> memref<5000xi32, #tpu.memory_space<hbm>>
      %dma_start3A_250 = tpu.memref_slice %arg2[%add3A_11] : memref<6400000xi32, #tpu.memory_space<hbm>> -> memref<5000xi32, #tpu.memory_space<hbm>>
      tpu.enqueue_dma source(%dma_start3A_250 : memref<5000xi32, #tpu.memory_space<hbm>>) target(%arg7 : memref<5000xi32, #tpu.memory_space<vmem>>) target_semaphore(%run_scoped3A : memref<!tpu.dma_semaphore, #tpu.memory_space<semaphore_mem>>)
      %dma_wait3A_251 = tpu.memref_slice %arg2[%add3A_11] : memref<6400000xi32, #tpu.memory_space<hbm>> -> memref<5000xi32, #tpu.memory_space<hbm>>
      %dma_wait3A_252 = tpu.memref_slice %arg2[%add3A_11] : memref<6400000xi32, #tpu.memory_space<hbm>> -> memref<5000xi32, #tpu.memory_space<hbm>>
      tpu.wait_dma2 semaphore(%run_scoped3A : memref<!tpu.dma_semaphore, #tpu.memory_space<semaphore_mem>>) src(%dma_wait3A_252 : memref<5000xi32, #tpu.memory_space<hbm>>) dst(%arg7 : memref<5000xi32, #tpu.memory_space<vmem>>)
      tpu.yield
    }) : () -> ()
    %add3A_12 = arith.constant 3200000 : i32
    %add3A_13 = arith.addi %add3A_12, %add3A_11 : i32
    "tpu.region"() ({
      %run_scoped3A = tpu.sem_alloc : memref<!tpu.dma_semaphore, #tpu.memory_space<semaphore_mem>>
      %dma_start3A_249 = tpu.memref_slice %arg2[%add3A_13] : memref<6400000xi32, #tpu.memory_space<hbm>> -> memref<5000xi32, #tpu.memory_space<hbm>>
      %dma_start3A_250 = tpu.memref_slice %arg2[%add3A_13] : memref<6400000xi32, #tpu.memory_space<hbm>> -> memref<5000xi32, #tpu.memory_space<hbm>>
      tpu.enqueue_dma source(%dma_start3A_250 : memref<5000xi32, #tpu.memory_space<hbm>>) target(%arg11 : memref<5000xi32, #tpu.memory_space<vmem>>) target_semaphore(%run_scoped3A : memref<!tpu.dma_semaphore, #tpu.memory_space<semaphore_mem>>)
      %dma_wait3A_251 = tpu.memref_slice %arg2[%add3A_13] : memref<6400000xi32, #tpu.memory_space<hbm>> -> memref<5000xi32, #tpu.memory_space<hbm>>
      %dma_wait3A_252 = tpu.memref_slice %arg2[%add3A_13] : memref<6400000xi32, #tpu.memory_space<hbm>> -> memref<5000xi32, #tpu.memory_space<hbm>>
      tpu.wait_dma2 semaphore(%run_scoped3A : memref<!tpu.dma_semaphore, #tpu.memory_space<semaphore_mem>>) src(%dma_wait3A_252 : memref<5000xi32, #tpu.memory_space<hbm>>) dst(%arg11 : memref<5000xi32, #tpu.memory_space<vmem>>)
      tpu.yield
    }) : () -> ()
    %dma_start3A_14 = arith.constant 0 : i32
    %dma_start3A_15 = tpu.memref_slice %arg19[%dma_start3A_14] : memref<100096xf32, #tpu.memory_space<vmem_shared>> -> memref<100096xf32, #tpu.memory_space<vmem_shared>>
    tpu.enqueue_indirect_dma source(%dma_start3A_15 : memref<100096xf32, #tpu.memory_space<vmem_shared>>) target(%arg15 : memref<5000xf32, #tpu.memory_space<vmem>>) offsets(%arg7 : memref<5000xi32, #tpu.memory_space<vmem>>) semaphore(%arg22 : memref<!tpu.dma_semaphore, #tpu.memory_space<semaphore_mem>>)
    %dma_wait3A = arith.constant 0 : i32
    %dma_wait3A_16 = tpu.memref_slice %arg19[%dma_wait3A] : memref<100096xf32, #tpu.memory_space<vmem_shared>> -> memref<100096xf32, #tpu.memory_space<vmem_shared>>
    tpu.wait_indirect_dma semaphore(%arg21 : memref<!tpu.dma_semaphore, #tpu.memory_space<semaphore_mem>>) src(%dma_wait3A_16 : memref<100096xf32, #tpu.memory_space<vmem_shared>>) dst(%arg14 : memref<5000xf32, #tpu.memory_space<vmem>>)
    %dma_start3A_17 = arith.constant 0 : i32
    %dma_start3A_18 = tpu.memref_slice %arg20[%dma_start3A_17] : memref<100096xf32, #tpu.memory_space<vmem_shared>> -> memref<100096xf32, #tpu.memory_space<vmem_shared>>
    tpu.enqueue_indirect_dma source(%arg14 : memref<5000xf32, #tpu.memory_space<vmem>>) target(%dma_start3A_18 : memref<100096xf32, #tpu.memory_space<vmem_shared>>) offsets(%arg10 : memref<5000xi32, #tpu.memory_space<vmem>>) semaphore(%arg25 : memref<!tpu.dma_semaphore, #tpu.memory_space<semaphore_mem>>) {add = true}
    %add3A_19 = arith.constant 10000 : i32
    %add3A_20 = arith.addi %mul3A_4, %add3A_19 : i32
    "tpu.region"() ({
      %run_scoped3A = tpu.sem_alloc : memref<!tpu.dma_semaphore, #tpu.memory_space<semaphore_mem>>
      %dma_start3A_249 = tpu.memref_slice %arg2[%add3A_20] : memref<6400000xi32, #tpu.memory_space<hbm>> -> memref<5000xi32, #tpu.memory_space<hbm>>
      %dma_start3A_250 = tpu.memref_slice %arg2[%add3A_20] : memref<6400000xi32, #tpu.memory_space<hbm>> -> memref<5000xi32, #tpu.memory_space<hbm>>
      tpu.enqueue_dma source(%dma_start3A_250 : memref<5000xi32, #tpu.memory_space<hbm>>) target(%arg8 : memref<5000xi32, #tpu.memory_space<vmem>>) target_semaphore(%run_scoped3A : memref<!tpu.dma_semaphore, #tpu.memory_space<semaphore_mem>>)
      %dma_wait3A_251 = tpu.memref_slice %arg2[%add3A_20] : memref<6400000xi32, #tpu.memory_space<hbm>> -> memref<5000xi32, #tpu.memory_space<hbm>>
      %dma_wait3A_252 = tpu.memref_slice %arg2[%add3A_20] : memref<6400000xi32, #tpu.memory_space<hbm>> -> memref<5000xi32, #tpu.memory_space<hbm>>
      tpu.wait_dma2 semaphore(%run_scoped3A : memref<!tpu.dma_semaphore, #tpu.memory_space<semaphore_mem>>) src(%dma_wait3A_252 : memref<5000xi32, #tpu.memory_space<hbm>>) dst(%arg8 : memref<5000xi32, #tpu.memory_space<vmem>>)
      tpu.yield
    }) : () -> ()
    %add3A_21 = arith.constant 3200000 : i32
    %add3A_22 = arith.addi %add3A_21, %add3A_20 : i32
    "tpu.region"() ({
      %run_scoped3A = tpu.sem_alloc : memref<!tpu.dma_semaphore, #tpu.memory_space<semaphore_mem>>
      %dma_start3A_249 = tpu.memref_slice %arg2[%add3A_22] : memref<6400000xi32, #tpu.memory_space<hbm>> -> memref<5000xi32, #tpu.memory_space<hbm>>
      %dma_start3A_250 = tpu.memref_slice %arg2[%add3A_22] : memref<6400000xi32, #tpu.memory_space<hbm>> -> memref<5000xi32, #tpu.memory_space<hbm>>
      tpu.enqueue_dma source(%dma_start3A_250 : memref<5000xi32, #tpu.memory_space<hbm>>) target(%arg12 : memref<5000xi32, #tpu.memory_space<vmem>>) target_semaphore(%run_scoped3A : memref<!tpu.dma_semaphore, #tpu.memory_space<semaphore_mem>>)
      %dma_wait3A_251 = tpu.memref_slice %arg2[%add3A_22] : memref<6400000xi32, #tpu.memory_space<hbm>> -> memref<5000xi32, #tpu.memory_space<hbm>>
      %dma_wait3A_252 = tpu.memref_slice %arg2[%add3A_22] : memref<6400000xi32, #tpu.memory_space<hbm>> -> memref<5000xi32, #tpu.memory_space<hbm>>
      tpu.wait_dma2 semaphore(%run_scoped3A : memref<!tpu.dma_semaphore, #tpu.memory_space<semaphore_mem>>) src(%dma_wait3A_252 : memref<5000xi32, #tpu.memory_space<hbm>>) dst(%arg12 : memref<5000xi32, #tpu.memory_space<vmem>>)
      tpu.yield
    }) : () -> ()
    %dma_start3A_23 = arith.constant 0 : i32
    %dma_start3A_24 = tpu.memref_slice %arg19[%dma_start3A_23] : memref<100096xf32, #tpu.memory_space<vmem_shared>> -> memref<100096xf32, #tpu.memory_space<vmem_shared>>
    tpu.enqueue_indirect_dma source(%dma_start3A_24 : memref<100096xf32, #tpu.memory_space<vmem_shared>>) target(%arg16 : memref<5000xf32, #tpu.memory_space<vmem>>) offsets(%arg8 : memref<5000xi32, #tpu.memory_space<vmem>>) semaphore(%arg23 : memref<!tpu.dma_semaphore, #tpu.memory_space<semaphore_mem>>)
    %dma_wait3A_25 = arith.constant 0 : i32
    %dma_wait3A_26 = tpu.memref_slice %arg19[%dma_wait3A_25] : memref<100096xf32, #tpu.memory_space<vmem_shared>> -> memref<100096xf32, #tpu.memory_space<vmem_shared>>
    tpu.wait_indirect_dma semaphore(%arg22 : memref<!tpu.dma_semaphore, #tpu.memory_space<semaphore_mem>>) src(%dma_wait3A_26 : memref<100096xf32, #tpu.memory_space<vmem_shared>>) dst(%arg15 : memref<5000xf32, #tpu.memory_space<vmem>>)
    %dma_wait3A_27 = arith.constant 0 : i32
    %dma_wait3A_28 = tpu.memref_slice %arg20[%dma_wait3A_27] : memref<100096xf32, #tpu.memory_space<vmem_shared>> -> memref<100096xf32, #tpu.memory_space<vmem_shared>>
    tpu.wait_indirect_dma semaphore(%arg25 : memref<!tpu.dma_semaphore, #tpu.memory_space<semaphore_mem>>) src(%arg14 : memref<5000xf32, #tpu.memory_space<vmem>>) dst(%dma_wait3A_28 : memref<100096xf32, #tpu.memory_space<vmem_shared>>)
    %dma_start3A_29 = arith.constant 0 : i32
    %dma_start3A_30 = tpu.memref_slice %arg20[%dma_start3A_29] : memref<100096xf32, #tpu.memory_space<vmem_shared>> -> memref<100096xf32, #tpu.memory_space<vmem_shared>>
    tpu.enqueue_indirect_dma source(%arg15 : memref<5000xf32, #tpu.memory_space<vmem>>) target(%dma_start3A_30 : memref<100096xf32, #tpu.memory_space<vmem_shared>>) offsets(%arg11 : memref<5000xi32, #tpu.memory_space<vmem>>) semaphore(%arg25 : memref<!tpu.dma_semaphore, #tpu.memory_space<semaphore_mem>>) {add = true}
    %add3A_31 = arith.constant 15000 : i32
    %add3A_32 = arith.addi %mul3A_4, %add3A_31 : i32
    "tpu.region"() ({
      %run_scoped3A = tpu.sem_alloc : memref<!tpu.dma_semaphore, #tpu.memory_space<semaphore_mem>>
      %dma_start3A_249 = tpu.memref_slice %arg2[%add3A_32] : memref<6400000xi32, #tpu.memory_space<hbm>> -> memref<5000xi32, #tpu.memory_space<hbm>>
      %dma_start3A_250 = tpu.memref_slice %arg2[%add3A_32] : memref<6400000xi32, #tpu.memory_space<hbm>> -> memref<5000xi32, #tpu.memory_space<hbm>>
      tpu.enqueue_dma source(%dma_start3A_250 : memref<5000xi32, #tpu.memory_space<hbm>>) target(%arg9 : memref<5000xi32, #tpu.memory_space<vmem>>) target_semaphore(%run_scoped3A : memref<!tpu.dma_semaphore, #tpu.memory_space<semaphore_mem>>)
      %dma_wait3A_251 = tpu.memref_slice %arg2[%add3A_32] : memref<6400000xi32, #tpu.memory_space<hbm>> -> memref<5000xi32, #tpu.memory_space<hbm>>
      %dma_wait3A_252 = tpu.memref_slice %arg2[%add3A_32] : memref<6400000xi32, #tpu.memory_space<hbm>> -> memref<5000xi32, #tpu.memory_space<hbm>>
      tpu.wait_dma2 semaphore(%run_scoped3A : memref<!tpu.dma_semaphore, #tpu.memory_space<semaphore_mem>>) src(%dma_wait3A_252 : memref<5000xi32, #tpu.memory_space<hbm>>) dst(%arg9 : memref<5000xi32, #tpu.memory_space<vmem>>)
      tpu.yield
    }) : () -> ()
    %add3A_33 = arith.constant 3200000 : i32
    %add3A_34 = arith.addi %add3A_33, %add3A_32 : i32
    "tpu.region"() ({
      %run_scoped3A = tpu.sem_alloc : memref<!tpu.dma_semaphore, #tpu.memory_space<semaphore_mem>>
      %dma_start3A_249 = tpu.memref_slice %arg2[%add3A_34] : memref<6400000xi32, #tpu.memory_space<hbm>> -> memref<5000xi32, #tpu.memory_space<hbm>>
      %dma_start3A_250 = tpu.memref_slice %arg2[%add3A_34] : memref<6400000xi32, #tpu.memory_space<hbm>> -> memref<5000xi32, #tpu.memory_space<hbm>>
      tpu.enqueue_dma source(%dma_start3A_250 : memref<5000xi32, #tpu.memory_space<hbm>>) target(%arg13 : memref<5000xi32, #tpu.memory_space<vmem>>) target_semaphore(%run_scoped3A : memref<!tpu.dma_semaphore, #tpu.memory_space<semaphore_mem>>)
      %dma_wait3A_251 = tpu.memref_slice %arg2[%add3A_34] : memref<6400000xi32, #tpu.memory_space<hbm>> -> memref<5000xi32, #tpu.memory_space<hbm>>
      %dma_wait3A_252 = tpu.memref_slice %arg2[%add3A_34] : memref<6400000xi32, #tpu.memory_space<hbm>> -> memref<5000xi32, #tpu.memory_space<hbm>>
      tpu.wait_dma2 semaphore(%run_scoped3A : memref<!tpu.dma_semaphore, #tpu.memory_space<semaphore_mem>>) src(%dma_wait3A_252 : memref<5000xi32, #tpu.memory_space<hbm>>) dst(%arg13 : memref<5000xi32, #tpu.memory_space<vmem>>)
      tpu.yield
    }) : () -> ()
    %dma_start3A_35 = arith.constant 0 : i32
    %dma_start3A_36 = tpu.memref_slice %arg19[%dma_start3A_35] : memref<100096xf32, #tpu.memory_space<vmem_shared>> -> memref<100096xf32, #tpu.memory_space<vmem_shared>>
    tpu.enqueue_indirect_dma source(%dma_start3A_36 : memref<100096xf32, #tpu.memory_space<vmem_shared>>) target(%arg17 : memref<5000xf32, #tpu.memory_space<vmem>>) offsets(%arg9 : memref<5000xi32, #tpu.memory_space<vmem>>) semaphore(%arg24 : memref<!tpu.dma_semaphore, #tpu.memory_space<semaphore_mem>>)
    %dma_wait3A_37 = arith.constant 0 : i32
    %dma_wait3A_38 = tpu.memref_slice %arg19[%dma_wait3A_37] : memref<100096xf32, #tpu.memory_space<vmem_shared>> -> memref<100096xf32, #tpu.memory_space<vmem_shared>>
    tpu.wait_indirect_dma semaphore(%arg23 : memref<!tpu.dma_semaphore, #tpu.memory_space<semaphore_mem>>) src(%dma_wait3A_38 : memref<100096xf32, #tpu.memory_space<vmem_shared>>) dst(%arg16 : memref<5000xf32, #tpu.memory_space<vmem>>)
    %dma_wait3A_39 = arith.constant 0 : i32
    %dma_wait3A_40 = tpu.memref_slice %arg20[%dma_wait3A_39] : memref<100096xf32, #tpu.memory_space<vmem_shared>> -> memref<100096xf32, #tpu.memory_space<vmem_shared>>
    tpu.wait_indirect_dma semaphore(%arg25 : memref<!tpu.dma_semaphore, #tpu.memory_space<semaphore_mem>>) src(%arg15 : memref<5000xf32, #tpu.memory_space<vmem>>) dst(%dma_wait3A_40 : memref<100096xf32, #tpu.memory_space<vmem_shared>>)
    %dma_start3A_41 = arith.constant 0 : i32
    %dma_start3A_42 = tpu.memref_slice %arg20[%dma_start3A_41] : memref<100096xf32, #tpu.memory_space<vmem_shared>> -> memref<100096xf32, #tpu.memory_space<vmem_shared>>
    tpu.enqueue_indirect_dma source(%arg16 : memref<5000xf32, #tpu.memory_space<vmem>>) target(%dma_start3A_42 : memref<100096xf32, #tpu.memory_space<vmem_shared>>) offsets(%arg12 : memref<5000xi32, #tpu.memory_space<vmem>>) semaphore(%arg25 : memref<!tpu.dma_semaphore, #tpu.memory_space<semaphore_mem>>) {add = true}
    %add3A_43 = arith.constant 20000 : i32
    %add3A_44 = arith.addi %mul3A_4, %add3A_43 : i32
    "tpu.region"() ({
      %run_scoped3A = tpu.sem_alloc : memref<!tpu.dma_semaphore, #tpu.memory_space<semaphore_mem>>
      %dma_start3A_249 = tpu.memref_slice %arg2[%add3A_44] : memref<6400000xi32, #tpu.memory_space<hbm>> -> memref<5000xi32, #tpu.memory_space<hbm>>
      %dma_start3A_250 = tpu.memref_slice %arg2[%add3A_44] : memref<6400000xi32, #tpu.memory_space<hbm>> -> memref<5000xi32, #tpu.memory_space<hbm>>
      tpu.enqueue_dma source(%dma_start3A_250 : memref<5000xi32, #tpu.memory_space<hbm>>) target(%arg6 : memref<5000xi32, #tpu.memory_space<vmem>>) target_semaphore(%run_scoped3A : memref<!tpu.dma_semaphore, #tpu.memory_space<semaphore_mem>>)
      %dma_wait3A_251 = tpu.memref_slice %arg2[%add3A_44] : memref<6400000xi32, #tpu.memory_space<hbm>> -> memref<5000xi32, #tpu.memory_space<hbm>>
      %dma_wait3A_252 = tpu.memref_slice %arg2[%add3A_44] : memref<6400000xi32, #tpu.memory_space<hbm>> -> memref<5000xi32, #tpu.memory_space<hbm>>
      tpu.wait_dma2 semaphore(%run_scoped3A : memref<!tpu.dma_semaphore, #tpu.memory_space<semaphore_mem>>) src(%dma_wait3A_252 : memref<5000xi32, #tpu.memory_space<hbm>>) dst(%arg6 : memref<5000xi32, #tpu.memory_space<vmem>>)
      tpu.yield
    }) : () -> ()
    %add3A_45 = arith.constant 3200000 : i32
    %add3A_46 = arith.addi %add3A_45, %add3A_44 : i32
    "tpu.region"() ({
      %run_scoped3A = tpu.sem_alloc : memref<!tpu.dma_semaphore, #tpu.memory_space<semaphore_mem>>
      %dma_start3A_249 = tpu.memref_slice %arg2[%add3A_46] : memref<6400000xi32, #tpu.memory_space<hbm>> -> memref<5000xi32, #tpu.memory_space<hbm>>
      %dma_start3A_250 = tpu.memref_slice %arg2[%add3A_46] : memref<6400000xi32, #tpu.memory_space<hbm>> -> memref<5000xi32, #tpu.memory_space<hbm>>
      tpu.enqueue_dma source(%dma_start3A_250 : memref<5000xi32, #tpu.memory_space<hbm>>) target(%arg10 : memref<5000xi32, #tpu.memory_space<vmem>>) target_semaphore(%run_scoped3A : memref<!tpu.dma_semaphore, #tpu.memory_space<semaphore_mem>>)
      %dma_wait3A_251 = tpu.memref_slice %arg2[%add3A_46] : memref<6400000xi32, #tpu.memory_space<hbm>> -> memref<5000xi32, #tpu.memory_space<hbm>>
      %dma_wait3A_252 = tpu.memref_slice %arg2[%add3A_46] : memref<6400000xi32, #tpu.memory_space<hbm>> -> memref<5000xi32, #tpu.memory_space<hbm>>
      tpu.wait_dma2 semaphore(%run_scoped3A : memref<!tpu.dma_semaphore, #tpu.memory_space<semaphore_mem>>) src(%dma_wait3A_252 : memref<5000xi32, #tpu.memory_space<hbm>>) dst(%arg10 : memref<5000xi32, #tpu.memory_space<vmem>>)
      tpu.yield
    }) : () -> ()
    %dma_start3A_47 = arith.constant 0 : i32
    %dma_start3A_48 = tpu.memref_slice %arg19[%dma_start3A_47] : memref<100096xf32, #tpu.memory_space<vmem_shared>> -> memref<100096xf32, #tpu.memory_space<vmem_shared>>
    tpu.enqueue_indirect_dma source(%dma_start3A_48 : memref<100096xf32, #tpu.memory_space<vmem_shared>>) target(%arg14 : memref<5000xf32, #tpu.memory_space<vmem>>) offsets(%arg6 : memref<5000xi32, #tpu.memory_space<vmem>>) semaphore(%arg21 : memref<!tpu.dma_semaphore, #tpu.memory_space<semaphore_mem>>)
    %dma_wait3A_49 = arith.constant 0 : i32
    %dma_wait3A_50 = tpu.memref_slice %arg19[%dma_wait3A_49] : memref<100096xf32, #tpu.memory_space<vmem_shared>> -> memref<100096xf32, #tpu.memory_space<vmem_shared>>
    tpu.wait_indirect_dma semaphore(%arg24 : memref<!tpu.dma_semaphore, #tpu.memory_space<semaphore_mem>>) src(%dma_wait3A_50 : memref<100096xf32, #tpu.memory_space<vmem_shared>>) dst(%arg17 : memref<5000xf32, #tpu.memory_space<vmem>>)
    %dma_wait3A_51 = arith.constant 0 : i32
    %dma_wait3A_52 = tpu.memref_slice %arg20[%dma_wait3A_51] : memref<100096xf32, #tpu.memory_space<vmem_shared>> -> memref<100096xf32, #tpu.memory_space<vmem_shared>>
    tpu.wait_indirect_dma semaphore(%arg25 : memref<!tpu.dma_semaphore, #tpu.memory_space<semaphore_mem>>) src(%arg16 : memref<5000xf32, #tpu.memory_space<vmem>>) dst(%dma_wait3A_52 : memref<100096xf32, #tpu.memory_space<vmem_shared>>)
    %dma_start3A_53 = arith.constant 0 : i32
    %dma_start3A_54 = tpu.memref_slice %arg20[%dma_start3A_53] : memref<100096xf32, #tpu.memory_space<vmem_shared>> -> memref<100096xf32, #tpu.memory_space<vmem_shared>>
    tpu.enqueue_indirect_dma source(%arg17 : memref<5000xf32, #tpu.memory_space<vmem>>) target(%dma_start3A_54 : memref<100096xf32, #tpu.memory_space<vmem_shared>>) offsets(%arg13 : memref<5000xi32, #tpu.memory_space<vmem>>) semaphore(%arg25 : memref<!tpu.dma_semaphore, #tpu.memory_space<semaphore_mem>>) {add = true}
    %add3A_55 = arith.constant 25000 : i32
    %add3A_56 = arith.addi %mul3A_4, %add3A_55 : i32
    "tpu.region"() ({
      %run_scoped3A = tpu.sem_alloc : memref<!tpu.dma_semaphore, #tpu.memory_space<semaphore_mem>>
      %dma_start3A_249 = tpu.memref_slice %arg2[%add3A_56] : memref<6400000xi32, #tpu.memory_space<hbm>> -> memref<5000xi32, #tpu.memory_space<hbm>>
      %dma_start3A_250 = tpu.memref_slice %arg2[%add3A_56] : memref<6400000xi32, #tpu.memory_space<hbm>> -> memref<5000xi32, #tpu.memory_space<hbm>>
      tpu.enqueue_dma source(%dma_start3A_250 : memref<5000xi32, #tpu.memory_space<hbm>>) target(%arg7 : memref<5000xi32, #tpu.memory_space<vmem>>) target_semaphore(%run_scoped3A : memref<!tpu.dma_semaphore, #tpu.memory_space<semaphore_mem>>)
      %dma_wait3A_251 = tpu.memref_slice %arg2[%add3A_56] : memref<6400000xi32, #tpu.memory_space<hbm>> -> memref<5000xi32, #tpu.memory_space<hbm>>
      %dma_wait3A_252 = tpu.memref_slice %arg2[%add3A_56] : memref<6400000xi32, #tpu.memory_space<hbm>> -> memref<5000xi32, #tpu.memory_space<hbm>>
      tpu.wait_dma2 semaphore(%run_scoped3A : memref<!tpu.dma_semaphore, #tpu.memory_space<semaphore_mem>>) src(%dma_wait3A_252 : memref<5000xi32, #tpu.memory_space<hbm>>) dst(%arg7 : memref<5000xi32, #tpu.memory_space<vmem>>)
      tpu.yield
    }) : () -> ()
    %add3A_57 = arith.constant 3200000 : i32
    %add3A_58 = arith.addi %add3A_57, %add3A_56 : i32
    "tpu.region"() ({
      %run_scoped3A = tpu.sem_alloc : memref<!tpu.dma_semaphore, #tpu.memory_space<semaphore_mem>>
      %dma_start3A_249 = tpu.memref_slice %arg2[%add3A_58] : memref<6400000xi32, #tpu.memory_space<hbm>> -> memref<5000xi32, #tpu.memory_space<hbm>>
      %dma_start3A_250 = tpu.memref_slice %arg2[%add3A_58] : memref<6400000xi32, #tpu.memory_space<hbm>> -> memref<5000xi32, #tpu.memory_space<hbm>>
      tpu.enqueue_dma source(%dma_start3A_250 : memref<5000xi32, #tpu.memory_space<hbm>>) target(%arg11 : memref<5000xi32, #tpu.memory_space<vmem>>) target_semaphore(%run_scoped3A : memref<!tpu.dma_semaphore, #tpu.memory_space<semaphore_mem>>)
      %dma_wait3A_251 = tpu.memref_slice %arg2[%add3A_58] : memref<6400000xi32, #tpu.memory_space<hbm>> -> memref<5000xi32, #tpu.memory_space<hbm>>
      %dma_wait3A_252 = tpu.memref_slice %arg2[%add3A_58] : memref<6400000xi32, #tpu.memory_space<hbm>> -> memref<5000xi32, #tpu.memory_space<hbm>>
      tpu.wait_dma2 semaphore(%run_scoped3A : memref<!tpu.dma_semaphore, #tpu.memory_space<semaphore_mem>>) src(%dma_wait3A_252 : memref<5000xi32, #tpu.memory_space<hbm>>) dst(%arg11 : memref<5000xi32, #tpu.memory_space<vmem>>)
      tpu.yield
    }) : () -> ()
    %dma_start3A_59 = arith.constant 0 : i32
    %dma_start3A_60 = tpu.memref_slice %arg19[%dma_start3A_59] : memref<100096xf32, #tpu.memory_space<vmem_shared>> -> memref<100096xf32, #tpu.memory_space<vmem_shared>>
    tpu.enqueue_indirect_dma source(%dma_start3A_60 : memref<100096xf32, #tpu.memory_space<vmem_shared>>) target(%arg15 : memref<5000xf32, #tpu.memory_space<vmem>>) offsets(%arg7 : memref<5000xi32, #tpu.memory_space<vmem>>) semaphore(%arg22 : memref<!tpu.dma_semaphore, #tpu.memory_space<semaphore_mem>>)
    %dma_wait3A_61 = arith.constant 0 : i32
    %dma_wait3A_62 = tpu.memref_slice %arg19[%dma_wait3A_61] : memref<100096xf32, #tpu.memory_space<vmem_shared>> -> memref<100096xf32, #tpu.memory_space<vmem_shared>>
    tpu.wait_indirect_dma semaphore(%arg21 : memref<!tpu.dma_semaphore, #tpu.memory_space<semaphore_mem>>) src(%dma_wait3A_62 : memref<100096xf32, #tpu.memory_space<vmem_shared>>) dst(%arg14 : memref<5000xf32, #tpu.memory_space<vmem>>)
    %dma_wait3A_63 = arith.constant 0 : i32
    %dma_wait3A_64 = tpu.memref_slice %arg20[%dma_wait3A_63] : memref<100096xf32, #tpu.memory_space<vmem_shared>> -> memref<100096xf32, #tpu.memory_space<vmem_shared>>
    tpu.wait_indirect_dma semaphore(%arg25 : memref<!tpu.dma_semaphore, #tpu.memory_space<semaphore_mem>>) src(%arg17 : memref<5000xf32, #tpu.memory_space<vmem>>) dst(%dma_wait3A_64 : memref<100096xf32, #tpu.memory_space<vmem_shared>>)
    %dma_start3A_65 = arith.constant 0 : i32
    %dma_start3A_66 = tpu.memref_slice %arg20[%dma_start3A_65] : memref<100096xf32, #tpu.memory_space<vmem_shared>> -> memref<100096xf32, #tpu.memory_space<vmem_shared>>
    tpu.enqueue_indirect_dma source(%arg14 : memref<5000xf32, #tpu.memory_space<vmem>>) target(%dma_start3A_66 : memref<100096xf32, #tpu.memory_space<vmem_shared>>) offsets(%arg10 : memref<5000xi32, #tpu.memory_space<vmem>>) semaphore(%arg25 : memref<!tpu.dma_semaphore, #tpu.memory_space<semaphore_mem>>) {add = true}
    %add3A_67 = arith.constant 30000 : i32
    %add3A_68 = arith.addi %mul3A_4, %add3A_67 : i32
    "tpu.region"() ({
      %run_scoped3A = tpu.sem_alloc : memref<!tpu.dma_semaphore, #tpu.memory_space<semaphore_mem>>
      %dma_start3A_249 = tpu.memref_slice %arg2[%add3A_68] : memref<6400000xi32, #tpu.memory_space<hbm>> -> memref<5000xi32, #tpu.memory_space<hbm>>
      %dma_start3A_250 = tpu.memref_slice %arg2[%add3A_68] : memref<6400000xi32, #tpu.memory_space<hbm>> -> memref<5000xi32, #tpu.memory_space<hbm>>
      tpu.enqueue_dma source(%dma_start3A_250 : memref<5000xi32, #tpu.memory_space<hbm>>) target(%arg8 : memref<5000xi32, #tpu.memory_space<vmem>>) target_semaphore(%run_scoped3A : memref<!tpu.dma_semaphore, #tpu.memory_space<semaphore_mem>>)
      %dma_wait3A_251 = tpu.memref_slice %arg2[%add3A_68] : memref<6400000xi32, #tpu.memory_space<hbm>> -> memref<5000xi32, #tpu.memory_space<hbm>>
      %dma_wait3A_252 = tpu.memref_slice %arg2[%add3A_68] : memref<6400000xi32, #tpu.memory_space<hbm>> -> memref<5000xi32, #tpu.memory_space<hbm>>
      tpu.wait_dma2 semaphore(%run_scoped3A : memref<!tpu.dma_semaphore, #tpu.memory_space<semaphore_mem>>) src(%dma_wait3A_252 : memref<5000xi32, #tpu.memory_space<hbm>>) dst(%arg8 : memref<5000xi32, #tpu.memory_space<vmem>>)
      tpu.yield
    }) : () -> ()
    %add3A_69 = arith.constant 3200000 : i32
    %add3A_70 = arith.addi %add3A_69, %add3A_68 : i32
    "tpu.region"() ({
      %run_scoped3A = tpu.sem_alloc : memref<!tpu.dma_semaphore, #tpu.memory_space<semaphore_mem>>
      %dma_start3A_249 = tpu.memref_slice %arg2[%add3A_70] : memref<6400000xi32, #tpu.memory_space<hbm>> -> memref<5000xi32, #tpu.memory_space<hbm>>
      %dma_start3A_250 = tpu.memref_slice %arg2[%add3A_70] : memref<6400000xi32, #tpu.memory_space<hbm>> -> memref<5000xi32, #tpu.memory_space<hbm>>
      tpu.enqueue_dma source(%dma_start3A_250 : memref<5000xi32, #tpu.memory_space<hbm>>) target(%arg12 : memref<5000xi32, #tpu.memory_space<vmem>>) target_semaphore(%run_scoped3A : memref<!tpu.dma_semaphore, #tpu.memory_space<semaphore_mem>>)
      %dma_wait3A_251 = tpu.memref_slice %arg2[%add3A_70] : memref<6400000xi32, #tpu.memory_space<hbm>> -> memref<5000xi32, #tpu.memory_space<hbm>>
      %dma_wait3A_252 = tpu.memref_slice %arg2[%add3A_70] : memref<6400000xi32, #tpu.memory_space<hbm>> -> memref<5000xi32, #tpu.memory_space<hbm>>
      tpu.wait_dma2 semaphore(%run_scoped3A : memref<!tpu.dma_semaphore, #tpu.memory_space<semaphore_mem>>) src(%dma_wait3A_252 : memref<5000xi32, #tpu.memory_space<hbm>>) dst(%arg12 : memref<5000xi32, #tpu.memory_space<vmem>>)
      tpu.yield
    }) : () -> ()
    %dma_start3A_71 = arith.constant 0 : i32
    %dma_start3A_72 = tpu.memref_slice %arg19[%dma_start3A_71] : memref<100096xf32, #tpu.memory_space<vmem_shared>> -> memref<100096xf32, #tpu.memory_space<vmem_shared>>
    tpu.enqueue_indirect_dma source(%dma_start3A_72 : memref<100096xf32, #tpu.memory_space<vmem_shared>>) target(%arg16 : memref<5000xf32, #tpu.memory_space<vmem>>) offsets(%arg8 : memref<5000xi32, #tpu.memory_space<vmem>>) semaphore(%arg23 : memref<!tpu.dma_semaphore, #tpu.memory_space<semaphore_mem>>)
    %dma_wait3A_73 = arith.constant 0 : i32
    %dma_wait3A_74 = tpu.memref_slice %arg19[%dma_wait3A_73] : memref<100096xf32, #tpu.memory_space<vmem_shared>> -> memref<100096xf32, #tpu.memory_space<vmem_shared>>
    tpu.wait_indirect_dma semaphore(%arg22 : memref<!tpu.dma_semaphore, #tpu.memory_space<semaphore_mem>>) src(%dma_wait3A_74 : memref<100096xf32, #tpu.memory_space<vmem_shared>>) dst(%arg15 : memref<5000xf32, #tpu.memory_space<vmem>>)
    %dma_wait3A_75 = arith.constant 0 : i32
    %dma_wait3A_76 = tpu.memref_slice %arg20[%dma_wait3A_75] : memref<100096xf32, #tpu.memory_space<vmem_shared>> -> memref<100096xf32, #tpu.memory_space<vmem_shared>>
    tpu.wait_indirect_dma semaphore(%arg25 : memref<!tpu.dma_semaphore, #tpu.memory_space<semaphore_mem>>) src(%arg14 : memref<5000xf32, #tpu.memory_space<vmem>>) dst(%dma_wait3A_76 : memref<100096xf32, #tpu.memory_space<vmem_shared>>)
    %dma_start3A_77 = arith.constant 0 : i32
    %dma_start3A_78 = tpu.memref_slice %arg20[%dma_start3A_77] : memref<100096xf32, #tpu.memory_space<vmem_shared>> -> memref<100096xf32, #tpu.memory_space<vmem_shared>>
    tpu.enqueue_indirect_dma source(%arg15 : memref<5000xf32, #tpu.memory_space<vmem>>) target(%dma_start3A_78 : memref<100096xf32, #tpu.memory_space<vmem_shared>>) offsets(%arg11 : memref<5000xi32, #tpu.memory_space<vmem>>) semaphore(%arg25 : memref<!tpu.dma_semaphore, #tpu.memory_space<semaphore_mem>>) {add = true}
    %add3A_79 = arith.constant 35000 : i32
    %add3A_80 = arith.addi %mul3A_4, %add3A_79 : i32
    "tpu.region"() ({
      %run_scoped3A = tpu.sem_alloc : memref<!tpu.dma_semaphore, #tpu.memory_space<semaphore_mem>>
      %dma_start3A_249 = tpu.memref_slice %arg2[%add3A_80] : memref<6400000xi32, #tpu.memory_space<hbm>> -> memref<5000xi32, #tpu.memory_space<hbm>>
      %dma_start3A_250 = tpu.memref_slice %arg2[%add3A_80] : memref<6400000xi32, #tpu.memory_space<hbm>> -> memref<5000xi32, #tpu.memory_space<hbm>>
      tpu.enqueue_dma source(%dma_start3A_250 : memref<5000xi32, #tpu.memory_space<hbm>>) target(%arg9 : memref<5000xi32, #tpu.memory_space<vmem>>) target_semaphore(%run_scoped3A : memref<!tpu.dma_semaphore, #tpu.memory_space<semaphore_mem>>)
      %dma_wait3A_251 = tpu.memref_slice %arg2[%add3A_80] : memref<6400000xi32, #tpu.memory_space<hbm>> -> memref<5000xi32, #tpu.memory_space<hbm>>
      %dma_wait3A_252 = tpu.memref_slice %arg2[%add3A_80] : memref<6400000xi32, #tpu.memory_space<hbm>> -> memref<5000xi32, #tpu.memory_space<hbm>>
      tpu.wait_dma2 semaphore(%run_scoped3A : memref<!tpu.dma_semaphore, #tpu.memory_space<semaphore_mem>>) src(%dma_wait3A_252 : memref<5000xi32, #tpu.memory_space<hbm>>) dst(%arg9 : memref<5000xi32, #tpu.memory_space<vmem>>)
      tpu.yield
    }) : () -> ()
    %add3A_81 = arith.constant 3200000 : i32
    %add3A_82 = arith.addi %add3A_81, %add3A_80 : i32
    "tpu.region"() ({
      %run_scoped3A = tpu.sem_alloc : memref<!tpu.dma_semaphore, #tpu.memory_space<semaphore_mem>>
      %dma_start3A_249 = tpu.memref_slice %arg2[%add3A_82] : memref<6400000xi32, #tpu.memory_space<hbm>> -> memref<5000xi32, #tpu.memory_space<hbm>>
      %dma_start3A_250 = tpu.memref_slice %arg2[%add3A_82] : memref<6400000xi32, #tpu.memory_space<hbm>> -> memref<5000xi32, #tpu.memory_space<hbm>>
      tpu.enqueue_dma source(%dma_start3A_250 : memref<5000xi32, #tpu.memory_space<hbm>>) target(%arg13 : memref<5000xi32, #tpu.memory_space<vmem>>) target_semaphore(%run_scoped3A : memref<!tpu.dma_semaphore, #tpu.memory_space<semaphore_mem>>)
      %dma_wait3A_251 = tpu.memref_slice %arg2[%add3A_82] : memref<6400000xi32, #tpu.memory_space<hbm>> -> memref<5000xi32, #tpu.memory_space<hbm>>
      %dma_wait3A_252 = tpu.memref_slice %arg2[%add3A_82] : memref<6400000xi32, #tpu.memory_space<hbm>> -> memref<5000xi32, #tpu.memory_space<hbm>>
      tpu.wait_dma2 semaphore(%run_scoped3A : memref<!tpu.dma_semaphore, #tpu.memory_space<semaphore_mem>>) src(%dma_wait3A_252 : memref<5000xi32, #tpu.memory_space<hbm>>) dst(%arg13 : memref<5000xi32, #tpu.memory_space<vmem>>)
      tpu.yield
    }) : () -> ()
    %dma_start3A_83 = arith.constant 0 : i32
    %dma_start3A_84 = tpu.memref_slice %arg19[%dma_start3A_83] : memref<100096xf32, #tpu.memory_space<vmem_shared>> -> memref<100096xf32, #tpu.memory_space<vmem_shared>>
    tpu.enqueue_indirect_dma source(%dma_start3A_84 : memref<100096xf32, #tpu.memory_space<vmem_shared>>) target(%arg17 : memref<5000xf32, #tpu.memory_space<vmem>>) offsets(%arg9 : memref<5000xi32, #tpu.memory_space<vmem>>) semaphore(%arg24 : memref<!tpu.dma_semaphore, #tpu.memory_space<semaphore_mem>>)
    %dma_wait3A_85 = arith.constant 0 : i32
    %dma_wait3A_86 = tpu.memref_slice %arg19[%dma_wait3A_85] : memref<100096xf32, #tpu.memory_space<vmem_shared>> -> memref<100096xf32, #tpu.memory_space<vmem_shared>>
    tpu.wait_indirect_dma semaphore(%arg23 : memref<!tpu.dma_semaphore, #tpu.memory_space<semaphore_mem>>) src(%dma_wait3A_86 : memref<100096xf32, #tpu.memory_space<vmem_shared>>) dst(%arg16 : memref<5000xf32, #tpu.memory_space<vmem>>)
    %dma_wait3A_87 = arith.constant 0 : i32
    %dma_wait3A_88 = tpu.memref_slice %arg20[%dma_wait3A_87] : memref<100096xf32, #tpu.memory_space<vmem_shared>> -> memref<100096xf32, #tpu.memory_space<vmem_shared>>
    tpu.wait_indirect_dma semaphore(%arg25 : memref<!tpu.dma_semaphore, #tpu.memory_space<semaphore_mem>>) src(%arg15 : memref<5000xf32, #tpu.memory_space<vmem>>) dst(%dma_wait3A_88 : memref<100096xf32, #tpu.memory_space<vmem_shared>>)
    %dma_start3A_89 = arith.constant 0 : i32
    %dma_start3A_90 = tpu.memref_slice %arg20[%dma_start3A_89] : memref<100096xf32, #tpu.memory_space<vmem_shared>> -> memref<100096xf32, #tpu.memory_space<vmem_shared>>
    tpu.enqueue_indirect_dma source(%arg16 : memref<5000xf32, #tpu.memory_space<vmem>>) target(%dma_start3A_90 : memref<100096xf32, #tpu.memory_space<vmem_shared>>) offsets(%arg12 : memref<5000xi32, #tpu.memory_space<vmem>>) semaphore(%arg25 : memref<!tpu.dma_semaphore, #tpu.memory_space<semaphore_mem>>) {add = true}
    %add3A_91 = arith.constant 40000 : i32
    %add3A_92 = arith.addi %mul3A_4, %add3A_91 : i32
    "tpu.region"() ({
      %run_scoped3A = tpu.sem_alloc : memref<!tpu.dma_semaphore, #tpu.memory_space<semaphore_mem>>
      %dma_start3A_249 = tpu.memref_slice %arg2[%add3A_92] : memref<6400000xi32, #tpu.memory_space<hbm>> -> memref<5000xi32, #tpu.memory_space<hbm>>
      %dma_start3A_250 = tpu.memref_slice %arg2[%add3A_92] : memref<6400000xi32, #tpu.memory_space<hbm>> -> memref<5000xi32, #tpu.memory_space<hbm>>
      tpu.enqueue_dma source(%dma_start3A_250 : memref<5000xi32, #tpu.memory_space<hbm>>) target(%arg6 : memref<5000xi32, #tpu.memory_space<vmem>>) target_semaphore(%run_scoped3A : memref<!tpu.dma_semaphore, #tpu.memory_space<semaphore_mem>>)
      %dma_wait3A_251 = tpu.memref_slice %arg2[%add3A_92] : memref<6400000xi32, #tpu.memory_space<hbm>> -> memref<5000xi32, #tpu.memory_space<hbm>>
      %dma_wait3A_252 = tpu.memref_slice %arg2[%add3A_92] : memref<6400000xi32, #tpu.memory_space<hbm>> -> memref<5000xi32, #tpu.memory_space<hbm>>
      tpu.wait_dma2 semaphore(%run_scoped3A : memref<!tpu.dma_semaphore, #tpu.memory_space<semaphore_mem>>) src(%dma_wait3A_252 : memref<5000xi32, #tpu.memory_space<hbm>>) dst(%arg6 : memref<5000xi32, #tpu.memory_space<vmem>>)
      tpu.yield
    }) : () -> ()
    %add3A_93 = arith.constant 3200000 : i32
    %add3A_94 = arith.addi %add3A_93, %add3A_92 : i32
    "tpu.region"() ({
      %run_scoped3A = tpu.sem_alloc : memref<!tpu.dma_semaphore, #tpu.memory_space<semaphore_mem>>
      %dma_start3A_249 = tpu.memref_slice %arg2[%add3A_94] : memref<6400000xi32, #tpu.memory_space<hbm>> -> memref<5000xi32, #tpu.memory_space<hbm>>
      %dma_start3A_250 = tpu.memref_slice %arg2[%add3A_94] : memref<6400000xi32, #tpu.memory_space<hbm>> -> memref<5000xi32, #tpu.memory_space<hbm>>
      tpu.enqueue_dma source(%dma_start3A_250 : memref<5000xi32, #tpu.memory_space<hbm>>) target(%arg10 : memref<5000xi32, #tpu.memory_space<vmem>>) target_semaphore(%run_scoped3A : memref<!tpu.dma_semaphore, #tpu.memory_space<semaphore_mem>>)
      %dma_wait3A_251 = tpu.memref_slice %arg2[%add3A_94] : memref<6400000xi32, #tpu.memory_space<hbm>> -> memref<5000xi32, #tpu.memory_space<hbm>>
      %dma_wait3A_252 = tpu.memref_slice %arg2[%add3A_94] : memref<6400000xi32, #tpu.memory_space<hbm>> -> memref<5000xi32, #tpu.memory_space<hbm>>
      tpu.wait_dma2 semaphore(%run_scoped3A : memref<!tpu.dma_semaphore, #tpu.memory_space<semaphore_mem>>) src(%dma_wait3A_252 : memref<5000xi32, #tpu.memory_space<hbm>>) dst(%arg10 : memref<5000xi32, #tpu.memory_space<vmem>>)
      tpu.yield
    }) : () -> ()
    %dma_start3A_95 = arith.constant 0 : i32
    %dma_start3A_96 = tpu.memref_slice %arg19[%dma_start3A_95] : memref<100096xf32, #tpu.memory_space<vmem_shared>> -> memref<100096xf32, #tpu.memory_space<vmem_shared>>
    tpu.enqueue_indirect_dma source(%dma_start3A_96 : memref<100096xf32, #tpu.memory_space<vmem_shared>>) target(%arg14 : memref<5000xf32, #tpu.memory_space<vmem>>) offsets(%arg6 : memref<5000xi32, #tpu.memory_space<vmem>>) semaphore(%arg21 : memref<!tpu.dma_semaphore, #tpu.memory_space<semaphore_mem>>)
    %dma_wait3A_97 = arith.constant 0 : i32
    %dma_wait3A_98 = tpu.memref_slice %arg19[%dma_wait3A_97] : memref<100096xf32, #tpu.memory_space<vmem_shared>> -> memref<100096xf32, #tpu.memory_space<vmem_shared>>
    tpu.wait_indirect_dma semaphore(%arg24 : memref<!tpu.dma_semaphore, #tpu.memory_space<semaphore_mem>>) src(%dma_wait3A_98 : memref<100096xf32, #tpu.memory_space<vmem_shared>>) dst(%arg17 : memref<5000xf32, #tpu.memory_space<vmem>>)
    %dma_wait3A_99 = arith.constant 0 : i32
    %dma_wait3A_100 = tpu.memref_slice %arg20[%dma_wait3A_99] : memref<100096xf32, #tpu.memory_space<vmem_shared>> -> memref<100096xf32, #tpu.memory_space<vmem_shared>>
    tpu.wait_indirect_dma semaphore(%arg25 : memref<!tpu.dma_semaphore, #tpu.memory_space<semaphore_mem>>) src(%arg16 : memref<5000xf32, #tpu.memory_space<vmem>>) dst(%dma_wait3A_100 : memref<100096xf32, #tpu.memory_space<vmem_shared>>)
    %dma_start3A_101 = arith.constant 0 : i32
    %dma_start3A_102 = tpu.memref_slice %arg20[%dma_start3A_101] : memref<100096xf32, #tpu.memory_space<vmem_shared>> -> memref<100096xf32, #tpu.memory_space<vmem_shared>>
    tpu.enqueue_indirect_dma source(%arg17 : memref<5000xf32, #tpu.memory_space<vmem>>) target(%dma_start3A_102 : memref<100096xf32, #tpu.memory_space<vmem_shared>>) offsets(%arg13 : memref<5000xi32, #tpu.memory_space<vmem>>) semaphore(%arg25 : memref<!tpu.dma_semaphore, #tpu.memory_space<semaphore_mem>>) {add = true}
    %add3A_103 = arith.constant 45000 : i32
    %add3A_104 = arith.addi %mul3A_4, %add3A_103 : i32
    "tpu.region"() ({
      %run_scoped3A = tpu.sem_alloc : memref<!tpu.dma_semaphore, #tpu.memory_space<semaphore_mem>>
      %dma_start3A_249 = tpu.memref_slice %arg2[%add3A_104] : memref<6400000xi32, #tpu.memory_space<hbm>> -> memref<5000xi32, #tpu.memory_space<hbm>>
      %dma_start3A_250 = tpu.memref_slice %arg2[%add3A_104] : memref<6400000xi32, #tpu.memory_space<hbm>> -> memref<5000xi32, #tpu.memory_space<hbm>>
      tpu.enqueue_dma source(%dma_start3A_250 : memref<5000xi32, #tpu.memory_space<hbm>>) target(%arg7 : memref<5000xi32, #tpu.memory_space<vmem>>) target_semaphore(%run_scoped3A : memref<!tpu.dma_semaphore, #tpu.memory_space<semaphore_mem>>)
      %dma_wait3A_251 = tpu.memref_slice %arg2[%add3A_104] : memref<6400000xi32, #tpu.memory_space<hbm>> -> memref<5000xi32, #tpu.memory_space<hbm>>
      %dma_wait3A_252 = tpu.memref_slice %arg2[%add3A_104] : memref<6400000xi32, #tpu.memory_space<hbm>> -> memref<5000xi32, #tpu.memory_space<hbm>>
      tpu.wait_dma2 semaphore(%run_scoped3A : memref<!tpu.dma_semaphore, #tpu.memory_space<semaphore_mem>>) src(%dma_wait3A_252 : memref<5000xi32, #tpu.memory_space<hbm>>) dst(%arg7 : memref<5000xi32, #tpu.memory_space<vmem>>)
      tpu.yield
    }) : () -> ()
    %add3A_105 = arith.constant 3200000 : i32
    %add3A_106 = arith.addi %add3A_105, %add3A_104 : i32
    "tpu.region"() ({
      %run_scoped3A = tpu.sem_alloc : memref<!tpu.dma_semaphore, #tpu.memory_space<semaphore_mem>>
      %dma_start3A_249 = tpu.memref_slice %arg2[%add3A_106] : memref<6400000xi32, #tpu.memory_space<hbm>> -> memref<5000xi32, #tpu.memory_space<hbm>>
      %dma_start3A_250 = tpu.memref_slice %arg2[%add3A_106] : memref<6400000xi32, #tpu.memory_space<hbm>> -> memref<5000xi32, #tpu.memory_space<hbm>>
      tpu.enqueue_dma source(%dma_start3A_250 : memref<5000xi32, #tpu.memory_space<hbm>>) target(%arg11 : memref<5000xi32, #tpu.memory_space<vmem>>) target_semaphore(%run_scoped3A : memref<!tpu.dma_semaphore, #tpu.memory_space<semaphore_mem>>)
      %dma_wait3A_251 = tpu.memref_slice %arg2[%add3A_106] : memref<6400000xi32, #tpu.memory_space<hbm>> -> memref<5000xi32, #tpu.memory_space<hbm>>
      %dma_wait3A_252 = tpu.memref_slice %arg2[%add3A_106] : memref<6400000xi32, #tpu.memory_space<hbm>> -> memref<5000xi32, #tpu.memory_space<hbm>>
      tpu.wait_dma2 semaphore(%run_scoped3A : memref<!tpu.dma_semaphore, #tpu.memory_space<semaphore_mem>>) src(%dma_wait3A_252 : memref<5000xi32, #tpu.memory_space<hbm>>) dst(%arg11 : memref<5000xi32, #tpu.memory_space<vmem>>)
      tpu.yield
    }) : () -> ()
    %dma_start3A_107 = arith.constant 0 : i32
    %dma_start3A_108 = tpu.memref_slice %arg19[%dma_start3A_107] : memref<100096xf32, #tpu.memory_space<vmem_shared>> -> memref<100096xf32, #tpu.memory_space<vmem_shared>>
    tpu.enqueue_indirect_dma source(%dma_start3A_108 : memref<100096xf32, #tpu.memory_space<vmem_shared>>) target(%arg15 : memref<5000xf32, #tpu.memory_space<vmem>>) offsets(%arg7 : memref<5000xi32, #tpu.memory_space<vmem>>) semaphore(%arg22 : memref<!tpu.dma_semaphore, #tpu.memory_space<semaphore_mem>>)
    %dma_wait3A_109 = arith.constant 0 : i32
    %dma_wait3A_110 = tpu.memref_slice %arg19[%dma_wait3A_109] : memref<100096xf32, #tpu.memory_space<vmem_shared>> -> memref<100096xf32, #tpu.memory_space<vmem_shared>>
    tpu.wait_indirect_dma semaphore(%arg21 : memref<!tpu.dma_semaphore, #tpu.memory_space<semaphore_mem>>) src(%dma_wait3A_110 : memref<100096xf32, #tpu.memory_space<vmem_shared>>) dst(%arg14 : memref<5000xf32, #tpu.memory_space<vmem>>)
    %dma_wait3A_111 = arith.constant 0 : i32
    %dma_wait3A_112 = tpu.memref_slice %arg20[%dma_wait3A_111] : memref<100096xf32, #tpu.memory_space<vmem_shared>> -> memref<100096xf32, #tpu.memory_space<vmem_shared>>
    tpu.wait_indirect_dma semaphore(%arg25 : memref<!tpu.dma_semaphore, #tpu.memory_space<semaphore_mem>>) src(%arg17 : memref<5000xf32, #tpu.memory_space<vmem>>) dst(%dma_wait3A_112 : memref<100096xf32, #tpu.memory_space<vmem_shared>>)
    %dma_start3A_113 = arith.constant 0 : i32
    %dma_start3A_114 = tpu.memref_slice %arg20[%dma_start3A_113] : memref<100096xf32, #tpu.memory_space<vmem_shared>> -> memref<100096xf32, #tpu.memory_space<vmem_shared>>
    tpu.enqueue_indirect_dma source(%arg14 : memref<5000xf32, #tpu.memory_space<vmem>>) target(%dma_start3A_114 : memref<100096xf32, #tpu.memory_space<vmem_shared>>) offsets(%arg10 : memref<5000xi32, #tpu.memory_space<vmem>>) semaphore(%arg25 : memref<!tpu.dma_semaphore, #tpu.memory_space<semaphore_mem>>) {add = true}
    %add3A_115 = arith.constant 50000 : i32
    %add3A_116 = arith.addi %mul3A_4, %add3A_115 : i32
    "tpu.region"() ({
      %run_scoped3A = tpu.sem_alloc : memref<!tpu.dma_semaphore, #tpu.memory_space<semaphore_mem>>
      %dma_start3A_249 = tpu.memref_slice %arg2[%add3A_116] : memref<6400000xi32, #tpu.memory_space<hbm>> -> memref<5000xi32, #tpu.memory_space<hbm>>
      %dma_start3A_250 = tpu.memref_slice %arg2[%add3A_116] : memref<6400000xi32, #tpu.memory_space<hbm>> -> memref<5000xi32, #tpu.memory_space<hbm>>
      tpu.enqueue_dma source(%dma_start3A_250 : memref<5000xi32, #tpu.memory_space<hbm>>) target(%arg8 : memref<5000xi32, #tpu.memory_space<vmem>>) target_semaphore(%run_scoped3A : memref<!tpu.dma_semaphore, #tpu.memory_space<semaphore_mem>>)
      %dma_wait3A_251 = tpu.memref_slice %arg2[%add3A_116] : memref<6400000xi32, #tpu.memory_space<hbm>> -> memref<5000xi32, #tpu.memory_space<hbm>>
      %dma_wait3A_252 = tpu.memref_slice %arg2[%add3A_116] : memref<6400000xi32, #tpu.memory_space<hbm>> -> memref<5000xi32, #tpu.memory_space<hbm>>
      tpu.wait_dma2 semaphore(%run_scoped3A : memref<!tpu.dma_semaphore, #tpu.memory_space<semaphore_mem>>) src(%dma_wait3A_252 : memref<5000xi32, #tpu.memory_space<hbm>>) dst(%arg8 : memref<5000xi32, #tpu.memory_space<vmem>>)
      tpu.yield
    }) : () -> ()
    %add3A_117 = arith.constant 3200000 : i32
    %add3A_118 = arith.addi %add3A_117, %add3A_116 : i32
    "tpu.region"() ({
      %run_scoped3A = tpu.sem_alloc : memref<!tpu.dma_semaphore, #tpu.memory_space<semaphore_mem>>
      %dma_start3A_249 = tpu.memref_slice %arg2[%add3A_118] : memref<6400000xi32, #tpu.memory_space<hbm>> -> memref<5000xi32, #tpu.memory_space<hbm>>
      %dma_start3A_250 = tpu.memref_slice %arg2[%add3A_118] : memref<6400000xi32, #tpu.memory_space<hbm>> -> memref<5000xi32, #tpu.memory_space<hbm>>
      tpu.enqueue_dma source(%dma_start3A_250 : memref<5000xi32, #tpu.memory_space<hbm>>) target(%arg12 : memref<5000xi32, #tpu.memory_space<vmem>>) target_semaphore(%run_scoped3A : memref<!tpu.dma_semaphore, #tpu.memory_space<semaphore_mem>>)
      %dma_wait3A_251 = tpu.memref_slice %arg2[%add3A_118] : memref<6400000xi32, #tpu.memory_space<hbm>> -> memref<5000xi32, #tpu.memory_space<hbm>>
      %dma_wait3A_252 = tpu.memref_slice %arg2[%add3A_118] : memref<6400000xi32, #tpu.memory_space<hbm>> -> memref<5000xi32, #tpu.memory_space<hbm>>
      tpu.wait_dma2 semaphore(%run_scoped3A : memref<!tpu.dma_semaphore, #tpu.memory_space<semaphore_mem>>) src(%dma_wait3A_252 : memref<5000xi32, #tpu.memory_space<hbm>>) dst(%arg12 : memref<5000xi32, #tpu.memory_space<vmem>>)
      tpu.yield
    }) : () -> ()
    %dma_start3A_119 = arith.constant 0 : i32
    %dma_start3A_120 = tpu.memref_slice %arg19[%dma_start3A_119] : memref<100096xf32, #tpu.memory_space<vmem_shared>> -> memref<100096xf32, #tpu.memory_space<vmem_shared>>
    tpu.enqueue_indirect_dma source(%dma_start3A_120 : memref<100096xf32, #tpu.memory_space<vmem_shared>>) target(%arg16 : memref<5000xf32, #tpu.memory_space<vmem>>) offsets(%arg8 : memref<5000xi32, #tpu.memory_space<vmem>>) semaphore(%arg23 : memref<!tpu.dma_semaphore, #tpu.memory_space<semaphore_mem>>)
    %dma_wait3A_121 = arith.constant 0 : i32
    %dma_wait3A_122 = tpu.memref_slice %arg19[%dma_wait3A_121] : memref<100096xf32, #tpu.memory_space<vmem_shared>> -> memref<100096xf32, #tpu.memory_space<vmem_shared>>
    tpu.wait_indirect_dma semaphore(%arg22 : memref<!tpu.dma_semaphore, #tpu.memory_space<semaphore_mem>>) src(%dma_wait3A_122 : memref<100096xf32, #tpu.memory_space<vmem_shared>>) dst(%arg15 : memref<5000xf32, #tpu.memory_space<vmem>>)
    %dma_wait3A_123 = arith.constant 0 : i32
    %dma_wait3A_124 = tpu.memref_slice %arg20[%dma_wait3A_123] : memref<100096xf32, #tpu.memory_space<vmem_shared>> -> memref<100096xf32, #tpu.memory_space<vmem_shared>>
    tpu.wait_indirect_dma semaphore(%arg25 : memref<!tpu.dma_semaphore, #tpu.memory_space<semaphore_mem>>) src(%arg14 : memref<5000xf32, #tpu.memory_space<vmem>>) dst(%dma_wait3A_124 : memref<100096xf32, #tpu.memory_space<vmem_shared>>)
    %dma_start3A_125 = arith.constant 0 : i32
    %dma_start3A_126 = tpu.memref_slice %arg20[%dma_start3A_125] : memref<100096xf32, #tpu.memory_space<vmem_shared>> -> memref<100096xf32, #tpu.memory_space<vmem_shared>>
    tpu.enqueue_indirect_dma source(%arg15 : memref<5000xf32, #tpu.memory_space<vmem>>) target(%dma_start3A_126 : memref<100096xf32, #tpu.memory_space<vmem_shared>>) offsets(%arg11 : memref<5000xi32, #tpu.memory_space<vmem>>) semaphore(%arg25 : memref<!tpu.dma_semaphore, #tpu.memory_space<semaphore_mem>>) {add = true}
    %add3A_127 = arith.constant 55000 : i32
    %add3A_128 = arith.addi %mul3A_4, %add3A_127 : i32
    "tpu.region"() ({
      %run_scoped3A = tpu.sem_alloc : memref<!tpu.dma_semaphore, #tpu.memory_space<semaphore_mem>>
      %dma_start3A_249 = tpu.memref_slice %arg2[%add3A_128] : memref<6400000xi32, #tpu.memory_space<hbm>> -> memref<5000xi32, #tpu.memory_space<hbm>>
      %dma_start3A_250 = tpu.memref_slice %arg2[%add3A_128] : memref<6400000xi32, #tpu.memory_space<hbm>> -> memref<5000xi32, #tpu.memory_space<hbm>>
      tpu.enqueue_dma source(%dma_start3A_250 : memref<5000xi32, #tpu.memory_space<hbm>>) target(%arg9 : memref<5000xi32, #tpu.memory_space<vmem>>) target_semaphore(%run_scoped3A : memref<!tpu.dma_semaphore, #tpu.memory_space<semaphore_mem>>)
      %dma_wait3A_251 = tpu.memref_slice %arg2[%add3A_128] : memref<6400000xi32, #tpu.memory_space<hbm>> -> memref<5000xi32, #tpu.memory_space<hbm>>
      %dma_wait3A_252 = tpu.memref_slice %arg2[%add3A_128] : memref<6400000xi32, #tpu.memory_space<hbm>> -> memref<5000xi32, #tpu.memory_space<hbm>>
      tpu.wait_dma2 semaphore(%run_scoped3A : memref<!tpu.dma_semaphore, #tpu.memory_space<semaphore_mem>>) src(%dma_wait3A_252 : memref<5000xi32, #tpu.memory_space<hbm>>) dst(%arg9 : memref<5000xi32, #tpu.memory_space<vmem>>)
      tpu.yield
    }) : () -> ()
    %add3A_129 = arith.constant 3200000 : i32
    %add3A_130 = arith.addi %add3A_129, %add3A_128 : i32
    "tpu.region"() ({
      %run_scoped3A = tpu.sem_alloc : memref<!tpu.dma_semaphore, #tpu.memory_space<semaphore_mem>>
      %dma_start3A_249 = tpu.memref_slice %arg2[%add3A_130] : memref<6400000xi32, #tpu.memory_space<hbm>> -> memref<5000xi32, #tpu.memory_space<hbm>>
      %dma_start3A_250 = tpu.memref_slice %arg2[%add3A_130] : memref<6400000xi32, #tpu.memory_space<hbm>> -> memref<5000xi32, #tpu.memory_space<hbm>>
      tpu.enqueue_dma source(%dma_start3A_250 : memref<5000xi32, #tpu.memory_space<hbm>>) target(%arg13 : memref<5000xi32, #tpu.memory_space<vmem>>) target_semaphore(%run_scoped3A : memref<!tpu.dma_semaphore, #tpu.memory_space<semaphore_mem>>)
      %dma_wait3A_251 = tpu.memref_slice %arg2[%add3A_130] : memref<6400000xi32, #tpu.memory_space<hbm>> -> memref<5000xi32, #tpu.memory_space<hbm>>
      %dma_wait3A_252 = tpu.memref_slice %arg2[%add3A_130] : memref<6400000xi32, #tpu.memory_space<hbm>> -> memref<5000xi32, #tpu.memory_space<hbm>>
      tpu.wait_dma2 semaphore(%run_scoped3A : memref<!tpu.dma_semaphore, #tpu.memory_space<semaphore_mem>>) src(%dma_wait3A_252 : memref<5000xi32, #tpu.memory_space<hbm>>) dst(%arg13 : memref<5000xi32, #tpu.memory_space<vmem>>)
      tpu.yield
    }) : () -> ()
    %dma_start3A_131 = arith.constant 0 : i32
    %dma_start3A_132 = tpu.memref_slice %arg19[%dma_start3A_131] : memref<100096xf32, #tpu.memory_space<vmem_shared>> -> memref<100096xf32, #tpu.memory_space<vmem_shared>>
    tpu.enqueue_indirect_dma source(%dma_start3A_132 : memref<100096xf32, #tpu.memory_space<vmem_shared>>) target(%arg17 : memref<5000xf32, #tpu.memory_space<vmem>>) offsets(%arg9 : memref<5000xi32, #tpu.memory_space<vmem>>) semaphore(%arg24 : memref<!tpu.dma_semaphore, #tpu.memory_space<semaphore_mem>>)
    %dma_wait3A_133 = arith.constant 0 : i32
    %dma_wait3A_134 = tpu.memref_slice %arg19[%dma_wait3A_133] : memref<100096xf32, #tpu.memory_space<vmem_shared>> -> memref<100096xf32, #tpu.memory_space<vmem_shared>>
    tpu.wait_indirect_dma semaphore(%arg23 : memref<!tpu.dma_semaphore, #tpu.memory_space<semaphore_mem>>) src(%dma_wait3A_134 : memref<100096xf32, #tpu.memory_space<vmem_shared>>) dst(%arg16 : memref<5000xf32, #tpu.memory_space<vmem>>)
    %dma_wait3A_135 = arith.constant 0 : i32
    %dma_wait3A_136 = tpu.memref_slice %arg20[%dma_wait3A_135] : memref<100096xf32, #tpu.memory_space<vmem_shared>> -> memref<100096xf32, #tpu.memory_space<vmem_shared>>
    tpu.wait_indirect_dma semaphore(%arg25 : memref<!tpu.dma_semaphore, #tpu.memory_space<semaphore_mem>>) src(%arg15 : memref<5000xf32, #tpu.memory_space<vmem>>) dst(%dma_wait3A_136 : memref<100096xf32, #tpu.memory_space<vmem_shared>>)
    %dma_start3A_137 = arith.constant 0 : i32
    %dma_start3A_138 = tpu.memref_slice %arg20[%dma_start3A_137] : memref<100096xf32, #tpu.memory_space<vmem_shared>> -> memref<100096xf32, #tpu.memory_space<vmem_shared>>
    tpu.enqueue_indirect_dma source(%arg16 : memref<5000xf32, #tpu.memory_space<vmem>>) target(%dma_start3A_138 : memref<100096xf32, #tpu.memory_space<vmem_shared>>) offsets(%arg12 : memref<5000xi32, #tpu.memory_space<vmem>>) semaphore(%arg25 : memref<!tpu.dma_semaphore, #tpu.memory_space<semaphore_mem>>) {add = true}
    %add3A_139 = arith.constant 60000 : i32
    %add3A_140 = arith.addi %mul3A_4, %add3A_139 : i32
    "tpu.region"() ({
      %run_scoped3A = tpu.sem_alloc : memref<!tpu.dma_semaphore, #tpu.memory_space<semaphore_mem>>
      %dma_start3A_249 = tpu.memref_slice %arg2[%add3A_140] : memref<6400000xi32, #tpu.memory_space<hbm>> -> memref<5000xi32, #tpu.memory_space<hbm>>
      %dma_start3A_250 = tpu.memref_slice %arg2[%add3A_140] : memref<6400000xi32, #tpu.memory_space<hbm>> -> memref<5000xi32, #tpu.memory_space<hbm>>
      tpu.enqueue_dma source(%dma_start3A_250 : memref<5000xi32, #tpu.memory_space<hbm>>) target(%arg6 : memref<5000xi32, #tpu.memory_space<vmem>>) target_semaphore(%run_scoped3A : memref<!tpu.dma_semaphore, #tpu.memory_space<semaphore_mem>>)
      %dma_wait3A_251 = tpu.memref_slice %arg2[%add3A_140] : memref<6400000xi32, #tpu.memory_space<hbm>> -> memref<5000xi32, #tpu.memory_space<hbm>>
      %dma_wait3A_252 = tpu.memref_slice %arg2[%add3A_140] : memref<6400000xi32, #tpu.memory_space<hbm>> -> memref<5000xi32, #tpu.memory_space<hbm>>
      tpu.wait_dma2 semaphore(%run_scoped3A : memref<!tpu.dma_semaphore, #tpu.memory_space<semaphore_mem>>) src(%dma_wait3A_252 : memref<5000xi32, #tpu.memory_space<hbm>>) dst(%arg6 : memref<5000xi32, #tpu.memory_space<vmem>>)
      tpu.yield
    }) : () -> ()
    %add3A_141 = arith.constant 3200000 : i32
    %add3A_142 = arith.addi %add3A_141, %add3A_140 : i32
    "tpu.region"() ({
      %run_scoped3A = tpu.sem_alloc : memref<!tpu.dma_semaphore, #tpu.memory_space<semaphore_mem>>
      %dma_start3A_249 = tpu.memref_slice %arg2[%add3A_142] : memref<6400000xi32, #tpu.memory_space<hbm>> -> memref<5000xi32, #tpu.memory_space<hbm>>
      %dma_start3A_250 = tpu.memref_slice %arg2[%add3A_142] : memref<6400000xi32, #tpu.memory_space<hbm>> -> memref<5000xi32, #tpu.memory_space<hbm>>
      tpu.enqueue_dma source(%dma_start3A_250 : memref<5000xi32, #tpu.memory_space<hbm>>) target(%arg10 : memref<5000xi32, #tpu.memory_space<vmem>>) target_semaphore(%run_scoped3A : memref<!tpu.dma_semaphore, #tpu.memory_space<semaphore_mem>>)
      %dma_wait3A_251 = tpu.memref_slice %arg2[%add3A_142] : memref<6400000xi32, #tpu.memory_space<hbm>> -> memref<5000xi32, #tpu.memory_space<hbm>>
      %dma_wait3A_252 = tpu.memref_slice %arg2[%add3A_142] : memref<6400000xi32, #tpu.memory_space<hbm>> -> memref<5000xi32, #tpu.memory_space<hbm>>
      tpu.wait_dma2 semaphore(%run_scoped3A : memref<!tpu.dma_semaphore, #tpu.memory_space<semaphore_mem>>) src(%dma_wait3A_252 : memref<5000xi32, #tpu.memory_space<hbm>>) dst(%arg10 : memref<5000xi32, #tpu.memory_space<vmem>>)
      tpu.yield
    }) : () -> ()
    %dma_start3A_143 = arith.constant 0 : i32
    %dma_start3A_144 = tpu.memref_slice %arg19[%dma_start3A_143] : memref<100096xf32, #tpu.memory_space<vmem_shared>> -> memref<100096xf32, #tpu.memory_space<vmem_shared>>
    tpu.enqueue_indirect_dma source(%dma_start3A_144 : memref<100096xf32, #tpu.memory_space<vmem_shared>>) target(%arg14 : memref<5000xf32, #tpu.memory_space<vmem>>) offsets(%arg6 : memref<5000xi32, #tpu.memory_space<vmem>>) semaphore(%arg21 : memref<!tpu.dma_semaphore, #tpu.memory_space<semaphore_mem>>)
    %dma_wait3A_145 = arith.constant 0 : i32
    %dma_wait3A_146 = tpu.memref_slice %arg19[%dma_wait3A_145] : memref<100096xf32, #tpu.memory_space<vmem_shared>> -> memref<100096xf32, #tpu.memory_space<vmem_shared>>
    tpu.wait_indirect_dma semaphore(%arg24 : memref<!tpu.dma_semaphore, #tpu.memory_space<semaphore_mem>>) src(%dma_wait3A_146 : memref<100096xf32, #tpu.memory_space<vmem_shared>>) dst(%arg17 : memref<5000xf32, #tpu.memory_space<vmem>>)
    %dma_wait3A_147 = arith.constant 0 : i32
    %dma_wait3A_148 = tpu.memref_slice %arg20[%dma_wait3A_147] : memref<100096xf32, #tpu.memory_space<vmem_shared>> -> memref<100096xf32, #tpu.memory_space<vmem_shared>>
    tpu.wait_indirect_dma semaphore(%arg25 : memref<!tpu.dma_semaphore, #tpu.memory_space<semaphore_mem>>) src(%arg16 : memref<5000xf32, #tpu.memory_space<vmem>>) dst(%dma_wait3A_148 : memref<100096xf32, #tpu.memory_space<vmem_shared>>)
    %dma_start3A_149 = arith.constant 0 : i32
    %dma_start3A_150 = tpu.memref_slice %arg20[%dma_start3A_149] : memref<100096xf32, #tpu.memory_space<vmem_shared>> -> memref<100096xf32, #tpu.memory_space<vmem_shared>>
    tpu.enqueue_indirect_dma source(%arg17 : memref<5000xf32, #tpu.memory_space<vmem>>) target(%dma_start3A_150 : memref<100096xf32, #tpu.memory_space<vmem_shared>>) offsets(%arg13 : memref<5000xi32, #tpu.memory_space<vmem>>) semaphore(%arg25 : memref<!tpu.dma_semaphore, #tpu.memory_space<semaphore_mem>>) {add = true}
    %add3A_151 = arith.constant 65000 : i32
    %add3A_152 = arith.addi %mul3A_4, %add3A_151 : i32
    "tpu.region"() ({
      %run_scoped3A = tpu.sem_alloc : memref<!tpu.dma_semaphore, #tpu.memory_space<semaphore_mem>>
      %dma_start3A_249 = tpu.memref_slice %arg2[%add3A_152] : memref<6400000xi32, #tpu.memory_space<hbm>> -> memref<5000xi32, #tpu.memory_space<hbm>>
      %dma_start3A_250 = tpu.memref_slice %arg2[%add3A_152] : memref<6400000xi32, #tpu.memory_space<hbm>> -> memref<5000xi32, #tpu.memory_space<hbm>>
      tpu.enqueue_dma source(%dma_start3A_250 : memref<5000xi32, #tpu.memory_space<hbm>>) target(%arg7 : memref<5000xi32, #tpu.memory_space<vmem>>) target_semaphore(%run_scoped3A : memref<!tpu.dma_semaphore, #tpu.memory_space<semaphore_mem>>)
      %dma_wait3A_251 = tpu.memref_slice %arg2[%add3A_152] : memref<6400000xi32, #tpu.memory_space<hbm>> -> memref<5000xi32, #tpu.memory_space<hbm>>
      %dma_wait3A_252 = tpu.memref_slice %arg2[%add3A_152] : memref<6400000xi32, #tpu.memory_space<hbm>> -> memref<5000xi32, #tpu.memory_space<hbm>>
      tpu.wait_dma2 semaphore(%run_scoped3A : memref<!tpu.dma_semaphore, #tpu.memory_space<semaphore_mem>>) src(%dma_wait3A_252 : memref<5000xi32, #tpu.memory_space<hbm>>) dst(%arg7 : memref<5000xi32, #tpu.memory_space<vmem>>)
      tpu.yield
    }) : () -> ()
    %add3A_153 = arith.constant 3200000 : i32
    %add3A_154 = arith.addi %add3A_153, %add3A_152 : i32
    "tpu.region"() ({
      %run_scoped3A = tpu.sem_alloc : memref<!tpu.dma_semaphore, #tpu.memory_space<semaphore_mem>>
      %dma_start3A_249 = tpu.memref_slice %arg2[%add3A_154] : memref<6400000xi32, #tpu.memory_space<hbm>> -> memref<5000xi32, #tpu.memory_space<hbm>>
      %dma_start3A_250 = tpu.memref_slice %arg2[%add3A_154] : memref<6400000xi32, #tpu.memory_space<hbm>> -> memref<5000xi32, #tpu.memory_space<hbm>>
      tpu.enqueue_dma source(%dma_start3A_250 : memref<5000xi32, #tpu.memory_space<hbm>>) target(%arg11 : memref<5000xi32, #tpu.memory_space<vmem>>) target_semaphore(%run_scoped3A : memref<!tpu.dma_semaphore, #tpu.memory_space<semaphore_mem>>)
      %dma_wait3A_251 = tpu.memref_slice %arg2[%add3A_154] : memref<6400000xi32, #tpu.memory_space<hbm>> -> memref<5000xi32, #tpu.memory_space<hbm>>
      %dma_wait3A_252 = tpu.memref_slice %arg2[%add3A_154] : memref<6400000xi32, #tpu.memory_space<hbm>> -> memref<5000xi32, #tpu.memory_space<hbm>>
      tpu.wait_dma2 semaphore(%run_scoped3A : memref<!tpu.dma_semaphore, #tpu.memory_space<semaphore_mem>>) src(%dma_wait3A_252 : memref<5000xi32, #tpu.memory_space<hbm>>) dst(%arg11 : memref<5000xi32, #tpu.memory_space<vmem>>)
      tpu.yield
    }) : () -> ()
    %dma_start3A_155 = arith.constant 0 : i32
    %dma_start3A_156 = tpu.memref_slice %arg19[%dma_start3A_155] : memref<100096xf32, #tpu.memory_space<vmem_shared>> -> memref<100096xf32, #tpu.memory_space<vmem_shared>>
    tpu.enqueue_indirect_dma source(%dma_start3A_156 : memref<100096xf32, #tpu.memory_space<vmem_shared>>) target(%arg15 : memref<5000xf32, #tpu.memory_space<vmem>>) offsets(%arg7 : memref<5000xi32, #tpu.memory_space<vmem>>) semaphore(%arg22 : memref<!tpu.dma_semaphore, #tpu.memory_space<semaphore_mem>>)
    %dma_wait3A_157 = arith.constant 0 : i32
    %dma_wait3A_158 = tpu.memref_slice %arg19[%dma_wait3A_157] : memref<100096xf32, #tpu.memory_space<vmem_shared>> -> memref<100096xf32, #tpu.memory_space<vmem_shared>>
    tpu.wait_indirect_dma semaphore(%arg21 : memref<!tpu.dma_semaphore, #tpu.memory_space<semaphore_mem>>) src(%dma_wait3A_158 : memref<100096xf32, #tpu.memory_space<vmem_shared>>) dst(%arg14 : memref<5000xf32, #tpu.memory_space<vmem>>)
    %dma_wait3A_159 = arith.constant 0 : i32
    %dma_wait3A_160 = tpu.memref_slice %arg20[%dma_wait3A_159] : memref<100096xf32, #tpu.memory_space<vmem_shared>> -> memref<100096xf32, #tpu.memory_space<vmem_shared>>
    tpu.wait_indirect_dma semaphore(%arg25 : memref<!tpu.dma_semaphore, #tpu.memory_space<semaphore_mem>>) src(%arg17 : memref<5000xf32, #tpu.memory_space<vmem>>) dst(%dma_wait3A_160 : memref<100096xf32, #tpu.memory_space<vmem_shared>>)
    %dma_start3A_161 = arith.constant 0 : i32
    %dma_start3A_162 = tpu.memref_slice %arg20[%dma_start3A_161] : memref<100096xf32, #tpu.memory_space<vmem_shared>> -> memref<100096xf32, #tpu.memory_space<vmem_shared>>
    tpu.enqueue_indirect_dma source(%arg14 : memref<5000xf32, #tpu.memory_space<vmem>>) target(%dma_start3A_162 : memref<100096xf32, #tpu.memory_space<vmem_shared>>) offsets(%arg10 : memref<5000xi32, #tpu.memory_space<vmem>>) semaphore(%arg25 : memref<!tpu.dma_semaphore, #tpu.memory_space<semaphore_mem>>) {add = true}
    %add3A_163 = arith.constant 70000 : i32
    %add3A_164 = arith.addi %mul3A_4, %add3A_163 : i32
    "tpu.region"() ({
      %run_scoped3A = tpu.sem_alloc : memref<!tpu.dma_semaphore, #tpu.memory_space<semaphore_mem>>
      %dma_start3A_249 = tpu.memref_slice %arg2[%add3A_164] : memref<6400000xi32, #tpu.memory_space<hbm>> -> memref<5000xi32, #tpu.memory_space<hbm>>
      %dma_start3A_250 = tpu.memref_slice %arg2[%add3A_164] : memref<6400000xi32, #tpu.memory_space<hbm>> -> memref<5000xi32, #tpu.memory_space<hbm>>
      tpu.enqueue_dma source(%dma_start3A_250 : memref<5000xi32, #tpu.memory_space<hbm>>) target(%arg8 : memref<5000xi32, #tpu.memory_space<vmem>>) target_semaphore(%run_scoped3A : memref<!tpu.dma_semaphore, #tpu.memory_space<semaphore_mem>>)
      %dma_wait3A_251 = tpu.memref_slice %arg2[%add3A_164] : memref<6400000xi32, #tpu.memory_space<hbm>> -> memref<5000xi32, #tpu.memory_space<hbm>>
      %dma_wait3A_252 = tpu.memref_slice %arg2[%add3A_164] : memref<6400000xi32, #tpu.memory_space<hbm>> -> memref<5000xi32, #tpu.memory_space<hbm>>
      tpu.wait_dma2 semaphore(%run_scoped3A : memref<!tpu.dma_semaphore, #tpu.memory_space<semaphore_mem>>) src(%dma_wait3A_252 : memref<5000xi32, #tpu.memory_space<hbm>>) dst(%arg8 : memref<5000xi32, #tpu.memory_space<vmem>>)
      tpu.yield
    }) : () -> ()
    %add3A_165 = arith.constant 3200000 : i32
    %add3A_166 = arith.addi %add3A_165, %add3A_164 : i32
    "tpu.region"() ({
      %run_scoped3A = tpu.sem_alloc : memref<!tpu.dma_semaphore, #tpu.memory_space<semaphore_mem>>
      %dma_start3A_249 = tpu.memref_slice %arg2[%add3A_166] : memref<6400000xi32, #tpu.memory_space<hbm>> -> memref<5000xi32, #tpu.memory_space<hbm>>
      %dma_start3A_250 = tpu.memref_slice %arg2[%add3A_166] : memref<6400000xi32, #tpu.memory_space<hbm>> -> memref<5000xi32, #tpu.memory_space<hbm>>
      tpu.enqueue_dma source(%dma_start3A_250 : memref<5000xi32, #tpu.memory_space<hbm>>) target(%arg12 : memref<5000xi32, #tpu.memory_space<vmem>>) target_semaphore(%run_scoped3A : memref<!tpu.dma_semaphore, #tpu.memory_space<semaphore_mem>>)
      %dma_wait3A_251 = tpu.memref_slice %arg2[%add3A_166] : memref<6400000xi32, #tpu.memory_space<hbm>> -> memref<5000xi32, #tpu.memory_space<hbm>>
      %dma_wait3A_252 = tpu.memref_slice %arg2[%add3A_166] : memref<6400000xi32, #tpu.memory_space<hbm>> -> memref<5000xi32, #tpu.memory_space<hbm>>
      tpu.wait_dma2 semaphore(%run_scoped3A : memref<!tpu.dma_semaphore, #tpu.memory_space<semaphore_mem>>) src(%dma_wait3A_252 : memref<5000xi32, #tpu.memory_space<hbm>>) dst(%arg12 : memref<5000xi32, #tpu.memory_space<vmem>>)
      tpu.yield
    }) : () -> ()
    %dma_start3A_167 = arith.constant 0 : i32
    %dma_start3A_168 = tpu.memref_slice %arg19[%dma_start3A_167] : memref<100096xf32, #tpu.memory_space<vmem_shared>> -> memref<100096xf32, #tpu.memory_space<vmem_shared>>
    tpu.enqueue_indirect_dma source(%dma_start3A_168 : memref<100096xf32, #tpu.memory_space<vmem_shared>>) target(%arg16 : memref<5000xf32, #tpu.memory_space<vmem>>) offsets(%arg8 : memref<5000xi32, #tpu.memory_space<vmem>>) semaphore(%arg23 : memref<!tpu.dma_semaphore, #tpu.memory_space<semaphore_mem>>)
    %dma_wait3A_169 = arith.constant 0 : i32
    %dma_wait3A_170 = tpu.memref_slice %arg19[%dma_wait3A_169] : memref<100096xf32, #tpu.memory_space<vmem_shared>> -> memref<100096xf32, #tpu.memory_space<vmem_shared>>
    tpu.wait_indirect_dma semaphore(%arg22 : memref<!tpu.dma_semaphore, #tpu.memory_space<semaphore_mem>>) src(%dma_wait3A_170 : memref<100096xf32, #tpu.memory_space<vmem_shared>>) dst(%arg15 : memref<5000xf32, #tpu.memory_space<vmem>>)
    %dma_wait3A_171 = arith.constant 0 : i32
    %dma_wait3A_172 = tpu.memref_slice %arg20[%dma_wait3A_171] : memref<100096xf32, #tpu.memory_space<vmem_shared>> -> memref<100096xf32, #tpu.memory_space<vmem_shared>>
    tpu.wait_indirect_dma semaphore(%arg25 : memref<!tpu.dma_semaphore, #tpu.memory_space<semaphore_mem>>) src(%arg14 : memref<5000xf32, #tpu.memory_space<vmem>>) dst(%dma_wait3A_172 : memref<100096xf32, #tpu.memory_space<vmem_shared>>)
    %dma_start3A_173 = arith.constant 0 : i32
    %dma_start3A_174 = tpu.memref_slice %arg20[%dma_start3A_173] : memref<100096xf32, #tpu.memory_space<vmem_shared>> -> memref<100096xf32, #tpu.memory_space<vmem_shared>>
    tpu.enqueue_indirect_dma source(%arg15 : memref<5000xf32, #tpu.memory_space<vmem>>) target(%dma_start3A_174 : memref<100096xf32, #tpu.memory_space<vmem_shared>>) offsets(%arg11 : memref<5000xi32, #tpu.memory_space<vmem>>) semaphore(%arg25 : memref<!tpu.dma_semaphore, #tpu.memory_space<semaphore_mem>>) {add = true}
    %add3A_175 = arith.constant 75000 : i32
    %add3A_176 = arith.addi %mul3A_4, %add3A_175 : i32
    "tpu.region"() ({
      %run_scoped3A = tpu.sem_alloc : memref<!tpu.dma_semaphore, #tpu.memory_space<semaphore_mem>>
      %dma_start3A_249 = tpu.memref_slice %arg2[%add3A_176] : memref<6400000xi32, #tpu.memory_space<hbm>> -> memref<5000xi32, #tpu.memory_space<hbm>>
      %dma_start3A_250 = tpu.memref_slice %arg2[%add3A_176] : memref<6400000xi32, #tpu.memory_space<hbm>> -> memref<5000xi32, #tpu.memory_space<hbm>>
      tpu.enqueue_dma source(%dma_start3A_250 : memref<5000xi32, #tpu.memory_space<hbm>>) target(%arg9 : memref<5000xi32, #tpu.memory_space<vmem>>) target_semaphore(%run_scoped3A : memref<!tpu.dma_semaphore, #tpu.memory_space<semaphore_mem>>)
      %dma_wait3A_251 = tpu.memref_slice %arg2[%add3A_176] : memref<6400000xi32, #tpu.memory_space<hbm>> -> memref<5000xi32, #tpu.memory_space<hbm>>
      %dma_wait3A_252 = tpu.memref_slice %arg2[%add3A_176] : memref<6400000xi32, #tpu.memory_space<hbm>> -> memref<5000xi32, #tpu.memory_space<hbm>>
      tpu.wait_dma2 semaphore(%run_scoped3A : memref<!tpu.dma_semaphore, #tpu.memory_space<semaphore_mem>>) src(%dma_wait3A_252 : memref<5000xi32, #tpu.memory_space<hbm>>) dst(%arg9 : memref<5000xi32, #tpu.memory_space<vmem>>)
      tpu.yield
    }) : () -> ()
    %add3A_177 = arith.constant 3200000 : i32
    %add3A_178 = arith.addi %add3A_177, %add3A_176 : i32
    "tpu.region"() ({
      %run_scoped3A = tpu.sem_alloc : memref<!tpu.dma_semaphore, #tpu.memory_space<semaphore_mem>>
      %dma_start3A_249 = tpu.memref_slice %arg2[%add3A_178] : memref<6400000xi32, #tpu.memory_space<hbm>> -> memref<5000xi32, #tpu.memory_space<hbm>>
      %dma_start3A_250 = tpu.memref_slice %arg2[%add3A_178] : memref<6400000xi32, #tpu.memory_space<hbm>> -> memref<5000xi32, #tpu.memory_space<hbm>>
      tpu.enqueue_dma source(%dma_start3A_250 : memref<5000xi32, #tpu.memory_space<hbm>>) target(%arg13 : memref<5000xi32, #tpu.memory_space<vmem>>) target_semaphore(%run_scoped3A : memref<!tpu.dma_semaphore, #tpu.memory_space<semaphore_mem>>)
      %dma_wait3A_251 = tpu.memref_slice %arg2[%add3A_178] : memref<6400000xi32, #tpu.memory_space<hbm>> -> memref<5000xi32, #tpu.memory_space<hbm>>
      %dma_wait3A_252 = tpu.memref_slice %arg2[%add3A_178] : memref<6400000xi32, #tpu.memory_space<hbm>> -> memref<5000xi32, #tpu.memory_space<hbm>>
      tpu.wait_dma2 semaphore(%run_scoped3A : memref<!tpu.dma_semaphore, #tpu.memory_space<semaphore_mem>>) src(%dma_wait3A_252 : memref<5000xi32, #tpu.memory_space<hbm>>) dst(%arg13 : memref<5000xi32, #tpu.memory_space<vmem>>)
      tpu.yield
    }) : () -> ()
    %dma_start3A_179 = arith.constant 0 : i32
    %dma_start3A_180 = tpu.memref_slice %arg19[%dma_start3A_179] : memref<100096xf32, #tpu.memory_space<vmem_shared>> -> memref<100096xf32, #tpu.memory_space<vmem_shared>>
    tpu.enqueue_indirect_dma source(%dma_start3A_180 : memref<100096xf32, #tpu.memory_space<vmem_shared>>) target(%arg17 : memref<5000xf32, #tpu.memory_space<vmem>>) offsets(%arg9 : memref<5000xi32, #tpu.memory_space<vmem>>) semaphore(%arg24 : memref<!tpu.dma_semaphore, #tpu.memory_space<semaphore_mem>>)
    %dma_wait3A_181 = arith.constant 0 : i32
    %dma_wait3A_182 = tpu.memref_slice %arg19[%dma_wait3A_181] : memref<100096xf32, #tpu.memory_space<vmem_shared>> -> memref<100096xf32, #tpu.memory_space<vmem_shared>>
    tpu.wait_indirect_dma semaphore(%arg23 : memref<!tpu.dma_semaphore, #tpu.memory_space<semaphore_mem>>) src(%dma_wait3A_182 : memref<100096xf32, #tpu.memory_space<vmem_shared>>) dst(%arg16 : memref<5000xf32, #tpu.memory_space<vmem>>)
    %dma_wait3A_183 = arith.constant 0 : i32
    %dma_wait3A_184 = tpu.memref_slice %arg20[%dma_wait3A_183] : memref<100096xf32, #tpu.memory_space<vmem_shared>> -> memref<100096xf32, #tpu.memory_space<vmem_shared>>
    tpu.wait_indirect_dma semaphore(%arg25 : memref<!tpu.dma_semaphore, #tpu.memory_space<semaphore_mem>>) src(%arg15 : memref<5000xf32, #tpu.memory_space<vmem>>) dst(%dma_wait3A_184 : memref<100096xf32, #tpu.memory_space<vmem_shared>>)
    %dma_start3A_185 = arith.constant 0 : i32
    %dma_start3A_186 = tpu.memref_slice %arg20[%dma_start3A_185] : memref<100096xf32, #tpu.memory_space<vmem_shared>> -> memref<100096xf32, #tpu.memory_space<vmem_shared>>
    tpu.enqueue_indirect_dma source(%arg16 : memref<5000xf32, #tpu.memory_space<vmem>>) target(%dma_start3A_186 : memref<100096xf32, #tpu.memory_space<vmem_shared>>) offsets(%arg12 : memref<5000xi32, #tpu.memory_space<vmem>>) semaphore(%arg25 : memref<!tpu.dma_semaphore, #tpu.memory_space<semaphore_mem>>) {add = true}
    %add3A_187 = arith.constant 80000 : i32
    %add3A_188 = arith.addi %mul3A_4, %add3A_187 : i32
    "tpu.region"() ({
      %run_scoped3A = tpu.sem_alloc : memref<!tpu.dma_semaphore, #tpu.memory_space<semaphore_mem>>
      %dma_start3A_249 = tpu.memref_slice %arg2[%add3A_188] : memref<6400000xi32, #tpu.memory_space<hbm>> -> memref<5000xi32, #tpu.memory_space<hbm>>
      %dma_start3A_250 = tpu.memref_slice %arg2[%add3A_188] : memref<6400000xi32, #tpu.memory_space<hbm>> -> memref<5000xi32, #tpu.memory_space<hbm>>
      tpu.enqueue_dma source(%dma_start3A_250 : memref<5000xi32, #tpu.memory_space<hbm>>) target(%arg6 : memref<5000xi32, #tpu.memory_space<vmem>>) target_semaphore(%run_scoped3A : memref<!tpu.dma_semaphore, #tpu.memory_space<semaphore_mem>>)
      %dma_wait3A_251 = tpu.memref_slice %arg2[%add3A_188] : memref<6400000xi32, #tpu.memory_space<hbm>> -> memref<5000xi32, #tpu.memory_space<hbm>>
      %dma_wait3A_252 = tpu.memref_slice %arg2[%add3A_188] : memref<6400000xi32, #tpu.memory_space<hbm>> -> memref<5000xi32, #tpu.memory_space<hbm>>
      tpu.wait_dma2 semaphore(%run_scoped3A : memref<!tpu.dma_semaphore, #tpu.memory_space<semaphore_mem>>) src(%dma_wait3A_252 : memref<5000xi32, #tpu.memory_space<hbm>>) dst(%arg6 : memref<5000xi32, #tpu.memory_space<vmem>>)
      tpu.yield
    }) : () -> ()
    %add3A_189 = arith.constant 3200000 : i32
    %add3A_190 = arith.addi %add3A_189, %add3A_188 : i32
    "tpu.region"() ({
      %run_scoped3A = tpu.sem_alloc : memref<!tpu.dma_semaphore, #tpu.memory_space<semaphore_mem>>
      %dma_start3A_249 = tpu.memref_slice %arg2[%add3A_190] : memref<6400000xi32, #tpu.memory_space<hbm>> -> memref<5000xi32, #tpu.memory_space<hbm>>
      %dma_start3A_250 = tpu.memref_slice %arg2[%add3A_190] : memref<6400000xi32, #tpu.memory_space<hbm>> -> memref<5000xi32, #tpu.memory_space<hbm>>
      tpu.enqueue_dma source(%dma_start3A_250 : memref<5000xi32, #tpu.memory_space<hbm>>) target(%arg10 : memref<5000xi32, #tpu.memory_space<vmem>>) target_semaphore(%run_scoped3A : memref<!tpu.dma_semaphore, #tpu.memory_space<semaphore_mem>>)
      %dma_wait3A_251 = tpu.memref_slice %arg2[%add3A_190] : memref<6400000xi32, #tpu.memory_space<hbm>> -> memref<5000xi32, #tpu.memory_space<hbm>>
      %dma_wait3A_252 = tpu.memref_slice %arg2[%add3A_190] : memref<6400000xi32, #tpu.memory_space<hbm>> -> memref<5000xi32, #tpu.memory_space<hbm>>
      tpu.wait_dma2 semaphore(%run_scoped3A : memref<!tpu.dma_semaphore, #tpu.memory_space<semaphore_mem>>) src(%dma_wait3A_252 : memref<5000xi32, #tpu.memory_space<hbm>>) dst(%arg10 : memref<5000xi32, #tpu.memory_space<vmem>>)
      tpu.yield
    }) : () -> ()
    %dma_start3A_191 = arith.constant 0 : i32
    %dma_start3A_192 = tpu.memref_slice %arg19[%dma_start3A_191] : memref<100096xf32, #tpu.memory_space<vmem_shared>> -> memref<100096xf32, #tpu.memory_space<vmem_shared>>
    tpu.enqueue_indirect_dma source(%dma_start3A_192 : memref<100096xf32, #tpu.memory_space<vmem_shared>>) target(%arg14 : memref<5000xf32, #tpu.memory_space<vmem>>) offsets(%arg6 : memref<5000xi32, #tpu.memory_space<vmem>>) semaphore(%arg21 : memref<!tpu.dma_semaphore, #tpu.memory_space<semaphore_mem>>)
    %dma_wait3A_193 = arith.constant 0 : i32
    %dma_wait3A_194 = tpu.memref_slice %arg19[%dma_wait3A_193] : memref<100096xf32, #tpu.memory_space<vmem_shared>> -> memref<100096xf32, #tpu.memory_space<vmem_shared>>
    tpu.wait_indirect_dma semaphore(%arg24 : memref<!tpu.dma_semaphore, #tpu.memory_space<semaphore_mem>>) src(%dma_wait3A_194 : memref<100096xf32, #tpu.memory_space<vmem_shared>>) dst(%arg17 : memref<5000xf32, #tpu.memory_space<vmem>>)
    %dma_wait3A_195 = arith.constant 0 : i32
    %dma_wait3A_196 = tpu.memref_slice %arg20[%dma_wait3A_195] : memref<100096xf32, #tpu.memory_space<vmem_shared>> -> memref<100096xf32, #tpu.memory_space<vmem_shared>>
    tpu.wait_indirect_dma semaphore(%arg25 : memref<!tpu.dma_semaphore, #tpu.memory_space<semaphore_mem>>) src(%arg16 : memref<5000xf32, #tpu.memory_space<vmem>>) dst(%dma_wait3A_196 : memref<100096xf32, #tpu.memory_space<vmem_shared>>)
    %dma_start3A_197 = arith.constant 0 : i32
    %dma_start3A_198 = tpu.memref_slice %arg20[%dma_start3A_197] : memref<100096xf32, #tpu.memory_space<vmem_shared>> -> memref<100096xf32, #tpu.memory_space<vmem_shared>>
    tpu.enqueue_indirect_dma source(%arg17 : memref<5000xf32, #tpu.memory_space<vmem>>) target(%dma_start3A_198 : memref<100096xf32, #tpu.memory_space<vmem_shared>>) offsets(%arg13 : memref<5000xi32, #tpu.memory_space<vmem>>) semaphore(%arg25 : memref<!tpu.dma_semaphore, #tpu.memory_space<semaphore_mem>>) {add = true}
    %add3A_199 = arith.constant 85000 : i32
    %add3A_200 = arith.addi %mul3A_4, %add3A_199 : i32
    "tpu.region"() ({
      %run_scoped3A = tpu.sem_alloc : memref<!tpu.dma_semaphore, #tpu.memory_space<semaphore_mem>>
      %dma_start3A_249 = tpu.memref_slice %arg2[%add3A_200] : memref<6400000xi32, #tpu.memory_space<hbm>> -> memref<5000xi32, #tpu.memory_space<hbm>>
      %dma_start3A_250 = tpu.memref_slice %arg2[%add3A_200] : memref<6400000xi32, #tpu.memory_space<hbm>> -> memref<5000xi32, #tpu.memory_space<hbm>>
      tpu.enqueue_dma source(%dma_start3A_250 : memref<5000xi32, #tpu.memory_space<hbm>>) target(%arg7 : memref<5000xi32, #tpu.memory_space<vmem>>) target_semaphore(%run_scoped3A : memref<!tpu.dma_semaphore, #tpu.memory_space<semaphore_mem>>)
      %dma_wait3A_251 = tpu.memref_slice %arg2[%add3A_200] : memref<6400000xi32, #tpu.memory_space<hbm>> -> memref<5000xi32, #tpu.memory_space<hbm>>
      %dma_wait3A_252 = tpu.memref_slice %arg2[%add3A_200] : memref<6400000xi32, #tpu.memory_space<hbm>> -> memref<5000xi32, #tpu.memory_space<hbm>>
      tpu.wait_dma2 semaphore(%run_scoped3A : memref<!tpu.dma_semaphore, #tpu.memory_space<semaphore_mem>>) src(%dma_wait3A_252 : memref<5000xi32, #tpu.memory_space<hbm>>) dst(%arg7 : memref<5000xi32, #tpu.memory_space<vmem>>)
      tpu.yield
    }) : () -> ()
    %add3A_201 = arith.constant 3200000 : i32
    %add3A_202 = arith.addi %add3A_201, %add3A_200 : i32
    "tpu.region"() ({
      %run_scoped3A = tpu.sem_alloc : memref<!tpu.dma_semaphore, #tpu.memory_space<semaphore_mem>>
      %dma_start3A_249 = tpu.memref_slice %arg2[%add3A_202] : memref<6400000xi32, #tpu.memory_space<hbm>> -> memref<5000xi32, #tpu.memory_space<hbm>>
      %dma_start3A_250 = tpu.memref_slice %arg2[%add3A_202] : memref<6400000xi32, #tpu.memory_space<hbm>> -> memref<5000xi32, #tpu.memory_space<hbm>>
      tpu.enqueue_dma source(%dma_start3A_250 : memref<5000xi32, #tpu.memory_space<hbm>>) target(%arg11 : memref<5000xi32, #tpu.memory_space<vmem>>) target_semaphore(%run_scoped3A : memref<!tpu.dma_semaphore, #tpu.memory_space<semaphore_mem>>)
      %dma_wait3A_251 = tpu.memref_slice %arg2[%add3A_202] : memref<6400000xi32, #tpu.memory_space<hbm>> -> memref<5000xi32, #tpu.memory_space<hbm>>
      %dma_wait3A_252 = tpu.memref_slice %arg2[%add3A_202] : memref<6400000xi32, #tpu.memory_space<hbm>> -> memref<5000xi32, #tpu.memory_space<hbm>>
      tpu.wait_dma2 semaphore(%run_scoped3A : memref<!tpu.dma_semaphore, #tpu.memory_space<semaphore_mem>>) src(%dma_wait3A_252 : memref<5000xi32, #tpu.memory_space<hbm>>) dst(%arg11 : memref<5000xi32, #tpu.memory_space<vmem>>)
      tpu.yield
    }) : () -> ()
    %dma_start3A_203 = arith.constant 0 : i32
    %dma_start3A_204 = tpu.memref_slice %arg19[%dma_start3A_203] : memref<100096xf32, #tpu.memory_space<vmem_shared>> -> memref<100096xf32, #tpu.memory_space<vmem_shared>>
    tpu.enqueue_indirect_dma source(%dma_start3A_204 : memref<100096xf32, #tpu.memory_space<vmem_shared>>) target(%arg15 : memref<5000xf32, #tpu.memory_space<vmem>>) offsets(%arg7 : memref<5000xi32, #tpu.memory_space<vmem>>) semaphore(%arg22 : memref<!tpu.dma_semaphore, #tpu.memory_space<semaphore_mem>>)
    %dma_wait3A_205 = arith.constant 0 : i32
    %dma_wait3A_206 = tpu.memref_slice %arg19[%dma_wait3A_205] : memref<100096xf32, #tpu.memory_space<vmem_shared>> -> memref<100096xf32, #tpu.memory_space<vmem_shared>>
    tpu.wait_indirect_dma semaphore(%arg21 : memref<!tpu.dma_semaphore, #tpu.memory_space<semaphore_mem>>) src(%dma_wait3A_206 : memref<100096xf32, #tpu.memory_space<vmem_shared>>) dst(%arg14 : memref<5000xf32, #tpu.memory_space<vmem>>)
    %dma_wait3A_207 = arith.constant 0 : i32
    %dma_wait3A_208 = tpu.memref_slice %arg20[%dma_wait3A_207] : memref<100096xf32, #tpu.memory_space<vmem_shared>> -> memref<100096xf32, #tpu.memory_space<vmem_shared>>
    tpu.wait_indirect_dma semaphore(%arg25 : memref<!tpu.dma_semaphore, #tpu.memory_space<semaphore_mem>>) src(%arg17 : memref<5000xf32, #tpu.memory_space<vmem>>) dst(%dma_wait3A_208 : memref<100096xf32, #tpu.memory_space<vmem_shared>>)
    %dma_start3A_209 = arith.constant 0 : i32
    %dma_start3A_210 = tpu.memref_slice %arg20[%dma_start3A_209] : memref<100096xf32, #tpu.memory_space<vmem_shared>> -> memref<100096xf32, #tpu.memory_space<vmem_shared>>
    tpu.enqueue_indirect_dma source(%arg14 : memref<5000xf32, #tpu.memory_space<vmem>>) target(%dma_start3A_210 : memref<100096xf32, #tpu.memory_space<vmem_shared>>) offsets(%arg10 : memref<5000xi32, #tpu.memory_space<vmem>>) semaphore(%arg25 : memref<!tpu.dma_semaphore, #tpu.memory_space<semaphore_mem>>) {add = true}
    %add3A_211 = arith.constant 90000 : i32
    %add3A_212 = arith.addi %mul3A_4, %add3A_211 : i32
    "tpu.region"() ({
      %run_scoped3A = tpu.sem_alloc : memref<!tpu.dma_semaphore, #tpu.memory_space<semaphore_mem>>
      %dma_start3A_249 = tpu.memref_slice %arg2[%add3A_212] : memref<6400000xi32, #tpu.memory_space<hbm>> -> memref<5000xi32, #tpu.memory_space<hbm>>
      %dma_start3A_250 = tpu.memref_slice %arg2[%add3A_212] : memref<6400000xi32, #tpu.memory_space<hbm>> -> memref<5000xi32, #tpu.memory_space<hbm>>
      tpu.enqueue_dma source(%dma_start3A_250 : memref<5000xi32, #tpu.memory_space<hbm>>) target(%arg8 : memref<5000xi32, #tpu.memory_space<vmem>>) target_semaphore(%run_scoped3A : memref<!tpu.dma_semaphore, #tpu.memory_space<semaphore_mem>>)
      %dma_wait3A_251 = tpu.memref_slice %arg2[%add3A_212] : memref<6400000xi32, #tpu.memory_space<hbm>> -> memref<5000xi32, #tpu.memory_space<hbm>>
      %dma_wait3A_252 = tpu.memref_slice %arg2[%add3A_212] : memref<6400000xi32, #tpu.memory_space<hbm>> -> memref<5000xi32, #tpu.memory_space<hbm>>
      tpu.wait_dma2 semaphore(%run_scoped3A : memref<!tpu.dma_semaphore, #tpu.memory_space<semaphore_mem>>) src(%dma_wait3A_252 : memref<5000xi32, #tpu.memory_space<hbm>>) dst(%arg8 : memref<5000xi32, #tpu.memory_space<vmem>>)
      tpu.yield
    }) : () -> ()
    %add3A_213 = arith.constant 3200000 : i32
    %add3A_214 = arith.addi %add3A_213, %add3A_212 : i32
    "tpu.region"() ({
      %run_scoped3A = tpu.sem_alloc : memref<!tpu.dma_semaphore, #tpu.memory_space<semaphore_mem>>
      %dma_start3A_249 = tpu.memref_slice %arg2[%add3A_214] : memref<6400000xi32, #tpu.memory_space<hbm>> -> memref<5000xi32, #tpu.memory_space<hbm>>
      %dma_start3A_250 = tpu.memref_slice %arg2[%add3A_214] : memref<6400000xi32, #tpu.memory_space<hbm>> -> memref<5000xi32, #tpu.memory_space<hbm>>
      tpu.enqueue_dma source(%dma_start3A_250 : memref<5000xi32, #tpu.memory_space<hbm>>) target(%arg12 : memref<5000xi32, #tpu.memory_space<vmem>>) target_semaphore(%run_scoped3A : memref<!tpu.dma_semaphore, #tpu.memory_space<semaphore_mem>>)
      %dma_wait3A_251 = tpu.memref_slice %arg2[%add3A_214] : memref<6400000xi32, #tpu.memory_space<hbm>> -> memref<5000xi32, #tpu.memory_space<hbm>>
      %dma_wait3A_252 = tpu.memref_slice %arg2[%add3A_214] : memref<6400000xi32, #tpu.memory_space<hbm>> -> memref<5000xi32, #tpu.memory_space<hbm>>
      tpu.wait_dma2 semaphore(%run_scoped3A : memref<!tpu.dma_semaphore, #tpu.memory_space<semaphore_mem>>) src(%dma_wait3A_252 : memref<5000xi32, #tpu.memory_space<hbm>>) dst(%arg12 : memref<5000xi32, #tpu.memory_space<vmem>>)
      tpu.yield
    }) : () -> ()
    %dma_start3A_215 = arith.constant 0 : i32
    %dma_start3A_216 = tpu.memref_slice %arg19[%dma_start3A_215] : memref<100096xf32, #tpu.memory_space<vmem_shared>> -> memref<100096xf32, #tpu.memory_space<vmem_shared>>
    tpu.enqueue_indirect_dma source(%dma_start3A_216 : memref<100096xf32, #tpu.memory_space<vmem_shared>>) target(%arg16 : memref<5000xf32, #tpu.memory_space<vmem>>) offsets(%arg8 : memref<5000xi32, #tpu.memory_space<vmem>>) semaphore(%arg23 : memref<!tpu.dma_semaphore, #tpu.memory_space<semaphore_mem>>)
    %dma_wait3A_217 = arith.constant 0 : i32
    %dma_wait3A_218 = tpu.memref_slice %arg19[%dma_wait3A_217] : memref<100096xf32, #tpu.memory_space<vmem_shared>> -> memref<100096xf32, #tpu.memory_space<vmem_shared>>
    tpu.wait_indirect_dma semaphore(%arg22 : memref<!tpu.dma_semaphore, #tpu.memory_space<semaphore_mem>>) src(%dma_wait3A_218 : memref<100096xf32, #tpu.memory_space<vmem_shared>>) dst(%arg15 : memref<5000xf32, #tpu.memory_space<vmem>>)
    %dma_wait3A_219 = arith.constant 0 : i32
    %dma_wait3A_220 = tpu.memref_slice %arg20[%dma_wait3A_219] : memref<100096xf32, #tpu.memory_space<vmem_shared>> -> memref<100096xf32, #tpu.memory_space<vmem_shared>>
    tpu.wait_indirect_dma semaphore(%arg25 : memref<!tpu.dma_semaphore, #tpu.memory_space<semaphore_mem>>) src(%arg14 : memref<5000xf32, #tpu.memory_space<vmem>>) dst(%dma_wait3A_220 : memref<100096xf32, #tpu.memory_space<vmem_shared>>)
    %dma_start3A_221 = arith.constant 0 : i32
    %dma_start3A_222 = tpu.memref_slice %arg20[%dma_start3A_221] : memref<100096xf32, #tpu.memory_space<vmem_shared>> -> memref<100096xf32, #tpu.memory_space<vmem_shared>>
    tpu.enqueue_indirect_dma source(%arg15 : memref<5000xf32, #tpu.memory_space<vmem>>) target(%dma_start3A_222 : memref<100096xf32, #tpu.memory_space<vmem_shared>>) offsets(%arg11 : memref<5000xi32, #tpu.memory_space<vmem>>) semaphore(%arg25 : memref<!tpu.dma_semaphore, #tpu.memory_space<semaphore_mem>>) {add = true}
    %add3A_223 = arith.constant 95000 : i32
    %add3A_224 = arith.addi %mul3A_4, %add3A_223 : i32
    "tpu.region"() ({
      %run_scoped3A = tpu.sem_alloc : memref<!tpu.dma_semaphore, #tpu.memory_space<semaphore_mem>>
      %dma_start3A_249 = tpu.memref_slice %arg2[%add3A_224] : memref<6400000xi32, #tpu.memory_space<hbm>> -> memref<5000xi32, #tpu.memory_space<hbm>>
      %dma_start3A_250 = tpu.memref_slice %arg2[%add3A_224] : memref<6400000xi32, #tpu.memory_space<hbm>> -> memref<5000xi32, #tpu.memory_space<hbm>>
      tpu.enqueue_dma source(%dma_start3A_250 : memref<5000xi32, #tpu.memory_space<hbm>>) target(%arg9 : memref<5000xi32, #tpu.memory_space<vmem>>) target_semaphore(%run_scoped3A : memref<!tpu.dma_semaphore, #tpu.memory_space<semaphore_mem>>)
      %dma_wait3A_251 = tpu.memref_slice %arg2[%add3A_224] : memref<6400000xi32, #tpu.memory_space<hbm>> -> memref<5000xi32, #tpu.memory_space<hbm>>
      %dma_wait3A_252 = tpu.memref_slice %arg2[%add3A_224] : memref<6400000xi32, #tpu.memory_space<hbm>> -> memref<5000xi32, #tpu.memory_space<hbm>>
      tpu.wait_dma2 semaphore(%run_scoped3A : memref<!tpu.dma_semaphore, #tpu.memory_space<semaphore_mem>>) src(%dma_wait3A_252 : memref<5000xi32, #tpu.memory_space<hbm>>) dst(%arg9 : memref<5000xi32, #tpu.memory_space<vmem>>)
      tpu.yield
    }) : () -> ()
    %add3A_225 = arith.constant 3200000 : i32
    %add3A_226 = arith.addi %add3A_225, %add3A_224 : i32
    "tpu.region"() ({
      %run_scoped3A = tpu.sem_alloc : memref<!tpu.dma_semaphore, #tpu.memory_space<semaphore_mem>>
      %dma_start3A_249 = tpu.memref_slice %arg2[%add3A_226] : memref<6400000xi32, #tpu.memory_space<hbm>> -> memref<5000xi32, #tpu.memory_space<hbm>>
      %dma_start3A_250 = tpu.memref_slice %arg2[%add3A_226] : memref<6400000xi32, #tpu.memory_space<hbm>> -> memref<5000xi32, #tpu.memory_space<hbm>>
      tpu.enqueue_dma source(%dma_start3A_250 : memref<5000xi32, #tpu.memory_space<hbm>>) target(%arg13 : memref<5000xi32, #tpu.memory_space<vmem>>) target_semaphore(%run_scoped3A : memref<!tpu.dma_semaphore, #tpu.memory_space<semaphore_mem>>)
      %dma_wait3A_251 = tpu.memref_slice %arg2[%add3A_226] : memref<6400000xi32, #tpu.memory_space<hbm>> -> memref<5000xi32, #tpu.memory_space<hbm>>
      %dma_wait3A_252 = tpu.memref_slice %arg2[%add3A_226] : memref<6400000xi32, #tpu.memory_space<hbm>> -> memref<5000xi32, #tpu.memory_space<hbm>>
      tpu.wait_dma2 semaphore(%run_scoped3A : memref<!tpu.dma_semaphore, #tpu.memory_space<semaphore_mem>>) src(%dma_wait3A_252 : memref<5000xi32, #tpu.memory_space<hbm>>) dst(%arg13 : memref<5000xi32, #tpu.memory_space<vmem>>)
      tpu.yield
    }) : () -> ()
    %dma_start3A_227 = arith.constant 0 : i32
    %dma_start3A_228 = tpu.memref_slice %arg19[%dma_start3A_227] : memref<100096xf32, #tpu.memory_space<vmem_shared>> -> memref<100096xf32, #tpu.memory_space<vmem_shared>>
    tpu.enqueue_indirect_dma source(%dma_start3A_228 : memref<100096xf32, #tpu.memory_space<vmem_shared>>) target(%arg17 : memref<5000xf32, #tpu.memory_space<vmem>>) offsets(%arg9 : memref<5000xi32, #tpu.memory_space<vmem>>) semaphore(%arg24 : memref<!tpu.dma_semaphore, #tpu.memory_space<semaphore_mem>>)
    %dma_wait3A_229 = arith.constant 0 : i32
    %dma_wait3A_230 = tpu.memref_slice %arg19[%dma_wait3A_229] : memref<100096xf32, #tpu.memory_space<vmem_shared>> -> memref<100096xf32, #tpu.memory_space<vmem_shared>>
    tpu.wait_indirect_dma semaphore(%arg23 : memref<!tpu.dma_semaphore, #tpu.memory_space<semaphore_mem>>) src(%dma_wait3A_230 : memref<100096xf32, #tpu.memory_space<vmem_shared>>) dst(%arg16 : memref<5000xf32, #tpu.memory_space<vmem>>)
    %dma_wait3A_231 = arith.constant 0 : i32
    %dma_wait3A_232 = tpu.memref_slice %arg20[%dma_wait3A_231] : memref<100096xf32, #tpu.memory_space<vmem_shared>> -> memref<100096xf32, #tpu.memory_space<vmem_shared>>
    tpu.wait_indirect_dma semaphore(%arg25 : memref<!tpu.dma_semaphore, #tpu.memory_space<semaphore_mem>>) src(%arg15 : memref<5000xf32, #tpu.memory_space<vmem>>) dst(%dma_wait3A_232 : memref<100096xf32, #tpu.memory_space<vmem_shared>>)
    %dma_start3A_233 = arith.constant 0 : i32
    %dma_start3A_234 = tpu.memref_slice %arg20[%dma_start3A_233] : memref<100096xf32, #tpu.memory_space<vmem_shared>> -> memref<100096xf32, #tpu.memory_space<vmem_shared>>
    tpu.enqueue_indirect_dma source(%arg16 : memref<5000xf32, #tpu.memory_space<vmem>>) target(%dma_start3A_234 : memref<100096xf32, #tpu.memory_space<vmem_shared>>) offsets(%arg12 : memref<5000xi32, #tpu.memory_space<vmem>>) semaphore(%arg25 : memref<!tpu.dma_semaphore, #tpu.memory_space<semaphore_mem>>) {add = true}
    %dma_wait3A_235 = arith.constant 0 : i32
    %dma_wait3A_236 = tpu.memref_slice %arg19[%dma_wait3A_235] : memref<100096xf32, #tpu.memory_space<vmem_shared>> -> memref<100096xf32, #tpu.memory_space<vmem_shared>>
    tpu.wait_indirect_dma semaphore(%arg24 : memref<!tpu.dma_semaphore, #tpu.memory_space<semaphore_mem>>) src(%dma_wait3A_236 : memref<100096xf32, #tpu.memory_space<vmem_shared>>) dst(%arg17 : memref<5000xf32, #tpu.memory_space<vmem>>)
    %dma_wait3A_237 = arith.constant 0 : i32
    %dma_wait3A_238 = tpu.memref_slice %arg20[%dma_wait3A_237] : memref<100096xf32, #tpu.memory_space<vmem_shared>> -> memref<100096xf32, #tpu.memory_space<vmem_shared>>
    tpu.wait_indirect_dma semaphore(%arg25 : memref<!tpu.dma_semaphore, #tpu.memory_space<semaphore_mem>>) src(%arg16 : memref<5000xf32, #tpu.memory_space<vmem>>) dst(%dma_wait3A_238 : memref<100096xf32, #tpu.memory_space<vmem_shared>>)
    %dma_start3A_239 = arith.constant 0 : i32
    %dma_start3A_240 = tpu.memref_slice %arg20[%dma_start3A_239] : memref<100096xf32, #tpu.memory_space<vmem_shared>> -> memref<100096xf32, #tpu.memory_space<vmem_shared>>
    tpu.enqueue_indirect_dma source(%arg17 : memref<5000xf32, #tpu.memory_space<vmem>>) target(%dma_start3A_240 : memref<100096xf32, #tpu.memory_space<vmem_shared>>) offsets(%arg13 : memref<5000xi32, #tpu.memory_space<vmem>>) semaphore(%arg25 : memref<!tpu.dma_semaphore, #tpu.memory_space<semaphore_mem>>) {add = true}
    %dma_wait3A_241 = arith.constant 0 : i32
    %dma_wait3A_242 = tpu.memref_slice %arg20[%dma_wait3A_241] : memref<100096xf32, #tpu.memory_space<vmem_shared>> -> memref<100096xf32, #tpu.memory_space<vmem_shared>>
    tpu.wait_indirect_dma semaphore(%arg25 : memref<!tpu.dma_semaphore, #tpu.memory_space<semaphore_mem>>) src(%arg17 : memref<5000xf32, #tpu.memory_space<vmem>>) dst(%dma_wait3A_242 : memref<100096xf32, #tpu.memory_space<vmem_shared>>)
    %barrier3A_243 = arith.constant 0 : index
    tpu.barrier barrier_id(%barrier3A_243)
    "tpu.region"() ({
      %run_scoped3A = tpu.sem_alloc : memref<!tpu.dma_semaphore, #tpu.memory_space<semaphore_mem>>
      %dma_start3A_249 = tpu.memref_slice %arg20[%mul3A_2] : memref<100096xf32, #tpu.memory_space<vmem_shared>> -> memref<6256xf32, #tpu.memory_space<vmem_shared>>
      %dma_start3A_250 = tpu.memref_slice %arg20[%mul3A_2] : memref<100096xf32, #tpu.memory_space<vmem_shared>> -> memref<6256xf32, #tpu.memory_space<vmem_shared>>
      tpu.enqueue_dma source(%dma_start3A_250 : memref<6256xf32, #tpu.memory_space<vmem_shared>>) target(%arg18 : memref<6256xf32, #tpu.memory_space<vmem>>) target_semaphore(%run_scoped3A : memref<!tpu.dma_semaphore, #tpu.memory_space<semaphore_mem>>)
      %dma_wait3A_251 = tpu.memref_slice %arg20[%mul3A_2] : memref<100096xf32, #tpu.memory_space<vmem_shared>> -> memref<6256xf32, #tpu.memory_space<vmem_shared>>
      %dma_wait3A_252 = tpu.memref_slice %arg20[%mul3A_2] : memref<100096xf32, #tpu.memory_space<vmem_shared>> -> memref<6256xf32, #tpu.memory_space<vmem_shared>>
      tpu.wait_dma2 semaphore(%run_scoped3A : memref<!tpu.dma_semaphore, #tpu.memory_space<semaphore_mem>>) src(%dma_wait3A_252 : memref<6256xf32, #tpu.memory_space<vmem_shared>>) dst(%arg18 : memref<6256xf32, #tpu.memory_space<vmem>>)
      tpu.yield
    }) : () -> ()
    %mul3A_244 = arith.constant 100096 : i32
    %mul3A_245 = arith.muli %arg0, %mul3A_244 : i32
    %mul3A_246 = arith.constant 6256 : i32
    %mul3A_247 = arith.muli %arg1, %mul3A_246 : i32
    %add3A_248 = arith.addi %mul3A_245, %mul3A_247 : i32
    "tpu.region"() ({
      %run_scoped3A = tpu.sem_alloc : memref<!tpu.dma_semaphore, #tpu.memory_space<semaphore_mem>>
      %dma_start3A_249 = tpu.memref_slice %arg5[%add3A_248] : memref<200192xf32, #tpu.memory_space<hbm>> -> memref<6256xf32, #tpu.memory_space<hbm>>
      %dma_start3A_250 = tpu.memref_slice %arg5[%add3A_248] : memref<200192xf32, #tpu.memory_space<hbm>> -> memref<6256xf32, #tpu.memory_space<hbm>>
      tpu.enqueue_dma source(%arg18 : memref<6256xf32, #tpu.memory_space<vmem>>) target(%dma_start3A_250 : memref<6256xf32, #tpu.memory_space<hbm>>) target_semaphore(%run_scoped3A : memref<!tpu.dma_semaphore, #tpu.memory_space<semaphore_mem>>)
      %dma_wait3A_251 = tpu.memref_slice %arg5[%add3A_248] : memref<200192xf32, #tpu.memory_space<hbm>> -> memref<6256xf32, #tpu.memory_space<hbm>>
      %dma_wait3A_252 = tpu.memref_slice %arg5[%add3A_248] : memref<200192xf32, #tpu.memory_space<hbm>> -> memref<6256xf32, #tpu.memory_space<hbm>>
      tpu.wait_dma2 semaphore(%run_scoped3A : memref<!tpu.dma_semaphore, #tpu.memory_space<semaphore_mem>>) src(%arg18 : memref<6256xf32, #tpu.memory_space<vmem>>) dst(%dma_wait3A_252 : memref<6256xf32, #tpu.memory_space<hbm>>)
      tpu.yield
    }) : () -> ()
    return
  }
}

module attributes {stable_mosaic.version = 14 : i64} {
  func.func @_tc1_body(%arg0: memref<2x782x128xf32, #tpu.memory_space<vmem>>, %arg1: memref<782x128xf32, #tpu.memory_space<vmem>>, %arg2: memref<782x128xf32, #tpu.memory_space<vmem>>, %arg3: memref<782x128xf32, #tpu.memory_space<vmem>>) attributes {dimension_semantics = [], scalar_prefetch = 0 : i64, scratch_operands = 0 : i64, tpu.core_type = #tpu.core_type<tc>} {
    %get3A = arith.constant 0 : index
    %get3A_0 = arith.constant 0 : index
    %get3A_1 = arith.constant 0 : index
    %get3A_2 = vector.load %arg0[%get3A, %get3A_0, %get3A_1] : memref<2x782x128xf32, #tpu.memory_space<vmem>>, vector<1x782x128xf32>
    %get3A_3 = vector.shape_cast %get3A_2 : vector<1x782x128xf32> to vector<782x128xf32>
    %get3A_4 = arith.constant 1 : index
    %get3A_5 = arith.constant 0 : index
    %get3A_6 = arith.constant 0 : index
    %get3A_7 = vector.load %arg0[%get3A_4, %get3A_5, %get3A_6] : memref<2x782x128xf32, #tpu.memory_space<vmem>>, vector<1x782x128xf32>
    %get3A_8 = vector.shape_cast %get3A_7 : vector<1x782x128xf32> to vector<782x128xf32>
    %add3A = arith.addf %get3A_3, %get3A_8 : vector<782x128xf32>
    %add3A_9 = arith.constant 1.000000e+00 : f32
    %add3A_10 = vector.broadcast %add3A_9 : f32 to vector<782x128xf32>
    %add3A_11 = arith.addf %add3A, %add3A_10 : vector<782x128xf32>
    %rsqrt3A = math.rsqrt %add3A_11 : vector<782x128xf32>
    %swap3A = arith.constant 0 : index
    %swap3A_12 = arith.constant 0 : index
    %swap3A_13 = vector.load %arg2[%swap3A, %swap3A_12] : memref<782x128xf32, #tpu.memory_space<vmem>>, vector<782x128xf32>
    tpu.vector_store %arg2[%swap3A, %swap3A_12], %rsqrt3A {strides = array<i32>} : memref<782x128xf32, #tpu.memory_space<vmem>>, vector<782x128xf32>,
    %get3A_14 = arith.constant 0 : index
    %get3A_15 = arith.constant 0 : index
    %get3A_16 = vector.load %arg1[%get3A_14, %get3A_15] : memref<782x128xf32, #tpu.memory_space<vmem>>, vector<782x128xf32>
    %mul3A = arith.mulf %rsqrt3A, %get3A_16 : vector<782x128xf32>
    %swap3A_17 = arith.constant 0 : index
    %swap3A_18 = arith.constant 0 : index
    %swap3A_19 = vector.load %arg3[%swap3A_17, %swap3A_18] : memref<782x128xf32, #tpu.memory_space<vmem>>, vector<782x128xf32>
    tpu.vector_store %arg3[%swap3A_17, %swap3A_18], %mul3A {strides = array<i32>} : memref<782x128xf32, #tpu.memory_space<vmem>>, vector<782x128xf32>,
    return
  }
}

module attributes {stable_mosaic.version = 14 : i64} {
  func.func @_tc2_body(%arg0: memref<2x782x128xf32, #tpu.memory_space<vmem>>, %arg1: memref<782x128xf32, #tpu.memory_space<vmem>>, %arg2: memref<782x128xf32, #tpu.memory_space<vmem>>, %arg3: memref<1x16xf32, #tpu.memory_space<vmem>>, %arg4: memref<1x16xf32, #tpu.memory_space<vmem>>, %arg5: memref<1x16xf32, #tpu.memory_space<vmem>>, %arg6: memref<782x128xf32, #tpu.memory_space<vmem>>, %arg7: memref<782x128xf32, #tpu.memory_space<vmem>>) attributes {dimension_semantics = [], scalar_prefetch = 0 : i64, scratch_operands = 0 : i64, tpu.core_type = #tpu.core_type<tc>} {
    %get3A = arith.constant 0 : index
    %get3A_0 = arith.constant 0 : index
    %get3A_1 = vector.load %arg1[%get3A, %get3A_0] : memref<782x128xf32, #tpu.memory_space<vmem>>, vector<782x128xf32>
    %get3A_2 = arith.constant 0 : index
    %get3A_3 = arith.constant 0 : index
    %get3A_4 = arith.constant 0 : index
    %get3A_5 = vector.load %arg0[%get3A_2, %get3A_3, %get3A_4] : memref<2x782x128xf32, #tpu.memory_space<vmem>>, vector<1x782x128xf32>
    %get3A_6 = vector.shape_cast %get3A_5 : vector<1x782x128xf32> to vector<782x128xf32>
    %get3A_7 = arith.constant 1 : index
    %get3A_8 = arith.constant 0 : index
    %get3A_9 = arith.constant 0 : index
    %get3A_10 = vector.load %arg0[%get3A_7, %get3A_8, %get3A_9] : memref<2x782x128xf32, #tpu.memory_space<vmem>>, vector<1x782x128xf32>
    %get3A_11 = vector.shape_cast %get3A_10 : vector<1x782x128xf32> to vector<782x128xf32>
    %add3A = arith.addf %get3A_6, %get3A_11 : vector<782x128xf32>
    %mul3A = arith.mulf %get3A_1, %add3A : vector<782x128xf32>
    %mul3A_12 = arith.mulf %get3A_1, %get3A_1 : vector<782x128xf32>
    %get3A_13 = arith.constant 0 : index
    %get3A_14 = arith.constant 0 : index
    %get3A_15 = vector.load %arg2[%get3A_13, %get3A_14] : memref<782x128xf32, #tpu.memory_space<vmem>>, vector<782x128xf32>
    %mul3A_16 = arith.mulf %mul3A_12, %get3A_15 : vector<782x128xf32>
    %add3A_17 = arith.addf %mul3A, %mul3A_16 : vector<782x128xf32>
    %broadcast_in_dim3A = arith.constant 0.000000e+00 : f32
    %broadcast_in_dim3A_18 = vector.broadcast %broadcast_in_dim3A : f32 to vector<782x128xf32>
    %get3A_19 = arith.constant 0 : index
    %get3A_20 = arith.constant 0 : index
    %get3A_21 = vector.load %arg3[%get3A_19, %get3A_20] : memref<1x16xf32, #tpu.memory_space<vmem>>, vector<1x1xf32>
    %get3A_22 = vector.extract %get3A_21[0, 0] : f32 from vector<1x1xf32>
    %mul3A_23 = vector.broadcast %get3A_22 : f32 to vector<782x128xf32>
    %mul3A_24 = arith.mulf %add3A_17, %mul3A_23 : vector<782x128xf32>
    %get3A_25 = arith.constant 0 : index
    %get3A_26 = arith.constant 0 : index
    %get3A_27 = vector.load %arg4[%get3A_25, %get3A_26] : memref<1x16xf32, #tpu.memory_space<vmem>>, vector<1x1xf32>
    %get3A_28 = vector.extract %get3A_27[0, 0] : f32 from vector<1x1xf32>
    %add3A_29 = vector.broadcast %get3A_28 : f32 to vector<782x128xf32>
    %add3A_30 = arith.addf %mul3A_24, %add3A_29 : vector<782x128xf32>
    %max3A = arith.constant 0.000000e+00 : f32
    %max3A_31 = vector.broadcast %max3A : f32 to vector<782x128xf32>
    %max3A_32 = arith.maximumf %add3A_30, %max3A_31 : vector<782x128xf32>
    %get3A_33 = arith.constant 0 : index
    %get3A_34 = arith.constant 0 : index
    %get3A_35 = vector.load %arg5[%get3A_33, %get3A_34] : memref<1x16xf32, #tpu.memory_space<vmem>>, vector<1x1xf32>
    %get3A_36 = vector.extract %get3A_35[0, 0] : f32 from vector<1x1xf32>
    %mul3A_37 = vector.broadcast %get3A_36 : f32 to vector<782x128xf32>
    %mul3A_38 = arith.mulf %max3A_32, %mul3A_37 : vector<782x128xf32>
    %add3A_39 = arith.addf %broadcast_in_dim3A_18, %mul3A_38 : vector<782x128xf32>
    %get3A_40 = arith.constant 0 : index
    %get3A_41 = arith.constant 1 : index
    %get3A_42 = vector.load %arg3[%get3A_40, %get3A_41] : memref<1x16xf32, #tpu.memory_space<vmem>>, vector<1x1xf32>
    %get3A_43 = vector.extract %get3A_42[0, 0] : f32 from vector<1x1xf32>
    %mul3A_44 = vector.broadcast %get3A_43 : f32 to vector<782x128xf32>
    %mul3A_45 = arith.mulf %add3A_17, %mul3A_44 : vector<782x128xf32>
    %get3A_46 = arith.constant 0 : index
    %get3A_47 = arith.constant 1 : index
    %get3A_48 = vector.load %arg4[%get3A_46, %get3A_47] : memref<1x16xf32, #tpu.memory_space<vmem>>, vector<1x1xf32>
    %get3A_49 = vector.extract %get3A_48[0, 0] : f32 from vector<1x1xf32>
    %add3A_50 = vector.broadcast %get3A_49 : f32 to vector<782x128xf32>
    %add3A_51 = arith.addf %mul3A_45, %add3A_50 : vector<782x128xf32>
    %max3A_52 = arith.constant 0.000000e+00 : f32
    %max3A_53 = vector.broadcast %max3A_52 : f32 to vector<782x128xf32>
    %max3A_54 = arith.maximumf %add3A_51, %max3A_53 : vector<782x128xf32>
    %get3A_55 = arith.constant 0 : index
    %get3A_56 = arith.constant 1 : index
    %get3A_57 = vector.load %arg5[%get3A_55, %get3A_56] : memref<1x16xf32, #tpu.memory_space<vmem>>, vector<1x1xf32>
    %get3A_58 = vector.extract %get3A_57[0, 0] : f32 from vector<1x1xf32>
    %mul3A_59 = vector.broadcast %get3A_58 : f32 to vector<782x128xf32>
    %mul3A_60 = arith.mulf %max3A_54, %mul3A_59 : vector<782x128xf32>
    %add3A_61 = arith.addf %add3A_39, %mul3A_60 : vector<782x128xf32>
    %get3A_62 = arith.constant 0 : index
    %get3A_63 = arith.constant 2 : index
    %get3A_64 = vector.load %arg3[%get3A_62, %get3A_63] : memref<1x16xf32, #tpu.memory_space<vmem>>, vector<1x1xf32>
    %get3A_65 = vector.extract %get3A_64[0, 0] : f32 from vector<1x1xf32>
    %mul3A_66 = vector.broadcast %get3A_65 : f32 to vector<782x128xf32>
    %mul3A_67 = arith.mulf %add3A_17, %mul3A_66 : vector<782x128xf32>
    %get3A_68 = arith.constant 0 : index
    %get3A_69 = arith.constant 2 : index
    %get3A_70 = vector.load %arg4[%get3A_68, %get3A_69] : memref<1x16xf32, #tpu.memory_space<vmem>>, vector<1x1xf32>
    %get3A_71 = vector.extract %get3A_70[0, 0] : f32 from vector<1x1xf32>
    %add3A_72 = vector.broadcast %get3A_71 : f32 to vector<782x128xf32>
    %add3A_73 = arith.addf %mul3A_67, %add3A_72 : vector<782x128xf32>
    %max3A_74 = arith.constant 0.000000e+00 : f32
    %max3A_75 = vector.broadcast %max3A_74 : f32 to vector<782x128xf32>
    %max3A_76 = arith.maximumf %add3A_73, %max3A_75 : vector<782x128xf32>
    %get3A_77 = arith.constant 0 : index
    %get3A_78 = arith.constant 2 : index
    %get3A_79 = vector.load %arg5[%get3A_77, %get3A_78] : memref<1x16xf32, #tpu.memory_space<vmem>>, vector<1x1xf32>
    %get3A_80 = vector.extract %get3A_79[0, 0] : f32 from vector<1x1xf32>
    %mul3A_81 = vector.broadcast %get3A_80 : f32 to vector<782x128xf32>
    %mul3A_82 = arith.mulf %max3A_76, %mul3A_81 : vector<782x128xf32>
    %add3A_83 = arith.addf %add3A_61, %mul3A_82 : vector<782x128xf32>
    %get3A_84 = arith.constant 0 : index
    %get3A_85 = arith.constant 3 : index
    %get3A_86 = vector.load %arg3[%get3A_84, %get3A_85] : memref<1x16xf32, #tpu.memory_space<vmem>>, vector<1x1xf32>
    %get3A_87 = vector.extract %get3A_86[0, 0] : f32 from vector<1x1xf32>
    %mul3A_88 = vector.broadcast %get3A_87 : f32 to vector<782x128xf32>
    %mul3A_89 = arith.mulf %add3A_17, %mul3A_88 : vector<782x128xf32>
    %get3A_90 = arith.constant 0 : index
    %get3A_91 = arith.constant 3 : index
    %get3A_92 = vector.load %arg4[%get3A_90, %get3A_91] : memref<1x16xf32, #tpu.memory_space<vmem>>, vector<1x1xf32>
    %get3A_93 = vector.extract %get3A_92[0, 0] : f32 from vector<1x1xf32>
    %add3A_94 = vector.broadcast %get3A_93 : f32 to vector<782x128xf32>
    %add3A_95 = arith.addf %mul3A_89, %add3A_94 : vector<782x128xf32>
    %max3A_96 = arith.constant 0.000000e+00 : f32
    %max3A_97 = vector.broadcast %max3A_96 : f32 to vector<782x128xf32>
    %max3A_98 = arith.maximumf %add3A_95, %max3A_97 : vector<782x128xf32>
    %get3A_99 = arith.constant 0 : index
    %get3A_100 = arith.constant 3 : index
    %get3A_101 = vector.load %arg5[%get3A_99, %get3A_100] : memref<1x16xf32, #tpu.memory_space<vmem>>, vector<1x1xf32>
    %get3A_102 = vector.extract %get3A_101[0, 0] : f32 from vector<1x1xf32>
    %mul3A_103 = vector.broadcast %get3A_102 : f32 to vector<782x128xf32>
    %mul3A_104 = arith.mulf %max3A_98, %mul3A_103 : vector<782x128xf32>
    %add3A_105 = arith.addf %add3A_83, %mul3A_104 : vector<782x128xf32>
    %get3A_106 = arith.constant 0 : index
    %get3A_107 = arith.constant 4 : index
    %get3A_108 = vector.load %arg3[%get3A_106, %get3A_107] : memref<1x16xf32, #tpu.memory_space<vmem>>, vector<1x1xf32>
    %get3A_109 = vector.extract %get3A_108[0, 0] : f32 from vector<1x1xf32>
    %mul3A_110 = vector.broadcast %get3A_109 : f32 to vector<782x128xf32>
    %mul3A_111 = arith.mulf %add3A_17, %mul3A_110 : vector<782x128xf32>
    %get3A_112 = arith.constant 0 : index
    %get3A_113 = arith.constant 4 : index
    %get3A_114 = vector.load %arg4[%get3A_112, %get3A_113] : memref<1x16xf32, #tpu.memory_space<vmem>>, vector<1x1xf32>
    %get3A_115 = vector.extract %get3A_114[0, 0] : f32 from vector<1x1xf32>
    %add3A_116 = vector.broadcast %get3A_115 : f32 to vector<782x128xf32>
    %add3A_117 = arith.addf %mul3A_111, %add3A_116 : vector<782x128xf32>
    %max3A_118 = arith.constant 0.000000e+00 : f32
    %max3A_119 = vector.broadcast %max3A_118 : f32 to vector<782x128xf32>
    %max3A_120 = arith.maximumf %add3A_117, %max3A_119 : vector<782x128xf32>
    %get3A_121 = arith.constant 0 : index
    %get3A_122 = arith.constant 4 : index
    %get3A_123 = vector.load %arg5[%get3A_121, %get3A_122] : memref<1x16xf32, #tpu.memory_space<vmem>>, vector<1x1xf32>
    %get3A_124 = vector.extract %get3A_123[0, 0] : f32 from vector<1x1xf32>
    %mul3A_125 = vector.broadcast %get3A_124 : f32 to vector<782x128xf32>
    %mul3A_126 = arith.mulf %max3A_120, %mul3A_125 : vector<782x128xf32>
    %add3A_127 = arith.addf %add3A_105, %mul3A_126 : vector<782x128xf32>
    %get3A_128 = arith.constant 0 : index
    %get3A_129 = arith.constant 5 : index
    %get3A_130 = vector.load %arg3[%get3A_128, %get3A_129] : memref<1x16xf32, #tpu.memory_space<vmem>>, vector<1x1xf32>
    %get3A_131 = vector.extract %get3A_130[0, 0] : f32 from vector<1x1xf32>
    %mul3A_132 = vector.broadcast %get3A_131 : f32 to vector<782x128xf32>
    %mul3A_133 = arith.mulf %add3A_17, %mul3A_132 : vector<782x128xf32>
    %get3A_134 = arith.constant 0 : index
    %get3A_135 = arith.constant 5 : index
    %get3A_136 = vector.load %arg4[%get3A_134, %get3A_135] : memref<1x16xf32, #tpu.memory_space<vmem>>, vector<1x1xf32>
    %get3A_137 = vector.extract %get3A_136[0, 0] : f32 from vector<1x1xf32>
    %add3A_138 = vector.broadcast %get3A_137 : f32 to vector<782x128xf32>
    %add3A_139 = arith.addf %mul3A_133, %add3A_138 : vector<782x128xf32>
    %max3A_140 = arith.constant 0.000000e+00 : f32
    %max3A_141 = vector.broadcast %max3A_140 : f32 to vector<782x128xf32>
    %max3A_142 = arith.maximumf %add3A_139, %max3A_141 : vector<782x128xf32>
    %get3A_143 = arith.constant 0 : index
    %get3A_144 = arith.constant 5 : index
    %get3A_145 = vector.load %arg5[%get3A_143, %get3A_144] : memref<1x16xf32, #tpu.memory_space<vmem>>, vector<1x1xf32>
    %get3A_146 = vector.extract %get3A_145[0, 0] : f32 from vector<1x1xf32>
    %mul3A_147 = vector.broadcast %get3A_146 : f32 to vector<782x128xf32>
    %mul3A_148 = arith.mulf %max3A_142, %mul3A_147 : vector<782x128xf32>
    %add3A_149 = arith.addf %add3A_127, %mul3A_148 : vector<782x128xf32>
    %get3A_150 = arith.constant 0 : index
    %get3A_151 = arith.constant 6 : index
    %get3A_152 = vector.load %arg3[%get3A_150, %get3A_151] : memref<1x16xf32, #tpu.memory_space<vmem>>, vector<1x1xf32>
    %get3A_153 = vector.extract %get3A_152[0, 0] : f32 from vector<1x1xf32>
    %mul3A_154 = vector.broadcast %get3A_153 : f32 to vector<782x128xf32>
    %mul3A_155 = arith.mulf %add3A_17, %mul3A_154 : vector<782x128xf32>
    %get3A_156 = arith.constant 0 : index
    %get3A_157 = arith.constant 6 : index
    %get3A_158 = vector.load %arg4[%get3A_156, %get3A_157] : memref<1x16xf32, #tpu.memory_space<vmem>>, vector<1x1xf32>
    %get3A_159 = vector.extract %get3A_158[0, 0] : f32 from vector<1x1xf32>
    %add3A_160 = vector.broadcast %get3A_159 : f32 to vector<782x128xf32>
    %add3A_161 = arith.addf %mul3A_155, %add3A_160 : vector<782x128xf32>
    %max3A_162 = arith.constant 0.000000e+00 : f32
    %max3A_163 = vector.broadcast %max3A_162 : f32 to vector<782x128xf32>
    %max3A_164 = arith.maximumf %add3A_161, %max3A_163 : vector<782x128xf32>
    %get3A_165 = arith.constant 0 : index
    %get3A_166 = arith.constant 6 : index
    %get3A_167 = vector.load %arg5[%get3A_165, %get3A_166] : memref<1x16xf32, #tpu.memory_space<vmem>>, vector<1x1xf32>
    %get3A_168 = vector.extract %get3A_167[0, 0] : f32 from vector<1x1xf32>
    %mul3A_169 = vector.broadcast %get3A_168 : f32 to vector<782x128xf32>
    %mul3A_170 = arith.mulf %max3A_164, %mul3A_169 : vector<782x128xf32>
    %add3A_171 = arith.addf %add3A_149, %mul3A_170 : vector<782x128xf32>
    %get3A_172 = arith.constant 0 : index
    %get3A_173 = arith.constant 7 : index
    %get3A_174 = vector.load %arg3[%get3A_172, %get3A_173] : memref<1x16xf32, #tpu.memory_space<vmem>>, vector<1x1xf32>
    %get3A_175 = vector.extract %get3A_174[0, 0] : f32 from vector<1x1xf32>
    %mul3A_176 = vector.broadcast %get3A_175 : f32 to vector<782x128xf32>
    %mul3A_177 = arith.mulf %add3A_17, %mul3A_176 : vector<782x128xf32>
    %get3A_178 = arith.constant 0 : index
    %get3A_179 = arith.constant 7 : index
    %get3A_180 = vector.load %arg4[%get3A_178, %get3A_179] : memref<1x16xf32, #tpu.memory_space<vmem>>, vector<1x1xf32>
    %get3A_181 = vector.extract %get3A_180[0, 0] : f32 from vector<1x1xf32>
    %add3A_182 = vector.broadcast %get3A_181 : f32 to vector<782x128xf32>
    %add3A_183 = arith.addf %mul3A_177, %add3A_182 : vector<782x128xf32>
    %max3A_184 = arith.constant 0.000000e+00 : f32
    %max3A_185 = vector.broadcast %max3A_184 : f32 to vector<782x128xf32>
    %max3A_186 = arith.maximumf %add3A_183, %max3A_185 : vector<782x128xf32>
    %get3A_187 = arith.constant 0 : index
    %get3A_188 = arith.constant 7 : index
    %get3A_189 = vector.load %arg5[%get3A_187, %get3A_188] : memref<1x16xf32, #tpu.memory_space<vmem>>, vector<1x1xf32>
    %get3A_190 = vector.extract %get3A_189[0, 0] : f32 from vector<1x1xf32>
    %mul3A_191 = vector.broadcast %get3A_190 : f32 to vector<782x128xf32>
    %mul3A_192 = arith.mulf %max3A_186, %mul3A_191 : vector<782x128xf32>
    %add3A_193 = arith.addf %add3A_171, %mul3A_192 : vector<782x128xf32>
    %get3A_194 = arith.constant 0 : index
    %get3A_195 = arith.constant 8 : index
    %get3A_196 = vector.load %arg3[%get3A_194, %get3A_195] : memref<1x16xf32, #tpu.memory_space<vmem>>, vector<1x1xf32>
    %get3A_197 = vector.extract %get3A_196[0, 0] : f32 from vector<1x1xf32>
    %mul3A_198 = vector.broadcast %get3A_197 : f32 to vector<782x128xf32>
    %mul3A_199 = arith.mulf %add3A_17, %mul3A_198 : vector<782x128xf32>
    %get3A_200 = arith.constant 0 : index
    %get3A_201 = arith.constant 8 : index
    %get3A_202 = vector.load %arg4[%get3A_200, %get3A_201] : memref<1x16xf32, #tpu.memory_space<vmem>>, vector<1x1xf32>
    %get3A_203 = vector.extract %get3A_202[0, 0] : f32 from vector<1x1xf32>
    %add3A_204 = vector.broadcast %get3A_203 : f32 to vector<782x128xf32>
    %add3A_205 = arith.addf %mul3A_199, %add3A_204 : vector<782x128xf32>
    %max3A_206 = arith.constant 0.000000e+00 : f32
    %max3A_207 = vector.broadcast %max3A_206 : f32 to vector<782x128xf32>
    %max3A_208 = arith.maximumf %add3A_205, %max3A_207 : vector<782x128xf32>
    %get3A_209 = arith.constant 0 : index
    %get3A_210 = arith.constant 8 : index
    %get3A_211 = vector.load %arg5[%get3A_209, %get3A_210] : memref<1x16xf32, #tpu.memory_space<vmem>>, vector<1x1xf32>
    %get3A_212 = vector.extract %get3A_211[0, 0] : f32 from vector<1x1xf32>
    %mul3A_213 = vector.broadcast %get3A_212 : f32 to vector<782x128xf32>
    %mul3A_214 = arith.mulf %max3A_208, %mul3A_213 : vector<782x128xf32>
    %add3A_215 = arith.addf %add3A_193, %mul3A_214 : vector<782x128xf32>
    %get3A_216 = arith.constant 0 : index
    %get3A_217 = arith.constant 9 : index
    %get3A_218 = vector.load %arg3[%get3A_216, %get3A_217] : memref<1x16xf32, #tpu.memory_space<vmem>>, vector<1x1xf32>
    %get3A_219 = vector.extract %get3A_218[0, 0] : f32 from vector<1x1xf32>
    %mul3A_220 = vector.broadcast %get3A_219 : f32 to vector<782x128xf32>
    %mul3A_221 = arith.mulf %add3A_17, %mul3A_220 : vector<782x128xf32>
    %get3A_222 = arith.constant 0 : index
    %get3A_223 = arith.constant 9 : index
    %get3A_224 = vector.load %arg4[%get3A_222, %get3A_223] : memref<1x16xf32, #tpu.memory_space<vmem>>, vector<1x1xf32>
    %get3A_225 = vector.extract %get3A_224[0, 0] : f32 from vector<1x1xf32>
    %add3A_226 = vector.broadcast %get3A_225 : f32 to vector<782x128xf32>
    %add3A_227 = arith.addf %mul3A_221, %add3A_226 : vector<782x128xf32>
    %max3A_228 = arith.constant 0.000000e+00 : f32
    %max3A_229 = vector.broadcast %max3A_228 : f32 to vector<782x128xf32>
    %max3A_230 = arith.maximumf %add3A_227, %max3A_229 : vector<782x128xf32>
    %get3A_231 = arith.constant 0 : index
    %get3A_232 = arith.constant 9 : index
    %get3A_233 = vector.load %arg5[%get3A_231, %get3A_232] : memref<1x16xf32, #tpu.memory_space<vmem>>, vector<1x1xf32>
    %get3A_234 = vector.extract %get3A_233[0, 0] : f32 from vector<1x1xf32>
    %mul3A_235 = vector.broadcast %get3A_234 : f32 to vector<782x128xf32>
    %mul3A_236 = arith.mulf %max3A_230, %mul3A_235 : vector<782x128xf32>
    %add3A_237 = arith.addf %add3A_215, %mul3A_236 : vector<782x128xf32>
    %get3A_238 = arith.constant 0 : index
    %get3A_239 = arith.constant 10 : index
    %get3A_240 = vector.load %arg3[%get3A_238, %get3A_239] : memref<1x16xf32, #tpu.memory_space<vmem>>, vector<1x1xf32>
    %get3A_241 = vector.extract %get3A_240[0, 0] : f32 from vector<1x1xf32>
    %mul3A_242 = vector.broadcast %get3A_241 : f32 to vector<782x128xf32>
    %mul3A_243 = arith.mulf %add3A_17, %mul3A_242 : vector<782x128xf32>
    %get3A_244 = arith.constant 0 : index
    %get3A_245 = arith.constant 10 : index
    %get3A_246 = vector.load %arg4[%get3A_244, %get3A_245] : memref<1x16xf32, #tpu.memory_space<vmem>>, vector<1x1xf32>
    %get3A_247 = vector.extract %get3A_246[0, 0] : f32 from vector<1x1xf32>
    %add3A_248 = vector.broadcast %get3A_247 : f32 to vector<782x128xf32>
    %add3A_249 = arith.addf %mul3A_243, %add3A_248 : vector<782x128xf32>
    %max3A_250 = arith.constant 0.000000e+00 : f32
    %max3A_251 = vector.broadcast %max3A_250 : f32 to vector<782x128xf32>
    %max3A_252 = arith.maximumf %add3A_249, %max3A_251 : vector<782x128xf32>
    %get3A_253 = arith.constant 0 : index
    %get3A_254 = arith.constant 10 : index
    %get3A_255 = vector.load %arg5[%get3A_253, %get3A_254] : memref<1x16xf32, #tpu.memory_space<vmem>>, vector<1x1xf32>
    %get3A_256 = vector.extract %get3A_255[0, 0] : f32 from vector<1x1xf32>
    %mul3A_257 = vector.broadcast %get3A_256 : f32 to vector<782x128xf32>
    %mul3A_258 = arith.mulf %max3A_252, %mul3A_257 : vector<782x128xf32>
    %add3A_259 = arith.addf %add3A_237, %mul3A_258 : vector<782x128xf32>
    %get3A_260 = arith.constant 0 : index
    %get3A_261 = arith.constant 11 : index
    %get3A_262 = vector.load %arg3[%get3A_260, %get3A_261] : memref<1x16xf32, #tpu.memory_space<vmem>>, vector<1x1xf32>
    %get3A_263 = vector.extract %get3A_262[0, 0] : f32 from vector<1x1xf32>
    %mul3A_264 = vector.broadcast %get3A_263 : f32 to vector<782x128xf32>
    %mul3A_265 = arith.mulf %add3A_17, %mul3A_264 : vector<782x128xf32>
    %get3A_266 = arith.constant 0 : index
    %get3A_267 = arith.constant 11 : index
    %get3A_268 = vector.load %arg4[%get3A_266, %get3A_267] : memref<1x16xf32, #tpu.memory_space<vmem>>, vector<1x1xf32>
    %get3A_269 = vector.extract %get3A_268[0, 0] : f32 from vector<1x1xf32>
    %add3A_270 = vector.broadcast %get3A_269 : f32 to vector<782x128xf32>
    %add3A_271 = arith.addf %mul3A_265, %add3A_270 : vector<782x128xf32>
    %max3A_272 = arith.constant 0.000000e+00 : f32
    %max3A_273 = vector.broadcast %max3A_272 : f32 to vector<782x128xf32>
    %max3A_274 = arith.maximumf %add3A_271, %max3A_273 : vector<782x128xf32>
    %get3A_275 = arith.constant 0 : index
    %get3A_276 = arith.constant 11 : index
    %get3A_277 = vector.load %arg5[%get3A_275, %get3A_276] : memref<1x16xf32, #tpu.memory_space<vmem>>, vector<1x1xf32>
    %get3A_278 = vector.extract %get3A_277[0, 0] : f32 from vector<1x1xf32>
    %mul3A_279 = vector.broadcast %get3A_278 : f32 to vector<782x128xf32>
    %mul3A_280 = arith.mulf %max3A_274, %mul3A_279 : vector<782x128xf32>
    %add3A_281 = arith.addf %add3A_259, %mul3A_280 : vector<782x128xf32>
    %get3A_282 = arith.constant 0 : index
    %get3A_283 = arith.constant 12 : index
    %get3A_284 = vector.load %arg3[%get3A_282, %get3A_283] : memref<1x16xf32, #tpu.memory_space<vmem>>, vector<1x1xf32>
    %get3A_285 = vector.extract %get3A_284[0, 0] : f32 from vector<1x1xf32>
    %mul3A_286 = vector.broadcast %get3A_285 : f32 to vector<782x128xf32>
    %mul3A_287 = arith.mulf %add3A_17, %mul3A_286 : vector<782x128xf32>
    %get3A_288 = arith.constant 0 : index
    %get3A_289 = arith.constant 12 : index
    %get3A_290 = vector.load %arg4[%get3A_288, %get3A_289] : memref<1x16xf32, #tpu.memory_space<vmem>>, vector<1x1xf32>
    %get3A_291 = vector.extract %get3A_290[0, 0] : f32 from vector<1x1xf32>
    %add3A_292 = vector.broadcast %get3A_291 : f32 to vector<782x128xf32>
    %add3A_293 = arith.addf %mul3A_287, %add3A_292 : vector<782x128xf32>
    %max3A_294 = arith.constant 0.000000e+00 : f32
    %max3A_295 = vector.broadcast %max3A_294 : f32 to vector<782x128xf32>
    %max3A_296 = arith.maximumf %add3A_293, %max3A_295 : vector<782x128xf32>
    %get3A_297 = arith.constant 0 : index
    %get3A_298 = arith.constant 12 : index
    %get3A_299 = vector.load %arg5[%get3A_297, %get3A_298] : memref<1x16xf32, #tpu.memory_space<vmem>>, vector<1x1xf32>
    %get3A_300 = vector.extract %get3A_299[0, 0] : f32 from vector<1x1xf32>
    %mul3A_301 = vector.broadcast %get3A_300 : f32 to vector<782x128xf32>
    %mul3A_302 = arith.mulf %max3A_296, %mul3A_301 : vector<782x128xf32>
    %add3A_303 = arith.addf %add3A_281, %mul3A_302 : vector<782x128xf32>
    %get3A_304 = arith.constant 0 : index
    %get3A_305 = arith.constant 13 : index
    %get3A_306 = vector.load %arg3[%get3A_304, %get3A_305] : memref<1x16xf32, #tpu.memory_space<vmem>>, vector<1x1xf32>
    %get3A_307 = vector.extract %get3A_306[0, 0] : f32 from vector<1x1xf32>
    %mul3A_308 = vector.broadcast %get3A_307 : f32 to vector<782x128xf32>
    %mul3A_309 = arith.mulf %add3A_17, %mul3A_308 : vector<782x128xf32>
    %get3A_310 = arith.constant 0 : index
    %get3A_311 = arith.constant 13 : index
    %get3A_312 = vector.load %arg4[%get3A_310, %get3A_311] : memref<1x16xf32, #tpu.memory_space<vmem>>, vector<1x1xf32>
    %get3A_313 = vector.extract %get3A_312[0, 0] : f32 from vector<1x1xf32>
    %add3A_314 = vector.broadcast %get3A_313 : f32 to vector<782x128xf32>
    %add3A_315 = arith.addf %mul3A_309, %add3A_314 : vector<782x128xf32>
    %max3A_316 = arith.constant 0.000000e+00 : f32
    %max3A_317 = vector.broadcast %max3A_316 : f32 to vector<782x128xf32>
    %max3A_318 = arith.maximumf %add3A_315, %max3A_317 : vector<782x128xf32>
    %get3A_319 = arith.constant 0 : index
    %get3A_320 = arith.constant 13 : index
    %get3A_321 = vector.load %arg5[%get3A_319, %get3A_320] : memref<1x16xf32, #tpu.memory_space<vmem>>, vector<1x1xf32>
    %get3A_322 = vector.extract %get3A_321[0, 0] : f32 from vector<1x1xf32>
    %mul3A_323 = vector.broadcast %get3A_322 : f32 to vector<782x128xf32>
    %mul3A_324 = arith.mulf %max3A_318, %mul3A_323 : vector<782x128xf32>
    %add3A_325 = arith.addf %add3A_303, %mul3A_324 : vector<782x128xf32>
    %get3A_326 = arith.constant 0 : index
    %get3A_327 = arith.constant 14 : index
    %get3A_328 = vector.load %arg3[%get3A_326, %get3A_327] : memref<1x16xf32, #tpu.memory_space<vmem>>, vector<1x1xf32>
    %get3A_329 = vector.extract %get3A_328[0, 0] : f32 from vector<1x1xf32>
    %mul3A_330 = vector.broadcast %get3A_329 : f32 to vector<782x128xf32>
    %mul3A_331 = arith.mulf %add3A_17, %mul3A_330 : vector<782x128xf32>
    %get3A_332 = arith.constant 0 : index
    %get3A_333 = arith.constant 14 : index
    %get3A_334 = vector.load %arg4[%get3A_332, %get3A_333] : memref<1x16xf32, #tpu.memory_space<vmem>>, vector<1x1xf32>
    %get3A_335 = vector.extract %get3A_334[0, 0] : f32 from vector<1x1xf32>
    %add3A_336 = vector.broadcast %get3A_335 : f32 to vector<782x128xf32>
    %add3A_337 = arith.addf %mul3A_331, %add3A_336 : vector<782x128xf32>
    %max3A_338 = arith.constant 0.000000e+00 : f32
    %max3A_339 = vector.broadcast %max3A_338 : f32 to vector<782x128xf32>
    %max3A_340 = arith.maximumf %add3A_337, %max3A_339 : vector<782x128xf32>
    %get3A_341 = arith.constant 0 : index
    %get3A_342 = arith.constant 14 : index
    %get3A_343 = vector.load %arg5[%get3A_341, %get3A_342] : memref<1x16xf32, #tpu.memory_space<vmem>>, vector<1x1xf32>
    %get3A_344 = vector.extract %get3A_343[0, 0] : f32 from vector<1x1xf32>
    %mul3A_345 = vector.broadcast %get3A_344 : f32 to vector<782x128xf32>
    %mul3A_346 = arith.mulf %max3A_340, %mul3A_345 : vector<782x128xf32>
    %add3A_347 = arith.addf %add3A_325, %mul3A_346 : vector<782x128xf32>
    %get3A_348 = arith.constant 0 : index
    %get3A_349 = arith.constant 15 : index
    %get3A_350 = vector.load %arg3[%get3A_348, %get3A_349] : memref<1x16xf32, #tpu.memory_space<vmem>>, vector<1x1xf32>
    %get3A_351 = vector.extract %get3A_350[0, 0] : f32 from vector<1x1xf32>
    %mul3A_352 = vector.broadcast %get3A_351 : f32 to vector<782x128xf32>
    %mul3A_353 = arith.mulf %add3A_17, %mul3A_352 : vector<782x128xf32>
    %get3A_354 = arith.constant 0 : index
    %get3A_355 = arith.constant 15 : index
    %get3A_356 = vector.load %arg4[%get3A_354, %get3A_355] : memref<1x16xf32, #tpu.memory_space<vmem>>, vector<1x1xf32>
    %get3A_357 = vector.extract %get3A_356[0, 0] : f32 from vector<1x1xf32>
    %add3A_358 = vector.broadcast %get3A_357 : f32 to vector<782x128xf32>
    %add3A_359 = arith.addf %mul3A_353, %add3A_358 : vector<782x128xf32>
    %max3A_360 = arith.constant 0.000000e+00 : f32
    %max3A_361 = vector.broadcast %max3A_360 : f32 to vector<782x128xf32>
    %max3A_362 = arith.maximumf %add3A_359, %max3A_361 : vector<782x128xf32>
    %get3A_363 = arith.constant 0 : index
    %get3A_364 = arith.constant 15 : index
    %get3A_365 = vector.load %arg5[%get3A_363, %get3A_364] : memref<1x16xf32, #tpu.memory_space<vmem>>, vector<1x1xf32>
    %get3A_366 = vector.extract %get3A_365[0, 0] : f32 from vector<1x1xf32>
    %mul3A_367 = vector.broadcast %get3A_366 : f32 to vector<782x128xf32>
    %mul3A_368 = arith.mulf %max3A_362, %mul3A_367 : vector<782x128xf32>
    %add3A_369 = arith.addf %add3A_347, %mul3A_368 : vector<782x128xf32>
    %swap3A = arith.constant 0 : index
    %swap3A_370 = arith.constant 0 : index
    %swap3A_371 = vector.load %arg6[%swap3A, %swap3A_370] : memref<782x128xf32, #tpu.memory_space<vmem>>, vector<782x128xf32>
    tpu.vector_store %arg6[%swap3A, %swap3A_370], %add3A_369 {strides = array<i32>} : memref<782x128xf32, #tpu.memory_space<vmem>>, vector<782x128xf32>,
    %mul3A_372 = arith.mulf %get3A_1, %add3A_369 : vector<782x128xf32>
    %swap3A_373 = arith.constant 0 : index
    %swap3A_374 = arith.constant 0 : index
    %swap3A_375 = vector.load %arg7[%swap3A_373, %swap3A_374] : memref<782x128xf32, #tpu.memory_space<vmem>>, vector<782x128xf32>
    tpu.vector_store %arg7[%swap3A_373, %swap3A_374], %mul3A_372 {strides = array<i32>} : memref<782x128xf32, #tpu.memory_space<vmem>>, vector<782x128xf32>,
    return
  }
}

module attributes {stable_mosaic.version = 14 : i64} {
  func.func @_tc3_body(%arg0: memref<2x782x128xf32, #tpu.memory_space<vmem>>, %arg1: memref<782x128xf32, #tpu.memory_space<vmem>>, %arg2: memref<782x128xf32, #tpu.memory_space<vmem>>, %arg3: memref<1x1xf32, #tpu.memory_space<vmem>>, %arg4: memref<782x128xf32, #tpu.memory_space<vmem>>) attributes {dimension_semantics = [], scalar_prefetch = 0 : i64, scratch_operands = 0 : i64, tpu.core_type = #tpu.core_type<tc>} {
    %get3A = arith.constant 0 : index
    %get3A_0 = arith.constant 0 : index
    %get3A_1 = vector.load %arg1[%get3A, %get3A_0] : memref<782x128xf32, #tpu.memory_space<vmem>>, vector<782x128xf32>
    %get3A_2 = arith.constant 0 : index
    %get3A_3 = arith.constant 0 : index
    %get3A_4 = arith.constant 0 : index
    %get3A_5 = vector.load %arg0[%get3A_2, %get3A_3, %get3A_4] : memref<2x782x128xf32, #tpu.memory_space<vmem>>, vector<1x782x128xf32>
    %get3A_6 = vector.shape_cast %get3A_5 : vector<1x782x128xf32> to vector<782x128xf32>
    %get3A_7 = arith.constant 1 : index
    %get3A_8 = arith.constant 0 : index
    %get3A_9 = arith.constant 0 : index
    %get3A_10 = vector.load %arg0[%get3A_7, %get3A_8, %get3A_9] : memref<2x782x128xf32, #tpu.memory_space<vmem>>, vector<1x782x128xf32>
    %get3A_11 = vector.shape_cast %get3A_10 : vector<1x782x128xf32> to vector<782x128xf32>
    %add3A = arith.addf %get3A_6, %get3A_11 : vector<782x128xf32>
    %mul3A = arith.mulf %get3A_1, %add3A : vector<782x128xf32>
    %mul3A_12 = arith.mulf %get3A_1, %get3A_1 : vector<782x128xf32>
    %get3A_13 = arith.constant 0 : index
    %get3A_14 = arith.constant 0 : index
    %get3A_15 = vector.load %arg2[%get3A_13, %get3A_14] : memref<782x128xf32, #tpu.memory_space<vmem>>, vector<782x128xf32>
    %mul3A_16 = arith.mulf %mul3A_12, %get3A_15 : vector<782x128xf32>
    %add3A_17 = arith.addf %mul3A, %mul3A_16 : vector<782x128xf32>
    %get3A_18 = arith.constant 0 : index
    %get3A_19 = arith.constant 0 : index
    %get3A_20 = vector.load %arg3[%get3A_18, %get3A_19] : memref<1x1xf32, #tpu.memory_space<vmem>>, vector<1x1xf32>
    %get3A_21 = vector.extract %get3A_20[0, 0] : f32 from vector<1x1xf32>
    %add3A_22 = vector.broadcast %get3A_21 : f32 to vector<782x128xf32>
    %add3A_23 = arith.addf %add3A_17, %add3A_22 : vector<782x128xf32>
    %swap3A = arith.constant 0 : index
    %swap3A_24 = arith.constant 0 : index
    %swap3A_25 = vector.load %arg4[%swap3A, %swap3A_24] : memref<782x128xf32, #tpu.memory_space<vmem>>, vector<782x128xf32>
    tpu.vector_store %arg4[%swap3A, %swap3A_24], %add3A_23 {strides = array<i32>} : memref<782x128xf32, #tpu.memory_space<vmem>>, vector<782x128xf32>,
    return
  }
}

</mosaic_0001>

<sc_bundles>
// kernel: kernel.11.cloned.1.call-start
scs
__scs_entry_jumppad:
0x0: {  	(pc) =	sbr.rel $0x88, $3  }
0x1: {  	(tag) =	ssettag $0x0;
	lr =	simm.s32 $0x1  }
0x2: {  	[smem:$0x3F9B] =	sst lr;
	_ =	strace $0xD0000000  }
0x3: {  	_ = 	snop  }
0x4: {  	_ = 	snop  }
0x5: {  	_ = 	snop  }
0x6: {  	_ = 	snop  }
0x7: {  	_ = 	snop  }
__scs_overlays_trampoline_lowered:
0x8: {  	[smem:$0x3FAA] =	sst s0  }
0x9: {  	[smem:$0x3FAB] =	sst s1  }
0xa: {  	[smem:$0x3FAC] =	sst s2  }
0xb: {  	[smem:$0x3FAD] =	sst s3  }
0xc: {  	[smem:$0x3FAE] =	sst s4  }
0xd: {  	[smem:$0x3FAF] =	sst s5  }
0xe: {  	[smem:$0x3FB0] =	sst s6  }
0xf: {  	[smem:$0x3FB1] =	sst s7  }
0x10: {  	[smem:$0x3FB2] =	sst s8  }
0x11: {  	[smem:$0x3FB3] =	sst s9;
	s0 =	simm.s32 @!p0 $0x0  }
0x12: {  	s1 =	sld [smem:$0x3F99];
	s0 =	simm.s32 @p0 $0x1  }
0x13: {  	[smem:$0x3FB4] =	sst s0;
	s0 =	simm.s32 @!p1 $0x0  }
0x14: {  	s2 =	sld [smem:$0x3F98];
	s0 =	simm.s32 @p1 $0x1  }
0x15: {  	[smem:$0x3FB5] =	sst s0;
	s0 =	simm.s32 @!p2 $0x0  }
0x16: {  	s3 =	sld [smem:$0x3FDB];
	s0 =	simm.s32 @p2 $0x1  }
0x17: {  	s4 =	simm.s32 $0x1BF5;
	[smem:$0x3FB7] =	sst s0  }
0x18: {  	s0 =	sld [smem:$0x3F9A];
	_ =	swait.ge [sflag:s4], $0x0  }
0x19: {  	s7 =	sld [smem:$0x3F9B]  }
0x1a: {  	s8 =	sadd.s32 $0xFFFFE003, lr  }
0x1b: {  	s9 =	sadd.s32 $0xFFFFFEF7, lr;
	s5 =	simm.s32 $0xFFFFFFFF;
	p2 =	slt.u32 s8, $0xFFFFF086  }
0x1c: {  	p1 =	slt.u32 s9, $0xF7A;
	s5 =	simm.s32 @!p2 $0x0  }
0x1d: {  	s5 =	simm.s32 @p1 $0x1;
	p0 =	seq.s32 s7, s2  }
0x1e: {  	s7 =	smul.u32 @!p0 $0xF7A, s2;
	p2 =	seq.s32 @!p0 s5, $0x0  }
0x1f: {  	s9 =	smul.u32 $0xF7A, s1;
	s8 =	simm.s32 @!p0 $0x1BF5;
	p2 =	por !p2, p0  }
0x20: {  	[sflag:s8] =	ssyncset.s32 @!p0 $0xFFFFF086;
	s6 =	sadd.s32 @!p0 s3, s7;
	s7 =	simm.s32 @!p0 $0x108  }
0x21: {  	s3 =	sadd.s32 s3, s9;
	s6 =	sadd.s32 @!p0 $0x88, s6;
	s7 =	simm.s32 @p2 $0x1082  }
0x22: {  	[simem:s7], [sflag:s8] =	dma.local @!p0 [hbm:s6], $0xF7A  }
0x23: {  	s9 =	sor.u32 $0xD0000000, s2;
	s6 =	simm.s32 $0x108;
	_ =	swait.ge @!p0 [sflag:s8], $0x0  }
0x24: {  	s3 =	sadd.s32 $0x88, s3;
	s6 =	simm.s32 @!p1 $0x1082;
	[sflag:s4] =	ssyncset.s32 $0xFFFFF086  }
0x25: {  	[simem:s6], [sflag:s4] =	dma.local [hbm:s3], $0xF7A  }
0x26: {  	[smem:$0x3F9B] =	sst s1;
	(tag) =	ssettag s2;
	_ =	strace s9  }
0x27: {  	s1 =	sld [smem:$0x3FAB]  }
0x28: {  	s2 =	sld [smem:$0x3FAC]  }
0x29: {  	s4 =	sld [smem:$0x3FAE]  }
0x2a: {  	p0 =	seq.s32 s5, $0x0;
	s5 =	sld [smem:$0x3FAF]  }
0x2b: {  	s6 =	sld [smem:$0x3FB0]  }
0x2c: {  	s7 =	sld [smem:$0x3FB1]  }
0x2d: {  	s3 =	simm.s32 $0x108;
	s8 =	sld [smem:$0x3FB2]  }
0x2e: {  	s3 =	simm.s32 @!p0 $0x1082;
	s9 =	sld [smem:$0x3FB3]  }
0x2f: {  	lr =	sadd.s32 s0, s3;
	s0 =	sld [smem:$0x3FAA]  }
0x30: {  	s3 =	sld [smem:$0x3FAD]  }
0x31: {  	[smem:$0x3FB6] =	sst s10  }
0x32: {  	s10 =	sld [smem:$0x3FB4];
	_ =	sdelay $0x3  }
0x33: {  	p0 =	seq.s32 s10, $0x1;
	s10 =	sld [smem:$0x3FB6];
	_ =	sdelay $0x3  }
0x34: {  	[smem:$0x3FB6] =	sst s10  }
0x35: {  	s10 =	sld [smem:$0x3FB5];
	_ =	sdelay $0x3  }
0x36: {  	p1 =	seq.s32 s10, $0x1;
	s10 =	sld [smem:$0x3FB6];
	_ =	sdelay $0x3  }
0x37: {  	[smem:$0x3FB6] =	sst s10  }
0x38: {  	s10 =	sld [smem:$0x3FB7]  }
0x39: {  	_ = 	snop;
	(pc) =	sbr.ind lr, $3  }
0x3a: {  	_ = 	snop  }
0x3b: {  	_ = 	snop  }
0x3c: {  	p2 =	seq.s32 s10, $0x1;
	s10 =	sld [smem:$0x3FB6]  }
0x3d: {  	_ =	shalt  }
0x3e: {  	_ =	shalt  }
0x3f: {  	_ =	shalt  }
0x40: {  	_ =	shalt  }
0x41: {  	_ =	shalt  }
0x42: {  	_ =	shalt  }
0x43: {  	_ =	shalt  }
0x44: {  	_ =	shalt  }
0x45: {  	_ =	shalt  }
0x46: {  	_ =	shalt  }
0x47: {  	_ =	shalt  }
0x48: {  	_ =	shalt  }
0x49: {  	_ =	shalt  }
0x4a: {  	_ =	shalt  }
0x4b: {  	_ =	shalt  }
0x4c: {  	_ =	shalt  }
0x4d: {  	_ =	shalt  }
0x4e: {  	_ =	shalt  }
0x4f: {  	_ =	shalt  }
0x50: {  	_ =	shalt  }
0x51: {  	_ =	shalt  }
0x52: {  	_ =	shalt  }
0x53: {  	_ =	shalt  }
0x54: {  	_ =	shalt  }
0x55: {  	_ =	shalt  }
0x56: {  	_ =	shalt  }
0x57: {  	_ =	shalt  }
0x58: {  	_ =	shalt  }
0x59: {  	_ =	shalt  }
0x5a: {  	_ =	shalt  }
0x5b: {  	_ =	shalt  }
0x5c: {  	_ =	shalt  }
0x5d: {  	_ =	shalt  }
0x5e: {  	_ =	shalt  }
0x5f: {  	_ =	shalt  }
0x60: {  	_ =	shalt  }
0x61: {  	_ =	shalt  }
0x62: {  	_ =	shalt  }
0x63: {  	_ =	shalt  }
0x64: {  	_ =	shalt  }
0x65: {  	_ =	shalt  }
0x66: {  	_ =	shalt  }
0x67: {  	_ =	shalt  }
0x68: {  	_ =	shalt  }
0x69: {  	_ =	shalt  }
0x6a: {  	_ =	shalt  }
0x6b: {  	_ =	shalt  }
0x6c: {  	_ =	shalt  }
0x6d: {  	_ =	shalt  }
0x6e: {  	_ =	shalt  }
0x6f: {  	_ =	shalt  }
0x70: {  	_ =	shalt  }
0x71: {  	_ =	shalt  }
0x72: {  	_ =	shalt  }
0x73: {  	_ =	shalt  }
0x74: {  	_ =	shalt  }
0x75: {  	_ =	shalt  }
0x76: {  	_ =	shalt  }
0x77: {  	_ =	shalt  }
0x78: {  	_ =	shalt  }
0x79: {  	_ =	shalt  }
0x7a: {  	_ =	shalt  }
0x7b: {  	_ =	shalt  }
0x7c: {  	_ =	shalt  }
0x7d: {  	_ =	shalt  }
0x7e: {  	_ =	shalt  }
0x7f: {  	_ =	shalt  }
0x80: {  	_ =	shalt  }
0x81: {  	_ =	shalt  }
0x82: {  	_ =	shalt  }
0x83: {  	_ =	shalt  }
0x84: {  	_ =	shalt  }
0x85: {  	_ =	shalt  }
0x86: {  	_ =	shalt  }
0x87: {  	_ =	shalt  }
.Lfunc_end0:
.L_simem_size_0:
called_computation.1_lowered:
.L_overlay_start_0:
0x88: {  	s2 =	sld [smem:$0x3FD9]  }
0x89: {  	s3 =	sld [smem:$0x3FFE];
	_ =	sdelay $0x1  }
0x8a: {  	s1 =	srdreg.scid  }
0x8b: {  	s0 =	sand.u32 $0x1, s1  }
0x8c: {  	s16 =	sshll.u32 s0, $0xA;
	s2 =	sadd.s32 s3, s2  }
0x8d: {  	s2 =	sadd.s32 s2, s16  }
0x8e: {  	[smem:$0x3FC2] =	sst s2  }
0x8f: {  	_ = 	snop  }
0x90: {  	(tm) =	ssettm $0x1  }
0x91: {  	s17 =	sld [smem:$0x3FFB];
	_ =	sdelay $0x3  }
0x92: {  	_ =	strace s17  }
0x93: {  	s2 =	sld [smem:$0x3FFC];
	_ =	sdelay $0x3  }
0x94: {  	_ =	strace s2  }
0x95: {  	s2 =	sld [smem:$0x3FFD];
	_ =	sdelay $0x3  }
0x96: {  	_ =	strace s2  }
0x97: {  	_ =	strace $0x8FFFFFFF  }
0x98: {  	s18 =	sld [smem:$0x3FDB];
	_ =	sdelay $0x1  }
0x99: {  	s19 =	simm.s32 $_scs_section_size  }
0x9a: {  	s4 =	simm.s32 $_size__tile_overlayer_lowered;
	s5 =	simm.s32 $_tile_overlayer_lowered  }
0x9b: {  	s22 =	simm.s32 $0x1BFF;
	s21 =	sshll.u32 s5, $0x1;
	s2 =	sadd.s32 s19, s18  }
0x9c: {  	s6 =	simm.s32 $0x0;
	s20 =	sshll.u32 s4, $0x1;
	s4 =	sadd.s32 s21, s2  }
0x9d: {  	[timem:s6], [sflag:s22] =	dma.local [hbm:s4], s20  }
0x9e: {  	_ =	swait.ge [sflag:s22], s20  }
0x9f: {  	s3 =	ssub.s32 $0x0, s20;
	[sflag:s22] =	ssyncset.done $0x0  }
0xa0: {  	[sflag:s22] =	ssyncadd.s32 s3;
	_ =	sdelay $0x1  }
0xa1: {  	s23 =	simm.s32 $0x1B8B  }
0xa2: {  	_ =	swait.ge [sflag:s23], $0x1  }
0xa3: {  	[sflag:s23] =	ssyncset.done $0x0  }
0xa4: {  	s25 =	simm.s32 $0x1B8E;
	s24 =	sld [smem:$0x3FFE];
	[sflag:s23] =	ssyncadd.s32 $0xFFFFFFFF  }
0xa5: {  	s26 =	simm.s32 $execute0_lowered;
	[smem:$0x3FD2] =	sst s25  }
0xa6: {  	s4 =	sshll.u32 s26, $0x1;
	_ =	strace $0x80000049;
	[dreg:$0x1] =	wrdreg $0xFFFFFFFF  }
0xa7: {  	s28 =	simm.s32 $_size_execute0_lowered;
	s2 =	sadd.s32 s2, s4;
	[dreg:$0x0] =	wrdreg $0x0  }
0xa8: {  	s4 =	sshll.u32 s28, $0x1;
	[dreg:$0x2] =	wrdreg s2  }
0xa9: {  	[dreg:$0x3] =	wrdreg s4  }
0xaa: {  	[dreg:$0x4] =	wrdreg $0xC0  }
0xab: {  	_ =	task [dreg:s6], $0x5FFFF  }
0xac: {  	[dreg:$0x1] =	wrdreg $0xFFFFFFFF  }
0xad: {  	[dreg:$0x0] =	wrdreg $0x60  }
0xae: {  	[dreg:$0x2] =	wrdreg s24  }
0xaf: {  	[dreg:$0x3] =	wrdreg $0x120F00  }
0xb0: {  	[dreg:$0x4] =	wrdreg $0x108800  }
0xb1: {  	[dreg:$0x5] =	wrdreg $0x9  }
0xb2: {  	_ =	task.clear_ibuf [dreg:s6], $0x6FFFF;
	_ =	strace $0x90000049  }
0xb3: {  	s29 =	simm.s32 $0x9;
	_ =	strace $0x8000004B  }
0xb4: {  	_ =	swait.ge [sflag:s29], $0x1  }
0xb5: {  	[sflag:s29] =	ssyncadd.s32 $0xFFFFFFFF  }
0xb6: {  	_ =	strace $0x9000004B  }
0xb7: {  	_ =	sfence  }
0xb8: {  	s30 =	sld [smem:$0x0];
	_ =	sdelay $0x2  }
0xb9: {  	s31 =	sshll.u32 s1, $0xD;
	s1 =	sshrl.u32 s1, $0x2  }
0xba: {  	s3 =	sand.u32 $0x4000, s31;
	s1 =	sadd.s32 s1, s30  }
0xbb: {  	s0 =	sor.u32 s3, s0;
	s1 =	sshll.u32 s1, $0x11  }
0xbc: {  	s0 =	sor.u32 s1, s0  }
0xbd: {  	s0 =	sadd.s32 $0x8F2B, s0  }
0xbe: {  	[sflag:s0] =	ssyncadd.remote.s32 $0x1  }
0xbf: {  	_ =	sfence.sel $0xFFFF  }
0xc0: {  	[dreg:$0x0] =	wrdreg $0xFFFFFFFF;
	(pc) =	sbr.abs _section_cstart, $3  }
0xc1: {  	[dreg:$0x1] =	wrdreg $0xFFFFFFFF  }
0xc2: {  	_ =	task.clear_ibuf [dreg:s6], $0x2FFFF;
	_ =	strace $0x9FFFFFFF  }
0xc3: {  	(tm) =	ssettm $0x7FFFFFFF  }
tec
execute0_lowered:
.L_overlay_start_1:
0x0: {  	(tag) =	ssettag $0x1  }
0x1: {  	s5 =	rddreg [dreg:$0x0]  }
0x2: {  	s3 =	rddreg [dreg:$0x1]  }
0x3: {  	s4 =	rddreg [dreg:$0x2];
	s6 =	stileid.u32  }
0x4: {  	s2 =	simm.s32 $0x0;
	s1 =	srdreg.scid;
	s28 =	simm.s32 $0xA000  }
0x5: {  	s29 =	simm.s32 $0x1400;
	s30 =	simm.s32 $0x1;
	p0 =	por $0x0, $0x0  }
0x6: {  	s0 =	smul.u32 $0x1870, s6;
	[smem:$0x7FF] =	sst s2;
	s8 =	sand.u32 $0x1, s1  }
0x7: {  	s12 =	sshll.u32 s6, $0x1;
	s10 =	sadd.s32 $0xC4E00, s5;
	_ =	strace $0x8000004A  }
0x8: {  	s1 =	sor.u32 s8, s12;
	[dreg:$0x4] =	wrdreg s10;
	s13 =	sshrl.u32 s0, $0x3  }
0x9: {  	s7 =	smul.u32 $0x186A0, s1;
	s15 =	sadd.s32 s0, s4;
	s9 =	sadd.s32 s13, s5  }
0xa: {  	s6 =	sadd.s32 $0x1800, s5;
	[dreg:$0x6] =	wrdreg s15;
	s14 =	sadd.s32 $0xC5200, s9  }
0xb: {  	s16 =	sshrl.u32 s7, $0x3;
	s17 =	sadd.s32 $0x1388, s7;
	s18 =	sadd.s32 $0x30E788, s7  }
0xc: {  	s22 =	sadd.s32 $0x3A98, s7;
	s24 =	sadd.s32 $0x310E98, s7;
	s10 =	sadd.s32 $0x61A8, s7  }
0xd: {  	s12 =	sadd.s32 $0x3135A8, s7;
	[dreg:$0x5] =	wrdreg s14;
	s31 =	sadd.s32 s6, s16  }
0xe: {  	s1 =	sshrl.u32 s17, $0x3;
	s19 =	sshrl.u32 s18, $0x3;
	s9 =	sadd.s32 $0x61A80, s31  }
0xf: {  	s25 =	sshrl.u32 s24, $0x3;
	s1 =	sadd.s32 s6, s1;
	[dreg:$0x7] =	wrdreg s9  }
0x10: {  	s13 =	sshrl.u32 s12, $0x3;
	s20 =	sadd.s32 s6, s19;
	[dreg:$0x8] =	wrdreg s1  }
0x11: {  	s16 =	sadd.s32 $0x88B8, s7;
	s21 =	sadd.s32 $0x4E2, s31;
	[dreg:$0x9] =	wrdreg s20  }
0x12: {  	s18 =	sadd.s32 $0x315CB8, s7;
	s23 =	sadd.s32 $0x61F62, s31;
	[dreg:$0xa] =	wrdreg s21  }
0x13: {  	s24 =	sadd.s32 $0x3183C8, s7;
	s26 =	sadd.s32 s6, s25;
	[dreg:$0xb] =	wrdreg s23  }
0x14: {  	s12 =	sadd.s32 $0x31AAD8, s7;
	s11 =	sadd.s32 $0x62444, s31;
	[dreg:$0xd] =	wrdreg s26  }
0x15: {  	s14 =	sadd.s32 s6, s13;
	s15 =	sadd.s32 $0xEA6, s31;
	[dreg:$0xf] =	wrdreg s11  }
0x16: {  	s17 =	sadd.s32 $0x62926, s31;
	s19 =	sshrl.u32 s18, $0x3;
	[dreg:$0x11] =	wrdreg s14  }
0x17: {  	s25 =	sshrl.u32 s24, $0x3;
	s13 =	sshrl.u32 s12, $0x3;
	[dreg:$0x12] =	wrdreg s15  }
0x18: {  	s18 =	sadd.s32 $0x31D1E8, s7;
	s12 =	sadd.s32 $0x2710, s31;
	[dreg:$0x13] =	wrdreg s17  }
0x19: {  	s24 =	sadd.s32 $0x124F8, s7;
	s9 =	sadd.s32 $0x9C4, s31;
	[smem:$0x7FA] =	sst s12  }
0x1a: {  	s1 =	sshrl.u32 s22, $0x3;
	s20 =	sadd.s32 s6, s19;
	[dreg:$0xe] =	wrdreg s9  }
0x1b: {  	s21 =	sadd.s32 $0x1388, s31;
	s22 =	sadd.s32 $0xAFC8, s7;
	[dreg:$0x15] =	wrdreg s20  }
0x1c: {  	s23 =	sadd.s32 $0x62E08, s31;
	s26 =	sadd.s32 s6, s25;
	[dreg:$0x16] =	wrdreg s21  }
0x1d: {  	s11 =	sadd.s32 $0x632EA, s31;
	s14 =	sadd.s32 s6, s13;
	[dreg:$0x17] =	wrdreg s23  }
0x1e: {  	s15 =	sadd.s32 $0x1D4C, s31;
	s17 =	sadd.s32 $0x637CC, s31;
	[dreg:$0x19] =	wrdreg s26  }
0x1f: {  	s19 =	sshrl.u32 s18, $0x3;
	s25 =	sadd.s32 $0x63CAE, s31;
	[dreg:$0x1b] =	wrdreg s11  }
0x20: {  	s13 =	ssub.s32 $0x2, s8;
	s12 =	simm.s32 $0x7800;
	[dreg:$0x1d] =	wrdreg s14  }
0x21: {  	s1 =	sadd.s32 s6, s1;
	s9 =	sadd.s32 $0x186A, s31;
	[dreg:$0x1e] =	wrdreg s15  }
0x22: {  	[dreg:$0x1f] =	wrdreg s17;
	s20 =	smul.u32 $0x18700, s8;
	s21 =	sadd.s32 s6, s19  }
0x23: {  	s11 =	sadd.s32 $0x31F8F8, s7;
	[smem:$0x7F7] =	sst s25;
	s14 =	sadd.s32 $0x14C08, s7  }
0x24: {  	s15 =	sadd.s32 $0x64190, s31;
	s18 =	sshrl.u32 s13, $0x1;
	[dreg:$0xc] =	wrdreg s1  }
0x25: {  	s8 =	simm.s32 $0xF000;
	s25 =	simm.s32 $0x2;
	[dreg:$0x1a] =	wrdreg s9  }
0x26: {  	s1 =	sshrl.u32 s10, $0x3;
	s10 =	sadd.s32 $0xD6D8, s7;
	[smem:$0x7F5] =	sst s21  }
0x27: {  	s26 =	sshrl.u32 s11, $0x3;
	[smem:$0x7FB] =	sst s15;
	s21 =	sadd.s32 $0x17318, s7  }
0x28: {  	s15 =	simm.s32 $0x8C00;
	s1 =	sadd.s32 s6, s1;
	s23 =	sadd.s32 s0, s20  }
0x29: {  	s11 =	sadd.s32 s6, s26;
	s20 =	ssub.s32 s13, s18;
	s18 =	sadd.s32 $0x64672, s31  }
0x2a: {  	s26 =	simm.s32 $0x5000;
	[dreg:$0x10] =	wrdreg s1;
	s1 =	sshrl.u32 s16, $0x3  }
0x2b: {  	s16 =	sadd.s32 $0xFDE8, s7;
	s9 =	sshrl.u32 s23, $0x3;
	[smem:$0x7F9] =	sst s11  }
0x2c: {  	s23 =	smax.u32 s20, $0x1;
	s20 =	simm.s32 $0x6400;
	s1 =	sadd.s32 s6, s1  }
0x2d: {  	s9 =	sadd.s32 s9, s5;
	s5 =	sadd.s32 s0, s3;
	s0 =	sshrl.u32 s21, $0x3  }
0x2e: {  	s21 =	simm.s32 $0xB400;
	p1 =	sne.s32 s23, $0x1;
	[dreg:$0x14] =	wrdreg s1  }
0x2f: {  	s1 =	sshrl.u32 s22, $0x3;
	s22 =	sadd.s32 $0x222E, s31;
	s13 =	sadd.s32 s6, s0  }
0x30: {  	s0 =	sadd.s32 $0xFFFFFFFF, s23;
	s1 =	sadd.s32 s6, s1;
	[smem:$0x7F6] =	sst s22  }
0x31: {  	s23 =	simm.s32 $0x3;
	[dreg:$0x18] =	wrdreg s1;
	s1 =	sshrl.u32 s10, $0x3  }
0x32: {  	s22 =	sadd.s32 $0x324718, s7;
	s10 =	simm.s32 $0x5;
	s1 =	sadd.s32 s6, s1  }
0x33: {  	[dreg:$0x1c] =	wrdreg s1;
	s1 =	sshrl.u32 s16, $0x3;
	s16 =	sadd.s32 $0x322008, s7  }
0x34: {  	s7 =	simm.s32 $0x6;
	s1 =	sadd.s32 s6, s1;
	s17 =	sshrl.u32 s16, $0x3  }
0x35: {  	s16 =	simm.s32 $0xDC00;
	[smem:$0x7F4] =	sst s1;
	s1 =	sshrl.u32 s24, $0x3  }
0x36: {  	s19 =	sadd.s32 s6, s17;
	s24 =	simm.s32 $0x2800;
	s1 =	sadd.s32 s6, s1  }
.Ltmp0:
0x37: {  	[smem:$0x7F8] =	sst s1;
	s1 =	sshrl.u32 s14, $0x3;
	(pc) =	sbr.rel @!p1 .LBB2_3-.Ltmp0, $4  }
0x38: {  	s17 =	simm.s32 $0x4;
	[smem:$0x7FD] =	sst s19;
	s1 =	sadd.s32 s6, s1  }
0x39: {  	s19 =	sadd.s32 $0x2BF2, s31;
	[smem:$0x7FC] =	sst s1;
	s1 =	sshrl.u32 s22, $0x3  }
0x3a: {  	s14 =	simm.s32 $0xC800;
	s22 =	simm.s32 $0x3C00;
	s11 =	sadd.s32 s6, s1  }
0x3b: {  	s6 =	sadd.s32 $0xC8400, s9;
	s9 =	simm.s32 $0x1388;
	s1 =	rddreg [dreg:$0x4]  }
0x3c: {  	[tilespmem:s8], [sflag:$0x6] =	stream.linear.gather [hbm4b:s1+s2], $0x1880, $0x38;
	[tilespmem:$0x13960] =	vst v63  }
0x3d: {  	_ =	swait.ge [sflag:s7], $0x1880  }
0x3e: {  	[sflag:s7] =	ssyncset.done $0x0  }
0x3f: {  	[sflag:s7] =	ssyncadd.s32 $0xFFFFE780  }
0x40: {  	[spmem:s5] =	stream.linear.scatter [tilespmem:s8], [sflag:$0x6], $0x1870, $0x38;
	[tilespmem:$0x13960] =	vst v63  }
0x41: {  	_ =	swait.ge [sflag:s7], $0x1870  }
0x42: {  	[sflag:s7] =	ssyncset.done $0x0  }
0x43: {  	s1 =	rddreg [dreg:$0x5];
	[sflag:s7] =	ssyncadd.s32 $0xFFFFE790  }
0x44: {  	[tilespmem:s8], [sflag:$0x6] =	stream.linear.gather [hbm4b:s1+s2], $0x1870, $0x38;
	[tilespmem:$0x13960] =	vst v63  }
0x45: {  	_ =	swait.ge [sflag:s7], $0x1870  }
0x46: {  	[sflag:s7] =	ssyncset.done $0x0  }
0x47: {  	s1 =	rddreg [dreg:$0x6];
	[sflag:s7] =	ssyncadd.s32 $0xFFFFE790  }
0x48: {  	[spmem:s1] =	stream.linear.scatter [tilespmem:s8], [sflag:$0x6], $0x1870, $0x38;
	[tilespmem:$0x13960] =	vst v63  }
0x49: {  	_ =	swait.ge [sflag:s7], $0x1870  }
0x4a: {  	[sflag:s7] =	ssyncset.done $0x0  }
0x4b: {  	[sflag:s7] =	ssyncadd.s32 $0xFFFFE790  }
0x4c: {  	[bflag:$0x0] =	sbarrier.arrive $0xFFFF  }
0x4d: {  	[tilespmem:s2], [sflag:$0x6] =	stream.linear.gather [hbm4b:s31+s2], $0x1388, $0x38;
	[tilespmem:$0x13960] =	vst v63  }
0x4e: {  	_ =	swait.ge [sflag:s7], $0x1388  }
0x4f: {  	[sflag:s7] =	ssyncset.done $0x0  }
0x50: {  	s1 =	rddreg [dreg:$0x7];
	[sflag:s7] =	ssyncadd.s32 $0xFFFFEC78  }
0x51: {  	[tilespmem:s26], [sflag:$0x6] =	stream.linear.gather [hbm4b:s1+s2], $0x1388, $0x38;
	[tilespmem:$0x13960] =	vst v63  }
0x52: {  	_ =	swait.ge [sflag:s7], $0x1388  }
0x53: {  	[sflag:s7] =	ssyncset.done $0x0  }
0x54: {  	[sflag:s7] =	ssyncadd.s32 $0xFFFFEC78  }
0x55: {  	[tilespmem:s28], [sflag:$0x1] =	stream.indirect.gather [spmem:s4], $0x1, s2, s9, $0xb8;
	[tilespmem:$0x13960] =	vst v63  }
0x56: {  	s1 =	rddreg [dreg:$0x8]  }
0x57: {  	[tilespmem:s29], [sflag:$0x6] =	stream.linear.gather [hbm4b:s1+s2], $0x1388, $0x38;
	[tilespmem:$0x13960] =	vst v63  }
0x58: {  	_ =	swait.ge [sflag:s7], $0x1388  }
0x59: {  	[sflag:s7] =	ssyncset.done $0x0  }
0x5a: {  	s1 =	rddreg [dreg:$0x9];
	[sflag:s7] =	ssyncadd.s32 $0xFFFFEC78  }
0x5b: {  	[tilespmem:s20], [sflag:$0x6] =	stream.linear.gather [hbm4b:s1+s2], $0x1388, $0x38;
	[tilespmem:$0x13960] =	vst v63  }
0x5c: {  	_ =	swait.ge [sflag:s7], $0x1388  }
0x5d: {  	[sflag:s7] =	ssyncset.done $0x0  }
0x5e: {  	[sflag:s7] =	ssyncadd.s32 $0xFFFFEC78  }
0x5f: {  	[tilespmem:s21], [sflag:$0x2] =	stream.indirect.gather [spmem:s4], $0x1, s29, s9, $0xb8;
	[tilespmem:$0x13960] =	vst v63  }
0x60: {  	_ =	swait.ge [sflag:s30], $0x1388  }
0x61: {  	[sflag:s30] =	ssyncset.done $0x0  }
0x62: {  	[sflag:s30] =	ssyncadd.s32 $0xFFFFEC78  }
0x63: {  	[spmem:s3] =	stream.indirect.scatter.add.f32 [tilespmem:s28], [sflag:$0x5], $0x1, s26, s9, $0xb8;
	[tilespmem:$0x13960] =	vst v63  }
0x64: {  	s1 =	rddreg [dreg:$0xa]  }
0x65: {  	[tilespmem:s24], [sflag:$0x6] =	stream.linear.gather [hbm4b:s1+s2], $0x1388, $0x38;
	[tilespmem:$0x13960] =	vst v63  }
0x66: {  	_ =	swait.ge [sflag:s7], $0x1388  }
0x67: {  	[sflag:s7] =	ssyncset.done $0x0  }
0x68: {  	s1 =	rddreg [dreg:$0xb];
	[sflag:s7] =	ssyncadd.s32 $0xFFFFEC78  }
0x69: {  	[tilespmem:s12], [sflag:$0x6] =	stream.linear.gather [hbm4b:s1+s2], $0x1388, $0x38;
	[tilespmem:$0x13960] =	vst v63  }
0x6a: {  	_ =	swait.ge [sflag:s7], $0x1388  }
0x6b: {  	[sflag:s7] =	ssyncset.done $0x0  }
0x6c: {  	[sflag:s7] =	ssyncadd.s32 $0xFFFFEC78  }
0x6d: {  	[tilespmem:s14], [sflag:$0x3] =	stream.indirect.gather [spmem:s4], $0x1, s24, s9, $0xb8;
	[tilespmem:$0x13960] =	vst v63  }
0x6e: {  	_ =	swait.ge [sflag:s25], $0x1388  }
0x6f: {  	[sflag:s25] =	ssyncset.done $0x0  }
0x70: {  	[sflag:s25] =	ssyncadd.s32 $0xFFFFEC78  }
0x71: {  	_ =	swait.ge [sflag:s10], $0x1388  }
0x72: {  	[sflag:s10] =	ssyncset.done $0x0  }
0x73: {  	[sflag:s10] =	ssyncadd.s32 $0xFFFFEC78  }
0x74: {  	[spmem:s3] =	stream.indirect.scatter.add.f32 [tilespmem:s21], [sflag:$0x5], $0x1, s20, s9, $0xb8;
	[tilespmem:$0x13960] =	vst v63  }
0x75: {  	s1 =	rddreg [dreg:$0xc]  }
0x76: {  	[tilespmem:s22], [sflag:$0x6] =	stream.linear.gather [hbm4b:s1+s2], $0x1388, $0x38;
	[tilespmem:$0x13960] =	vst v63  }
0x77: {  	_ =	swait.ge [sflag:s7], $0x1388  }
0x78: {  	[sflag:s7] =	ssyncset.done $0x0  }
0x79: {  	s1 =	rddreg [dreg:$0xd];
	[sflag:s7] =	ssyncadd.s32 $0xFFFFEC78  }
0x7a: {  	[tilespmem:s15], [sflag:$0x6] =	stream.linear.gather [hbm4b:s1+s2], $0x1388, $0x38;
	[tilespmem:$0x13960] =	vst v63  }
0x7b: {  	_ =	swait.ge [sflag:s7], $0x1388  }
0x7c: {  	[sflag:s7] =	ssyncset.done $0x0  }
0x7d: {  	[sflag:s7] =	ssyncadd.s32 $0xFFFFEC78  }
0x7e: {  	[tilespmem:s16], [sflag:$0x4] =	stream.indirect.gather [spmem:s4], $0x1, s22, s9, $0xb8;
	[tilespmem:$0x13960] =	vst v63  }
0x7f: {  	_ =	swait.ge [sflag:s23], $0x1388  }
0x80: {  	[sflag:s23] =	ssyncset.done $0x0  }
0x81: {  	[sflag:s23] =	ssyncadd.s32 $0xFFFFEC78  }
0x82: {  	_ =	swait.ge [sflag:s10], $0x1388  }
0x83: {  	[sflag:s10] =	ssyncset.done $0x0  }
0x84: {  	[sflag:s10] =	ssyncadd.s32 $0xFFFFEC78  }
0x85: {  	[spmem:s3] =	stream.indirect.scatter.add.f32 [tilespmem:s14], [sflag:$0x5], $0x1, s12, s9, $0xb8;
	[tilespmem:$0x13960] =	vst v63  }
0x86: {  	s1 =	rddreg [dreg:$0xe]  }
0x87: {  	[tilespmem:s2], [sflag:$0x6] =	stream.linear.gather [hbm4b:s1+s2], $0x1388, $0x38;
	[tilespmem:$0x13960] =	vst v63  }
0x88: {  	_ =	swait.ge [sflag:s7], $0x1388  }
0x89: {  	[sflag:s7] =	ssyncset.done $0x0  }
0x8a: {  	s1 =	rddreg [dreg:$0xf];
	[sflag:s7] =	ssyncadd.s32 $0xFFFFEC78  }
0x8b: {  	[tilespmem:s26], [sflag:$0x6] =	stream.linear.gather [hbm4b:s1+s2], $0x1388, $0x38;
	[tilespmem:$0x13960] =	vst v63  }
0x8c: {  	_ =	swait.ge [sflag:s7], $0x1388  }
0x8d: {  	[sflag:s7] =	ssyncset.done $0x0  }
0x8e: {  	[sflag:s7] =	ssyncadd.s32 $0xFFFFEC78  }
0x8f: {  	[tilespmem:s28], [sflag:$0x1] =	stream.indirect.gather [spmem:s4], $0x1, s2, s9, $0xb8;
	[tilespmem:$0x13960] =	vst v63  }
0x90: {  	_ =	swait.ge [sflag:s17], $0x1388  }
0x91: {  	[sflag:s17] =	ssyncset.done $0x0  }
0x92: {  	[sflag:s17] =	ssyncadd.s32 $0xFFFFEC78  }
0x93: {  	_ =	swait.ge [sflag:s10], $0x1388  }
0x94: {  	[sflag:s10] =	ssyncset.done $0x0  }
0x95: {  	[sflag:s10] =	ssyncadd.s32 $0xFFFFEC78  }
0x96: {  	[spmem:s3] =	stream.indirect.scatter.add.f32 [tilespmem:s16], [sflag:$0x5], $0x1, s15, s9, $0xb8;
	[tilespmem:$0x13960] =	vst v63  }
0x97: {  	s1 =	rddreg [dreg:$0x10]  }
0x98: {  	[tilespmem:s29], [sflag:$0x6] =	stream.linear.gather [hbm4b:s1+s2], $0x1388, $0x38;
	[tilespmem:$0x13960] =	vst v63  }
0x99: {  	_ =	swait.ge [sflag:s7], $0x1388  }
0x9a: {  	[sflag:s7] =	ssyncset.done $0x0  }
0x9b: {  	s1 =	rddreg [dreg:$0x11];
	[sflag:s7] =	ssyncadd.s32 $0xFFFFEC78  }
0x9c: {  	[tilespmem:s20], [sflag:$0x6] =	stream.linear.gather [hbm4b:s1+s2], $0x1388, $0x38;
	[tilespmem:$0x13960] =	vst v63  }
0x9d: {  	_ =	swait.ge [sflag:s7], $0x1388  }
0x9e: {  	[sflag:s7] =	ssyncset.done $0x0  }
0x9f: {  	[sflag:s7] =	ssyncadd.s32 $0xFFFFEC78  }
0xa0: {  	[tilespmem:s21], [sflag:$0x2] =	stream.indirect.gather [spmem:s4], $0x1, s29, s9, $0xb8;
	[tilespmem:$0x13960] =	vst v63  }
0xa1: {  	_ =	swait.ge [sflag:s30], $0x1388  }
0xa2: {  	[sflag:s30] =	ssyncset.done $0x0  }
0xa3: {  	[sflag:s30] =	ssyncadd.s32 $0xFFFFEC78  }
0xa4: {  	_ =	swait.ge [sflag:s10], $0x1388  }
0xa5: {  	[sflag:s10] =	ssyncset.done $0x0  }
0xa6: {  	[sflag:s10] =	ssyncadd.s32 $0xFFFFEC78  }
0xa7: {  	[spmem:s3] =	stream.indirect.scatter.add.f32 [tilespmem:s28], [sflag:$0x5], $0x1, s26, s9, $0xb8;
	[tilespmem:$0x13960] =	vst v63  }
0xa8: {  	s1 =	rddreg [dreg:$0x12]  }
0xa9: {  	[tilespmem:s24], [sflag:$0x6] =	stream.linear.gather [hbm4b:s1+s2], $0x1388, $0x38;
	[tilespmem:$0x13960] =	vst v63  }
0xaa: {  	_ =	swait.ge [sflag:s7], $0x1388  }
0xab: {  	[sflag:s7] =	ssyncset.done $0x0  }
0xac: {  	s1 =	rddreg [dreg:$0x13];
	[sflag:s7] =	ssyncadd.s32 $0xFFFFEC78  }
0xad: {  	[tilespmem:s12], [sflag:$0x6] =	stream.linear.gather [hbm4b:s1+s2], $0x1388, $0x38;
	[tilespmem:$0x13960] =	vst v63  }
0xae: {  	_ =	swait.ge [sflag:s7], $0x1388  }
0xaf: {  	[sflag:s7] =	ssyncset.done $0x0  }
0xb0: {  	[sflag:s7] =	ssyncadd.s32 $0xFFFFEC78  }
0xb1: {  	[tilespmem:s14], [sflag:$0x3] =	stream.indirect.gather [spmem:s4], $0x1, s24, s9, $0xb8;
	[tilespmem:$0x13960] =	vst v63  }
0xb2: {  	_ =	swait.ge [sflag:s25], $0x1388  }
0xb3: {  	[sflag:s25] =	ssyncset.done $0x0  }
0xb4: {  	[sflag:s25] =	ssyncadd.s32 $0xFFFFEC78  }
0xb5: {  	_ =	swait.ge [sflag:s10], $0x1388  }
0xb6: {  	[sflag:s10] =	ssyncset.done $0x0  }
0xb7: {  	[sflag:s10] =	ssyncadd.s32 $0xFFFFEC78  }
0xb8: {  	[spmem:s3] =	stream.indirect.scatter.add.f32 [tilespmem:s21], [sflag:$0x5], $0x1, s20, s9, $0xb8;
	[tilespmem:$0x13960] =	vst v63  }
0xb9: {  	s1 =	rddreg [dreg:$0x14]  }
0xba: {  	[tilespmem:s22], [sflag:$0x6] =	stream.linear.gather [hbm4b:s1+s2], $0x1388, $0x38;
	[tilespmem:$0x13960] =	vst v63  }
0xbb: {  	_ =	swait.ge [sflag:s7], $0x1388  }
0xbc: {  	[sflag:s7] =	ssyncset.done $0x0  }
0xbd: {  	s1 =	rddreg [dreg:$0x15];
	[sflag:s7] =	ssyncadd.s32 $0xFFFFEC78  }
0xbe: {  	[tilespmem:s15], [sflag:$0x6] =	stream.linear.gather [hbm4b:s1+s2], $0x1388, $0x38;
	[tilespmem:$0x13960] =	vst v63  }
0xbf: {  	_ =	swait.ge [sflag:s7], $0x1388  }
0xc0: {  	[sflag:s7] =	ssyncset.done $0x0  }
0xc1: {  	[sflag:s7] =	ssyncadd.s32 $0xFFFFEC78  }
0xc2: {  	[tilespmem:s16], [sflag:$0x4] =	stream.indirect.gather [spmem:s4], $0x1, s22, s9, $0xb8;
	[tilespmem:$0x13960] =	vst v63  }
0xc3: {  	_ =	swait.ge [sflag:s23], $0x1388  }
0xc4: {  	[sflag:s23] =	ssyncset.done $0x0  }
0xc5: {  	[sflag:s23] =	ssyncadd.s32 $0xFFFFEC78  }
0xc6: {  	_ =	swait.ge [sflag:s10], $0x1388  }
0xc7: {  	[sflag:s10] =	ssyncset.done $0x0  }
0xc8: {  	[sflag:s10] =	ssyncadd.s32 $0xFFFFEC78  }
0xc9: {  	[spmem:s3] =	stream.indirect.scatter.add.f32 [tilespmem:s14], [sflag:$0x5], $0x1, s12, s9, $0xb8;
	[tilespmem:$0x13960] =	vst v63  }
0xca: {  	s1 =	rddreg [dreg:$0x16]  }
0xcb: {  	[tilespmem:s2], [sflag:$0x6] =	stream.linear.gather [hbm4b:s1+s2], $0x1388, $0x38;
	[tilespmem:$0x13960] =	vst v63  }
0xcc: {  	_ =	swait.ge [sflag:s7], $0x1388  }
0xcd: {  	[sflag:s7] =	ssyncset.done $0x0  }
0xce: {  	s1 =	rddreg [dreg:$0x17];
	[sflag:s7] =	ssyncadd.s32 $0xFFFFEC78  }
0xcf: {  	[tilespmem:s26], [sflag:$0x6] =	stream.linear.gather [hbm4b:s1+s2], $0x1388, $0x38;
	[tilespmem:$0x13960] =	vst v63  }
0xd0: {  	_ =	swait.ge [sflag:s7], $0x1388  }
0xd1: {  	[sflag:s7] =	ssyncset.done $0x0  }
0xd2: {  	[sflag:s7] =	ssyncadd.s32 $0xFFFFEC78  }
0xd3: {  	[tilespmem:s28], [sflag:$0x1] =	stream.indirect.gather [spmem:s4], $0x1, s2, s9, $0xb8;
	[tilespmem:$0x13960] =	vst v63  }
0xd4: {  	_ =	swait.ge [sflag:s17], $0x1388  }
0xd5: {  	[sflag:s17] =	ssyncset.done $0x0  }
0xd6: {  	[sflag:s17] =	ssyncadd.s32 $0xFFFFEC78  }
0xd7: {  	_ =	swait.ge [sflag:s10], $0x1388  }
0xd8: {  	[sflag:s10] =	ssyncset.done $0x0  }
0xd9: {  	[sflag:s10] =	ssyncadd.s32 $0xFFFFEC78  }
0xda: {  	[spmem:s3] =	stream.indirect.scatter.add.f32 [tilespmem:s16], [sflag:$0x5], $0x1, s15, s9, $0xb8;
	[tilespmem:$0x13960] =	vst v63  }
0xdb: {  	s1 =	rddreg [dreg:$0x18]  }
0xdc: {  	[tilespmem:s29], [sflag:$0x6] =	stream.linear.gather [hbm4b:s1+s2], $0x1388, $0x38;
	[tilespmem:$0x13960] =	vst v63  }
0xdd: {  	_ =	swait.ge [sflag:s7], $0x1388  }
0xde: {  	[sflag:s7] =	ssyncset.done $0x0  }
0xdf: {  	s1 =	rddreg [dreg:$0x19];
	[sflag:s7] =	ssyncadd.s32 $0xFFFFEC78  }
0xe0: {  	[tilespmem:s20], [sflag:$0x6] =	stream.linear.gather [hbm4b:s1+s2], $0x1388, $0x38;
	[tilespmem:$0x13960] =	vst v63  }
0xe1: {  	_ =	swait.ge [sflag:s7], $0x1388  }
0xe2: {  	[sflag:s7] =	ssyncset.done $0x0  }
0xe3: {  	[sflag:s7] =	ssyncadd.s32 $0xFFFFEC78  }
0xe4: {  	[tilespmem:s21], [sflag:$0x2] =	stream.indirect.gather [spmem:s4], $0x1, s29, s9, $0xb8;
	[tilespmem:$0x13960] =	vst v63  }
0xe5: {  	_ =	swait.ge [sflag:s30], $0x1388  }
0xe6: {  	[sflag:s30] =	ssyncset.done $0x0  }
0xe7: {  	[sflag:s30] =	ssyncadd.s32 $0xFFFFEC78  }
0xe8: {  	_ =	swait.ge [sflag:s10], $0x1388  }
0xe9: {  	[sflag:s10] =	ssyncset.done $0x0  }
0xea: {  	[sflag:s10] =	ssyncadd.s32 $0xFFFFEC78  }
0xeb: {  	[spmem:s3] =	stream.indirect.scatter.add.f32 [tilespmem:s28], [sflag:$0x5], $0x1, s26, s9, $0xb8;
	[tilespmem:$0x13960] =	vst v63  }
0xec: {  	s1 =	rddreg [dreg:$0x1a]  }
0xed: {  	[tilespmem:s24], [sflag:$0x6] =	stream.linear.gather [hbm4b:s1+s2], $0x1388, $0x38;
	[tilespmem:$0x13960] =	vst v63  }
0xee: {  	_ =	swait.ge [sflag:s7], $0x1388  }
0xef: {  	[sflag:s7] =	ssyncset.done $0x0  }
0xf0: {  	s1 =	rddreg [dreg:$0x1b];
	[sflag:s7] =	ssyncadd.s32 $0xFFFFEC78  }
0xf1: {  	[tilespmem:s12], [sflag:$0x6] =	stream.linear.gather [hbm4b:s1+s2], $0x1388, $0x38;
	[tilespmem:$0x13960] =	vst v63  }
0xf2: {  	_ =	swait.ge [sflag:s7], $0x1388  }
0xf3: {  	[sflag:s7] =	ssyncset.done $0x0  }
0xf4: {  	[sflag:s7] =	ssyncadd.s32 $0xFFFFEC78  }
0xf5: {  	[tilespmem:s14], [sflag:$0x3] =	stream.indirect.gather [spmem:s4], $0x1, s24, s9, $0xb8;
	[tilespmem:$0x13960] =	vst v63  }
0xf6: {  	_ =	swait.ge [sflag:s25], $0x1388  }
0xf7: {  	[sflag:s25] =	ssyncset.done $0x0  }
0xf8: {  	[sflag:s25] =	ssyncadd.s32 $0xFFFFEC78  }
0xf9: {  	_ =	swait.ge [sflag:s10], $0x1388  }
0xfa: {  	[sflag:s10] =	ssyncset.done $0x0  }
0xfb: {  	[sflag:s10] =	ssyncadd.s32 $0xFFFFEC78  }
0xfc: {  	[spmem:s3] =	stream.indirect.scatter.add.f32 [tilespmem:s21], [sflag:$0x5], $0x1, s20, s9, $0xb8;
	[tilespmem:$0x13960] =	vst v63  }
0xfd: {  	s1 =	rddreg [dreg:$0x1c]  }
0xfe: {  	[tilespmem:s22], [sflag:$0x6] =	stream.linear.gather [hbm4b:s1+s2], $0x1388, $0x38;
	[tilespmem:$0x13960] =	vst v63  }
0xff: {  	_ =	swait.ge [sflag:s7], $0x1388  }
0x100: {  	[sflag:s7] =	ssyncset.done $0x0  }
0x101: {  	s1 =	rddreg [dreg:$0x1d];
	[sflag:s7] =	ssyncadd.s32 $0xFFFFEC78  }
0x102: {  	[tilespmem:s15], [sflag:$0x6] =	stream.linear.gather [hbm4b:s1+s2], $0x1388, $0x38;
	[tilespmem:$0x13960] =	vst v63  }
0x103: {  	_ =	swait.ge [sflag:s7], $0x1388  }
0x104: {  	[sflag:s7] =	ssyncset.done $0x0  }
0x105: {  	[sflag:s7] =	ssyncadd.s32 $0xFFFFEC78  }
0x106: {  	[tilespmem:s16], [sflag:$0x4] =	stream.indirect.gather [spmem:s4], $0x1, s22, s9, $0xb8;
	[tilespmem:$0x13960] =	vst v63  }
0x107: {  	_ =	swait.ge [sflag:s23], $0x1388  }
0x108: {  	[sflag:s23] =	ssyncset.done $0x0  }
0x109: {  	[sflag:s23] =	ssyncadd.s32 $0xFFFFEC78  }
0x10a: {  	_ =	swait.ge [sflag:s10], $0x1388  }
0x10b: {  	[sflag:s10] =	ssyncset.done $0x0  }
0x10c: {  	[sflag:s10] =	ssyncadd.s32 $0xFFFFEC78  }
0x10d: {  	[spmem:s3] =	stream.indirect.scatter.add.f32 [tilespmem:s14], [sflag:$0x5], $0x1, s12, s9, $0xb8;
	[tilespmem:$0x13960] =	vst v63  }
0x10e: {  	s1 =	rddreg [dreg:$0x1e]  }
0x10f: {  	[tilespmem:s2], [sflag:$0x6] =	stream.linear.gather [hbm4b:s1+s2], $0x1388, $0x38;
	[tilespmem:$0x13960] =	vst v63  }
0x110: {  	_ =	swait.ge [sflag:s7], $0x1388  }
0x111: {  	[sflag:s7] =	ssyncset.done $0x0  }
0x112: {  	s1 =	rddreg [dreg:$0x1f];
	[sflag:s7] =	ssyncadd.s32 $0xFFFFEC78  }
0x113: {  	[tilespmem:s26], [sflag:$0x6] =	stream.linear.gather [hbm4b:s1+s2], $0x1388, $0x38;
	[tilespmem:$0x13960] =	vst v63  }
0x114: {  	_ =	swait.ge [sflag:s7], $0x1388  }
0x115: {  	[sflag:s7] =	ssyncset.done $0x0  }
0x116: {  	[sflag:s7] =	ssyncadd.s32 $0xFFFFEC78  }
0x117: {  	[tilespmem:s28], [sflag:$0x1] =	stream.indirect.gather [spmem:s4], $0x1, s2, s9, $0xb8;
	[tilespmem:$0x13960] =	vst v63  }
0x118: {  	_ =	swait.ge [sflag:s17], $0x1388  }
0x119: {  	[sflag:s17] =	ssyncset.done $0x0  }
0x11a: {  	[sflag:s17] =	ssyncadd.s32 $0xFFFFEC78  }
0x11b: {  	_ =	swait.ge [sflag:s10], $0x1388  }
0x11c: {  	[sflag:s10] =	ssyncset.done $0x0  }
0x11d: {  	s1 =	sld [smem:$0x7F4];
	[sflag:s10] =	ssyncadd.s32 $0xFFFFEC78  }
0x11e: {  	[spmem:s3] =	stream.indirect.scatter.add.f32 [tilespmem:s16], [sflag:$0x5], $0x1, s15, s9, $0xb8;
	[tilespmem:$0x13960] =	vst v63  }
0x11f: {  	_ = 	snop  }
0x120: {  	[tilespmem:s29], [sflag:$0x6] =	stream.linear.gather [hbm4b:s1+s2], $0x1388, $0x38;
	[tilespmem:$0x13960] =	vst v63  }
0x121: {  	_ =	swait.ge [sflag:s7], $0x1388  }
0x122: {  	s1 =	sld [smem:$0x7F5]  }
0x123: {  	[sflag:s7] =	ssyncset.done $0x0  }
0x124: {  	[sflag:s7] =	ssyncadd.s32 $0xFFFFEC78  }
0x125: {  	[tilespmem:s20], [sflag:$0x6] =	stream.linear.gather [hbm4b:s1+s2], $0x1388, $0x38;
	[tilespmem:$0x13960] =	vst v63  }
0x126: {  	_ =	swait.ge [sflag:s7], $0x1388  }
0x127: {  	[sflag:s7] =	ssyncset.done $0x0  }
0x128: {  	[sflag:s7] =	ssyncadd.s32 $0xFFFFEC78  }
0x129: {  	[tilespmem:s21], [sflag:$0x2] =	stream.indirect.gather [spmem:s4], $0x1, s29, s9, $0xb8;
	[tilespmem:$0x13960] =	vst v63  }
0x12a: {  	_ =	swait.ge [sflag:s30], $0x1388  }
0x12b: {  	[sflag:s30] =	ssyncset.done $0x0  }
0x12c: {  	[sflag:s30] =	ssyncadd.s32 $0xFFFFEC78  }
0x12d: {  	_ =	swait.ge [sflag:s10], $0x1388  }
0x12e: {  	[sflag:s10] =	ssyncset.done $0x0  }
0x12f: {  	s1 =	sld [smem:$0x7F6];
	[sflag:s10] =	ssyncadd.s32 $0xFFFFEC78  }
0x130: {  	[spmem:s3] =	stream.indirect.scatter.add.f32 [tilespmem:s28], [sflag:$0x5], $0x1, s26, s9, $0xb8;
	[tilespmem:$0x13960] =	vst v63  }
0x131: {  	_ = 	snop  }
0x132: {  	[tilespmem:s24], [sflag:$0x6] =	stream.linear.gather [hbm4b:s1+s2], $0x1388, $0x38;
	[tilespmem:$0x13960] =	vst v63  }
0x133: {  	_ =	swait.ge [sflag:s7], $0x1388  }
0x134: {  	s1 =	sld [smem:$0x7F7]  }
0x135: {  	[sflag:s7] =	ssyncset.done $0x0  }
0x136: {  	[sflag:s7] =	ssyncadd.s32 $0xFFFFEC78  }
0x137: {  	[tilespmem:s12], [sflag:$0x6] =	stream.linear.gather [hbm4b:s1+s2], $0x1388, $0x38;
	[tilespmem:$0x13960] =	vst v63  }
0x138: {  	_ =	swait.ge [sflag:s7], $0x1388  }
0x139: {  	[sflag:s7] =	ssyncset.done $0x0  }
0x13a: {  	[sflag:s7] =	ssyncadd.s32 $0xFFFFEC78  }
0x13b: {  	[tilespmem:s14], [sflag:$0x3] =	stream.indirect.gather [spmem:s4], $0x1, s24, s9, $0xb8;
	[tilespmem:$0x13960] =	vst v63  }
0x13c: {  	_ =	swait.ge [sflag:s25], $0x1388  }
0x13d: {  	[sflag:s25] =	ssyncset.done $0x0  }
0x13e: {  	[sflag:s25] =	ssyncadd.s32 $0xFFFFEC78  }
0x13f: {  	_ =	swait.ge [sflag:s10], $0x1388  }
0x140: {  	[sflag:s10] =	ssyncset.done $0x0  }
0x141: {  	s1 =	sld [smem:$0x7F8];
	[sflag:s10] =	ssyncadd.s32 $0xFFFFEC78  }
0x142: {  	[spmem:s3] =	stream.indirect.scatter.add.f32 [tilespmem:s21], [sflag:$0x5], $0x1, s20, s9, $0xb8;
	[tilespmem:$0x13960] =	vst v63  }
0x143: {  	_ = 	snop  }
0x144: {  	[tilespmem:s22], [sflag:$0x6] =	stream.linear.gather [hbm4b:s1+s2], $0x1388, $0x38;
	[tilespmem:$0x13960] =	vst v63  }
0x145: {  	_ =	swait.ge [sflag:s7], $0x1388  }
0x146: {  	s1 =	sld [smem:$0x7F9]  }
0x147: {  	[sflag:s7] =	ssyncset.done $0x0  }
0x148: {  	[sflag:s7] =	ssyncadd.s32 $0xFFFFEC78  }
0x149: {  	[tilespmem:s15], [sflag:$0x6] =	stream.linear.gather [hbm4b:s1+s2], $0x1388, $0x38;
	[tilespmem:$0x13960] =	vst v63  }
0x14a: {  	_ =	swait.ge [sflag:s7], $0x1388  }
0x14b: {  	[sflag:s7] =	ssyncset.done $0x0  }
0x14c: {  	[sflag:s7] =	ssyncadd.s32 $0xFFFFEC78  }
0x14d: {  	[tilespmem:s16], [sflag:$0x4] =	stream.indirect.gather [spmem:s4], $0x1, s22, s9, $0xb8;
	[tilespmem:$0x13960] =	vst v63  }
0x14e: {  	_ =	swait.ge [sflag:s23], $0x1388  }
0x14f: {  	[sflag:s23] =	ssyncset.done $0x0  }
0x150: {  	[sflag:s23] =	ssyncadd.s32 $0xFFFFEC78  }
0x151: {  	_ =	swait.ge [sflag:s10], $0x1388  }
0x152: {  	[sflag:s10] =	ssyncset.done $0x0  }
0x153: {  	s1 =	sld [smem:$0x7FA];
	[sflag:s10] =	ssyncadd.s32 $0xFFFFEC78  }
0x154: {  	[spmem:s3] =	stream.indirect.scatter.add.f32 [tilespmem:s14], [sflag:$0x5], $0x1, s12, s9, $0xb8;
	[tilespmem:$0x13960] =	vst v63  }
0x155: {  	_ = 	snop  }
0x156: {  	[tilespmem:s2], [sflag:$0x6] =	stream.linear.gather [hbm4b:s1+s2], $0x1388, $0x38;
	[tilespmem:$0x13960] =	vst v63  }
0x157: {  	_ =	swait.ge [sflag:s7], $0x1388  }
0x158: {  	s1 =	sld [smem:$0x7FB]  }
0x159: {  	[sflag:s7] =	ssyncset.done $0x0  }
0x15a: {  	[sflag:s7] =	ssyncadd.s32 $0xFFFFEC78  }
0x15b: {  	[tilespmem:s26], [sflag:$0x6] =	stream.linear.gather [hbm4b:s1+s2], $0x1388, $0x38;
	[tilespmem:$0x13960] =	vst v63  }
0x15c: {  	_ =	swait.ge [sflag:s7], $0x1388  }
0x15d: {  	[sflag:s7] =	ssyncset.done $0x0  }
0x15e: {  	[sflag:s7] =	ssyncadd.s32 $0xFFFFEC78  }
0x15f: {  	[tilespmem:s28], [sflag:$0x1] =	stream.indirect.gather [spmem:s4], $0x1, s2, s9, $0xb8;
	[tilespmem:$0x13960] =	vst v63  }
0x160: {  	_ =	swait.ge [sflag:s17], $0x1388  }
0x161: {  	[sflag:s17] =	ssyncset.done $0x0  }
0x162: {  	[sflag:s17] =	ssyncadd.s32 $0xFFFFEC78  }
0x163: {  	_ =	swait.ge [sflag:s10], $0x1388  }
0x164: {  	[sflag:s10] =	ssyncset.done $0x0  }
0x165: {  	s1 =	sld [smem:$0x7FC];
	[sflag:s10] =	ssyncadd.s32 $0xFFFFEC78  }
0x166: {  	[spmem:s3] =	stream.indirect.scatter.add.f32 [tilespmem:s16], [sflag:$0x5], $0x1, s15, s9, $0xb8;
	[tilespmem:$0x13960] =	vst v63  }
0x167: {  	_ = 	snop  }
0x168: {  	[tilespmem:s29], [sflag:$0x6] =	stream.linear.gather [hbm4b:s1+s2], $0x1388, $0x38;
	[tilespmem:$0x13960] =	vst v63  }
0x169: {  	_ =	swait.ge [sflag:s7], $0x1388  }
0x16a: {  	s1 =	sld [smem:$0x7FD]  }
0x16b: {  	[sflag:s7] =	ssyncset.done $0x0  }
0x16c: {  	[sflag:s7] =	ssyncadd.s32 $0xFFFFEC78  }
0x16d: {  	[tilespmem:s20], [sflag:$0x6] =	stream.linear.gather [hbm4b:s1+s2], $0x1388, $0x38;
	[tilespmem:$0x13960] =	vst v63  }
0x16e: {  	_ =	swait.ge [sflag:s7], $0x1388  }
0x16f: {  	[sflag:s7] =	ssyncset.done $0x0  }
0x170: {  	[sflag:s7] =	ssyncadd.s32 $0xFFFFEC78  }
0x171: {  	[tilespmem:s21], [sflag:$0x2] =	stream.indirect.gather [spmem:s4], $0x1, s29, s9, $0xb8;
	[tilespmem:$0x13960] =	vst v63  }
0x172: {  	_ =	swait.ge [sflag:s30], $0x1388  }
0x173: {  	[sflag:s30] =	ssyncset.done $0x0  }
0x174: {  	[sflag:s30] =	ssyncadd.s32 $0xFFFFEC78  }
0x175: {  	_ =	swait.ge [sflag:s10], $0x1388  }
0x176: {  	[sflag:s10] =	ssyncset.done $0x0  }
0x177: {  	[sflag:s10] =	ssyncadd.s32 $0xFFFFEC78  }
0x178: {  	[spmem:s3] =	stream.indirect.scatter.add.f32 [tilespmem:s28], [sflag:$0x5], $0x1, s26, s9, $0xb8;
	[tilespmem:$0x13960] =	vst v63  }
0x179: {  	_ = 	snop  }
0x17a: {  	[tilespmem:s24], [sflag:$0x6] =	stream.linear.gather [hbm4b:s19+s2], $0x1388, $0x38;
	[tilespmem:$0x13960] =	vst v63  }
0x17b: {  	_ =	swait.ge [sflag:s7], $0x1388  }
0x17c: {  	[sflag:s7] =	ssyncset.done $0x0  }
0x17d: {  	[sflag:s7] =	ssyncadd.s32 $0xFFFFEC78  }
0x17e: {  	[tilespmem:s12], [sflag:$0x6] =	stream.linear.gather [hbm4b:s18+s2], $0x1388, $0x38;
	[tilespmem:$0x13960] =	vst v63  }
0x17f: {  	_ =	swait.ge [sflag:s7], $0x1388  }
0x180: {  	[sflag:s7] =	ssyncset.done $0x0  }
0x181: {  	[sflag:s7] =	ssyncadd.s32 $0xFFFFEC78  }
0x182: {  	[tilespmem:s14], [sflag:$0x3] =	stream.indirect.gather [spmem:s4], $0x1, s24, s9, $0xb8;
	[tilespmem:$0x13960] =	vst v63  }
0x183: {  	_ =	swait.ge [sflag:s25], $0x1388  }
0x184: {  	[sflag:s25] =	ssyncset.done $0x0  }
0x185: {  	[sflag:s25] =	ssyncadd.s32 $0xFFFFEC78  }
0x186: {  	_ =	swait.ge [sflag:s10], $0x1388  }
0x187: {  	[sflag:s10] =	ssyncset.done $0x0  }
0x188: {  	[sflag:s10] =	ssyncadd.s32 $0xFFFFEC78  }
0x189: {  	[spmem:s3] =	stream.indirect.scatter.add.f32 [tilespmem:s21], [sflag:$0x5], $0x1, s20, s9, $0xb8;
	[tilespmem:$0x13960] =	vst v63  }
0x18a: {  	_ = 	snop  }
0x18b: {  	[tilespmem:s22], [sflag:$0x6] =	stream.linear.gather [hbm4b:s13+s2], $0x1388, $0x38;
	[tilespmem:$0x13960] =	vst v63  }
0x18c: {  	_ =	swait.ge [sflag:s7], $0x1388  }
0x18d: {  	[sflag:s7] =	ssyncset.done $0x0  }
0x18e: {  	[sflag:s7] =	ssyncadd.s32 $0xFFFFEC78  }
0x18f: {  	[tilespmem:s15], [sflag:$0x6] =	stream.linear.gather [hbm4b:s11+s2], $0x1388, $0x38;
	[tilespmem:$0x13960] =	vst v63  }
0x190: {  	_ =	swait.ge [sflag:s7], $0x1388  }
0x191: {  	[sflag:s7] =	ssyncset.done $0x0  }
0x192: {  	[sflag:s7] =	ssyncadd.s32 $0xFFFFEC78  }
0x193: {  	[tilespmem:s16], [sflag:$0x4] =	stream.indirect.gather [spmem:s4], $0x1, s22, s9, $0xb8;
	[tilespmem:$0x13960] =	vst v63  }
0x194: {  	_ =	swait.ge [sflag:s23], $0x1388  }
0x195: {  	[sflag:s23] =	ssyncset.done $0x0  }
0x196: {  	[sflag:s23] =	ssyncadd.s32 $0xFFFFEC78  }
0x197: {  	_ =	swait.ge [sflag:s10], $0x1388  }
0x198: {  	[sflag:s10] =	ssyncset.done $0x0  }
0x199: {  	[sflag:s10] =	ssyncadd.s32 $0xFFFFEC78  }
0x19a: {  	[spmem:s3] =	stream.indirect.scatter.add.f32 [tilespmem:s14], [sflag:$0x5], $0x1, s12, s9, $0xb8;
	[tilespmem:$0x13960] =	vst v63  }
0x19b: {  	_ =	swait.ge [sflag:s17], $0x1388  }
0x19c: {  	[sflag:s17] =	ssyncset.done $0x0  }
0x19d: {  	[sflag:s17] =	ssyncadd.s32 $0xFFFFEC78  }
0x19e: {  	_ =	swait.ge [sflag:s10], $0x1388  }
0x19f: {  	[sflag:s10] =	ssyncset.done $0x0  }
0x1a0: {  	[sflag:s10] =	ssyncadd.s32 $0xFFFFEC78  }
0x1a1: {  	[spmem:s3] =	stream.indirect.scatter.add.f32 [tilespmem:s16], [sflag:$0x5], $0x1, s15, s9, $0xb8;
	[tilespmem:$0x13960] =	vst v63  }
0x1a2: {  	_ =	swait.ge [sflag:s10], $0x1388  }
0x1a3: {  	[sflag:s10] =	ssyncset.done $0x0  }
0x1a4: {  	[sflag:s10] =	ssyncadd.s32 $0xFFFFEC78  }
0x1a5: {  	[bflag:$0x0] =	sbarrier.arrive $0xFFFF  }
0x1a6: {  	[tilespmem:s8], [sflag:$0x6] =	stream.linear.gather [spmem:s5], $0x1870, $0x38;
	[tilespmem:$0x13960] =	vst v63  }
0x1a7: {  	p1 =	sne.s32 s0, $0x1;
	_ =	swait.ge [sflag:s7], $0x1870  }
.Ltmp1:
0x1a8: {  	[sflag:s7] =	ssyncset.done $0x0;
	(pc) =	sbr.rel @!p1 .LBB2_3-.Ltmp1, $4  }
0x1a9: {  	[sflag:s7] =	ssyncadd.s32 $0xFFFFE790  }
0x1aa: {  	[hbm4b:s6+s2] =	stream.linear.scatter [tilespmem:s8], [sflag:$0x6], $0x1870, $0x38;
	[tilespmem:$0x13960] =	vst v63  }
0x1ab: {  	s0 =	sadd.s32 $0xFFFFFFFF, s0;
	_ =	swait.ge [sflag:s7], $0x1870  }
0x1ac: {  	p0 =	por $0x1, $0x1;
	s1 =	rddreg [dreg:$0x4];
	[sflag:s7] =	ssyncset.done $0x0  }
.LBB2_2:
0x1ad: {  	[sflag:s7] =	ssyncadd.s32 $0xFFFFE790  }
0x1ae: {  	[tilespmem:s8], [sflag:$0x6] =	stream.linear.gather [hbm4b:s1+s2], $0x1880, $0x38;
	[tilespmem:$0x13960] =	vst v63  }
0x1af: {  	_ =	swait.ge [sflag:s7], $0x1880  }
0x1b0: {  	[sflag:s7] =	ssyncset.done $0x0  }
0x1b1: {  	[sflag:s7] =	ssyncadd.s32 $0xFFFFE780  }
0x1b2: {  	[spmem:s5] =	stream.linear.scatter [tilespmem:s8], [sflag:$0x6], $0x1870, $0x38;
	[tilespmem:$0x13960] =	vst v63  }
0x1b3: {  	_ =	swait.ge [sflag:s7], $0x1870  }
0x1b4: {  	[sflag:s7] =	ssyncset.done $0x0  }
0x1b5: {  	s1 =	rddreg [dreg:$0x5];
	[sflag:s7] =	ssyncadd.s32 $0xFFFFE790  }
0x1b6: {  	[tilespmem:s8], [sflag:$0x6] =	stream.linear.gather [hbm4b:s1+s2], $0x1870, $0x38;
	[tilespmem:$0x13960] =	vst v63  }
0x1b7: {  	_ =	swait.ge [sflag:s7], $0x1870  }
0x1b8: {  	[sflag:s7] =	ssyncset.done $0x0  }
0x1b9: {  	s1 =	rddreg [dreg:$0x6];
	[sflag:s7] =	ssyncadd.s32 $0xFFFFE790  }
0x1ba: {  	[spmem:s1] =	stream.linear.scatter [tilespmem:s8], [sflag:$0x6], $0x1870, $0x38;
	[tilespmem:$0x13960] =	vst v63  }
0x1bb: {  	_ =	swait.ge [sflag:s7], $0x1870  }
0x1bc: {  	[sflag:s7] =	ssyncset.done $0x0  }
0x1bd: {  	[sflag:s7] =	ssyncadd.s32 $0xFFFFE790  }
0x1be: {  	[bflag:$0x0] =	sbarrier.arrive $0xFFFF  }
0x1bf: {  	[tilespmem:s2], [sflag:$0x6] =	stream.linear.gather [hbm4b:s31+s2], $0x1388, $0x38;
	[tilespmem:$0x13960] =	vst v63  }
0x1c0: {  	_ =	swait.ge [sflag:s7], $0x1388  }
0x1c1: {  	[sflag:s7] =	ssyncset.done $0x0  }
0x1c2: {  	s1 =	rddreg [dreg:$0x7];
	[sflag:s7] =	ssyncadd.s32 $0xFFFFEC78  }
0x1c3: {  	[tilespmem:s26], [sflag:$0x6] =	stream.linear.gather [hbm4b:s1+s2], $0x1388, $0x38;
	[tilespmem:$0x13960] =	vst v63  }
0x1c4: {  	_ =	swait.ge [sflag:s7], $0x1388  }
0x1c5: {  	[sflag:s7] =	ssyncset.done $0x0  }
0x1c6: {  	[sflag:s7] =	ssyncadd.s32 $0xFFFFEC78  }
0x1c7: {  	[tilespmem:s28], [sflag:$0x1] =	stream.indirect.gather [spmem:s4], $0x1, s2, s9, $0xb8;
	[tilespmem:$0x13960] =	vst v63  }
0x1c8: {  	s1 =	rddreg [dreg:$0x8]  }
0x1c9: {  	[tilespmem:s29], [sflag:$0x6] =	stream.linear.gather [hbm4b:s1+s2], $0x1388, $0x38;
	[tilespmem:$0x13960] =	vst v63  }
0x1ca: {  	_ =	swait.ge [sflag:s7], $0x1388  }
0x1cb: {  	[sflag:s7] =	ssyncset.done $0x0  }
0x1cc: {  	s1 =	rddreg [dreg:$0x9];
	[sflag:s7] =	ssyncadd.s32 $0xFFFFEC78  }
0x1cd: {  	[tilespmem:s20], [sflag:$0x6] =	stream.linear.gather [hbm4b:s1+s2], $0x1388, $0x38;
	[tilespmem:$0x13960] =	vst v63  }
0x1ce: {  	_ =	swait.ge [sflag:s7], $0x1388  }
0x1cf: {  	[sflag:s7] =	ssyncset.done $0x0  }
0x1d0: {  	[sflag:s7] =	ssyncadd.s32 $0xFFFFEC78  }
0x1d1: {  	[tilespmem:s21], [sflag:$0x2] =	stream.indirect.gather [spmem:s4], $0x1, s29, s9, $0xb8;
	[tilespmem:$0x13960] =	vst v63  }
0x1d2: {  	_ =	swait.ge [sflag:s30], $0x1388  }
0x1d3: {  	[sflag:s30] =	ssyncset.done $0x0  }
0x1d4: {  	[sflag:s30] =	ssyncadd.s32 $0xFFFFEC78  }
0x1d5: {  	[spmem:s3] =	stream.indirect.scatter.add.f32 [tilespmem:s28], [sflag:$0x5], $0x1, s26, s9, $0xb8;
	[tilespmem:$0x13960] =	vst v63  }
0x1d6: {  	s1 =	rddreg [dreg:$0xa]  }
0x1d7: {  	[tilespmem:s24], [sflag:$0x6] =	stream.linear.gather [hbm4b:s1+s2], $0x1388, $0x38;
	[tilespmem:$0x13960] =	vst v63  }
0x1d8: {  	_ =	swait.ge [sflag:s7], $0x1388  }
0x1d9: {  	[sflag:s7] =	ssyncset.done $0x0  }
0x1da: {  	s1 =	rddreg [dreg:$0xb];
	[sflag:s7] =	ssyncadd.s32 $0xFFFFEC78  }
0x1db: {  	[tilespmem:s12], [sflag:$0x6] =	stream.linear.gather [hbm4b:s1+s2], $0x1388, $0x38;
	[tilespmem:$0x13960] =	vst v63  }
0x1dc: {  	_ =	swait.ge [sflag:s7], $0x1388  }
0x1dd: {  	[sflag:s7] =	ssyncset.done $0x0  }
0x1de: {  	[sflag:s7] =	ssyncadd.s32 $0xFFFFEC78  }
0x1df: {  	[tilespmem:s14], [sflag:$0x3] =	stream.indirect.gather [spmem:s4], $0x1, s24, s9, $0xb8;
	[tilespmem:$0x13960] =	vst v63  }
0x1e0: {  	_ =	swait.ge [sflag:s25], $0x1388  }
0x1e1: {  	[sflag:s25] =	ssyncset.done $0x0  }
0x1e2: {  	[sflag:s25] =	ssyncadd.s32 $0xFFFFEC78  }
0x1e3: {  	_ =	swait.ge [sflag:s10], $0x1388  }
0x1e4: {  	[sflag:s10] =	ssyncset.done $0x0  }
0x1e5: {  	[sflag:s10] =	ssyncadd.s32 $0xFFFFEC78  }
0x1e6: {  	[spmem:s3] =	stream.indirect.scatter.add.f32 [tilespmem:s21], [sflag:$0x5], $0x1, s20, s9, $0xb8;
	[tilespmem:$0x13960] =	vst v63  }
0x1e7: {  	s1 =	rddreg [dreg:$0xc]  }
0x1e8: {  	[tilespmem:s22], [sflag:$0x6] =	stream.linear.gather [hbm4b:s1+s2], $0x1388, $0x38;
	[tilespmem:$0x13960] =	vst v63  }
0x1e9: {  	_ =	swait.ge [sflag:s7], $0x1388  }
0x1ea: {  	[sflag:s7] =	ssyncset.done $0x0  }
0x1eb: {  	s1 =	rddreg [dreg:$0xd];
	[sflag:s7] =	ssyncadd.s32 $0xFFFFEC78  }
0x1ec: {  	[tilespmem:s15], [sflag:$0x6] =	stream.linear.gather [hbm4b:s1+s2], $0x1388, $0x38;
	[tilespmem:$0x13960] =	vst v63  }
0x1ed: {  	_ =	swait.ge [sflag:s7], $0x1388  }
0x1ee: {  	[sflag:s7] =	ssyncset.done $0x0  }
0x1ef: {  	[sflag:s7] =	ssyncadd.s32 $0xFFFFEC78  }
0x1f0: {  	[tilespmem:s16], [sflag:$0x4] =	stream.indirect.gather [spmem:s4], $0x1, s22, s9, $0xb8;
	[tilespmem:$0x13960] =	vst v63  }
0x1f1: {  	_ =	swait.ge [sflag:s23], $0x1388  }
0x1f2: {  	[sflag:s23] =	ssyncset.done $0x0  }
0x1f3: {  	[sflag:s23] =	ssyncadd.s32 $0xFFFFEC78  }
0x1f4: {  	_ =	swait.ge [sflag:s10], $0x1388  }
0x1f5: {  	[sflag:s10] =	ssyncset.done $0x0  }
0x1f6: {  	[sflag:s10] =	ssyncadd.s32 $0xFFFFEC78  }
0x1f7: {  	[spmem:s3] =	stream.indirect.scatter.add.f32 [tilespmem:s14], [sflag:$0x5], $0x1, s12, s9, $0xb8;
	[tilespmem:$0x13960] =	vst v63  }
0x1f8: {  	s1 =	rddreg [dreg:$0xe]  }
0x1f9: {  	[tilespmem:s2], [sflag:$0x6] =	stream.linear.gather [hbm4b:s1+s2], $0x1388, $0x38;
	[tilespmem:$0x13960] =	vst v63  }
0x1fa: {  	_ =	swait.ge [sflag:s7], $0x1388  }
0x1fb: {  	[sflag:s7] =	ssyncset.done $0x0  }
0x1fc: {  	s1 =	rddreg [dreg:$0xf];
	[sflag:s7] =	ssyncadd.s32 $0xFFFFEC78  }
0x1fd: {  	[tilespmem:s26], [sflag:$0x6] =	stream.linear.gather [hbm4b:s1+s2], $0x1388, $0x38;
	[tilespmem:$0x13960] =	vst v63  }
0x1fe: {  	_ =	swait.ge [sflag:s7], $0x1388  }
0x1ff: {  	[sflag:s7] =	ssyncset.done $0x0  }
0x200: {  	[sflag:s7] =	ssyncadd.s32 $0xFFFFEC78  }
0x201: {  	[tilespmem:s28], [sflag:$0x1] =	stream.indirect.gather [spmem:s4], $0x1, s2, s9, $0xb8;
	[tilespmem:$0x13960] =	vst v63  }
0x202: {  	_ =	swait.ge [sflag:s17], $0x1388  }
0x203: {  	[sflag:s17] =	ssyncset.done $0x0  }
0x204: {  	[sflag:s17] =	ssyncadd.s32 $0xFFFFEC78  }
0x205: {  	_ =	swait.ge [sflag:s10], $0x1388  }
0x206: {  	[sflag:s10] =	ssyncset.done $0x0  }
0x207: {  	[sflag:s10] =	ssyncadd.s32 $0xFFFFEC78  }
0x208: {  	[spmem:s3] =	stream.indirect.scatter.add.f32 [tilespmem:s16], [sflag:$0x5], $0x1, s15, s9, $0xb8;
	[tilespmem:$0x13960] =	vst v63  }
0x209: {  	s1 =	rddreg [dreg:$0x10]  }
0x20a: {  	[tilespmem:s29], [sflag:$0x6] =	stream.linear.gather [hbm4b:s1+s2], $0x1388, $0x38;
	[tilespmem:$0x13960] =	vst v63  }
0x20b: {  	_ =	swait.ge [sflag:s7], $0x1388  }
0x20c: {  	[sflag:s7] =	ssyncset.done $0x0  }
0x20d: {  	s1 =	rddreg [dreg:$0x11];
	[sflag:s7] =	ssyncadd.s32 $0xFFFFEC78  }
0x20e: {  	[tilespmem:s20], [sflag:$0x6] =	stream.linear.gather [hbm4b:s1+s2], $0x1388, $0x38;
	[tilespmem:$0x13960] =	vst v63  }
0x20f: {  	_ =	swait.ge [sflag:s7], $0x1388  }
0x210: {  	[sflag:s7] =	ssyncset.done $0x0  }
0x211: {  	[sflag:s7] =	ssyncadd.s32 $0xFFFFEC78  }
0x212: {  	[tilespmem:s21], [sflag:$0x2] =	stream.indirect.gather [spmem:s4], $0x1, s29, s9, $0xb8;
	[tilespmem:$0x13960] =	vst v63  }
0x213: {  	_ =	swait.ge [sflag:s30], $0x1388  }
0x214: {  	[sflag:s30] =	ssyncset.done $0x0  }
0x215: {  	[sflag:s30] =	ssyncadd.s32 $0xFFFFEC78  }
0x216: {  	_ =	swait.ge [sflag:s10], $0x1388  }
0x217: {  	[sflag:s10] =	ssyncset.done $0x0  }
0x218: {  	[sflag:s10] =	ssyncadd.s32 $0xFFFFEC78  }
0x219: {  	[spmem:s3] =	stream.indirect.scatter.add.f32 [tilespmem:s28], [sflag:$0x5], $0x1, s26, s9, $0xb8;
	[tilespmem:$0x13960] =	vst v63  }
0x21a: {  	s1 =	rddreg [dreg:$0x12]  }
0x21b: {  	[tilespmem:s24], [sflag:$0x6] =	stream.linear.gather [hbm4b:s1+s2], $0x1388, $0x38;
	[tilespmem:$0x13960] =	vst v63  }
0x21c: {  	_ =	swait.ge [sflag:s7], $0x1388  }
0x21d: {  	[sflag:s7] =	ssyncset.done $0x0  }
0x21e: {  	s1 =	rddreg [dreg:$0x13];
	[sflag:s7] =	ssyncadd.s32 $0xFFFFEC78  }
0x21f: {  	[tilespmem:s12], [sflag:$0x6] =	stream.linear.gather [hbm4b:s1+s2], $0x1388, $0x38;
	[tilespmem:$0x13960] =	vst v63  }
0x220: {  	_ =	swait.ge [sflag:s7], $0x1388  }
0x221: {  	[sflag:s7] =	ssyncset.done $0x0  }
0x222: {  	[sflag:s7] =	ssyncadd.s32 $0xFFFFEC78  }
0x223: {  	[tilespmem:s14], [sflag:$0x3] =	stream.indirect.gather [spmem:s4], $0x1, s24, s9, $0xb8;
	[tilespmem:$0x13960] =	vst v63  }
0x224: {  	_ =	swait.ge [sflag:s25], $0x1388  }
0x225: {  	[sflag:s25] =	ssyncset.done $0x0  }
0x226: {  	[sflag:s25] =	ssyncadd.s32 $0xFFFFEC78  }
0x227: {  	_ =	swait.ge [sflag:s10], $0x1388  }
0x228: {  	[sflag:s10] =	ssyncset.done $0x0  }
0x229: {  	[sflag:s10] =	ssyncadd.s32 $0xFFFFEC78  }
0x22a: {  	[spmem:s3] =	stream.indirect.scatter.add.f32 [tilespmem:s21], [sflag:$0x5], $0x1, s20, s9, $0xb8;
	[tilespmem:$0x13960] =	vst v63  }
0x22b: {  	s1 =	rddreg [dreg:$0x14]  }
0x22c: {  	[tilespmem:s22], [sflag:$0x6] =	stream.linear.gather [hbm4b:s1+s2], $0x1388, $0x38;
	[tilespmem:$0x13960] =	vst v63  }
0x22d: {  	_ =	swait.ge [sflag:s7], $0x1388  }
0x22e: {  	[sflag:s7] =	ssyncset.done $0x0  }
0x22f: {  	s1 =	rddreg [dreg:$0x15];
	[sflag:s7] =	ssyncadd.s32 $0xFFFFEC78  }
0x230: {  	[tilespmem:s15], [sflag:$0x6] =	stream.linear.gather [hbm4b:s1+s2], $0x1388, $0x38;
	[tilespmem:$0x13960] =	vst v63  }
0x231: {  	_ =	swait.ge [sflag:s7], $0x1388  }
0x232: {  	[sflag:s7] =	ssyncset.done $0x0  }
0x233: {  	[sflag:s7] =	ssyncadd.s32 $0xFFFFEC78  }
0x234: {  	[tilespmem:s16], [sflag:$0x4] =	stream.indirect.gather [spmem:s4], $0x1, s22, s9, $0xb8;
	[tilespmem:$0x13960] =	vst v63  }
0x235: {  	_ =	swait.ge [sflag:s23], $0x1388  }
0x236: {  	[sflag:s23] =	ssyncset.done $0x0  }
0x237: {  	[sflag:s23] =	ssyncadd.s32 $0xFFFFEC78  }
0x238: {  	_ =	swait.ge [sflag:s10], $0x1388  }
0x239: {  	[sflag:s10] =	ssyncset.done $0x0  }
0x23a: {  	[sflag:s10] =	ssyncadd.s32 $0xFFFFEC78  }
0x23b: {  	[spmem:s3] =	stream.indirect.scatter.add.f32 [tilespmem:s14], [sflag:$0x5], $0x1, s12, s9, $0xb8;
	[tilespmem:$0x13960] =	vst v63  }
0x23c: {  	s1 =	rddreg [dreg:$0x16]  }
0x23d: {  	[tilespmem:s2], [sflag:$0x6] =	stream.linear.gather [hbm4b:s1+s2], $0x1388, $0x38;
	[tilespmem:$0x13960] =	vst v63  }
0x23e: {  	_ =	swait.ge [sflag:s7], $0x1388  }
0x23f: {  	[sflag:s7] =	ssyncset.done $0x0  }
0x240: {  	s1 =	rddreg [dreg:$0x17];
	[sflag:s7] =	ssyncadd.s32 $0xFFFFEC78  }
0x241: {  	[tilespmem:s26], [sflag:$0x6] =	stream.linear.gather [hbm4b:s1+s2], $0x1388, $0x38;
	[tilespmem:$0x13960] =	vst v63  }
0x242: {  	_ =	swait.ge [sflag:s7], $0x1388  }
0x243: {  	[sflag:s7] =	ssyncset.done $0x0  }
0x244: {  	[sflag:s7] =	ssyncadd.s32 $0xFFFFEC78  }
0x245: {  	[tilespmem:s28], [sflag:$0x1] =	stream.indirect.gather [spmem:s4], $0x1, s2, s9, $0xb8;
	[tilespmem:$0x13960] =	vst v63  }
0x246: {  	_ =	swait.ge [sflag:s17], $0x1388  }
0x247: {  	[sflag:s17] =	ssyncset.done $0x0  }
0x248: {  	[sflag:s17] =	ssyncadd.s32 $0xFFFFEC78  }
0x249: {  	_ =	swait.ge [sflag:s10], $0x1388  }
0x24a: {  	[sflag:s10] =	ssyncset.done $0x0  }
0x24b: {  	[sflag:s10] =	ssyncadd.s32 $0xFFFFEC78  }
0x24c: {  	[spmem:s3] =	stream.indirect.scatter.add.f32 [tilespmem:s16], [sflag:$0x5], $0x1, s15, s9, $0xb8;
	[tilespmem:$0x13960] =	vst v63  }
0x24d: {  	s1 =	rddreg [dreg:$0x18]  }
0x24e: {  	[tilespmem:s29], [sflag:$0x6] =	stream.linear.gather [hbm4b:s1+s2], $0x1388, $0x38;
	[tilespmem:$0x13960] =	vst v63  }
0x24f: {  	_ =	swait.ge [sflag:s7], $0x1388  }
0x250: {  	[sflag:s7] =	ssyncset.done $0x0  }
0x251: {  	s1 =	rddreg [dreg:$0x19];
	[sflag:s7] =	ssyncadd.s32 $0xFFFFEC78  }
0x252: {  	[tilespmem:s20], [sflag:$0x6] =	stream.linear.gather [hbm4b:s1+s2], $0x1388, $0x38;
	[tilespmem:$0x13960] =	vst v63  }
0x253: {  	_ =	swait.ge [sflag:s7], $0x1388  }
0x254: {  	[sflag:s7] =	ssyncset.done $0x0  }
0x255: {  	[sflag:s7] =	ssyncadd.s32 $0xFFFFEC78  }
0x256: {  	[tilespmem:s21], [sflag:$0x2] =	stream.indirect.gather [spmem:s4], $0x1, s29, s9, $0xb8;
	[tilespmem:$0x13960] =	vst v63  }
0x257: {  	_ =	swait.ge [sflag:s30], $0x1388  }
0x258: {  	[sflag:s30] =	ssyncset.done $0x0  }
0x259: {  	[sflag:s30] =	ssyncadd.s32 $0xFFFFEC78  }
0x25a: {  	_ =	swait.ge [sflag:s10], $0x1388  }
0x25b: {  	[sflag:s10] =	ssyncset.done $0x0  }
0x25c: {  	[sflag:s10] =	ssyncadd.s32 $0xFFFFEC78  }
0x25d: {  	[spmem:s3] =	stream.indirect.scatter.add.f32 [tilespmem:s28], [sflag:$0x5], $0x1, s26, s9, $0xb8;
	[tilespmem:$0x13960] =	vst v63  }
0x25e: {  	s1 =	rddreg [dreg:$0x1a]  }
0x25f: {  	[tilespmem:s24], [sflag:$0x6] =	stream.linear.gather [hbm4b:s1+s2], $0x1388, $0x38;
	[tilespmem:$0x13960] =	vst v63  }
0x260: {  	_ =	swait.ge [sflag:s7], $0x1388  }
0x261: {  	[sflag:s7] =	ssyncset.done $0x0  }
0x262: {  	s1 =	rddreg [dreg:$0x1b];
	[sflag:s7] =	ssyncadd.s32 $0xFFFFEC78  }
0x263: {  	[tilespmem:s12], [sflag:$0x6] =	stream.linear.gather [hbm4b:s1+s2], $0x1388, $0x38;
	[tilespmem:$0x13960] =	vst v63  }
0x264: {  	_ =	swait.ge [sflag:s7], $0x1388  }
0x265: {  	[sflag:s7] =	ssyncset.done $0x0  }
0x266: {  	[sflag:s7] =	ssyncadd.s32 $0xFFFFEC78  }
0x267: {  	[tilespmem:s14], [sflag:$0x3] =	stream.indirect.gather [spmem:s4], $0x1, s24, s9, $0xb8;
	[tilespmem:$0x13960] =	vst v63  }
0x268: {  	_ =	swait.ge [sflag:s25], $0x1388  }
0x269: {  	[sflag:s25] =	ssyncset.done $0x0  }
0x26a: {  	[sflag:s25] =	ssyncadd.s32 $0xFFFFEC78  }
0x26b: {  	_ =	swait.ge [sflag:s10], $0x1388  }
0x26c: {  	[sflag:s10] =	ssyncset.done $0x0  }
0x26d: {  	[sflag:s10] =	ssyncadd.s32 $0xFFFFEC78  }
0x26e: {  	[spmem:s3] =	stream.indirect.scatter.add.f32 [tilespmem:s21], [sflag:$0x5], $0x1, s20, s9, $0xb8;
	[tilespmem:$0x13960] =	vst v63  }
0x26f: {  	s1 =	rddreg [dreg:$0x1c]  }
0x270: {  	[tilespmem:s22], [sflag:$0x6] =	stream.linear.gather [hbm4b:s1+s2], $0x1388, $0x38;
	[tilespmem:$0x13960] =	vst v63  }
0x271: {  	_ =	swait.ge [sflag:s7], $0x1388  }
0x272: {  	[sflag:s7] =	ssyncset.done $0x0  }
0x273: {  	s1 =	rddreg [dreg:$0x1d];
	[sflag:s7] =	ssyncadd.s32 $0xFFFFEC78  }
0x274: {  	[tilespmem:s15], [sflag:$0x6] =	stream.linear.gather [hbm4b:s1+s2], $0x1388, $0x38;
	[tilespmem:$0x13960] =	vst v63  }
0x275: {  	_ =	swait.ge [sflag:s7], $0x1388  }
0x276: {  	[sflag:s7] =	ssyncset.done $0x0  }
0x277: {  	[sflag:s7] =	ssyncadd.s32 $0xFFFFEC78  }
0x278: {  	[tilespmem:s16], [sflag:$0x4] =	stream.indirect.gather [spmem:s4], $0x1, s22, s9, $0xb8;
	[tilespmem:$0x13960] =	vst v63  }
0x279: {  	_ =	swait.ge [sflag:s23], $0x1388  }
0x27a: {  	[sflag:s23] =	ssyncset.done $0x0  }
0x27b: {  	[sflag:s23] =	ssyncadd.s32 $0xFFFFEC78  }
0x27c: {  	_ =	swait.ge [sflag:s10], $0x1388  }
0x27d: {  	[sflag:s10] =	ssyncset.done $0x0  }
0x27e: {  	[sflag:s10] =	ssyncadd.s32 $0xFFFFEC78  }
0x27f: {  	[spmem:s3] =	stream.indirect.scatter.add.f32 [tilespmem:s14], [sflag:$0x5], $0x1, s12, s9, $0xb8;
	[tilespmem:$0x13960] =	vst v63  }
0x280: {  	s1 =	rddreg [dreg:$0x1e]  }
0x281: {  	[tilespmem:s2], [sflag:$0x6] =	stream.linear.gather [hbm4b:s1+s2], $0x1388, $0x38;
	[tilespmem:$0x13960] =	vst v63  }
0x282: {  	_ =	swait.ge [sflag:s7], $0x1388  }
0x283: {  	[sflag:s7] =	ssyncset.done $0x0  }
0x284: {  	s1 =	rddreg [dreg:$0x1f];
	[sflag:s7] =	ssyncadd.s32 $0xFFFFEC78  }
0x285: {  	[tilespmem:s26], [sflag:$0x6] =	stream.linear.gather [hbm4b:s1+s2], $0x1388, $0x38;
	[tilespmem:$0x13960] =	vst v63  }
0x286: {  	_ =	swait.ge [sflag:s7], $0x1388  }
0x287: {  	[sflag:s7] =	ssyncset.done $0x0  }
0x288: {  	[sflag:s7] =	ssyncadd.s32 $0xFFFFEC78  }
0x289: {  	[tilespmem:s28], [sflag:$0x1] =	stream.indirect.gather [spmem:s4], $0x1, s2, s9, $0xb8;
	[tilespmem:$0x13960] =	vst v63  }
0x28a: {  	_ =	swait.ge [sflag:s17], $0x1388  }
0x28b: {  	[sflag:s17] =	ssyncset.done $0x0  }
0x28c: {  	[sflag:s17] =	ssyncadd.s32 $0xFFFFEC78  }
0x28d: {  	_ =	swait.ge [sflag:s10], $0x1388  }
0x28e: {  	[sflag:s10] =	ssyncset.done $0x0  }
0x28f: {  	s1 =	sld [smem:$0x7F4];
	[sflag:s10] =	ssyncadd.s32 $0xFFFFEC78  }
0x290: {  	[spmem:s3] =	stream.indirect.scatter.add.f32 [tilespmem:s16], [sflag:$0x5], $0x1, s15, s9, $0xb8;
	[tilespmem:$0x13960] =	vst v63  }
0x291: {  	_ = 	snop  }
0x292: {  	[tilespmem:s29], [sflag:$0x6] =	stream.linear.gather [hbm4b:s1+s2], $0x1388, $0x38;
	[tilespmem:$0x13960] =	vst v63  }
0x293: {  	_ =	swait.ge [sflag:s7], $0x1388  }
0x294: {  	s1 =	sld [smem:$0x7F5]  }
0x295: {  	[sflag:s7] =	ssyncset.done $0x0  }
0x296: {  	[sflag:s7] =	ssyncadd.s32 $0xFFFFEC78  }
0x297: {  	[tilespmem:s20], [sflag:$0x6] =	stream.linear.gather [hbm4b:s1+s2], $0x1388, $0x38;
	[tilespmem:$0x13960] =	vst v63  }
0x298: {  	_ =	swait.ge [sflag:s7], $0x1388  }
0x299: {  	[sflag:s7] =	ssyncset.done $0x0  }
0x29a: {  	[sflag:s7] =	ssyncadd.s32 $0xFFFFEC78  }
0x29b: {  	[tilespmem:s21], [sflag:$0x2] =	stream.indirect.gather [spmem:s4], $0x1, s29, s9, $0xb8;
	[tilespmem:$0x13960] =	vst v63  }
0x29c: {  	_ =	swait.ge [sflag:s30], $0x1388  }
0x29d: {  	[sflag:s30] =	ssyncset.done $0x0  }
0x29e: {  	[sflag:s30] =	ssyncadd.s32 $0xFFFFEC78  }
0x29f: {  	_ =	swait.ge [sflag:s10], $0x1388  }
0x2a0: {  	[sflag:s10] =	ssyncset.done $0x0  }
0x2a1: {  	s1 =	sld [smem:$0x7F6];
	[sflag:s10] =	ssyncadd.s32 $0xFFFFEC78  }
0x2a2: {  	[spmem:s3] =	stream.indirect.scatter.add.f32 [tilespmem:s28], [sflag:$0x5], $0x1, s26, s9, $0xb8;
	[tilespmem:$0x13960] =	vst v63  }
0x2a3: {  	_ = 	snop  }
0x2a4: {  	[tilespmem:s24], [sflag:$0x6] =	stream.linear.gather [hbm4b:s1+s2], $0x1388, $0x38;
	[tilespmem:$0x13960] =	vst v63  }
0x2a5: {  	_ =	swait.ge [sflag:s7], $0x1388  }
0x2a6: {  	s1 =	sld [smem:$0x7F7]  }
0x2a7: {  	[sflag:s7] =	ssyncset.done $0x0  }
0x2a8: {  	[sflag:s7] =	ssyncadd.s32 $0xFFFFEC78  }
0x2a9: {  	[tilespmem:s12], [sflag:$0x6] =	stream.linear.gather [hbm4b:s1+s2], $0x1388, $0x38;
	[tilespmem:$0x13960] =	vst v63  }
0x2aa: {  	_ =	swait.ge [sflag:s7], $0x1388  }
0x2ab: {  	[sflag:s7] =	ssyncset.done $0x0  }
0x2ac: {  	[sflag:s7] =	ssyncadd.s32 $0xFFFFEC78  }
0x2ad: {  	[tilespmem:s14], [sflag:$0x3] =	stream.indirect.gather [spmem:s4], $0x1, s24, s9, $0xb8;
	[tilespmem:$0x13960] =	vst v63  }
0x2ae: {  	_ =	swait.ge [sflag:s25], $0x1388  }
0x2af: {  	[sflag:s25] =	ssyncset.done $0x0  }
0x2b0: {  	[sflag:s25] =	ssyncadd.s32 $0xFFFFEC78  }
0x2b1: {  	_ =	swait.ge [sflag:s10], $0x1388  }
0x2b2: {  	[sflag:s10] =	ssyncset.done $0x0  }
0x2b3: {  	s1 =	sld [smem:$0x7F8];
	[sflag:s10] =	ssyncadd.s32 $0xFFFFEC78  }
0x2b4: {  	[spmem:s3] =	stream.indirect.scatter.add.f32 [tilespmem:s21], [sflag:$0x5], $0x1, s20, s9, $0xb8;
	[tilespmem:$0x13960] =	vst v63  }
0x2b5: {  	_ = 	snop  }
0x2b6: {  	[tilespmem:s22], [sflag:$0x6] =	stream.linear.gather [hbm4b:s1+s2], $0x1388, $0x38;
	[tilespmem:$0x13960] =	vst v63  }
0x2b7: {  	_ =	swait.ge [sflag:s7], $0x1388  }
0x2b8: {  	s1 =	sld [smem:$0x7F9]  }
0x2b9: {  	[sflag:s7] =	ssyncset.done $0x0  }
0x2ba: {  	[sflag:s7] =	ssyncadd.s32 $0xFFFFEC78  }
0x2bb: {  	[tilespmem:s15], [sflag:$0x6] =	stream.linear.gather [hbm4b:s1+s2], $0x1388, $0x38;
	[tilespmem:$0x13960] =	vst v63  }
0x2bc: {  	_ =	swait.ge [sflag:s7], $0x1388  }
0x2bd: {  	[sflag:s7] =	ssyncset.done $0x0  }
0x2be: {  	[sflag:s7] =	ssyncadd.s32 $0xFFFFEC78  }
0x2bf: {  	[tilespmem:s16], [sflag:$0x4] =	stream.indirect.gather [spmem:s4], $0x1, s22, s9, $0xb8;
	[tilespmem:$0x13960] =	vst v63  }
0x2c0: {  	_ =	swait.ge [sflag:s23], $0x1388  }
0x2c1: {  	[sflag:s23] =	ssyncset.done $0x0  }
0x2c2: {  	[sflag:s23] =	ssyncadd.s32 $0xFFFFEC78  }
0x2c3: {  	_ =	swait.ge [sflag:s10], $0x1388  }
0x2c4: {  	[sflag:s10] =	ssyncset.done $0x0  }
0x2c5: {  	s1 =	sld [smem:$0x7FA];
	[sflag:s10] =	ssyncadd.s32 $0xFFFFEC78  }
0x2c6: {  	[spmem:s3] =	stream.indirect.scatter.add.f32 [tilespmem:s14], [sflag:$0x5], $0x1, s12, s9, $0xb8;
	[tilespmem:$0x13960] =	vst v63  }
0x2c7: {  	_ = 	snop  }
0x2c8: {  	[tilespmem:s2], [sflag:$0x6] =	stream.linear.gather [hbm4b:s1+s2], $0x1388, $0x38;
	[tilespmem:$0x13960] =	vst v63  }
0x2c9: {  	_ =	swait.ge [sflag:s7], $0x1388  }
0x2ca: {  	s1 =	sld [smem:$0x7FB]  }
0x2cb: {  	[sflag:s7] =	ssyncset.done $0x0  }
0x2cc: {  	[sflag:s7] =	ssyncadd.s32 $0xFFFFEC78  }
0x2cd: {  	[tilespmem:s26], [sflag:$0x6] =	stream.linear.gather [hbm4b:s1+s2], $0x1388, $0x38;
	[tilespmem:$0x13960] =	vst v63  }
0x2ce: {  	_ =	swait.ge [sflag:s7], $0x1388  }
0x2cf: {  	[sflag:s7] =	ssyncset.done $0x0  }
0x2d0: {  	[sflag:s7] =	ssyncadd.s32 $0xFFFFEC78  }
0x2d1: {  	[tilespmem:s28], [sflag:$0x1] =	stream.indirect.gather [spmem:s4], $0x1, s2, s9, $0xb8;
	[tilespmem:$0x13960] =	vst v63  }
0x2d2: {  	_ =	swait.ge [sflag:s17], $0x1388  }
0x2d3: {  	[sflag:s17] =	ssyncset.done $0x0  }
0x2d4: {  	[sflag:s17] =	ssyncadd.s32 $0xFFFFEC78  }
0x2d5: {  	_ =	swait.ge [sflag:s10], $0x1388  }
0x2d6: {  	[sflag:s10] =	ssyncset.done $0x0  }
0x2d7: {  	s1 =	sld [smem:$0x7FC];
	[sflag:s10] =	ssyncadd.s32 $0xFFFFEC78  }
0x2d8: {  	[spmem:s3] =	stream.indirect.scatter.add.f32 [tilespmem:s16], [sflag:$0x5], $0x1, s15, s9, $0xb8;
	[tilespmem:$0x13960] =	vst v63  }
0x2d9: {  	_ = 	snop  }
0x2da: {  	[tilespmem:s29], [sflag:$0x6] =	stream.linear.gather [hbm4b:s1+s2], $0x1388, $0x38;
	[tilespmem:$0x13960] =	vst v63  }
0x2db: {  	_ =	swait.ge [sflag:s7], $0x1388  }
0x2dc: {  	s1 =	sld [smem:$0x7FD]  }
0x2dd: {  	[sflag:s7] =	ssyncset.done $0x0  }
0x2de: {  	[sflag:s7] =	ssyncadd.s32 $0xFFFFEC78  }
0x2df: {  	[tilespmem:s20], [sflag:$0x6] =	stream.linear.gather [hbm4b:s1+s2], $0x1388, $0x38;
	[tilespmem:$0x13960] =	vst v63  }
0x2e0: {  	_ =	swait.ge [sflag:s7], $0x1388  }
0x2e1: {  	[sflag:s7] =	ssyncset.done $0x0  }
0x2e2: {  	[sflag:s7] =	ssyncadd.s32 $0xFFFFEC78  }
0x2e3: {  	[tilespmem:s21], [sflag:$0x2] =	stream.indirect.gather [spmem:s4], $0x1, s29, s9, $0xb8;
	[tilespmem:$0x13960] =	vst v63  }
0x2e4: {  	_ =	swait.ge [sflag:s30], $0x1388  }
0x2e5: {  	[sflag:s30] =	ssyncset.done $0x0  }
0x2e6: {  	[sflag:s30] =	ssyncadd.s32 $0xFFFFEC78  }
0x2e7: {  	_ =	swait.ge [sflag:s10], $0x1388  }
0x2e8: {  	[sflag:s10] =	ssyncset.done $0x0  }
0x2e9: {  	[sflag:s10] =	ssyncadd.s32 $0xFFFFEC78  }
0x2ea: {  	[spmem:s3] =	stream.indirect.scatter.add.f32 [tilespmem:s28], [sflag:$0x5], $0x1, s26, s9, $0xb8;
	[tilespmem:$0x13960] =	vst v63  }
0x2eb: {  	_ = 	snop  }
0x2ec: {  	[tilespmem:s24], [sflag:$0x6] =	stream.linear.gather [hbm4b:s19+s2], $0x1388, $0x38;
	[tilespmem:$0x13960] =	vst v63  }
0x2ed: {  	_ =	swait.ge [sflag:s7], $0x1388  }
0x2ee: {  	[sflag:s7] =	ssyncset.done $0x0  }
0x2ef: {  	[sflag:s7] =	ssyncadd.s32 $0xFFFFEC78  }
0x2f0: {  	[tilespmem:s12], [sflag:$0x6] =	stream.linear.gather [hbm4b:s18+s2], $0x1388, $0x38;
	[tilespmem:$0x13960] =	vst v63  }
0x2f1: {  	_ =	swait.ge [sflag:s7], $0x1388  }
0x2f2: {  	[sflag:s7] =	ssyncset.done $0x0  }
0x2f3: {  	[sflag:s7] =	ssyncadd.s32 $0xFFFFEC78  }
0x2f4: {  	[tilespmem:s14], [sflag:$0x3] =	stream.indirect.gather [spmem:s4], $0x1, s24, s9, $0xb8;
	[tilespmem:$0x13960] =	vst v63  }
0x2f5: {  	_ =	swait.ge [sflag:s25], $0x1388  }
0x2f6: {  	[sflag:s25] =	ssyncset.done $0x0  }
0x2f7: {  	[sflag:s25] =	ssyncadd.s32 $0xFFFFEC78  }
0x2f8: {  	_ =	swait.ge [sflag:s10], $0x1388  }
0x2f9: {  	[sflag:s10] =	ssyncset.done $0x0  }
0x2fa: {  	[sflag:s10] =	ssyncadd.s32 $0xFFFFEC78  }
0x2fb: {  	[spmem:s3] =	stream.indirect.scatter.add.f32 [tilespmem:s21], [sflag:$0x5], $0x1, s20, s9, $0xb8;
	[tilespmem:$0x13960] =	vst v63  }
0x2fc: {  	_ = 	snop  }
0x2fd: {  	[tilespmem:s22], [sflag:$0x6] =	stream.linear.gather [hbm4b:s13+s2], $0x1388, $0x38;
	[tilespmem:$0x13960] =	vst v63  }
0x2fe: {  	_ =	swait.ge [sflag:s7], $0x1388  }
0x2ff: {  	[sflag:s7] =	ssyncset.done $0x0  }
0x300: {  	[sflag:s7] =	ssyncadd.s32 $0xFFFFEC78  }
0x301: {  	[tilespmem:s15], [sflag:$0x6] =	stream.linear.gather [hbm4b:s11+s2], $0x1388, $0x38;
	[tilespmem:$0x13960] =	vst v63  }
0x302: {  	_ =	swait.ge [sflag:s7], $0x1388  }
0x303: {  	[sflag:s7] =	ssyncset.done $0x0  }
0x304: {  	[sflag:s7] =	ssyncadd.s32 $0xFFFFEC78  }
0x305: {  	[tilespmem:s16], [sflag:$0x4] =	stream.indirect.gather [spmem:s4], $0x1, s22, s9, $0xb8;
	[tilespmem:$0x13960] =	vst v63  }
0x306: {  	_ =	swait.ge [sflag:s23], $0x1388  }
0x307: {  	[sflag:s23] =	ssyncset.done $0x0  }
0x308: {  	[sflag:s23] =	ssyncadd.s32 $0xFFFFEC78  }
0x309: {  	_ =	swait.ge [sflag:s10], $0x1388  }
0x30a: {  	[sflag:s10] =	ssyncset.done $0x0  }
0x30b: {  	[sflag:s10] =	ssyncadd.s32 $0xFFFFEC78  }
0x30c: {  	[spmem:s3] =	stream.indirect.scatter.add.f32 [tilespmem:s14], [sflag:$0x5], $0x1, s12, s9, $0xb8;
	[tilespmem:$0x13960] =	vst v63  }
0x30d: {  	_ =	swait.ge [sflag:s17], $0x1388  }
0x30e: {  	[sflag:s17] =	ssyncset.done $0x0  }
0x30f: {  	[sflag:s17] =	ssyncadd.s32 $0xFFFFEC78  }
0x310: {  	_ =	swait.ge [sflag:s10], $0x1388  }
0x311: {  	[sflag:s10] =	ssyncset.done $0x0  }
0x312: {  	[sflag:s10] =	ssyncadd.s32 $0xFFFFEC78  }
0x313: {  	[spmem:s3] =	stream.indirect.scatter.add.f32 [tilespmem:s16], [sflag:$0x5], $0x1, s15, s9, $0xb8;
	[tilespmem:$0x13960] =	vst v63  }
0x314: {  	_ =	swait.ge [sflag:s10], $0x1388  }
0x315: {  	[sflag:s10] =	ssyncset.done $0x0  }
0x316: {  	[sflag:s10] =	ssyncadd.s32 $0xFFFFEC78  }
0x317: {  	[bflag:$0x0] =	sbarrier.arrive $0xFFFF  }
0x318: {  	[tilespmem:s8], [sflag:$0x6] =	stream.linear.gather [spmem:s5], $0x1870, $0x38;
	[tilespmem:$0x13960] =	vst v63  }
0x319: {  	p1 =	sne.s32 s0, $0x1;
	_ =	swait.ge [sflag:s7], $0x1870  }
.Ltmp2:
0x31a: {  	[sflag:s7] =	ssyncset.done $0x0;
	(pc) =	sbr.rel @p1 .LBB2_2-.Ltmp2, $4  }
0x31b: {  	[sflag:s7] =	ssyncadd.s32 $0xFFFFE790  }
0x31c: {  	[hbm4b:s6+s2] =	stream.linear.scatter [tilespmem:s8], [sflag:$0x6], $0x1870, $0x38;
	[tilespmem:$0x13960] =	vst v63  }
0x31d: {  	_ =	swait.ge [sflag:s7], $0x1870  }
0x31e: {  	s0 =	sadd.s32 $0xFFFFFFFF, s0;
	s1 =	rddreg [dreg:$0x4];
	[sflag:s7] =	ssyncset.done $0x0  }
.LBB2_3:
0x31f: {  	[sflag:s7] =	ssyncadd.s32 @p0 $0xFFFFE790  }
0x320: {  	[tilespmem:s8], [sflag:$0x6] =	stream.linear.gather [hbm4b:s1+s2], $0x1880, $0x38;
	[tilespmem:$0x13960] =	vst v63  }
0x321: {  	_ =	swait.ge [sflag:s7], $0x1880  }
0x322: {  	[sflag:s7] =	ssyncset.done $0x0  }
0x323: {  	[sflag:s7] =	ssyncadd.s32 $0xFFFFE780  }
0x324: {  	[spmem:s5] =	stream.linear.scatter [tilespmem:s8], [sflag:$0x6], $0x1870, $0x38;
	[tilespmem:$0x13960] =	vst v63  }
0x325: {  	_ =	swait.ge [sflag:s7], $0x1870  }
0x326: {  	[sflag:s7] =	ssyncset.done $0x0  }
0x327: {  	s0 =	rddreg [dreg:$0x5];
	[sflag:s7] =	ssyncadd.s32 $0xFFFFE790  }
0x328: {  	[tilespmem:s8], [sflag:$0x6] =	stream.linear.gather [hbm4b:s0+s2], $0x1870, $0x38;
	[tilespmem:$0x13960] =	vst v63  }
0x329: {  	_ =	swait.ge [sflag:s7], $0x1870  }
0x32a: {  	[sflag:s7] =	ssyncset.done $0x0  }
0x32b: {  	s1 =	rddreg [dreg:$0x6];
	[sflag:s7] =	ssyncadd.s32 $0xFFFFE790  }
0x32c: {  	[spmem:s1] =	stream.linear.scatter [tilespmem:s8], [sflag:$0x6], $0x1870, $0x38;
	[tilespmem:$0x13960] =	vst v63  }
0x32d: {  	_ =	swait.ge [sflag:s7], $0x1870  }
0x32e: {  	[sflag:s7] =	ssyncset.done $0x0  }
0x32f: {  	[sflag:s7] =	ssyncadd.s32 $0xFFFFE790  }
0x330: {  	[bflag:$0x0] =	sbarrier.arrive $0xFFFF  }
0x331: {  	[tilespmem:s2], [sflag:$0x6] =	stream.linear.gather [hbm4b:s31+s2], $0x1388, $0x38;
	[tilespmem:$0x13960] =	vst v63  }
0x332: {  	_ =	swait.ge [sflag:s7], $0x1388  }
0x333: {  	[sflag:s7] =	ssyncset.done $0x0  }
0x334: {  	s1 =	rddreg [dreg:$0x7];
	[sflag:s7] =	ssyncadd.s32 $0xFFFFEC78  }
0x335: {  	[tilespmem:s26], [sflag:$0x6] =	stream.linear.gather [hbm4b:s1+s2], $0x1388, $0x38;
	[tilespmem:$0x13960] =	vst v63  }
0x336: {  	_ =	swait.ge [sflag:s7], $0x1388  }
0x337: {  	[sflag:s7] =	ssyncset.done $0x0  }
0x338: {  	[sflag:s7] =	ssyncadd.s32 $0xFFFFEC78  }
0x339: {  	[tilespmem:s28], [sflag:$0x1] =	stream.indirect.gather [spmem:s4], $0x1, s2, s9, $0xb8;
	[tilespmem:$0x13960] =	vst v63  }
0x33a: {  	s31 =	rddreg [dreg:$0x8]  }
0x33b: {  	[tilespmem:s29], [sflag:$0x6] =	stream.linear.gather [hbm4b:s31+s2], $0x1388, $0x38;
	[tilespmem:$0x13960] =	vst v63  }
0x33c: {  	_ =	swait.ge [sflag:s7], $0x1388  }
0x33d: {  	[sflag:s7] =	ssyncset.done $0x0  }
0x33e: {  	s1 =	rddreg [dreg:$0x9];
	[sflag:s7] =	ssyncadd.s32 $0xFFFFEC78  }
0x33f: {  	[tilespmem:s20], [sflag:$0x6] =	stream.linear.gather [hbm4b:s1+s2], $0x1388, $0x38;
	[tilespmem:$0x13960] =	vst v63  }
0x340: {  	_ =	swait.ge [sflag:s7], $0x1388  }
0x341: {  	[sflag:s7] =	ssyncset.done $0x0  }
0x342: {  	[sflag:s7] =	ssyncadd.s32 $0xFFFFEC78  }
0x343: {  	[tilespmem:s21], [sflag:$0x2] =	stream.indirect.gather [spmem:s4], $0x1, s29, s9, $0xb8;
	[tilespmem:$0x13960] =	vst v63  }
0x344: {  	_ =	swait.ge [sflag:s30], $0x1388  }
0x345: {  	[sflag:s30] =	ssyncset.done $0x0  }
0x346: {  	[sflag:s30] =	ssyncadd.s32 $0xFFFFEC78  }
0x347: {  	[spmem:s3] =	stream.indirect.scatter.add.f32 [tilespmem:s28], [sflag:$0x5], $0x1, s26, s9, $0xb8;
	[tilespmem:$0x13960] =	vst v63  }
0x348: {  	s31 =	rddreg [dreg:$0xa]  }
0x349: {  	[tilespmem:s24], [sflag:$0x6] =	stream.linear.gather [hbm4b:s31+s2], $0x1388, $0x38;
	[tilespmem:$0x13960] =	vst v63  }
0x34a: {  	_ =	swait.ge [sflag:s7], $0x1388  }
0x34b: {  	[sflag:s7] =	ssyncset.done $0x0  }
0x34c: {  	s1 =	rddreg [dreg:$0xb];
	[sflag:s7] =	ssyncadd.s32 $0xFFFFEC78  }
0x34d: {  	[tilespmem:s12], [sflag:$0x6] =	stream.linear.gather [hbm4b:s1+s2], $0x1388, $0x38;
	[tilespmem:$0x13960] =	vst v63  }
0x34e: {  	_ =	swait.ge [sflag:s7], $0x1388  }
0x34f: {  	[sflag:s7] =	ssyncset.done $0x0  }
0x350: {  	[sflag:s7] =	ssyncadd.s32 $0xFFFFEC78  }
0x351: {  	[tilespmem:s14], [sflag:$0x3] =	stream.indirect.gather [spmem:s4], $0x1, s24, s9, $0xb8;
	[tilespmem:$0x13960] =	vst v63  }
0x352: {  	_ =	swait.ge [sflag:s25], $0x1388  }
0x353: {  	[sflag:s25] =	ssyncset.done $0x0  }
0x354: {  	[sflag:s25] =	ssyncadd.s32 $0xFFFFEC78  }
0x355: {  	_ =	swait.ge [sflag:s10], $0x1388  }
0x356: {  	[sflag:s10] =	ssyncset.done $0x0  }
0x357: {  	[sflag:s10] =	ssyncadd.s32 $0xFFFFEC78  }
0x358: {  	[spmem:s3] =	stream.indirect.scatter.add.f32 [tilespmem:s21], [sflag:$0x5], $0x1, s20, s9, $0xb8;
	[tilespmem:$0x13960] =	vst v63  }
0x359: {  	s31 =	rddreg [dreg:$0xc]  }
0x35a: {  	[tilespmem:s22], [sflag:$0x6] =	stream.linear.gather [hbm4b:s31+s2], $0x1388, $0x38;
	[tilespmem:$0x13960] =	vst v63  }
0x35b: {  	_ =	swait.ge [sflag:s7], $0x1388  }
0x35c: {  	[sflag:s7] =	ssyncset.done $0x0  }
0x35d: {  	s1 =	rddreg [dreg:$0xd];
	[sflag:s7] =	ssyncadd.s32 $0xFFFFEC78  }
0x35e: {  	[tilespmem:s15], [sflag:$0x6] =	stream.linear.gather [hbm4b:s1+s2], $0x1388, $0x38;
	[tilespmem:$0x13960] =	vst v63  }
0x35f: {  	_ =	swait.ge [sflag:s7], $0x1388  }
0x360: {  	[sflag:s7] =	ssyncset.done $0x0  }
0x361: {  	[sflag:s7] =	ssyncadd.s32 $0xFFFFEC78  }
0x362: {  	[tilespmem:s16], [sflag:$0x4] =	stream.indirect.gather [spmem:s4], $0x1, s22, s9, $0xb8;
	[tilespmem:$0x13960] =	vst v63  }
0x363: {  	_ =	swait.ge [sflag:s23], $0x1388  }
0x364: {  	[sflag:s23] =	ssyncset.done $0x0  }
0x365: {  	[sflag:s23] =	ssyncadd.s32 $0xFFFFEC78  }
0x366: {  	_ =	swait.ge [sflag:s10], $0x1388  }
0x367: {  	[sflag:s10] =	ssyncset.done $0x0  }
0x368: {  	[sflag:s10] =	ssyncadd.s32 $0xFFFFEC78  }
0x369: {  	[spmem:s3] =	stream.indirect.scatter.add.f32 [tilespmem:s14], [sflag:$0x5], $0x1, s12, s9, $0xb8;
	[tilespmem:$0x13960] =	vst v63  }
0x36a: {  	s31 =	rddreg [dreg:$0xe]  }
0x36b: {  	[tilespmem:s2], [sflag:$0x6] =	stream.linear.gather [hbm4b:s31+s2], $0x1388, $0x38;
	[tilespmem:$0x13960] =	vst v63  }
0x36c: {  	_ =	swait.ge [sflag:s7], $0x1388  }
0x36d: {  	[sflag:s7] =	ssyncset.done $0x0  }
0x36e: {  	s1 =	rddreg [dreg:$0xf];
	[sflag:s7] =	ssyncadd.s32 $0xFFFFEC78  }
0x36f: {  	[tilespmem:s26], [sflag:$0x6] =	stream.linear.gather [hbm4b:s1+s2], $0x1388, $0x38;
	[tilespmem:$0x13960] =	vst v63  }
0x370: {  	_ =	swait.ge [sflag:s7], $0x1388  }
0x371: {  	[sflag:s7] =	ssyncset.done $0x0  }
0x372: {  	[sflag:s7] =	ssyncadd.s32 $0xFFFFEC78  }
0x373: {  	[tilespmem:s28], [sflag:$0x1] =	stream.indirect.gather [spmem:s4], $0x1, s2, s9, $0xb8;
	[tilespmem:$0x13960] =	vst v63  }
0x374: {  	_ =	swait.ge [sflag:s17], $0x1388  }
0x375: {  	[sflag:s17] =	ssyncset.done $0x0  }
0x376: {  	[sflag:s17] =	ssyncadd.s32 $0xFFFFEC78  }
0x377: {  	_ =	swait.ge [sflag:s10], $0x1388  }
0x378: {  	[sflag:s10] =	ssyncset.done $0x0  }
0x379: {  	[sflag:s10] =	ssyncadd.s32 $0xFFFFEC78  }
0x37a: {  	[spmem:s3] =	stream.indirect.scatter.add.f32 [tilespmem:s16], [sflag:$0x5], $0x1, s15, s9, $0xb8;
	[tilespmem:$0x13960] =	vst v63  }
0x37b: {  	s31 =	rddreg [dreg:$0x10]  }
0x37c: {  	[tilespmem:s29], [sflag:$0x6] =	stream.linear.gather [hbm4b:s31+s2], $0x1388, $0x38;
	[tilespmem:$0x13960] =	vst v63  }
0x37d: {  	_ =	swait.ge [sflag:s7], $0x1388  }
0x37e: {  	[sflag:s7] =	ssyncset.done $0x0  }
0x37f: {  	s1 =	rddreg [dreg:$0x11];
	[sflag:s7] =	ssyncadd.s32 $0xFFFFEC78  }
0x380: {  	[tilespmem:s20], [sflag:$0x6] =	stream.linear.gather [hbm4b:s1+s2], $0x1388, $0x38;
	[tilespmem:$0x13960] =	vst v63  }
0x381: {  	_ =	swait.ge [sflag:s7], $0x1388  }
0x382: {  	[sflag:s7] =	ssyncset.done $0x0  }
0x383: {  	[sflag:s7] =	ssyncadd.s32 $0xFFFFEC78  }
0x384: {  	[tilespmem:s21], [sflag:$0x2] =	stream.indirect.gather [spmem:s4], $0x1, s29, s9, $0xb8;
	[tilespmem:$0x13960] =	vst v63  }
0x385: {  	_ =	swait.ge [sflag:s30], $0x1388  }
0x386: {  	[sflag:s30] =	ssyncset.done $0x0  }
0x387: {  	[sflag:s30] =	ssyncadd.s32 $0xFFFFEC78  }
0x388: {  	_ =	swait.ge [sflag:s10], $0x1388  }
0x389: {  	[sflag:s10] =	ssyncset.done $0x0  }
0x38a: {  	[sflag:s10] =	ssyncadd.s32 $0xFFFFEC78  }
0x38b: {  	[spmem:s3] =	stream.indirect.scatter.add.f32 [tilespmem:s28], [sflag:$0x5], $0x1, s26, s9, $0xb8;
	[tilespmem:$0x13960] =	vst v63  }
0x38c: {  	s31 =	rddreg [dreg:$0x12]  }
0x38d: {  	[tilespmem:s24], [sflag:$0x6] =	stream.linear.gather [hbm4b:s31+s2], $0x1388, $0x38;
	[tilespmem:$0x13960] =	vst v63  }
0x38e: {  	_ =	swait.ge [sflag:s7], $0x1388  }
0x38f: {  	[sflag:s7] =	ssyncset.done $0x0  }
0x390: {  	s1 =	rddreg [dreg:$0x13];
	[sflag:s7] =	ssyncadd.s32 $0xFFFFEC78  }
0x391: {  	[tilespmem:s12], [sflag:$0x6] =	stream.linear.gather [hbm4b:s1+s2], $0x1388, $0x38;
	[tilespmem:$0x13960] =	vst v63  }
0x392: {  	_ =	swait.ge [sflag:s7], $0x1388  }
0x393: {  	[sflag:s7] =	ssyncset.done $0x0  }
0x394: {  	[sflag:s7] =	ssyncadd.s32 $0xFFFFEC78  }
0x395: {  	[tilespmem:s14], [sflag:$0x3] =	stream.indirect.gather [spmem:s4], $0x1, s24, s9, $0xb8;
	[tilespmem:$0x13960] =	vst v63  }
0x396: {  	_ =	swait.ge [sflag:s25], $0x1388  }
0x397: {  	[sflag:s25] =	ssyncset.done $0x0  }
0x398: {  	[sflag:s25] =	ssyncadd.s32 $0xFFFFEC78  }
0x399: {  	_ =	swait.ge [sflag:s10], $0x1388  }
0x39a: {  	[sflag:s10] =	ssyncset.done $0x0  }
0x39b: {  	[sflag:s10] =	ssyncadd.s32 $0xFFFFEC78  }
0x39c: {  	[spmem:s3] =	stream.indirect.scatter.add.f32 [tilespmem:s21], [sflag:$0x5], $0x1, s20, s9, $0xb8;
	[tilespmem:$0x13960] =	vst v63  }
0x39d: {  	s31 =	rddreg [dreg:$0x14]  }
0x39e: {  	[tilespmem:s22], [sflag:$0x6] =	stream.linear.gather [hbm4b:s31+s2], $0x1388, $0x38;
	[tilespmem:$0x13960] =	vst v63  }
0x39f: {  	_ =	swait.ge [sflag:s7], $0x1388  }
0x3a0: {  	[sflag:s7] =	ssyncset.done $0x0  }
0x3a1: {  	s1 =	rddreg [dreg:$0x15];
	[sflag:s7] =	ssyncadd.s32 $0xFFFFEC78  }
0x3a2: {  	[tilespmem:s15], [sflag:$0x6] =	stream.linear.gather [hbm4b:s1+s2], $0x1388, $0x38;
	[tilespmem:$0x13960] =	vst v63  }
0x3a3: {  	_ =	swait.ge [sflag:s7], $0x1388  }
0x3a4: {  	[sflag:s7] =	ssyncset.done $0x0  }
0x3a5: {  	[sflag:s7] =	ssyncadd.s32 $0xFFFFEC78  }
0x3a6: {  	[tilespmem:s16], [sflag:$0x4] =	stream.indirect.gather [spmem:s4], $0x1, s22, s9, $0xb8;
	[tilespmem:$0x13960] =	vst v63  }
0x3a7: {  	_ =	swait.ge [sflag:s23], $0x1388  }
0x3a8: {  	[sflag:s23] =	ssyncset.done $0x0  }
0x3a9: {  	[sflag:s23] =	ssyncadd.s32 $0xFFFFEC78  }
0x3aa: {  	_ =	swait.ge [sflag:s10], $0x1388  }
0x3ab: {  	[sflag:s10] =	ssyncset.done $0x0  }
0x3ac: {  	[sflag:s10] =	ssyncadd.s32 $0xFFFFEC78  }
0x3ad: {  	[spmem:s3] =	stream.indirect.scatter.add.f32 [tilespmem:s14], [sflag:$0x5], $0x1, s12, s9, $0xb8;
	[tilespmem:$0x13960] =	vst v63  }
0x3ae: {  	s31 =	rddreg [dreg:$0x16]  }
0x3af: {  	[tilespmem:s2], [sflag:$0x6] =	stream.linear.gather [hbm4b:s31+s2], $0x1388, $0x38;
	[tilespmem:$0x13960] =	vst v63  }
0x3b0: {  	_ =	swait.ge [sflag:s7], $0x1388  }
0x3b1: {  	[sflag:s7] =	ssyncset.done $0x0  }
0x3b2: {  	s1 =	rddreg [dreg:$0x17];
	[sflag:s7] =	ssyncadd.s32 $0xFFFFEC78  }
0x3b3: {  	[tilespmem:s26], [sflag:$0x6] =	stream.linear.gather [hbm4b:s1+s2], $0x1388, $0x38;
	[tilespmem:$0x13960] =	vst v63  }
0x3b4: {  	_ =	swait.ge [sflag:s7], $0x1388  }
0x3b5: {  	[sflag:s7] =	ssyncset.done $0x0  }
0x3b6: {  	[sflag:s7] =	ssyncadd.s32 $0xFFFFEC78  }
0x3b7: {  	[tilespmem:s28], [sflag:$0x1] =	stream.indirect.gather [spmem:s4], $0x1, s2, s9, $0xb8;
	[tilespmem:$0x13960] =	vst v63  }
0x3b8: {  	_ =	swait.ge [sflag:s17], $0x1388  }
0x3b9: {  	[sflag:s17] =	ssyncset.done $0x0  }
0x3ba: {  	[sflag:s17] =	ssyncadd.s32 $0xFFFFEC78  }
0x3bb: {  	_ =	swait.ge [sflag:s10], $0x1388  }
0x3bc: {  	[sflag:s10] =	ssyncset.done $0x0  }
0x3bd: {  	[sflag:s10] =	ssyncadd.s32 $0xFFFFEC78  }
0x3be: {  	[spmem:s3] =	stream.indirect.scatter.add.f32 [tilespmem:s16], [sflag:$0x5], $0x1, s15, s9, $0xb8;
	[tilespmem:$0x13960] =	vst v63  }
0x3bf: {  	s31 =	rddreg [dreg:$0x18]  }
0x3c0: {  	[tilespmem:s29], [sflag:$0x6] =	stream.linear.gather [hbm4b:s31+s2], $0x1388, $0x38;
	[tilespmem:$0x13960] =	vst v63  }
0x3c1: {  	_ =	swait.ge [sflag:s7], $0x1388  }
0x3c2: {  	[sflag:s7] =	ssyncset.done $0x0  }
0x3c3: {  	s1 =	rddreg [dreg:$0x19];
	[sflag:s7] =	ssyncadd.s32 $0xFFFFEC78  }
0x3c4: {  	[tilespmem:s20], [sflag:$0x6] =	stream.linear.gather [hbm4b:s1+s2], $0x1388, $0x38;
	[tilespmem:$0x13960] =	vst v63  }
0x3c5: {  	_ =	swait.ge [sflag:s7], $0x1388  }
0x3c6: {  	[sflag:s7] =	ssyncset.done $0x0  }
0x3c7: {  	[sflag:s7] =	ssyncadd.s32 $0xFFFFEC78  }
0x3c8: {  	[tilespmem:s21], [sflag:$0x2] =	stream.indirect.gather [spmem:s4], $0x1, s29, s9, $0xb8;
	[tilespmem:$0x13960] =	vst v63  }
0x3c9: {  	_ =	swait.ge [sflag:s30], $0x1388  }
0x3ca: {  	[sflag:s30] =	ssyncset.done $0x0  }
0x3cb: {  	[sflag:s30] =	ssyncadd.s32 $0xFFFFEC78  }
0x3cc: {  	_ =	swait.ge [sflag:s10], $0x1388  }
0x3cd: {  	[sflag:s10] =	ssyncset.done $0x0  }
0x3ce: {  	[sflag:s10] =	ssyncadd.s32 $0xFFFFEC78  }
0x3cf: {  	[spmem:s3] =	stream.indirect.scatter.add.f32 [tilespmem:s28], [sflag:$0x5], $0x1, s26, s9, $0xb8;
	[tilespmem:$0x13960] =	vst v63  }
0x3d0: {  	s31 =	rddreg [dreg:$0x1a]  }
0x3d1: {  	[tilespmem:s24], [sflag:$0x6] =	stream.linear.gather [hbm4b:s31+s2], $0x1388, $0x38;
	[tilespmem:$0x13960] =	vst v63  }
0x3d2: {  	_ =	swait.ge [sflag:s7], $0x1388  }
0x3d3: {  	[sflag:s7] =	ssyncset.done $0x0  }
0x3d4: {  	s1 =	rddreg [dreg:$0x1b];
	[sflag:s7] =	ssyncadd.s32 $0xFFFFEC78  }
0x3d5: {  	[tilespmem:s12], [sflag:$0x6] =	stream.linear.gather [hbm4b:s1+s2], $0x1388, $0x38;
	[tilespmem:$0x13960] =	vst v63  }
0x3d6: {  	_ =	swait.ge [sflag:s7], $0x1388  }
0x3d7: {  	[sflag:s7] =	ssyncset.done $0x0  }
0x3d8: {  	[sflag:s7] =	ssyncadd.s32 $0xFFFFEC78  }
0x3d9: {  	[tilespmem:s14], [sflag:$0x3] =	stream.indirect.gather [spmem:s4], $0x1, s24, s9, $0xb8;
	[tilespmem:$0x13960] =	vst v63  }
0x3da: {  	_ =	swait.ge [sflag:s25], $0x1388  }
0x3db: {  	[sflag:s25] =	ssyncset.done $0x0  }
0x3dc: {  	[sflag:s25] =	ssyncadd.s32 $0xFFFFEC78  }
0x3dd: {  	_ =	swait.ge [sflag:s10], $0x1388  }
0x3de: {  	[sflag:s10] =	ssyncset.done $0x0  }
0x3df: {  	[sflag:s10] =	ssyncadd.s32 $0xFFFFEC78  }
0x3e0: {  	[spmem:s3] =	stream.indirect.scatter.add.f32 [tilespmem:s21], [sflag:$0x5], $0x1, s20, s9, $0xb8;
	[tilespmem:$0x13960] =	vst v63  }
0x3e1: {  	s31 =	rddreg [dreg:$0x1c]  }
0x3e2: {  	[tilespmem:s22], [sflag:$0x6] =	stream.linear.gather [hbm4b:s31+s2], $0x1388, $0x38;
	[tilespmem:$0x13960] =	vst v63  }
0x3e3: {  	_ =	swait.ge [sflag:s7], $0x1388  }
0x3e4: {  	[sflag:s7] =	ssyncset.done $0x0  }
0x3e5: {  	s1 =	rddreg [dreg:$0x1d];
	[sflag:s7] =	ssyncadd.s32 $0xFFFFEC78  }
0x3e6: {  	[tilespmem:s15], [sflag:$0x6] =	stream.linear.gather [hbm4b:s1+s2], $0x1388, $0x38;
	[tilespmem:$0x13960] =	vst v63  }
0x3e7: {  	_ =	swait.ge [sflag:s7], $0x1388  }
0x3e8: {  	[sflag:s7] =	ssyncset.done $0x0  }
0x3e9: {  	[sflag:s7] =	ssyncadd.s32 $0xFFFFEC78  }
0x3ea: {  	[tilespmem:s16], [sflag:$0x4] =	stream.indirect.gather [spmem:s4], $0x1, s22, s9, $0xb8;
	[tilespmem:$0x13960] =	vst v63  }
0x3eb: {  	_ =	swait.ge [sflag:s23], $0x1388  }
0x3ec: {  	[sflag:s23] =	ssyncset.done $0x0  }
0x3ed: {  	[sflag:s23] =	ssyncadd.s32 $0xFFFFEC78  }
0x3ee: {  	_ =	swait.ge [sflag:s10], $0x1388  }
0x3ef: {  	[sflag:s10] =	ssyncset.done $0x0  }
0x3f0: {  	[sflag:s10] =	ssyncadd.s32 $0xFFFFEC78  }
0x3f1: {  	[spmem:s3] =	stream.indirect.scatter.add.f32 [tilespmem:s14], [sflag:$0x5], $0x1, s12, s9, $0xb8;
	[tilespmem:$0x13960] =	vst v63  }
0x3f2: {  	s31 =	rddreg [dreg:$0x1e]  }
0x3f3: {  	[tilespmem:s2], [sflag:$0x6] =	stream.linear.gather [hbm4b:s31+s2], $0x1388, $0x38;
	[tilespmem:$0x13960] =	vst v63  }
0x3f4: {  	_ =	swait.ge [sflag:s7], $0x1388  }
0x3f5: {  	[sflag:s7] =	ssyncset.done $0x0  }
0x3f6: {  	s1 =	rddreg [dreg:$0x1f];
	[sflag:s7] =	ssyncadd.s32 $0xFFFFEC78  }
0x3f7: {  	[tilespmem:s26], [sflag:$0x6] =	stream.linear.gather [hbm4b:s1+s2], $0x1388, $0x38;
	[tilespmem:$0x13960] =	vst v63  }
0x3f8: {  	_ =	swait.ge [sflag:s7], $0x1388  }
0x3f9: {  	[sflag:s7] =	ssyncset.done $0x0  }
0x3fa: {  	[sflag:s7] =	ssyncadd.s32 $0xFFFFEC78  }
0x3fb: {  	[tilespmem:s28], [sflag:$0x1] =	stream.indirect.gather [spmem:s4], $0x1, s2, s9, $0xb8;
	[tilespmem:$0x13960] =	vst v63  }
0x3fc: {  	_ =	swait.ge [sflag:s17], $0x1388  }
0x3fd: {  	[sflag:s17] =	ssyncset.done $0x0  }
0x3fe: {  	[sflag:s17] =	ssyncadd.s32 $0xFFFFEC78  }
0x3ff: {  	_ =	swait.ge [sflag:s10], $0x1388  }
0x400: {  	[sflag:s10] =	ssyncset.done $0x0  }
0x401: {  	s31 =	sld [smem:$0x7F4];
	[sflag:s10] =	ssyncadd.s32 $0xFFFFEC78  }
0x402: {  	[spmem:s3] =	stream.indirect.scatter.add.f32 [tilespmem:s16], [sflag:$0x5], $0x1, s15, s9, $0xb8;
	[tilespmem:$0x13960] =	vst v63  }
0x403: {  	_ = 	snop  }
0x404: {  	[tilespmem:s29], [sflag:$0x6] =	stream.linear.gather [hbm4b:s31+s2], $0x1388, $0x38;
	[tilespmem:$0x13960] =	vst v63  }
0x405: {  	_ =	swait.ge [sflag:s7], $0x1388  }
0x406: {  	s1 =	sld [smem:$0x7F5]  }
0x407: {  	[sflag:s7] =	ssyncset.done $0x0  }
0x408: {  	[sflag:s7] =	ssyncadd.s32 $0xFFFFEC78  }
0x409: {  	[tilespmem:s20], [sflag:$0x6] =	stream.linear.gather [hbm4b:s1+s2], $0x1388, $0x38;
	[tilespmem:$0x13960] =	vst v63  }
0x40a: {  	_ =	swait.ge [sflag:s7], $0x1388  }
0x40b: {  	[sflag:s7] =	ssyncset.done $0x0  }
0x40c: {  	[sflag:s7] =	ssyncadd.s32 $0xFFFFEC78  }
0x40d: {  	[tilespmem:s21], [sflag:$0x2] =	stream.indirect.gather [spmem:s4], $0x1, s29, s9, $0xb8;
	[tilespmem:$0x13960] =	vst v63  }
0x40e: {  	_ =	swait.ge [sflag:s30], $0x1388  }
0x40f: {  	[sflag:s30] =	ssyncset.done $0x0  }
0x410: {  	[sflag:s30] =	ssyncadd.s32 $0xFFFFEC78  }
0x411: {  	_ =	swait.ge [sflag:s10], $0x1388  }
0x412: {  	[sflag:s10] =	ssyncset.done $0x0  }
0x413: {  	s31 =	sld [smem:$0x7F6];
	[sflag:s10] =	ssyncadd.s32 $0xFFFFEC78  }
0x414: {  	[spmem:s3] =	stream.indirect.scatter.add.f32 [tilespmem:s28], [sflag:$0x5], $0x1, s26, s9, $0xb8;
	[tilespmem:$0x13960] =	vst v63  }
0x415: {  	_ = 	snop  }
0x416: {  	[tilespmem:s24], [sflag:$0x6] =	stream.linear.gather [hbm4b:s31+s2], $0x1388, $0x38;
	[tilespmem:$0x13960] =	vst v63  }
0x417: {  	_ =	swait.ge [sflag:s7], $0x1388  }
0x418: {  	s1 =	sld [smem:$0x7F7]  }
0x419: {  	[sflag:s7] =	ssyncset.done $0x0  }
0x41a: {  	[sflag:s7] =	ssyncadd.s32 $0xFFFFEC78  }
0x41b: {  	[tilespmem:s12], [sflag:$0x6] =	stream.linear.gather [hbm4b:s1+s2], $0x1388, $0x38;
	[tilespmem:$0x13960] =	vst v63  }
0x41c: {  	_ =	swait.ge [sflag:s7], $0x1388  }
0x41d: {  	[sflag:s7] =	ssyncset.done $0x0  }
0x41e: {  	[sflag:s7] =	ssyncadd.s32 $0xFFFFEC78  }
0x41f: {  	[tilespmem:s14], [sflag:$0x3] =	stream.indirect.gather [spmem:s4], $0x1, s24, s9, $0xb8;
	[tilespmem:$0x13960] =	vst v63  }
0x420: {  	_ =	swait.ge [sflag:s25], $0x1388  }
0x421: {  	[sflag:s25] =	ssyncset.done $0x0  }
0x422: {  	[sflag:s25] =	ssyncadd.s32 $0xFFFFEC78  }
0x423: {  	_ =	swait.ge [sflag:s10], $0x1388  }
0x424: {  	[sflag:s10] =	ssyncset.done $0x0  }
0x425: {  	s31 =	sld [smem:$0x7F8];
	[sflag:s10] =	ssyncadd.s32 $0xFFFFEC78  }
0x426: {  	[spmem:s3] =	stream.indirect.scatter.add.f32 [tilespmem:s21], [sflag:$0x5], $0x1, s20, s9, $0xb8;
	[tilespmem:$0x13960] =	vst v63  }
0x427: {  	_ = 	snop  }
0x428: {  	[tilespmem:s22], [sflag:$0x6] =	stream.linear.gather [hbm4b:s31+s2], $0x1388, $0x38;
	[tilespmem:$0x13960] =	vst v63  }
0x429: {  	_ =	swait.ge [sflag:s7], $0x1388  }
0x42a: {  	s1 =	sld [smem:$0x7F9]  }
0x42b: {  	[sflag:s7] =	ssyncset.done $0x0  }
0x42c: {  	[sflag:s7] =	ssyncadd.s32 $0xFFFFEC78  }
0x42d: {  	[tilespmem:s15], [sflag:$0x6] =	stream.linear.gather [hbm4b:s1+s2], $0x1388, $0x38;
	[tilespmem:$0x13960] =	vst v63  }
0x42e: {  	_ =	swait.ge [sflag:s7], $0x1388  }
0x42f: {  	[sflag:s7] =	ssyncset.done $0x0  }
0x430: {  	[sflag:s7] =	ssyncadd.s32 $0xFFFFEC78  }
0x431: {  	[tilespmem:s16], [sflag:$0x4] =	stream.indirect.gather [spmem:s4], $0x1, s22, s9, $0xb8;
	[tilespmem:$0x13960] =	vst v63  }
0x432: {  	_ =	swait.ge [sflag:s23], $0x1388  }
0x433: {  	[sflag:s23] =	ssyncset.done $0x0  }
0x434: {  	[sflag:s23] =	ssyncadd.s32 $0xFFFFEC78  }
0x435: {  	_ =	swait.ge [sflag:s10], $0x1388  }
0x436: {  	[sflag:s10] =	ssyncset.done $0x0  }
0x437: {  	s31 =	sld [smem:$0x7FA];
	[sflag:s10] =	ssyncadd.s32 $0xFFFFEC78  }
0x438: {  	[spmem:s3] =	stream.indirect.scatter.add.f32 [tilespmem:s14], [sflag:$0x5], $0x1, s12, s9, $0xb8;
	[tilespmem:$0x13960] =	vst v63  }
0x439: {  	_ = 	snop  }
0x43a: {  	[tilespmem:s2], [sflag:$0x6] =	stream.linear.gather [hbm4b:s31+s2], $0x1388, $0x38;
	[tilespmem:$0x13960] =	vst v63  }
0x43b: {  	_ =	swait.ge [sflag:s7], $0x1388  }
0x43c: {  	s1 =	sld [smem:$0x7FB]  }
0x43d: {  	[sflag:s7] =	ssyncset.done $0x0  }
0x43e: {  	[sflag:s7] =	ssyncadd.s32 $0xFFFFEC78  }
0x43f: {  	[tilespmem:s26], [sflag:$0x6] =	stream.linear.gather [hbm4b:s1+s2], $0x1388, $0x38;
	[tilespmem:$0x13960] =	vst v63  }
0x440: {  	_ =	swait.ge [sflag:s7], $0x1388  }
0x441: {  	[sflag:s7] =	ssyncset.done $0x0  }
0x442: {  	[sflag:s7] =	ssyncadd.s32 $0xFFFFEC78  }
0x443: {  	[tilespmem:s28], [sflag:$0x1] =	stream.indirect.gather [spmem:s4], $0x1, s2, s9, $0xb8;
	[tilespmem:$0x13960] =	vst v63  }
0x444: {  	_ =	swait.ge [sflag:s17], $0x1388  }
0x445: {  	[sflag:s17] =	ssyncset.done $0x0  }
0x446: {  	[sflag:s17] =	ssyncadd.s32 $0xFFFFEC78  }
0x447: {  	_ =	swait.ge [sflag:s10], $0x1388  }
0x448: {  	[sflag:s10] =	ssyncset.done $0x0  }
0x449: {  	s31 =	sld [smem:$0x7FC];
	[sflag:s10] =	ssyncadd.s32 $0xFFFFEC78  }
0x44a: {  	[spmem:s3] =	stream.indirect.scatter.add.f32 [tilespmem:s16], [sflag:$0x5], $0x1, s15, s9, $0xb8;
	[tilespmem:$0x13960] =	vst v63  }
0x44b: {  	_ = 	snop  }
0x44c: {  	[tilespmem:s29], [sflag:$0x6] =	stream.linear.gather [hbm4b:s31+s2], $0x1388, $0x38;
	[tilespmem:$0x13960] =	vst v63  }
0x44d: {  	_ =	swait.ge [sflag:s7], $0x1388  }
0x44e: {  	s1 =	sld [smem:$0x7FD]  }
0x44f: {  	[sflag:s7] =	ssyncset.done $0x0  }
0x450: {  	[sflag:s7] =	ssyncadd.s32 $0xFFFFEC78  }
0x451: {  	[tilespmem:s20], [sflag:$0x6] =	stream.linear.gather [hbm4b:s1+s2], $0x1388, $0x38;
	[tilespmem:$0x13960] =	vst v63  }
0x452: {  	_ =	swait.ge [sflag:s7], $0x1388  }
0x453: {  	[sflag:s7] =	ssyncset.done $0x0  }
0x454: {  	[sflag:s7] =	ssyncadd.s32 $0xFFFFEC78  }
0x455: {  	[tilespmem:s21], [sflag:$0x2] =	stream.indirect.gather [spmem:s4], $0x1, s29, s9, $0xb8;
	[tilespmem:$0x13960] =	vst v63  }
0x456: {  	_ =	swait.ge [sflag:s30], $0x1388  }
0x457: {  	[sflag:s30] =	ssyncset.done $0x0  }
0x458: {  	[sflag:s30] =	ssyncadd.s32 $0xFFFFEC78  }
0x459: {  	_ =	swait.ge [sflag:s10], $0x1388  }
0x45a: {  	[sflag:s10] =	ssyncset.done $0x0  }
0x45b: {  	[sflag:s10] =	ssyncadd.s32 $0xFFFFEC78  }
0x45c: {  	[spmem:s3] =	stream.indirect.scatter.add.f32 [tilespmem:s28], [sflag:$0x5], $0x1, s26, s9, $0xb8;
	[tilespmem:$0x13960] =	vst v63  }
0x45d: {  	_ = 	snop  }
0x45e: {  	[tilespmem:s24], [sflag:$0x6] =	stream.linear.gather [hbm4b:s19+s2], $0x1388, $0x38;
	[tilespmem:$0x13960] =	vst v63  }
0x45f: {  	_ =	swait.ge [sflag:s7], $0x1388  }
0x460: {  	[sflag:s7] =	ssyncset.done $0x0  }
0x461: {  	[sflag:s7] =	ssyncadd.s32 $0xFFFFEC78  }
0x462: {  	[tilespmem:s12], [sflag:$0x6] =	stream.linear.gather [hbm4b:s18+s2], $0x1388, $0x38;
	[tilespmem:$0x13960] =	vst v63  }
0x463: {  	_ =	swait.ge [sflag:s7], $0x1388  }
0x464: {  	[sflag:s7] =	ssyncset.done $0x0  }
0x465: {  	[sflag:s7] =	ssyncadd.s32 $0xFFFFEC78  }
0x466: {  	[tilespmem:s14], [sflag:$0x3] =	stream.indirect.gather [spmem:s4], $0x1, s24, s9, $0xb8;
	[tilespmem:$0x13960] =	vst v63  }
0x467: {  	_ =	swait.ge [sflag:s25], $0x1388  }
0x468: {  	[sflag:s25] =	ssyncset.done $0x0  }
0x469: {  	[sflag:s25] =	ssyncadd.s32 $0xFFFFEC78  }
0x46a: {  	_ =	swait.ge [sflag:s10], $0x1388  }
0x46b: {  	[sflag:s10] =	ssyncset.done $0x0  }
0x46c: {  	[sflag:s10] =	ssyncadd.s32 $0xFFFFEC78  }
0x46d: {  	[spmem:s3] =	stream.indirect.scatter.add.f32 [tilespmem:s21], [sflag:$0x5], $0x1, s20, s9, $0xb8;
	[tilespmem:$0x13960] =	vst v63  }
0x46e: {  	_ = 	snop  }
0x46f: {  	[tilespmem:s22], [sflag:$0x6] =	stream.linear.gather [hbm4b:s13+s2], $0x1388, $0x38;
	[tilespmem:$0x13960] =	vst v63  }
0x470: {  	_ =	swait.ge [sflag:s7], $0x1388  }
0x471: {  	[sflag:s7] =	ssyncset.done $0x0  }
0x472: {  	[sflag:s7] =	ssyncadd.s32 $0xFFFFEC78  }
0x473: {  	[tilespmem:s15], [sflag:$0x6] =	stream.linear.gather [hbm4b:s11+s2], $0x1388, $0x38;
	[tilespmem:$0x13960] =	vst v63  }
0x474: {  	_ =	swait.ge [sflag:s7], $0x1388  }
0x475: {  	[sflag:s7] =	ssyncset.done $0x0  }
0x476: {  	[sflag:s7] =	ssyncadd.s32 $0xFFFFEC78  }
0x477: {  	[tilespmem:s16], [sflag:$0x4] =	stream.indirect.gather [spmem:s4], $0x1, s22, s9, $0xb8;
	[tilespmem:$0x13960] =	vst v63  }
0x478: {  	_ =	swait.ge [sflag:s23], $0x1388  }
0x479: {  	[sflag:s23] =	ssyncset.done $0x0  }
0x47a: {  	[sflag:s23] =	ssyncadd.s32 $0xFFFFEC78  }
0x47b: {  	_ =	swait.ge [sflag:s10], $0x1388  }
0x47c: {  	[sflag:s10] =	ssyncset.done $0x0  }
0x47d: {  	[sflag:s10] =	ssyncadd.s32 $0xFFFFEC78  }
0x47e: {  	[spmem:s3] =	stream.indirect.scatter.add.f32 [tilespmem:s14], [sflag:$0x5], $0x1, s12, s9, $0xb8;
	[tilespmem:$0x13960] =	vst v63  }
0x47f: {  	_ =	swait.ge [sflag:s17], $0x1388  }
0x480: {  	[sflag:s17] =	ssyncset.done $0x0  }
0x481: {  	[sflag:s17] =	ssyncadd.s32 $0xFFFFEC78  }
0x482: {  	_ =	swait.ge [sflag:s10], $0x1388  }
0x483: {  	[sflag:s10] =	ssyncset.done $0x0  }
0x484: {  	[sflag:s10] =	ssyncadd.s32 $0xFFFFEC78  }
0x485: {  	[spmem:s3] =	stream.indirect.scatter.add.f32 [tilespmem:s16], [sflag:$0x5], $0x1, s15, s9, $0xb8;
	[tilespmem:$0x13960] =	vst v63  }
0x486: {  	_ =	swait.ge [sflag:s10], $0x1388  }
0x487: {  	[sflag:s10] =	ssyncset.done $0x0  }
0x488: {  	[sflag:s10] =	ssyncadd.s32 $0xFFFFEC78  }
0x489: {  	[bflag:$0x0] =	sbarrier.arrive $0xFFFF  }
0x48a: {  	[tilespmem:s8], [sflag:$0x6] =	stream.linear.gather [spmem:s5], $0x1870, $0x38;
	[tilespmem:$0x13960] =	vst v63  }
0x48b: {  	_ =	swait.ge [sflag:s7], $0x1870  }
0x48c: {  	[sflag:s7] =	ssyncset.done $0x0  }
0x48d: {  	[sflag:s7] =	ssyncadd.s32 $0xFFFFE790  }
0x48e: {  	[hbm4b:s6+s2] =	stream.linear.scatter [tilespmem:s8], [sflag:$0x6], $0x1870, $0x38;
	[tilespmem:$0x13960] =	vst v63  }
0x48f: {  	_ =	swait.ge [sflag:s7], $0x1870  }
0x490: {  	[sflag:s7] =	ssyncset.done $0x0  }
0x491: {  	[sflag:s7] =	ssyncadd.s32 $0xFFFFE790  }
0x492: {  	_ =	sfence.sel $0x180000  }
0x493: {  	[bflag:$0x0] =	sbarrier.arrive $0xFFFF  }
0x494: {  	_ =	strace $0x9000004A  }
0x495: {  	s31 =	stileid.u32;
	[bflag:$0x2] =	sbarrier.arrive $0xFFFF  }
0x496: {  	p0 =	sne.s32 s31, $0x0;
	s0 =	rddreg [dreg:$0x3]  }
0x497: {  	s0 =	sadd.s32 @!p0 $0x100000, s0  }
0x498: {  	[sflag:s0] =	ssyncadd.tile.s32 @!p0 $0x1;
	_ =	shalt  }
.Lfunc_end2:
_tile_overlayer_lowered:
.L_overlay_start_2:
0x499: {  	(tag) =	ssettag $0x2  }
0x49a: {  	s0 =	rddreg [dreg:$0x0];
	s2 =	stileid.u32  }
0x49b: {  	s1 =	rddreg [dreg:$0x1];
	p0 =	sne.s32 s2, $0x0  }
0x49c: {  	s3 =	rddreg [dreg:$0x2];
	[bflag:$0x3] =	sbarrier.arrive $0xFFFF;
	s2 =	simm.s32 @!p0 $0x1C06  }
0x49d: {  	[timem:s3], [sflag:s2] =	dma.local @!p0 [hbm:s0], s1  }
0x49e: {  	s0 =	simm.s32 @!p0 $0x6  }
0x49f: {  	_ =	swait.ge @!p0 [sflag:s0], s1  }
0x4a0: {  	s1 =	ssub.s32 @!p0 $0x0, s1;
	[sflag:s0] =	ssyncset.done @!p0 $0x0  }
0x4a1: {  	[sflag:s0] =	ssyncadd.s32 @!p0 s1  }
0x4a2: {  	[bflag:$0x3] =	sbarrier.arrive $0xFFFF  }
0x4a3: {  	_ =	shalt  }

// kernel: kernel.14.cloned.1.call-start
scs
__scs_entry_jumppad:
0x0: {  	(pc) =	sbr.rel $0x88, $3  }
0x1: {  	(tag) =	ssettag $0x0;
	lr =	simm.s32 $0x1  }
0x2: {  	[smem:$0x3F9B] =	sst lr;
	_ =	strace $0xD0000000  }
0x3: {  	_ = 	snop  }
0x4: {  	_ = 	snop  }
0x5: {  	_ = 	snop  }
0x6: {  	_ = 	snop  }
0x7: {  	_ = 	snop  }
__scs_overlays_trampoline_lowered:
0x8: {  	[smem:$0x3FAA] =	sst s0  }
0x9: {  	[smem:$0x3FAB] =	sst s1  }
0xa: {  	[smem:$0x3FAC] =	sst s2  }
0xb: {  	[smem:$0x3FAD] =	sst s3  }
0xc: {  	[smem:$0x3FAE] =	sst s4  }
0xd: {  	[smem:$0x3FAF] =	sst s5  }
0xe: {  	[smem:$0x3FB0] =	sst s6  }
0xf: {  	[smem:$0x3FB1] =	sst s7  }
0x10: {  	[smem:$0x3FB2] =	sst s8  }
0x11: {  	[smem:$0x3FB3] =	sst s9;
	s0 =	simm.s32 @!p0 $0x0  }
0x12: {  	s1 =	sld [smem:$0x3F99];
	s0 =	simm.s32 @p0 $0x1  }
0x13: {  	[smem:$0x3FB4] =	sst s0;
	s0 =	simm.s32 @!p1 $0x0  }
0x14: {  	s2 =	sld [smem:$0x3F98];
	s0 =	simm.s32 @p1 $0x1  }
0x15: {  	[smem:$0x3FB5] =	sst s0;
	s0 =	simm.s32 @!p2 $0x0  }
0x16: {  	s3 =	sld [smem:$0x3FDB];
	s0 =	simm.s32 @p2 $0x1  }
0x17: {  	s4 =	simm.s32 $0x1BF5;
	[smem:$0x3FB7] =	sst s0  }
0x18: {  	s0 =	sld [smem:$0x3F9A];
	_ =	swait.ge [sflag:s4], $0x0  }
0x19: {  	s7 =	sld [smem:$0x3F9B]  }
0x1a: {  	s8 =	sadd.s32 $0xFFFFE003, lr  }
0x1b: {  	s9 =	sadd.s32 $0xFFFFFEF7, lr;
	s5 =	simm.s32 $0xFFFFFFFF;
	p2 =	slt.u32 s8, $0xFFFFF086  }
0x1c: {  	p1 =	slt.u32 s9, $0xF7A;
	s5 =	simm.s32 @!p2 $0x0  }
0x1d: {  	s5 =	simm.s32 @p1 $0x1;
	p0 =	seq.s32 s7, s2  }
0x1e: {  	s7 =	smul.u32 @!p0 $0xF7A, s2;
	p2 =	seq.s32 @!p0 s5, $0x0  }
0x1f: {  	s9 =	smul.u32 $0xF7A, s1;
	s8 =	simm.s32 @!p0 $0x1BF5;
	p2 =	por !p2, p0  }
0x20: {  	[sflag:s8] =	ssyncset.s32 @!p0 $0xFFFFF086;
	s6 =	sadd.s32 @!p0 s3, s7;
	s7 =	simm.s32 @!p0 $0x108  }
0x21: {  	s3 =	sadd.s32 s3, s9;
	s6 =	sadd.s32 @!p0 $0x88, s6;
	s7 =	simm.s32 @p2 $0x1082  }
0x22: {  	[simem:s7], [sflag:s8] =	dma.local @!p0 [hbm:s6], $0xF7A  }
0x23: {  	s9 =	sor.u32 $0xD0000000, s2;
	s6 =	simm.s32 $0x108;
	_ =	swait.ge @!p0 [sflag:s8], $0x0  }
0x24: {  	s3 =	sadd.s32 $0x88, s3;
	s6 =	simm.s32 @!p1 $0x1082;
	[sflag:s4] =	ssyncset.s32 $0xFFFFF086  }
0x25: {  	[simem:s6], [sflag:s4] =	dma.local [hbm:s3], $0xF7A  }
0x26: {  	[smem:$0x3F9B] =	sst s1;
	(tag) =	ssettag s2;
	_ =	strace s9  }
0x27: {  	s1 =	sld [smem:$0x3FAB]  }
0x28: {  	s2 =	sld [smem:$0x3FAC]  }
0x29: {  	s4 =	sld [smem:$0x3FAE]  }
0x2a: {  	p0 =	seq.s32 s5, $0x0;
	s5 =	sld [smem:$0x3FAF]  }
0x2b: {  	s6 =	sld [smem:$0x3FB0]  }
0x2c: {  	s7 =	sld [smem:$0x3FB1]  }
0x2d: {  	s3 =	simm.s32 $0x108;
	s8 =	sld [smem:$0x3FB2]  }
0x2e: {  	s3 =	simm.s32 @!p0 $0x1082;
	s9 =	sld [smem:$0x3FB3]  }
0x2f: {  	lr =	sadd.s32 s0, s3;
	s0 =	sld [smem:$0x3FAA]  }
0x30: {  	s3 =	sld [smem:$0x3FAD]  }
0x31: {  	[smem:$0x3FB6] =	sst s10  }
0x32: {  	s10 =	sld [smem:$0x3FB4];
	_ =	sdelay $0x3  }
0x33: {  	p0 =	seq.s32 s10, $0x1;
	s10 =	sld [smem:$0x3FB6];
	_ =	sdelay $0x3  }
0x34: {  	[smem:$0x3FB6] =	sst s10  }
0x35: {  	s10 =	sld [smem:$0x3FB5];
	_ =	sdelay $0x3  }
0x36: {  	p1 =	seq.s32 s10, $0x1;
	s10 =	sld [smem:$0x3FB6];
	_ =	sdelay $0x3  }
0x37: {  	[smem:$0x3FB6] =	sst s10  }
0x38: {  	s10 =	sld [smem:$0x3FB7]  }
0x39: {  	_ = 	snop;
	(pc) =	sbr.ind lr, $3  }
0x3a: {  	_ = 	snop  }
0x3b: {  	_ = 	snop  }
0x3c: {  	p2 =	seq.s32 s10, $0x1;
	s10 =	sld [smem:$0x3FB6]  }
0x3d: {  	_ =	shalt  }
0x3e: {  	_ =	shalt  }
0x3f: {  	_ =	shalt  }
0x40: {  	_ =	shalt  }
0x41: {  	_ =	shalt  }
0x42: {  	_ =	shalt  }
0x43: {  	_ =	shalt  }
0x44: {  	_ =	shalt  }
0x45: {  	_ =	shalt  }
0x46: {  	_ =	shalt  }
0x47: {  	_ =	shalt  }
0x48: {  	_ =	shalt  }
0x49: {  	_ =	shalt  }
0x4a: {  	_ =	shalt  }
0x4b: {  	_ =	shalt  }
0x4c: {  	_ =	shalt  }
0x4d: {  	_ =	shalt  }
0x4e: {  	_ =	shalt  }
0x4f: {  	_ =	shalt  }
0x50: {  	_ =	shalt  }
0x51: {  	_ =	shalt  }
0x52: {  	_ =	shalt  }
0x53: {  	_ =	shalt  }
0x54: {  	_ =	shalt  }
0x55: {  	_ =	shalt  }
0x56: {  	_ =	shalt  }
0x57: {  	_ =	shalt  }
0x58: {  	_ =	shalt  }
0x59: {  	_ =	shalt  }
0x5a: {  	_ =	shalt  }
0x5b: {  	_ =	shalt  }
0x5c: {  	_ =	shalt  }
0x5d: {  	_ =	shalt  }
0x5e: {  	_ =	shalt  }
0x5f: {  	_ =	shalt  }
0x60: {  	_ =	shalt  }
0x61: {  	_ =	shalt  }
0x62: {  	_ =	shalt  }
0x63: {  	_ =	shalt  }
0x64: {  	_ =	shalt  }
0x65: {  	_ =	shalt  }
0x66: {  	_ =	shalt  }
0x67: {  	_ =	shalt  }
0x68: {  	_ =	shalt  }
0x69: {  	_ =	shalt  }
0x6a: {  	_ =	shalt  }
0x6b: {  	_ =	shalt  }
0x6c: {  	_ =	shalt  }
0x6d: {  	_ =	shalt  }
0x6e: {  	_ =	shalt  }
0x6f: {  	_ =	shalt  }
0x70: {  	_ =	shalt  }
0x71: {  	_ =	shalt  }
0x72: {  	_ =	shalt  }
0x73: {  	_ =	shalt  }
0x74: {  	_ =	shalt  }
0x75: {  	_ =	shalt  }
0x76: {  	_ =	shalt  }
0x77: {  	_ =	shalt  }
0x78: {  	_ =	shalt  }
0x79: {  	_ =	shalt  }
0x7a: {  	_ =	shalt  }
0x7b: {  	_ =	shalt  }
0x7c: {  	_ =	shalt  }
0x7d: {  	_ =	shalt  }
0x7e: {  	_ =	shalt  }
0x7f: {  	_ =	shalt  }
0x80: {  	_ =	shalt  }
0x81: {  	_ =	shalt  }
0x82: {  	_ =	shalt  }
0x83: {  	_ =	shalt  }
0x84: {  	_ =	shalt  }
0x85: {  	_ =	shalt  }
0x86: {  	_ =	shalt  }
0x87: {  	_ =	shalt  }
.Lfunc_end0:
.L_simem_size_0:
called_computation.2_lowered:
.L_overlay_start_0:
0x88: {  	s2 =	sld [smem:$0x3FD9]  }
0x89: {  	s3 =	sld [smem:$0x3FFE];
	_ =	sdelay $0x1  }
0x8a: {  	s1 =	srdreg.scid  }
0x8b: {  	s0 =	sand.u32 $0x1, s1  }
0x8c: {  	s16 =	sshll.u32 s0, $0xA;
	s2 =	sadd.s32 s3, s2  }
0x8d: {  	s2 =	sadd.s32 s2, s16  }
0x8e: {  	[smem:$0x3FC2] =	sst s2  }
0x8f: {  	_ = 	snop  }
0x90: {  	(tm) =	ssettm $0x1  }
0x91: {  	s17 =	sld [smem:$0x3FFB];
	_ =	sdelay $0x3  }
0x92: {  	_ =	strace s17  }
0x93: {  	s2 =	sld [smem:$0x3FFC];
	_ =	sdelay $0x3  }
0x94: {  	_ =	strace s2  }
0x95: {  	s2 =	sld [smem:$0x3FFD];
	_ =	sdelay $0x3  }
0x96: {  	_ =	strace s2  }
0x97: {  	_ =	strace $0x8FFFFFFF  }
0x98: {  	s18 =	sld [smem:$0x3FDB];
	_ =	sdelay $0x1  }
0x99: {  	s19 =	simm.s32 $_scs_section_size  }
0x9a: {  	s4 =	simm.s32 $_size__tile_overlayer_lowered;
	s5 =	simm.s32 $_tile_overlayer_lowered  }
0x9b: {  	s22 =	simm.s32 $0x1BFF;
	s21 =	sshll.u32 s5, $0x1;
	s2 =	sadd.s32 s19, s18  }
0x9c: {  	s6 =	simm.s32 $0x0;
	s20 =	sshll.u32 s4, $0x1;
	s4 =	sadd.s32 s21, s2  }
0x9d: {  	[timem:s6], [sflag:s22] =	dma.local [hbm:s4], s20  }
0x9e: {  	_ =	swait.ge [sflag:s22], s20  }
0x9f: {  	s3 =	ssub.s32 $0x0, s20;
	[sflag:s22] =	ssyncset.done $0x0  }
0xa0: {  	[sflag:s22] =	ssyncadd.s32 s3;
	_ =	sdelay $0x1  }
0xa1: {  	s23 =	simm.s32 $0x1B8B  }
0xa2: {  	_ =	swait.ge [sflag:s23], $0x1  }
0xa3: {  	[sflag:s23] =	ssyncset.done $0x0  }
0xa4: {  	s25 =	simm.s32 $0x1B8E;
	s24 =	sld [smem:$0x3FFE];
	[sflag:s23] =	ssyncadd.s32 $0xFFFFFFFF  }
0xa5: {  	s26 =	simm.s32 $execute0_lowered;
	[smem:$0x3FD2] =	sst s25  }
0xa6: {  	s4 =	sshll.u32 s26, $0x1;
	_ =	strace $0x8000004C;
	[dreg:$0x1] =	wrdreg $0xFFFFFFFF  }
0xa7: {  	s28 =	simm.s32 $_size_execute0_lowered;
	s2 =	sadd.s32 s2, s4;
	[dreg:$0x0] =	wrdreg $0x0  }
0xa8: {  	s4 =	sshll.u32 s28, $0x1;
	[dreg:$0x2] =	wrdreg s2  }
0xa9: {  	[dreg:$0x3] =	wrdreg s4  }
0xaa: {  	[dreg:$0x4] =	wrdreg $0xC0  }
0xab: {  	_ =	task [dreg:s6], $0x5FFFF  }
0xac: {  	[dreg:$0x1] =	wrdreg $0xFFFFFFFF  }
0xad: {  	[dreg:$0x0] =	wrdreg $0x60  }
0xae: {  	[dreg:$0x2] =	wrdreg s24  }
0xaf: {  	[dreg:$0x3] =	wrdreg $0x120F00  }
0xb0: {  	[dreg:$0x4] =	wrdreg $0x108800  }
0xb1: {  	[dreg:$0x5] =	wrdreg $0x9  }
0xb2: {  	_ =	task.clear_ibuf [dreg:s6], $0x6FFFF;
	_ =	strace $0x9000004C  }
0xb3: {  	s29 =	simm.s32 $0x9;
	_ =	strace $0x8000004E  }
0xb4: {  	_ =	swait.ge [sflag:s29], $0x1  }
0xb5: {  	[sflag:s29] =	ssyncadd.s32 $0xFFFFFFFF  }
0xb6: {  	_ =	strace $0x9000004E  }
0xb7: {  	_ =	sfence  }
0xb8: {  	s30 =	sld [smem:$0x0];
	_ =	sdelay $0x2  }
0xb9: {  	s31 =	sshll.u32 s1, $0xD;
	s1 =	sshrl.u32 s1, $0x2  }
0xba: {  	s3 =	sand.u32 $0x4000, s31;
	s1 =	sadd.s32 s1, s30  }
0xbb: {  	s0 =	sor.u32 s3, s0;
	s1 =	sshll.u32 s1, $0x11  }
0xbc: {  	s0 =	sor.u32 s1, s0  }
0xbd: {  	s0 =	sadd.s32 $0x8F2B, s0  }
0xbe: {  	[sflag:s0] =	ssyncadd.remote.s32 $0x1  }
0xbf: {  	_ =	sfence.sel $0xFFFF  }
0xc0: {  	[dreg:$0x0] =	wrdreg $0xFFFFFFFF;
	(pc) =	sbr.abs _section_cstart, $3  }
0xc1: {  	[dreg:$0x1] =	wrdreg $0xFFFFFFFF  }
0xc2: {  	_ =	task.clear_ibuf [dreg:s6], $0x2FFFF;
	_ =	strace $0x9FFFFFFF  }
0xc3: {  	(tm) =	ssettm $0x7FFFFFFF  }
tec
execute0_lowered:
.L_overlay_start_1:
0x0: {  	(tag) =	ssettag $0x1  }
0x1: {  	s5 =	rddreg [dreg:$0x0]  }
0x2: {  	s3 =	rddreg [dreg:$0x1]  }
0x3: {  	s4 =	rddreg [dreg:$0x2];
	s6 =	stileid.u32  }
0x4: {  	s2 =	simm.s32 $0x0;
	s1 =	srdreg.scid;
	s28 =	simm.s32 $0xA000  }
0x5: {  	s29 =	simm.s32 $0x1400;
	s30 =	simm.s32 $0x1;
	p0 =	por $0x0, $0x0  }
0x6: {  	s0 =	smul.u32 $0x1870, s6;
	[smem:$0x7FF] =	sst s2;
	s8 =	sand.u32 $0x1, s1  }
0x7: {  	s12 =	sshll.u32 s6, $0x1;
	s10 =	sadd.s32 $0xC4E00, s5;
	_ =	strace $0x8000004D  }
0x8: {  	s1 =	sor.u32 s8, s12;
	[dreg:$0x4] =	wrdreg s10;
	s13 =	sshrl.u32 s0, $0x3  }
0x9: {  	s7 =	smul.u32 $0x186A0, s1;
	s15 =	sadd.s32 s0, s4;
	s9 =	sadd.s32 s13, s5  }
0xa: {  	s6 =	sadd.s32 $0x1800, s5;
	[dreg:$0x6] =	wrdreg s15;
	s14 =	sadd.s32 $0xC5200, s9  }
0xb: {  	s16 =	sshrl.u32 s7, $0x3;
	s17 =	sadd.s32 $0x1388, s7;
	s18 =	sadd.s32 $0x30E788, s7  }
0xc: {  	s22 =	sadd.s32 $0x3A98, s7;
	s24 =	sadd.s32 $0x310E98, s7;
	s10 =	sadd.s32 $0x61A8, s7  }
0xd: {  	s12 =	sadd.s32 $0x3135A8, s7;
	[dreg:$0x5] =	wrdreg s14;
	s31 =	sadd.s32 s6, s16  }
0xe: {  	s1 =	sshrl.u32 s17, $0x3;
	s19 =	sshrl.u32 s18, $0x3;
	s9 =	sadd.s32 $0x61A80, s31  }
0xf: {  	s25 =	sshrl.u32 s24, $0x3;
	s1 =	sadd.s32 s6, s1;
	[dreg:$0x7] =	wrdreg s9  }
0x10: {  	s13 =	sshrl.u32 s12, $0x3;
	s20 =	sadd.s32 s6, s19;
	[dreg:$0x8] =	wrdreg s1  }
0x11: {  	s16 =	sadd.s32 $0x88B8, s7;
	s21 =	sadd.s32 $0x4E2, s31;
	[dreg:$0x9] =	wrdreg s20  }
0x12: {  	s18 =	sadd.s32 $0x315CB8, s7;
	s23 =	sadd.s32 $0x61F62, s31;
	[dreg:$0xa] =	wrdreg s21  }
0x13: {  	s24 =	sadd.s32 $0x3183C8, s7;
	s26 =	sadd.s32 s6, s25;
	[dreg:$0xb] =	wrdreg s23  }
0x14: {  	s12 =	sadd.s32 $0x31AAD8, s7;
	s11 =	sadd.s32 $0x62444, s31;
	[dreg:$0xd] =	wrdreg s26  }
0x15: {  	s14 =	sadd.s32 s6, s13;
	s15 =	sadd.s32 $0xEA6, s31;
	[dreg:$0xf] =	wrdreg s11  }
0x16: {  	s17 =	sadd.s32 $0x62926, s31;
	s19 =	sshrl.u32 s18, $0x3;
	[dreg:$0x11] =	wrdreg s14  }
0x17: {  	s25 =	sshrl.u32 s24, $0x3;
	s13 =	sshrl.u32 s12, $0x3;
	[dreg:$0x12] =	wrdreg s15  }
0x18: {  	s18 =	sadd.s32 $0x31D1E8, s7;
	s12 =	sadd.s32 $0x2710, s31;
	[dreg:$0x13] =	wrdreg s17  }
0x19: {  	s24 =	sadd.s32 $0x124F8, s7;
	s9 =	sadd.s32 $0x9C4, s31;
	[smem:$0x7FA] =	sst s12  }
0x1a: {  	s1 =	sshrl.u32 s22, $0x3;
	s20 =	sadd.s32 s6, s19;
	[dreg:$0xe] =	wrdreg s9  }
0x1b: {  	s21 =	sadd.s32 $0x1388, s31;
	s22 =	sadd.s32 $0xAFC8, s7;
	[dreg:$0x15] =	wrdreg s20  }
0x1c: {  	s23 =	sadd.s32 $0x62E08, s31;
	s26 =	sadd.s32 s6, s25;
	[dreg:$0x16] =	wrdreg s21  }
0x1d: {  	s11 =	sadd.s32 $0x632EA, s31;
	s14 =	sadd.s32 s6, s13;
	[dreg:$0x17] =	wrdreg s23  }
0x1e: {  	s15 =	sadd.s32 $0x1D4C, s31;
	s17 =	sadd.s32 $0x637CC, s31;
	[dreg:$0x19] =	wrdreg s26  }
0x1f: {  	s19 =	sshrl.u32 s18, $0x3;
	s25 =	sadd.s32 $0x63CAE, s31;
	[dreg:$0x1b] =	wrdreg s11  }
0x20: {  	s13 =	ssub.s32 $0x2, s8;
	s12 =	simm.s32 $0x7800;
	[dreg:$0x1d] =	wrdreg s14  }
0x21: {  	s1 =	sadd.s32 s6, s1;
	s9 =	sadd.s32 $0x186A, s31;
	[dreg:$0x1e] =	wrdreg s15  }
0x22: {  	[dreg:$0x1f] =	wrdreg s17;
	s20 =	smul.u32 $0x18700, s8;
	s21 =	sadd.s32 s6, s19  }
0x23: {  	s11 =	sadd.s32 $0x31F8F8, s7;
	[smem:$0x7F7] =	sst s25;
	s14 =	sadd.s32 $0x14C08, s7  }
0x24: {  	s15 =	sadd.s32 $0x64190, s31;
	s18 =	sshrl.u32 s13, $0x1;
	[dreg:$0xc] =	wrdreg s1  }
0x25: {  	s8 =	simm.s32 $0xF000;
	s25 =	simm.s32 $0x2;
	[dreg:$0x1a] =	wrdreg s9  }
0x26: {  	s1 =	sshrl.u32 s10, $0x3;
	s10 =	sadd.s32 $0xD6D8, s7;
	[smem:$0x7F5] =	sst s21  }
0x27: {  	s26 =	sshrl.u32 s11, $0x3;
	[smem:$0x7FB] =	sst s15;
	s21 =	sadd.s32 $0x17318, s7  }
0x28: {  	s15 =	simm.s32 $0x8C00;
	s1 =	sadd.s32 s6, s1;
	s23 =	sadd.s32 s0, s20  }
0x29: {  	s11 =	sadd.s32 s6, s26;
	s20 =	ssub.s32 s13, s18;
	s18 =	sadd.s32 $0x64672, s31  }
0x2a: {  	s26 =	simm.s32 $0x5000;
	[dreg:$0x10] =	wrdreg s1;
	s1 =	sshrl.u32 s16, $0x3  }
0x2b: {  	s16 =	sadd.s32 $0xFDE8, s7;
	s9 =	sshrl.u32 s23, $0x3;
	[smem:$0x7F9] =	sst s11  }
0x2c: {  	s23 =	smax.u32 s20, $0x1;
	s20 =	simm.s32 $0x6400;
	s1 =	sadd.s32 s6, s1  }
0x2d: {  	s9 =	sadd.s32 s9, s5;
	s5 =	sadd.s32 s0, s3;
	s0 =	sshrl.u32 s21, $0x3  }
0x2e: {  	s21 =	simm.s32 $0xB400;
	p1 =	sne.s32 s23, $0x1;
	[dreg:$0x14] =	wrdreg s1  }
0x2f: {  	s1 =	sshrl.u32 s22, $0x3;
	s22 =	sadd.s32 $0x222E, s31;
	s13 =	sadd.s32 s6, s0  }
0x30: {  	s0 =	sadd.s32 $0xFFFFFFFF, s23;
	s1 =	sadd.s32 s6, s1;
	[smem:$0x7F6] =	sst s22  }
0x31: {  	s23 =	simm.s32 $0x3;
	[dreg:$0x18] =	wrdreg s1;
	s1 =	sshrl.u32 s10, $0x3  }
0x32: {  	s22 =	sadd.s32 $0x324718, s7;
	s10 =	simm.s32 $0x5;
	s1 =	sadd.s32 s6, s1  }
0x33: {  	[dreg:$0x1c] =	wrdreg s1;
	s1 =	sshrl.u32 s16, $0x3;
	s16 =	sadd.s32 $0x322008, s7  }
0x34: {  	s7 =	simm.s32 $0x6;
	s1 =	sadd.s32 s6, s1;
	s17 =	sshrl.u32 s16, $0x3  }
0x35: {  	s16 =	simm.s32 $0xDC00;
	[smem:$0x7F4] =	sst s1;
	s1 =	sshrl.u32 s24, $0x3  }
0x36: {  	s19 =	sadd.s32 s6, s17;
	s24 =	simm.s32 $0x2800;
	s1 =	sadd.s32 s6, s1  }
.Ltmp0:
0x37: {  	[smem:$0x7F8] =	sst s1;
	s1 =	sshrl.u32 s14, $0x3;
	(pc) =	sbr.rel @!p1 .LBB2_3-.Ltmp0, $4  }
0x38: {  	s17 =	simm.s32 $0x4;
	[smem:$0x7FD] =	sst s19;
	s1 =	sadd.s32 s6, s1  }
0x39: {  	s19 =	sadd.s32 $0x2BF2, s31;
	[smem:$0x7FC] =	sst s1;
	s1 =	sshrl.u32 s22, $0x3  }
0x3a: {  	s14 =	simm.s32 $0xC800;
	s22 =	simm.s32 $0x3C00;
	s11 =	sadd.s32 s6, s1  }
0x3b: {  	s6 =	sadd.s32 $0xC8400, s9;
	s9 =	simm.s32 $0x1388;
	s1 =	rddreg [dreg:$0x4]  }
0x3c: {  	[tilespmem:s8], [sflag:$0x6] =	stream.linear.gather [hbm4b:s1+s2], $0x1880, $0x38;
	[tilespmem:$0x13960] =	vst v63  }
0x3d: {  	_ =	swait.ge [sflag:s7], $0x1880  }
0x3e: {  	[sflag:s7] =	ssyncset.done $0x0  }
0x3f: {  	[sflag:s7] =	ssyncadd.s32 $0xFFFFE780  }
0x40: {  	[spmem:s5] =	stream.linear.scatter [tilespmem:s8], [sflag:$0x6], $0x1870, $0x38;
	[tilespmem:$0x13960] =	vst v63  }
0x41: {  	_ =	swait.ge [sflag:s7], $0x1870  }
0x42: {  	[sflag:s7] =	ssyncset.done $0x0  }
0x43: {  	s1 =	rddreg [dreg:$0x5];
	[sflag:s7] =	ssyncadd.s32 $0xFFFFE790  }
0x44: {  	[tilespmem:s8], [sflag:$0x6] =	stream.linear.gather [hbm4b:s1+s2], $0x1870, $0x38;
	[tilespmem:$0x13960] =	vst v63  }
0x45: {  	_ =	swait.ge [sflag:s7], $0x1870  }
0x46: {  	[sflag:s7] =	ssyncset.done $0x0  }
0x47: {  	s1 =	rddreg [dreg:$0x6];
	[sflag:s7] =	ssyncadd.s32 $0xFFFFE790  }
0x48: {  	[spmem:s1] =	stream.linear.scatter [tilespmem:s8], [sflag:$0x6], $0x1870, $0x38;
	[tilespmem:$0x13960] =	vst v63  }
0x49: {  	_ =	swait.ge [sflag:s7], $0x1870  }
0x4a: {  	[sflag:s7] =	ssyncset.done $0x0  }
0x4b: {  	[sflag:s7] =	ssyncadd.s32 $0xFFFFE790  }
0x4c: {  	[bflag:$0x0] =	sbarrier.arrive $0xFFFF  }
0x4d: {  	[tilespmem:s2], [sflag:$0x6] =	stream.linear.gather [hbm4b:s31+s2], $0x1388, $0x38;
	[tilespmem:$0x13960] =	vst v63  }
0x4e: {  	_ =	swait.ge [sflag:s7], $0x1388  }
0x4f: {  	[sflag:s7] =	ssyncset.done $0x0  }
0x50: {  	s1 =	rddreg [dreg:$0x7];
	[sflag:s7] =	ssyncadd.s32 $0xFFFFEC78  }
0x51: {  	[tilespmem:s26], [sflag:$0x6] =	stream.linear.gather [hbm4b:s1+s2], $0x1388, $0x38;
	[tilespmem:$0x13960] =	vst v63  }
0x52: {  	_ =	swait.ge [sflag:s7], $0x1388  }
0x53: {  	[sflag:s7] =	ssyncset.done $0x0  }
0x54: {  	[sflag:s7] =	ssyncadd.s32 $0xFFFFEC78  }
0x55: {  	[tilespmem:s28], [sflag:$0x1] =	stream.indirect.gather [spmem:s4], $0x1, s2, s9, $0xb8;
	[tilespmem:$0x13960] =	vst v63  }
0x56: {  	s1 =	rddreg [dreg:$0x8]  }
0x57: {  	[tilespmem:s29], [sflag:$0x6] =	stream.linear.gather [hbm4b:s1+s2], $0x1388, $0x38;
	[tilespmem:$0x13960] =	vst v63  }
0x58: {  	_ =	swait.ge [sflag:s7], $0x1388  }
0x59: {  	[sflag:s7] =	ssyncset.done $0x0  }
0x5a: {  	s1 =	rddreg [dreg:$0x9];
	[sflag:s7] =	ssyncadd.s32 $0xFFFFEC78  }
0x5b: {  	[tilespmem:s20], [sflag:$0x6] =	stream.linear.gather [hbm4b:s1+s2], $0x1388, $0x38;
	[tilespmem:$0x13960] =	vst v63  }
0x5c: {  	_ =	swait.ge [sflag:s7], $0x1388  }
0x5d: {  	[sflag:s7] =	ssyncset.done $0x0  }
0x5e: {  	[sflag:s7] =	ssyncadd.s32 $0xFFFFEC78  }
0x5f: {  	[tilespmem:s21], [sflag:$0x2] =	stream.indirect.gather [spmem:s4], $0x1, s29, s9, $0xb8;
	[tilespmem:$0x13960] =	vst v63  }
0x60: {  	_ =	swait.ge [sflag:s30], $0x1388  }
0x61: {  	[sflag:s30] =	ssyncset.done $0x0  }
0x62: {  	[sflag:s30] =	ssyncadd.s32 $0xFFFFEC78  }
0x63: {  	[spmem:s3] =	stream.indirect.scatter.add.f32 [tilespmem:s28], [sflag:$0x5], $0x1, s26, s9, $0xb8;
	[tilespmem:$0x13960] =	vst v63  }
0x64: {  	s1 =	rddreg [dreg:$0xa]  }
0x65: {  	[tilespmem:s24], [sflag:$0x6] =	stream.linear.gather [hbm4b:s1+s2], $0x1388, $0x38;
	[tilespmem:$0x13960] =	vst v63  }
0x66: {  	_ =	swait.ge [sflag:s7], $0x1388  }
0x67: {  	[sflag:s7] =	ssyncset.done $0x0  }
0x68: {  	s1 =	rddreg [dreg:$0xb];
	[sflag:s7] =	ssyncadd.s32 $0xFFFFEC78  }
0x69: {  	[tilespmem:s12], [sflag:$0x6] =	stream.linear.gather [hbm4b:s1+s2], $0x1388, $0x38;
	[tilespmem:$0x13960] =	vst v63  }
0x6a: {  	_ =	swait.ge [sflag:s7], $0x1388  }
0x6b: {  	[sflag:s7] =	ssyncset.done $0x0  }
0x6c: {  	[sflag:s7] =	ssyncadd.s32 $0xFFFFEC78  }
0x6d: {  	[tilespmem:s14], [sflag:$0x3] =	stream.indirect.gather [spmem:s4], $0x1, s24, s9, $0xb8;
	[tilespmem:$0x13960] =	vst v63  }
0x6e: {  	_ =	swait.ge [sflag:s25], $0x1388  }
0x6f: {  	[sflag:s25] =	ssyncset.done $0x0  }
0x70: {  	[sflag:s25] =	ssyncadd.s32 $0xFFFFEC78  }
0x71: {  	_ =	swait.ge [sflag:s10], $0x1388  }
0x72: {  	[sflag:s10] =	ssyncset.done $0x0  }
0x73: {  	[sflag:s10] =	ssyncadd.s32 $0xFFFFEC78  }
0x74: {  	[spmem:s3] =	stream.indirect.scatter.add.f32 [tilespmem:s21], [sflag:$0x5], $0x1, s20, s9, $0xb8;
	[tilespmem:$0x13960] =	vst v63  }
0x75: {  	s1 =	rddreg [dreg:$0xc]  }
0x76: {  	[tilespmem:s22], [sflag:$0x6] =	stream.linear.gather [hbm4b:s1+s2], $0x1388, $0x38;
	[tilespmem:$0x13960] =	vst v63  }
0x77: {  	_ =	swait.ge [sflag:s7], $0x1388  }
0x78: {  	[sflag:s7] =	ssyncset.done $0x0  }
0x79: {  	s1 =	rddreg [dreg:$0xd];
	[sflag:s7] =	ssyncadd.s32 $0xFFFFEC78  }
0x7a: {  	[tilespmem:s15], [sflag:$0x6] =	stream.linear.gather [hbm4b:s1+s2], $0x1388, $0x38;
	[tilespmem:$0x13960] =	vst v63  }
0x7b: {  	_ =	swait.ge [sflag:s7], $0x1388  }
0x7c: {  	[sflag:s7] =	ssyncset.done $0x0  }
0x7d: {  	[sflag:s7] =	ssyncadd.s32 $0xFFFFEC78  }
0x7e: {  	[tilespmem:s16], [sflag:$0x4] =	stream.indirect.gather [spmem:s4], $0x1, s22, s9, $0xb8;
	[tilespmem:$0x13960] =	vst v63  }
0x7f: {  	_ =	swait.ge [sflag:s23], $0x1388  }
0x80: {  	[sflag:s23] =	ssyncset.done $0x0  }
0x81: {  	[sflag:s23] =	ssyncadd.s32 $0xFFFFEC78  }
0x82: {  	_ =	swait.ge [sflag:s10], $0x1388  }
0x83: {  	[sflag:s10] =	ssyncset.done $0x0  }
0x84: {  	[sflag:s10] =	ssyncadd.s32 $0xFFFFEC78  }
0x85: {  	[spmem:s3] =	stream.indirect.scatter.add.f32 [tilespmem:s14], [sflag:$0x5], $0x1, s12, s9, $0xb8;
	[tilespmem:$0x13960] =	vst v63  }
0x86: {  	s1 =	rddreg [dreg:$0xe]  }
0x87: {  	[tilespmem:s2], [sflag:$0x6] =	stream.linear.gather [hbm4b:s1+s2], $0x1388, $0x38;
	[tilespmem:$0x13960] =	vst v63  }
0x88: {  	_ =	swait.ge [sflag:s7], $0x1388  }
0x89: {  	[sflag:s7] =	ssyncset.done $0x0  }
0x8a: {  	s1 =	rddreg [dreg:$0xf];
	[sflag:s7] =	ssyncadd.s32 $0xFFFFEC78  }
0x8b: {  	[tilespmem:s26], [sflag:$0x6] =	stream.linear.gather [hbm4b:s1+s2], $0x1388, $0x38;
	[tilespmem:$0x13960] =	vst v63  }
0x8c: {  	_ =	swait.ge [sflag:s7], $0x1388  }
0x8d: {  	[sflag:s7] =	ssyncset.done $0x0  }
0x8e: {  	[sflag:s7] =	ssyncadd.s32 $0xFFFFEC78  }
0x8f: {  	[tilespmem:s28], [sflag:$0x1] =	stream.indirect.gather [spmem:s4], $0x1, s2, s9, $0xb8;
	[tilespmem:$0x13960] =	vst v63  }
0x90: {  	_ =	swait.ge [sflag:s17], $0x1388  }
0x91: {  	[sflag:s17] =	ssyncset.done $0x0  }
0x92: {  	[sflag:s17] =	ssyncadd.s32 $0xFFFFEC78  }
0x93: {  	_ =	swait.ge [sflag:s10], $0x1388  }
0x94: {  	[sflag:s10] =	ssyncset.done $0x0  }
0x95: {  	[sflag:s10] =	ssyncadd.s32 $0xFFFFEC78  }
0x96: {  	[spmem:s3] =	stream.indirect.scatter.add.f32 [tilespmem:s16], [sflag:$0x5], $0x1, s15, s9, $0xb8;
	[tilespmem:$0x13960] =	vst v63  }
0x97: {  	s1 =	rddreg [dreg:$0x10]  }
0x98: {  	[tilespmem:s29], [sflag:$0x6] =	stream.linear.gather [hbm4b:s1+s2], $0x1388, $0x38;
	[tilespmem:$0x13960] =	vst v63  }
0x99: {  	_ =	swait.ge [sflag:s7], $0x1388  }
0x9a: {  	[sflag:s7] =	ssyncset.done $0x0  }
0x9b: {  	s1 =	rddreg [dreg:$0x11];
	[sflag:s7] =	ssyncadd.s32 $0xFFFFEC78  }
0x9c: {  	[tilespmem:s20], [sflag:$0x6] =	stream.linear.gather [hbm4b:s1+s2], $0x1388, $0x38;
	[tilespmem:$0x13960] =	vst v63  }
0x9d: {  	_ =	swait.ge [sflag:s7], $0x1388  }
0x9e: {  	[sflag:s7] =	ssyncset.done $0x0  }
0x9f: {  	[sflag:s7] =	ssyncadd.s32 $0xFFFFEC78  }
0xa0: {  	[tilespmem:s21], [sflag:$0x2] =	stream.indirect.gather [spmem:s4], $0x1, s29, s9, $0xb8;
	[tilespmem:$0x13960] =	vst v63  }
0xa1: {  	_ =	swait.ge [sflag:s30], $0x1388  }
0xa2: {  	[sflag:s30] =	ssyncset.done $0x0  }
0xa3: {  	[sflag:s30] =	ssyncadd.s32 $0xFFFFEC78  }
0xa4: {  	_ =	swait.ge [sflag:s10], $0x1388  }
0xa5: {  	[sflag:s10] =	ssyncset.done $0x0  }
0xa6: {  	[sflag:s10] =	ssyncadd.s32 $0xFFFFEC78  }
0xa7: {  	[spmem:s3] =	stream.indirect.scatter.add.f32 [tilespmem:s28], [sflag:$0x5], $0x1, s26, s9, $0xb8;
	[tilespmem:$0x13960] =	vst v63  }
0xa8: {  	s1 =	rddreg [dreg:$0x12]  }
0xa9: {  	[tilespmem:s24], [sflag:$0x6] =	stream.linear.gather [hbm4b:s1+s2], $0x1388, $0x38;
	[tilespmem:$0x13960] =	vst v63  }
0xaa: {  	_ =	swait.ge [sflag:s7], $0x1388  }
0xab: {  	[sflag:s7] =	ssyncset.done $0x0  }
0xac: {  	s1 =	rddreg [dreg:$0x13];
	[sflag:s7] =	ssyncadd.s32 $0xFFFFEC78  }
0xad: {  	[tilespmem:s12], [sflag:$0x6] =	stream.linear.gather [hbm4b:s1+s2], $0x1388, $0x38;
	[tilespmem:$0x13960] =	vst v63  }
0xae: {  	_ =	swait.ge [sflag:s7], $0x1388  }
0xaf: {  	[sflag:s7] =	ssyncset.done $0x0  }
0xb0: {  	[sflag:s7] =	ssyncadd.s32 $0xFFFFEC78  }
0xb1: {  	[tilespmem:s14], [sflag:$0x3] =	stream.indirect.gather [spmem:s4], $0x1, s24, s9, $0xb8;
	[tilespmem:$0x13960] =	vst v63  }
0xb2: {  	_ =	swait.ge [sflag:s25], $0x1388  }
0xb3: {  	[sflag:s25] =	ssyncset.done $0x0  }
0xb4: {  	[sflag:s25] =	ssyncadd.s32 $0xFFFFEC78  }
0xb5: {  	_ =	swait.ge [sflag:s10], $0x1388  }
0xb6: {  	[sflag:s10] =	ssyncset.done $0x0  }
0xb7: {  	[sflag:s10] =	ssyncadd.s32 $0xFFFFEC78  }
0xb8: {  	[spmem:s3] =	stream.indirect.scatter.add.f32 [tilespmem:s21], [sflag:$0x5], $0x1, s20, s9, $0xb8;
	[tilespmem:$0x13960] =	vst v63  }
0xb9: {  	s1 =	rddreg [dreg:$0x14]  }
0xba: {  	[tilespmem:s22], [sflag:$0x6] =	stream.linear.gather [hbm4b:s1+s2], $0x1388, $0x38;
	[tilespmem:$0x13960] =	vst v63  }
0xbb: {  	_ =	swait.ge [sflag:s7], $0x1388  }
0xbc: {  	[sflag:s7] =	ssyncset.done $0x0  }
0xbd: {  	s1 =	rddreg [dreg:$0x15];
	[sflag:s7] =	ssyncadd.s32 $0xFFFFEC78  }
0xbe: {  	[tilespmem:s15], [sflag:$0x6] =	stream.linear.gather [hbm4b:s1+s2], $0x1388, $0x38;
	[tilespmem:$0x13960] =	vst v63  }
0xbf: {  	_ =	swait.ge [sflag:s7], $0x1388  }
0xc0: {  	[sflag:s7] =	ssyncset.done $0x0  }
0xc1: {  	[sflag:s7] =	ssyncadd.s32 $0xFFFFEC78  }
0xc2: {  	[tilespmem:s16], [sflag:$0x4] =	stream.indirect.gather [spmem:s4], $0x1, s22, s9, $0xb8;
	[tilespmem:$0x13960] =	vst v63  }
0xc3: {  	_ =	swait.ge [sflag:s23], $0x1388  }
0xc4: {  	[sflag:s23] =	ssyncset.done $0x0  }
0xc5: {  	[sflag:s23] =	ssyncadd.s32 $0xFFFFEC78  }
0xc6: {  	_ =	swait.ge [sflag:s10], $0x1388  }
0xc7: {  	[sflag:s10] =	ssyncset.done $0x0  }
0xc8: {  	[sflag:s10] =	ssyncadd.s32 $0xFFFFEC78  }
0xc9: {  	[spmem:s3] =	stream.indirect.scatter.add.f32 [tilespmem:s14], [sflag:$0x5], $0x1, s12, s9, $0xb8;
	[tilespmem:$0x13960] =	vst v63  }
0xca: {  	s1 =	rddreg [dreg:$0x16]  }
0xcb: {  	[tilespmem:s2], [sflag:$0x6] =	stream.linear.gather [hbm4b:s1+s2], $0x1388, $0x38;
	[tilespmem:$0x13960] =	vst v63  }
0xcc: {  	_ =	swait.ge [sflag:s7], $0x1388  }
0xcd: {  	[sflag:s7] =	ssyncset.done $0x0  }
0xce: {  	s1 =	rddreg [dreg:$0x17];
	[sflag:s7] =	ssyncadd.s32 $0xFFFFEC78  }
0xcf: {  	[tilespmem:s26], [sflag:$0x6] =	stream.linear.gather [hbm4b:s1+s2], $0x1388, $0x38;
	[tilespmem:$0x13960] =	vst v63  }
0xd0: {  	_ =	swait.ge [sflag:s7], $0x1388  }
0xd1: {  	[sflag:s7] =	ssyncset.done $0x0  }
0xd2: {  	[sflag:s7] =	ssyncadd.s32 $0xFFFFEC78  }
0xd3: {  	[tilespmem:s28], [sflag:$0x1] =	stream.indirect.gather [spmem:s4], $0x1, s2, s9, $0xb8;
	[tilespmem:$0x13960] =	vst v63  }
0xd4: {  	_ =	swait.ge [sflag:s17], $0x1388  }
0xd5: {  	[sflag:s17] =	ssyncset.done $0x0  }
0xd6: {  	[sflag:s17] =	ssyncadd.s32 $0xFFFFEC78  }
0xd7: {  	_ =	swait.ge [sflag:s10], $0x1388  }
0xd8: {  	[sflag:s10] =	ssyncset.done $0x0  }
0xd9: {  	[sflag:s10] =	ssyncadd.s32 $0xFFFFEC78  }
0xda: {  	[spmem:s3] =	stream.indirect.scatter.add.f32 [tilespmem:s16], [sflag:$0x5], $0x1, s15, s9, $0xb8;
	[tilespmem:$0x13960] =	vst v63  }
0xdb: {  	s1 =	rddreg [dreg:$0x18]  }
0xdc: {  	[tilespmem:s29], [sflag:$0x6] =	stream.linear.gather [hbm4b:s1+s2], $0x1388, $0x38;
	[tilespmem:$0x13960] =	vst v63  }
0xdd: {  	_ =	swait.ge [sflag:s7], $0x1388  }
0xde: {  	[sflag:s7] =	ssyncset.done $0x0  }
0xdf: {  	s1 =	rddreg [dreg:$0x19];
	[sflag:s7] =	ssyncadd.s32 $0xFFFFEC78  }
0xe0: {  	[tilespmem:s20], [sflag:$0x6] =	stream.linear.gather [hbm4b:s1+s2], $0x1388, $0x38;
	[tilespmem:$0x13960] =	vst v63  }
0xe1: {  	_ =	swait.ge [sflag:s7], $0x1388  }
0xe2: {  	[sflag:s7] =	ssyncset.done $0x0  }
0xe3: {  	[sflag:s7] =	ssyncadd.s32 $0xFFFFEC78  }
0xe4: {  	[tilespmem:s21], [sflag:$0x2] =	stream.indirect.gather [spmem:s4], $0x1, s29, s9, $0xb8;
	[tilespmem:$0x13960] =	vst v63  }
0xe5: {  	_ =	swait.ge [sflag:s30], $0x1388  }
0xe6: {  	[sflag:s30] =	ssyncset.done $0x0  }
0xe7: {  	[sflag:s30] =	ssyncadd.s32 $0xFFFFEC78  }
0xe8: {  	_ =	swait.ge [sflag:s10], $0x1388  }
0xe9: {  	[sflag:s10] =	ssyncset.done $0x0  }
0xea: {  	[sflag:s10] =	ssyncadd.s32 $0xFFFFEC78  }
0xeb: {  	[spmem:s3] =	stream.indirect.scatter.add.f32 [tilespmem:s28], [sflag:$0x5], $0x1, s26, s9, $0xb8;
	[tilespmem:$0x13960] =	vst v63  }
0xec: {  	s1 =	rddreg [dreg:$0x1a]  }
0xed: {  	[tilespmem:s24], [sflag:$0x6] =	stream.linear.gather [hbm4b:s1+s2], $0x1388, $0x38;
	[tilespmem:$0x13960] =	vst v63  }
0xee: {  	_ =	swait.ge [sflag:s7], $0x1388  }
0xef: {  	[sflag:s7] =	ssyncset.done $0x0  }
0xf0: {  	s1 =	rddreg [dreg:$0x1b];
	[sflag:s7] =	ssyncadd.s32 $0xFFFFEC78  }
0xf1: {  	[tilespmem:s12], [sflag:$0x6] =	stream.linear.gather [hbm4b:s1+s2], $0x1388, $0x38;
	[tilespmem:$0x13960] =	vst v63  }
0xf2: {  	_ =	swait.ge [sflag:s7], $0x1388  }
0xf3: {  	[sflag:s7] =	ssyncset.done $0x0  }
0xf4: {  	[sflag:s7] =	ssyncadd.s32 $0xFFFFEC78  }
0xf5: {  	[tilespmem:s14], [sflag:$0x3] =	stream.indirect.gather [spmem:s4], $0x1, s24, s9, $0xb8;
	[tilespmem:$0x13960] =	vst v63  }
0xf6: {  	_ =	swait.ge [sflag:s25], $0x1388  }
0xf7: {  	[sflag:s25] =	ssyncset.done $0x0  }
0xf8: {  	[sflag:s25] =	ssyncadd.s32 $0xFFFFEC78  }
0xf9: {  	_ =	swait.ge [sflag:s10], $0x1388  }
0xfa: {  	[sflag:s10] =	ssyncset.done $0x0  }
0xfb: {  	[sflag:s10] =	ssyncadd.s32 $0xFFFFEC78  }
0xfc: {  	[spmem:s3] =	stream.indirect.scatter.add.f32 [tilespmem:s21], [sflag:$0x5], $0x1, s20, s9, $0xb8;
	[tilespmem:$0x13960] =	vst v63  }
0xfd: {  	s1 =	rddreg [dreg:$0x1c]  }
0xfe: {  	[tilespmem:s22], [sflag:$0x6] =	stream.linear.gather [hbm4b:s1+s2], $0x1388, $0x38;
	[tilespmem:$0x13960] =	vst v63  }
0xff: {  	_ =	swait.ge [sflag:s7], $0x1388  }
0x100: {  	[sflag:s7] =	ssyncset.done $0x0  }
0x101: {  	s1 =	rddreg [dreg:$0x1d];
	[sflag:s7] =	ssyncadd.s32 $0xFFFFEC78  }
0x102: {  	[tilespmem:s15], [sflag:$0x6] =	stream.linear.gather [hbm4b:s1+s2], $0x1388, $0x38;
	[tilespmem:$0x13960] =	vst v63  }
0x103: {  	_ =	swait.ge [sflag:s7], $0x1388  }
0x104: {  	[sflag:s7] =	ssyncset.done $0x0  }
0x105: {  	[sflag:s7] =	ssyncadd.s32 $0xFFFFEC78  }
0x106: {  	[tilespmem:s16], [sflag:$0x4] =	stream.indirect.gather [spmem:s4], $0x1, s22, s9, $0xb8;
	[tilespmem:$0x13960] =	vst v63  }
0x107: {  	_ =	swait.ge [sflag:s23], $0x1388  }
0x108: {  	[sflag:s23] =	ssyncset.done $0x0  }
0x109: {  	[sflag:s23] =	ssyncadd.s32 $0xFFFFEC78  }
0x10a: {  	_ =	swait.ge [sflag:s10], $0x1388  }
0x10b: {  	[sflag:s10] =	ssyncset.done $0x0  }
0x10c: {  	[sflag:s10] =	ssyncadd.s32 $0xFFFFEC78  }
0x10d: {  	[spmem:s3] =	stream.indirect.scatter.add.f32 [tilespmem:s14], [sflag:$0x5], $0x1, s12, s9, $0xb8;
	[tilespmem:$0x13960] =	vst v63  }
0x10e: {  	s1 =	rddreg [dreg:$0x1e]  }
0x10f: {  	[tilespmem:s2], [sflag:$0x6] =	stream.linear.gather [hbm4b:s1+s2], $0x1388, $0x38;
	[tilespmem:$0x13960] =	vst v63  }
0x110: {  	_ =	swait.ge [sflag:s7], $0x1388  }
0x111: {  	[sflag:s7] =	ssyncset.done $0x0  }
0x112: {  	s1 =	rddreg [dreg:$0x1f];
	[sflag:s7] =	ssyncadd.s32 $0xFFFFEC78  }
0x113: {  	[tilespmem:s26], [sflag:$0x6] =	stream.linear.gather [hbm4b:s1+s2], $0x1388, $0x38;
	[tilespmem:$0x13960] =	vst v63  }
0x114: {  	_ =	swait.ge [sflag:s7], $0x1388  }
0x115: {  	[sflag:s7] =	ssyncset.done $0x0  }
0x116: {  	[sflag:s7] =	ssyncadd.s32 $0xFFFFEC78  }
0x117: {  	[tilespmem:s28], [sflag:$0x1] =	stream.indirect.gather [spmem:s4], $0x1, s2, s9, $0xb8;
	[tilespmem:$0x13960] =	vst v63  }
0x118: {  	_ =	swait.ge [sflag:s17], $0x1388  }
0x119: {  	[sflag:s17] =	ssyncset.done $0x0  }
0x11a: {  	[sflag:s17] =	ssyncadd.s32 $0xFFFFEC78  }
0x11b: {  	_ =	swait.ge [sflag:s10], $0x1388  }
0x11c: {  	[sflag:s10] =	ssyncset.done $0x0  }
0x11d: {  	s1 =	sld [smem:$0x7F4];
	[sflag:s10] =	ssyncadd.s32 $0xFFFFEC78  }
0x11e: {  	[spmem:s3] =	stream.indirect.scatter.add.f32 [tilespmem:s16], [sflag:$0x5], $0x1, s15, s9, $0xb8;
	[tilespmem:$0x13960] =	vst v63  }
0x11f: {  	_ = 	snop  }
0x120: {  	[tilespmem:s29], [sflag:$0x6] =	stream.linear.gather [hbm4b:s1+s2], $0x1388, $0x38;
	[tilespmem:$0x13960] =	vst v63  }
0x121: {  	_ =	swait.ge [sflag:s7], $0x1388  }
0x122: {  	s1 =	sld [smem:$0x7F5]  }
0x123: {  	[sflag:s7] =	ssyncset.done $0x0  }
0x124: {  	[sflag:s7] =	ssyncadd.s32 $0xFFFFEC78  }
0x125: {  	[tilespmem:s20], [sflag:$0x6] =	stream.linear.gather [hbm4b:s1+s2], $0x1388, $0x38;
	[tilespmem:$0x13960] =	vst v63  }
0x126: {  	_ =	swait.ge [sflag:s7], $0x1388  }
0x127: {  	[sflag:s7] =	ssyncset.done $0x0  }
0x128: {  	[sflag:s7] =	ssyncadd.s32 $0xFFFFEC78  }
0x129: {  	[tilespmem:s21], [sflag:$0x2] =	stream.indirect.gather [spmem:s4], $0x1, s29, s9, $0xb8;
	[tilespmem:$0x13960] =	vst v63  }
0x12a: {  	_ =	swait.ge [sflag:s30], $0x1388  }
0x12b: {  	[sflag:s30] =	ssyncset.done $0x0  }
0x12c: {  	[sflag:s30] =	ssyncadd.s32 $0xFFFFEC78  }
0x12d: {  	_ =	swait.ge [sflag:s10], $0x1388  }
0x12e: {  	[sflag:s10] =	ssyncset.done $0x0  }
0x12f: {  	s1 =	sld [smem:$0x7F6];
	[sflag:s10] =	ssyncadd.s32 $0xFFFFEC78  }
0x130: {  	[spmem:s3] =	stream.indirect.scatter.add.f32 [tilespmem:s28], [sflag:$0x5], $0x1, s26, s9, $0xb8;
	[tilespmem:$0x13960] =	vst v63  }
0x131: {  	_ = 	snop  }
0x132: {  	[tilespmem:s24], [sflag:$0x6] =	stream.linear.gather [hbm4b:s1+s2], $0x1388, $0x38;
	[tilespmem:$0x13960] =	vst v63  }
0x133: {  	_ =	swait.ge [sflag:s7], $0x1388  }
0x134: {  	s1 =	sld [smem:$0x7F7]  }
0x135: {  	[sflag:s7] =	ssyncset.done $0x0  }
0x136: {  	[sflag:s7] =	ssyncadd.s32 $0xFFFFEC78  }
0x137: {  	[tilespmem:s12], [sflag:$0x6] =	stream.linear.gather [hbm4b:s1+s2], $0x1388, $0x38;
	[tilespmem:$0x13960] =	vst v63  }
0x138: {  	_ =	swait.ge [sflag:s7], $0x1388  }
0x139: {  	[sflag:s7] =	ssyncset.done $0x0  }
0x13a: {  	[sflag:s7] =	ssyncadd.s32 $0xFFFFEC78  }
0x13b: {  	[tilespmem:s14], [sflag:$0x3] =	stream.indirect.gather [spmem:s4], $0x1, s24, s9, $0xb8;
	[tilespmem:$0x13960] =	vst v63  }
0x13c: {  	_ =	swait.ge [sflag:s25], $0x1388  }
0x13d: {  	[sflag:s25] =	ssyncset.done $0x0  }
0x13e: {  	[sflag:s25] =	ssyncadd.s32 $0xFFFFEC78  }
0x13f: {  	_ =	swait.ge [sflag:s10], $0x1388  }
0x140: {  	[sflag:s10] =	ssyncset.done $0x0  }
0x141: {  	s1 =	sld [smem:$0x7F8];
	[sflag:s10] =	ssyncadd.s32 $0xFFFFEC78  }
0x142: {  	[spmem:s3] =	stream.indirect.scatter.add.f32 [tilespmem:s21], [sflag:$0x5], $0x1, s20, s9, $0xb8;
	[tilespmem:$0x13960] =	vst v63  }
0x143: {  	_ = 	snop  }
0x144: {  	[tilespmem:s22], [sflag:$0x6] =	stream.linear.gather [hbm4b:s1+s2], $0x1388, $0x38;
	[tilespmem:$0x13960] =	vst v63  }
0x145: {  	_ =	swait.ge [sflag:s7], $0x1388  }
0x146: {  	s1 =	sld [smem:$0x7F9]  }
0x147: {  	[sflag:s7] =	ssyncset.done $0x0  }
0x148: {  	[sflag:s7] =	ssyncadd.s32 $0xFFFFEC78  }
0x149: {  	[tilespmem:s15], [sflag:$0x6] =	stream.linear.gather [hbm4b:s1+s2], $0x1388, $0x38;
	[tilespmem:$0x13960] =	vst v63  }
0x14a: {  	_ =	swait.ge [sflag:s7], $0x1388  }
0x14b: {  	[sflag:s7] =	ssyncset.done $0x0  }
0x14c: {  	[sflag:s7] =	ssyncadd.s32 $0xFFFFEC78  }
0x14d: {  	[tilespmem:s16], [sflag:$0x4] =	stream.indirect.gather [spmem:s4], $0x1, s22, s9, $0xb8;
	[tilespmem:$0x13960] =	vst v63  }
0x14e: {  	_ =	swait.ge [sflag:s23], $0x1388  }
0x14f: {  	[sflag:s23] =	ssyncset.done $0x0  }
0x150: {  	[sflag:s23] =	ssyncadd.s32 $0xFFFFEC78  }
0x151: {  	_ =	swait.ge [sflag:s10], $0x1388  }
0x152: {  	[sflag:s10] =	ssyncset.done $0x0  }
0x153: {  	s1 =	sld [smem:$0x7FA];
	[sflag:s10] =	ssyncadd.s32 $0xFFFFEC78  }
0x154: {  	[spmem:s3] =	stream.indirect.scatter.add.f32 [tilespmem:s14], [sflag:$0x5], $0x1, s12, s9, $0xb8;
	[tilespmem:$0x13960] =	vst v63  }
0x155: {  	_ = 	snop  }
0x156: {  	[tilespmem:s2], [sflag:$0x6] =	stream.linear.gather [hbm4b:s1+s2], $0x1388, $0x38;
	[tilespmem:$0x13960] =	vst v63  }
0x157: {  	_ =	swait.ge [sflag:s7], $0x1388  }
0x158: {  	s1 =	sld [smem:$0x7FB]  }
0x159: {  	[sflag:s7] =	ssyncset.done $0x0  }
0x15a: {  	[sflag:s7] =	ssyncadd.s32 $0xFFFFEC78  }
0x15b: {  	[tilespmem:s26], [sflag:$0x6] =	stream.linear.gather [hbm4b:s1+s2], $0x1388, $0x38;
	[tilespmem:$0x13960] =	vst v63  }
0x15c: {  	_ =	swait.ge [sflag:s7], $0x1388  }
0x15d: {  	[sflag:s7] =	ssyncset.done $0x0  }
0x15e: {  	[sflag:s7] =	ssyncadd.s32 $0xFFFFEC78  }
0x15f: {  	[tilespmem:s28], [sflag:$0x1] =	stream.indirect.gather [spmem:s4], $0x1, s2, s9, $0xb8;
	[tilespmem:$0x13960] =	vst v63  }
0x160: {  	_ =	swait.ge [sflag:s17], $0x1388  }
0x161: {  	[sflag:s17] =	ssyncset.done $0x0  }
0x162: {  	[sflag:s17] =	ssyncadd.s32 $0xFFFFEC78  }
0x163: {  	_ =	swait.ge [sflag:s10], $0x1388  }
0x164: {  	[sflag:s10] =	ssyncset.done $0x0  }
0x165: {  	s1 =	sld [smem:$0x7FC];
	[sflag:s10] =	ssyncadd.s32 $0xFFFFEC78  }
0x166: {  	[spmem:s3] =	stream.indirect.scatter.add.f32 [tilespmem:s16], [sflag:$0x5], $0x1, s15, s9, $0xb8;
	[tilespmem:$0x13960] =	vst v63  }
0x167: {  	_ = 	snop  }
0x168: {  	[tilespmem:s29], [sflag:$0x6] =	stream.linear.gather [hbm4b:s1+s2], $0x1388, $0x38;
	[tilespmem:$0x13960] =	vst v63  }
0x169: {  	_ =	swait.ge [sflag:s7], $0x1388  }
0x16a: {  	s1 =	sld [smem:$0x7FD]  }
0x16b: {  	[sflag:s7] =	ssyncset.done $0x0  }
0x16c: {  	[sflag:s7] =	ssyncadd.s32 $0xFFFFEC78  }
0x16d: {  	[tilespmem:s20], [sflag:$0x6] =	stream.linear.gather [hbm4b:s1+s2], $0x1388, $0x38;
	[tilespmem:$0x13960] =	vst v63  }
0x16e: {  	_ =	swait.ge [sflag:s7], $0x1388  }
0x16f: {  	[sflag:s7] =	ssyncset.done $0x0  }
0x170: {  	[sflag:s7] =	ssyncadd.s32 $0xFFFFEC78  }
0x171: {  	[tilespmem:s21], [sflag:$0x2] =	stream.indirect.gather [spmem:s4], $0x1, s29, s9, $0xb8;
	[tilespmem:$0x13960] =	vst v63  }
0x172: {  	_ =	swait.ge [sflag:s30], $0x1388  }
0x173: {  	[sflag:s30] =	ssyncset.done $0x0  }
0x174: {  	[sflag:s30] =	ssyncadd.s32 $0xFFFFEC78  }
0x175: {  	_ =	swait.ge [sflag:s10], $0x1388  }
0x176: {  	[sflag:s10] =	ssyncset.done $0x0  }
0x177: {  	[sflag:s10] =	ssyncadd.s32 $0xFFFFEC78  }
0x178: {  	[spmem:s3] =	stream.indirect.scatter.add.f32 [tilespmem:s28], [sflag:$0x5], $0x1, s26, s9, $0xb8;
	[tilespmem:$0x13960] =	vst v63  }
0x179: {  	_ = 	snop  }
0x17a: {  	[tilespmem:s24], [sflag:$0x6] =	stream.linear.gather [hbm4b:s19+s2], $0x1388, $0x38;
	[tilespmem:$0x13960] =	vst v63  }
0x17b: {  	_ =	swait.ge [sflag:s7], $0x1388  }
0x17c: {  	[sflag:s7] =	ssyncset.done $0x0  }
0x17d: {  	[sflag:s7] =	ssyncadd.s32 $0xFFFFEC78  }
0x17e: {  	[tilespmem:s12], [sflag:$0x6] =	stream.linear.gather [hbm4b:s18+s2], $0x1388, $0x38;
	[tilespmem:$0x13960] =	vst v63  }
0x17f: {  	_ =	swait.ge [sflag:s7], $0x1388  }
0x180: {  	[sflag:s7] =	ssyncset.done $0x0  }
0x181: {  	[sflag:s7] =	ssyncadd.s32 $0xFFFFEC78  }
0x182: {  	[tilespmem:s14], [sflag:$0x3] =	stream.indirect.gather [spmem:s4], $0x1, s24, s9, $0xb8;
	[tilespmem:$0x13960] =	vst v63  }
0x183: {  	_ =	swait.ge [sflag:s25], $0x1388  }
0x184: {  	[sflag:s25] =	ssyncset.done $0x0  }
0x185: {  	[sflag:s25] =	ssyncadd.s32 $0xFFFFEC78  }
0x186: {  	_ =	swait.ge [sflag:s10], $0x1388  }
0x187: {  	[sflag:s10] =	ssyncset.done $0x0  }
0x188: {  	[sflag:s10] =	ssyncadd.s32 $0xFFFFEC78  }
0x189: {  	[spmem:s3] =	stream.indirect.scatter.add.f32 [tilespmem:s21], [sflag:$0x5], $0x1, s20, s9, $0xb8;
	[tilespmem:$0x13960] =	vst v63  }
0x18a: {  	_ = 	snop  }
0x18b: {  	[tilespmem:s22], [sflag:$0x6] =	stream.linear.gather [hbm4b:s13+s2], $0x1388, $0x38;
	[tilespmem:$0x13960] =	vst v63  }
0x18c: {  	_ =	swait.ge [sflag:s7], $0x1388  }
0x18d: {  	[sflag:s7] =	ssyncset.done $0x0  }
0x18e: {  	[sflag:s7] =	ssyncadd.s32 $0xFFFFEC78  }
0x18f: {  	[tilespmem:s15], [sflag:$0x6] =	stream.linear.gather [hbm4b:s11+s2], $0x1388, $0x38;
	[tilespmem:$0x13960] =	vst v63  }
0x190: {  	_ =	swait.ge [sflag:s7], $0x1388  }
0x191: {  	[sflag:s7] =	ssyncset.done $0x0  }
0x192: {  	[sflag:s7] =	ssyncadd.s32 $0xFFFFEC78  }
0x193: {  	[tilespmem:s16], [sflag:$0x4] =	stream.indirect.gather [spmem:s4], $0x1, s22, s9, $0xb8;
	[tilespmem:$0x13960] =	vst v63  }
0x194: {  	_ =	swait.ge [sflag:s23], $0x1388  }
0x195: {  	[sflag:s23] =	ssyncset.done $0x0  }
0x196: {  	[sflag:s23] =	ssyncadd.s32 $0xFFFFEC78  }
0x197: {  	_ =	swait.ge [sflag:s10], $0x1388  }
0x198: {  	[sflag:s10] =	ssyncset.done $0x0  }
0x199: {  	[sflag:s10] =	ssyncadd.s32 $0xFFFFEC78  }
0x19a: {  	[spmem:s3] =	stream.indirect.scatter.add.f32 [tilespmem:s14], [sflag:$0x5], $0x1, s12, s9, $0xb8;
	[tilespmem:$0x13960] =	vst v63  }
0x19b: {  	_ =	swait.ge [sflag:s17], $0x1388  }
0x19c: {  	[sflag:s17] =	ssyncset.done $0x0  }
0x19d: {  	[sflag:s17] =	ssyncadd.s32 $0xFFFFEC78  }
0x19e: {  	_ =	swait.ge [sflag:s10], $0x1388  }
0x19f: {  	[sflag:s10] =	ssyncset.done $0x0  }
0x1a0: {  	[sflag:s10] =	ssyncadd.s32 $0xFFFFEC78  }
0x1a1: {  	[spmem:s3] =	stream.indirect.scatter.add.f32 [tilespmem:s16], [sflag:$0x5], $0x1, s15, s9, $0xb8;
	[tilespmem:$0x13960] =	vst v63  }
0x1a2: {  	_ =	swait.ge [sflag:s10], $0x1388  }
0x1a3: {  	[sflag:s10] =	ssyncset.done $0x0  }
0x1a4: {  	[sflag:s10] =	ssyncadd.s32 $0xFFFFEC78  }
0x1a5: {  	[bflag:$0x0] =	sbarrier.arrive $0xFFFF  }
0x1a6: {  	[tilespmem:s8], [sflag:$0x6] =	stream.linear.gather [spmem:s5], $0x1870, $0x38;
	[tilespmem:$0x13960] =	vst v63  }
0x1a7: {  	p1 =	sne.s32 s0, $0x1;
	_ =	swait.ge [sflag:s7], $0x1870  }
.Ltmp1:
0x1a8: {  	[sflag:s7] =	ssyncset.done $0x0;
	(pc) =	sbr.rel @!p1 .LBB2_3-.Ltmp1, $4  }
0x1a9: {  	[sflag:s7] =	ssyncadd.s32 $0xFFFFE790  }
0x1aa: {  	[hbm4b:s6+s2] =	stream.linear.scatter [tilespmem:s8], [sflag:$0x6], $0x1870, $0x38;
	[tilespmem:$0x13960] =	vst v63  }
0x1ab: {  	s0 =	sadd.s32 $0xFFFFFFFF, s0;
	_ =	swait.ge [sflag:s7], $0x1870  }
0x1ac: {  	p0 =	por $0x1, $0x1;
	s1 =	rddreg [dreg:$0x4];
	[sflag:s7] =	ssyncset.done $0x0  }
.LBB2_2:
0x1ad: {  	[sflag:s7] =	ssyncadd.s32 $0xFFFFE790  }
0x1ae: {  	[tilespmem:s8], [sflag:$0x6] =	stream.linear.gather [hbm4b:s1+s2], $0x1880, $0x38;
	[tilespmem:$0x13960] =	vst v63  }
0x1af: {  	_ =	swait.ge [sflag:s7], $0x1880  }
0x1b0: {  	[sflag:s7] =	ssyncset.done $0x0  }
0x1b1: {  	[sflag:s7] =	ssyncadd.s32 $0xFFFFE780  }
0x1b2: {  	[spmem:s5] =	stream.linear.scatter [tilespmem:s8], [sflag:$0x6], $0x1870, $0x38;
	[tilespmem:$0x13960] =	vst v63  }
0x1b3: {  	_ =	swait.ge [sflag:s7], $0x1870  }
0x1b4: {  	[sflag:s7] =	ssyncset.done $0x0  }
0x1b5: {  	s1 =	rddreg [dreg:$0x5];
	[sflag:s7] =	ssyncadd.s32 $0xFFFFE790  }
0x1b6: {  	[tilespmem:s8], [sflag:$0x6] =	stream.linear.gather [hbm4b:s1+s2], $0x1870, $0x38;
	[tilespmem:$0x13960] =	vst v63  }
0x1b7: {  	_ =	swait.ge [sflag:s7], $0x1870  }
0x1b8: {  	[sflag:s7] =	ssyncset.done $0x0  }
0x1b9: {  	s1 =	rddreg [dreg:$0x6];
	[sflag:s7] =	ssyncadd.s32 $0xFFFFE790  }
0x1ba: {  	[spmem:s1] =	stream.linear.scatter [tilespmem:s8], [sflag:$0x6], $0x1870, $0x38;
	[tilespmem:$0x13960] =	vst v63  }
0x1bb: {  	_ =	swait.ge [sflag:s7], $0x1870  }
0x1bc: {  	[sflag:s7] =	ssyncset.done $0x0  }
0x1bd: {  	[sflag:s7] =	ssyncadd.s32 $0xFFFFE790  }
0x1be: {  	[bflag:$0x0] =	sbarrier.arrive $0xFFFF  }
0x1bf: {  	[tilespmem:s2], [sflag:$0x6] =	stream.linear.gather [hbm4b:s31+s2], $0x1388, $0x38;
	[tilespmem:$0x13960] =	vst v63  }
0x1c0: {  	_ =	swait.ge [sflag:s7], $0x1388  }
0x1c1: {  	[sflag:s7] =	ssyncset.done $0x0  }
0x1c2: {  	s1 =	rddreg [dreg:$0x7];
	[sflag:s7] =	ssyncadd.s32 $0xFFFFEC78  }
0x1c3: {  	[tilespmem:s26], [sflag:$0x6] =	stream.linear.gather [hbm4b:s1+s2], $0x1388, $0x38;
	[tilespmem:$0x13960] =	vst v63  }
0x1c4: {  	_ =	swait.ge [sflag:s7], $0x1388  }
0x1c5: {  	[sflag:s7] =	ssyncset.done $0x0  }
0x1c6: {  	[sflag:s7] =	ssyncadd.s32 $0xFFFFEC78  }
0x1c7: {  	[tilespmem:s28], [sflag:$0x1] =	stream.indirect.gather [spmem:s4], $0x1, s2, s9, $0xb8;
	[tilespmem:$0x13960] =	vst v63  }
0x1c8: {  	s1 =	rddreg [dreg:$0x8]  }
0x1c9: {  	[tilespmem:s29], [sflag:$0x6] =	stream.linear.gather [hbm4b:s1+s2], $0x1388, $0x38;
	[tilespmem:$0x13960] =	vst v63  }
0x1ca: {  	_ =	swait.ge [sflag:s7], $0x1388  }
0x1cb: {  	[sflag:s7] =	ssyncset.done $0x0  }
0x1cc: {  	s1 =	rddreg [dreg:$0x9];
	[sflag:s7] =	ssyncadd.s32 $0xFFFFEC78  }
0x1cd: {  	[tilespmem:s20], [sflag:$0x6] =	stream.linear.gather [hbm4b:s1+s2], $0x1388, $0x38;
	[tilespmem:$0x13960] =	vst v63  }
0x1ce: {  	_ =	swait.ge [sflag:s7], $0x1388  }
0x1cf: {  	[sflag:s7] =	ssyncset.done $0x0  }
0x1d0: {  	[sflag:s7] =	ssyncadd.s32 $0xFFFFEC78  }
0x1d1: {  	[tilespmem:s21], [sflag:$0x2] =	stream.indirect.gather [spmem:s4], $0x1, s29, s9, $0xb8;
	[tilespmem:$0x13960] =	vst v63  }
0x1d2: {  	_ =	swait.ge [sflag:s30], $0x1388  }
0x1d3: {  	[sflag:s30] =	ssyncset.done $0x0  }
0x1d4: {  	[sflag:s30] =	ssyncadd.s32 $0xFFFFEC78  }
0x1d5: {  	[spmem:s3] =	stream.indirect.scatter.add.f32 [tilespmem:s28], [sflag:$0x5], $0x1, s26, s9, $0xb8;
	[tilespmem:$0x13960] =	vst v63  }
0x1d6: {  	s1 =	rddreg [dreg:$0xa]  }
0x1d7: {  	[tilespmem:s24], [sflag:$0x6] =	stream.linear.gather [hbm4b:s1+s2], $0x1388, $0x38;
	[tilespmem:$0x13960] =	vst v63  }
0x1d8: {  	_ =	swait.ge [sflag:s7], $0x1388  }
0x1d9: {  	[sflag:s7] =	ssyncset.done $0x0  }
0x1da: {  	s1 =	rddreg [dreg:$0xb];
	[sflag:s7] =	ssyncadd.s32 $0xFFFFEC78  }
0x1db: {  	[tilespmem:s12], [sflag:$0x6] =	stream.linear.gather [hbm4b:s1+s2], $0x1388, $0x38;
	[tilespmem:$0x13960] =	vst v63  }
0x1dc: {  	_ =	swait.ge [sflag:s7], $0x1388  }
0x1dd: {  	[sflag:s7] =	ssyncset.done $0x0  }
0x1de: {  	[sflag:s7] =	ssyncadd.s32 $0xFFFFEC78  }
0x1df: {  	[tilespmem:s14], [sflag:$0x3] =	stream.indirect.gather [spmem:s4], $0x1, s24, s9, $0xb8;
	[tilespmem:$0x13960] =	vst v63  }
0x1e0: {  	_ =	swait.ge [sflag:s25], $0x1388  }
0x1e1: {  	[sflag:s25] =	ssyncset.done $0x0  }
0x1e2: {  	[sflag:s25] =	ssyncadd.s32 $0xFFFFEC78  }
0x1e3: {  	_ =	swait.ge [sflag:s10], $0x1388  }
0x1e4: {  	[sflag:s10] =	ssyncset.done $0x0  }
0x1e5: {  	[sflag:s10] =	ssyncadd.s32 $0xFFFFEC78  }
0x1e6: {  	[spmem:s3] =	stream.indirect.scatter.add.f32 [tilespmem:s21], [sflag:$0x5], $0x1, s20, s9, $0xb8;
	[tilespmem:$0x13960] =	vst v63  }
0x1e7: {  	s1 =	rddreg [dreg:$0xc]  }
0x1e8: {  	[tilespmem:s22], [sflag:$0x6] =	stream.linear.gather [hbm4b:s1+s2], $0x1388, $0x38;
	[tilespmem:$0x13960] =	vst v63  }
0x1e9: {  	_ =	swait.ge [sflag:s7], $0x1388  }
0x1ea: {  	[sflag:s7] =	ssyncset.done $0x0  }
0x1eb: {  	s1 =	rddreg [dreg:$0xd];
	[sflag:s7] =	ssyncadd.s32 $0xFFFFEC78  }
0x1ec: {  	[tilespmem:s15], [sflag:$0x6] =	stream.linear.gather [hbm4b:s1+s2], $0x1388, $0x38;
	[tilespmem:$0x13960] =	vst v63  }
0x1ed: {  	_ =	swait.ge [sflag:s7], $0x1388  }
0x1ee: {  	[sflag:s7] =	ssyncset.done $0x0  }
0x1ef: {  	[sflag:s7] =	ssyncadd.s32 $0xFFFFEC78  }
0x1f0: {  	[tilespmem:s16], [sflag:$0x4] =	stream.indirect.gather [spmem:s4], $0x1, s22, s9, $0xb8;
	[tilespmem:$0x13960] =	vst v63  }
0x1f1: {  	_ =	swait.ge [sflag:s23], $0x1388  }
0x1f2: {  	[sflag:s23] =	ssyncset.done $0x0  }
0x1f3: {  	[sflag:s23] =	ssyncadd.s32 $0xFFFFEC78  }
0x1f4: {  	_ =	swait.ge [sflag:s10], $0x1388  }
0x1f5: {  	[sflag:s10] =	ssyncset.done $0x0  }
0x1f6: {  	[sflag:s10] =	ssyncadd.s32 $0xFFFFEC78  }
0x1f7: {  	[spmem:s3] =	stream.indirect.scatter.add.f32 [tilespmem:s14], [sflag:$0x5], $0x1, s12, s9, $0xb8;
	[tilespmem:$0x13960] =	vst v63  }
0x1f8: {  	s1 =	rddreg [dreg:$0xe]  }
0x1f9: {  	[tilespmem:s2], [sflag:$0x6] =	stream.linear.gather [hbm4b:s1+s2], $0x1388, $0x38;
	[tilespmem:$0x13960] =	vst v63  }
0x1fa: {  	_ =	swait.ge [sflag:s7], $0x1388  }
0x1fb: {  	[sflag:s7] =	ssyncset.done $0x0  }
0x1fc: {  	s1 =	rddreg [dreg:$0xf];
	[sflag:s7] =	ssyncadd.s32 $0xFFFFEC78  }
0x1fd: {  	[tilespmem:s26], [sflag:$0x6] =	stream.linear.gather [hbm4b:s1+s2], $0x1388, $0x38;
	[tilespmem:$0x13960] =	vst v63  }
0x1fe: {  	_ =	swait.ge [sflag:s7], $0x1388  }
0x1ff: {  	[sflag:s7] =	ssyncset.done $0x0  }
0x200: {  	[sflag:s7] =	ssyncadd.s32 $0xFFFFEC78  }
0x201: {  	[tilespmem:s28], [sflag:$0x1] =	stream.indirect.gather [spmem:s4], $0x1, s2, s9, $0xb8;
	[tilespmem:$0x13960] =	vst v63  }
0x202: {  	_ =	swait.ge [sflag:s17], $0x1388  }
0x203: {  	[sflag:s17] =	ssyncset.done $0x0  }
0x204: {  	[sflag:s17] =	ssyncadd.s32 $0xFFFFEC78  }
0x205: {  	_ =	swait.ge [sflag:s10], $0x1388  }
0x206: {  	[sflag:s10] =	ssyncset.done $0x0  }
0x207: {  	[sflag:s10] =	ssyncadd.s32 $0xFFFFEC78  }
0x208: {  	[spmem:s3] =	stream.indirect.scatter.add.f32 [tilespmem:s16], [sflag:$0x5], $0x1, s15, s9, $0xb8;
	[tilespmem:$0x13960] =	vst v63  }
0x209: {  	s1 =	rddreg [dreg:$0x10]  }
0x20a: {  	[tilespmem:s29], [sflag:$0x6] =	stream.linear.gather [hbm4b:s1+s2], $0x1388, $0x38;
	[tilespmem:$0x13960] =	vst v63  }
0x20b: {  	_ =	swait.ge [sflag:s7], $0x1388  }
0x20c: {  	[sflag:s7] =	ssyncset.done $0x0  }
0x20d: {  	s1 =	rddreg [dreg:$0x11];
	[sflag:s7] =	ssyncadd.s32 $0xFFFFEC78  }
0x20e: {  	[tilespmem:s20], [sflag:$0x6] =	stream.linear.gather [hbm4b:s1+s2], $0x1388, $0x38;
	[tilespmem:$0x13960] =	vst v63  }
0x20f: {  	_ =	swait.ge [sflag:s7], $0x1388  }
0x210: {  	[sflag:s7] =	ssyncset.done $0x0  }
0x211: {  	[sflag:s7] =	ssyncadd.s32 $0xFFFFEC78  }
0x212: {  	[tilespmem:s21], [sflag:$0x2] =	stream.indirect.gather [spmem:s4], $0x1, s29, s9, $0xb8;
	[tilespmem:$0x13960] =	vst v63  }
0x213: {  	_ =	swait.ge [sflag:s30], $0x1388  }
0x214: {  	[sflag:s30] =	ssyncset.done $0x0  }
0x215: {  	[sflag:s30] =	ssyncadd.s32 $0xFFFFEC78  }
0x216: {  	_ =	swait.ge [sflag:s10], $0x1388  }
0x217: {  	[sflag:s10] =	ssyncset.done $0x0  }
0x218: {  	[sflag:s10] =	ssyncadd.s32 $0xFFFFEC78  }
0x219: {  	[spmem:s3] =	stream.indirect.scatter.add.f32 [tilespmem:s28], [sflag:$0x5], $0x1, s26, s9, $0xb8;
	[tilespmem:$0x13960] =	vst v63  }
0x21a: {  	s1 =	rddreg [dreg:$0x12]  }
0x21b: {  	[tilespmem:s24], [sflag:$0x6] =	stream.linear.gather [hbm4b:s1+s2], $0x1388, $0x38;
	[tilespmem:$0x13960] =	vst v63  }
0x21c: {  	_ =	swait.ge [sflag:s7], $0x1388  }
0x21d: {  	[sflag:s7] =	ssyncset.done $0x0  }
0x21e: {  	s1 =	rddreg [dreg:$0x13];
	[sflag:s7] =	ssyncadd.s32 $0xFFFFEC78  }
0x21f: {  	[tilespmem:s12], [sflag:$0x6] =	stream.linear.gather [hbm4b:s1+s2], $0x1388, $0x38;
	[tilespmem:$0x13960] =	vst v63  }
0x220: {  	_ =	swait.ge [sflag:s7], $0x1388  }
0x221: {  	[sflag:s7] =	ssyncset.done $0x0  }
0x222: {  	[sflag:s7] =	ssyncadd.s32 $0xFFFFEC78  }
0x223: {  	[tilespmem:s14], [sflag:$0x3] =	stream.indirect.gather [spmem:s4], $0x1, s24, s9, $0xb8;
	[tilespmem:$0x13960] =	vst v63  }
0x224: {  	_ =	swait.ge [sflag:s25], $0x1388  }
0x225: {  	[sflag:s25] =	ssyncset.done $0x0  }
0x226: {  	[sflag:s25] =	ssyncadd.s32 $0xFFFFEC78  }
0x227: {  	_ =	swait.ge [sflag:s10], $0x1388  }
0x228: {  	[sflag:s10] =	ssyncset.done $0x0  }
0x229: {  	[sflag:s10] =	ssyncadd.s32 $0xFFFFEC78  }
0x22a: {  	[spmem:s3] =	stream.indirect.scatter.add.f32 [tilespmem:s21], [sflag:$0x5], $0x1, s20, s9, $0xb8;
	[tilespmem:$0x13960] =	vst v63  }
0x22b: {  	s1 =	rddreg [dreg:$0x14]  }
0x22c: {  	[tilespmem:s22], [sflag:$0x6] =	stream.linear.gather [hbm4b:s1+s2], $0x1388, $0x38;
	[tilespmem:$0x13960] =	vst v63  }
0x22d: {  	_ =	swait.ge [sflag:s7], $0x1388  }
0x22e: {  	[sflag:s7] =	ssyncset.done $0x0  }
0x22f: {  	s1 =	rddreg [dreg:$0x15];
	[sflag:s7] =	ssyncadd.s32 $0xFFFFEC78  }
0x230: {  	[tilespmem:s15], [sflag:$0x6] =	stream.linear.gather [hbm4b:s1+s2], $0x1388, $0x38;
	[tilespmem:$0x13960] =	vst v63  }
0x231: {  	_ =	swait.ge [sflag:s7], $0x1388  }
0x232: {  	[sflag:s7] =	ssyncset.done $0x0  }
0x233: {  	[sflag:s7] =	ssyncadd.s32 $0xFFFFEC78  }
0x234: {  	[tilespmem:s16], [sflag:$0x4] =	stream.indirect.gather [spmem:s4], $0x1, s22, s9, $0xb8;
	[tilespmem:$0x13960] =	vst v63  }
0x235: {  	_ =	swait.ge [sflag:s23], $0x1388  }
0x236: {  	[sflag:s23] =	ssyncset.done $0x0  }
0x237: {  	[sflag:s23] =	ssyncadd.s32 $0xFFFFEC78  }
0x238: {  	_ =	swait.ge [sflag:s10], $0x1388  }
0x239: {  	[sflag:s10] =	ssyncset.done $0x0  }
0x23a: {  	[sflag:s10] =	ssyncadd.s32 $0xFFFFEC78  }
0x23b: {  	[spmem:s3] =	stream.indirect.scatter.add.f32 [tilespmem:s14], [sflag:$0x5], $0x1, s12, s9, $0xb8;
	[tilespmem:$0x13960] =	vst v63  }
0x23c: {  	s1 =	rddreg [dreg:$0x16]  }
0x23d: {  	[tilespmem:s2], [sflag:$0x6] =	stream.linear.gather [hbm4b:s1+s2], $0x1388, $0x38;
	[tilespmem:$0x13960] =	vst v63  }
0x23e: {  	_ =	swait.ge [sflag:s7], $0x1388  }
0x23f: {  	[sflag:s7] =	ssyncset.done $0x0  }
0x240: {  	s1 =	rddreg [dreg:$0x17];
	[sflag:s7] =	ssyncadd.s32 $0xFFFFEC78  }
0x241: {  	[tilespmem:s26], [sflag:$0x6] =	stream.linear.gather [hbm4b:s1+s2], $0x1388, $0x38;
	[tilespmem:$0x13960] =	vst v63  }
0x242: {  	_ =	swait.ge [sflag:s7], $0x1388  }
0x243: {  	[sflag:s7] =	ssyncset.done $0x0  }
0x244: {  	[sflag:s7] =	ssyncadd.s32 $0xFFFFEC78  }
0x245: {  	[tilespmem:s28], [sflag:$0x1] =	stream.indirect.gather [spmem:s4], $0x1, s2, s9, $0xb8;
	[tilespmem:$0x13960] =	vst v63  }
0x246: {  	_ =	swait.ge [sflag:s17], $0x1388  }
0x247: {  	[sflag:s17] =	ssyncset.done $0x0  }
0x248: {  	[sflag:s17] =	ssyncadd.s32 $0xFFFFEC78  }
0x249: {  	_ =	swait.ge [sflag:s10], $0x1388  }
0x24a: {  	[sflag:s10] =	ssyncset.done $0x0  }
0x24b: {  	[sflag:s10] =	ssyncadd.s32 $0xFFFFEC78  }
0x24c: {  	[spmem:s3] =	stream.indirect.scatter.add.f32 [tilespmem:s16], [sflag:$0x5], $0x1, s15, s9, $0xb8;
	[tilespmem:$0x13960] =	vst v63  }
0x24d: {  	s1 =	rddreg [dreg:$0x18]  }
0x24e: {  	[tilespmem:s29], [sflag:$0x6] =	stream.linear.gather [hbm4b:s1+s2], $0x1388, $0x38;
	[tilespmem:$0x13960] =	vst v63  }
0x24f: {  	_ =	swait.ge [sflag:s7], $0x1388  }
0x250: {  	[sflag:s7] =	ssyncset.done $0x0  }
0x251: {  	s1 =	rddreg [dreg:$0x19];
	[sflag:s7] =	ssyncadd.s32 $0xFFFFEC78  }
0x252: {  	[tilespmem:s20], [sflag:$0x6] =	stream.linear.gather [hbm4b:s1+s2], $0x1388, $0x38;
	[tilespmem:$0x13960] =	vst v63  }
0x253: {  	_ =	swait.ge [sflag:s7], $0x1388  }
0x254: {  	[sflag:s7] =	ssyncset.done $0x0  }
0x255: {  	[sflag:s7] =	ssyncadd.s32 $0xFFFFEC78  }
0x256: {  	[tilespmem:s21], [sflag:$0x2] =	stream.indirect.gather [spmem:s4], $0x1, s29, s9, $0xb8;
	[tilespmem:$0x13960] =	vst v63  }
0x257: {  	_ =	swait.ge [sflag:s30], $0x1388  }
0x258: {  	[sflag:s30] =	ssyncset.done $0x0  }
0x259: {  	[sflag:s30] =	ssyncadd.s32 $0xFFFFEC78  }
0x25a: {  	_ =	swait.ge [sflag:s10], $0x1388  }
0x25b: {  	[sflag:s10] =	ssyncset.done $0x0  }
0x25c: {  	[sflag:s10] =	ssyncadd.s32 $0xFFFFEC78  }
0x25d: {  	[spmem:s3] =	stream.indirect.scatter.add.f32 [tilespmem:s28], [sflag:$0x5], $0x1, s26, s9, $0xb8;
	[tilespmem:$0x13960] =	vst v63  }
0x25e: {  	s1 =	rddreg [dreg:$0x1a]  }
0x25f: {  	[tilespmem:s24], [sflag:$0x6] =	stream.linear.gather [hbm4b:s1+s2], $0x1388, $0x38;
	[tilespmem:$0x13960] =	vst v63  }
0x260: {  	_ =	swait.ge [sflag:s7], $0x1388  }
0x261: {  	[sflag:s7] =	ssyncset.done $0x0  }
0x262: {  	s1 =	rddreg [dreg:$0x1b];
	[sflag:s7] =	ssyncadd.s32 $0xFFFFEC78  }
0x263: {  	[tilespmem:s12], [sflag:$0x6] =	stream.linear.gather [hbm4b:s1+s2], $0x1388, $0x38;
	[tilespmem:$0x13960] =	vst v63  }
0x264: {  	_ =	swait.ge [sflag:s7], $0x1388  }
0x265: {  	[sflag:s7] =	ssyncset.done $0x0  }
0x266: {  	[sflag:s7] =	ssyncadd.s32 $0xFFFFEC78  }
0x267: {  	[tilespmem:s14], [sflag:$0x3] =	stream.indirect.gather [spmem:s4], $0x1, s24, s9, $0xb8;
	[tilespmem:$0x13960] =	vst v63  }
0x268: {  	_ =	swait.ge [sflag:s25], $0x1388  }
0x269: {  	[sflag:s25] =	ssyncset.done $0x0  }
0x26a: {  	[sflag:s25] =	ssyncadd.s32 $0xFFFFEC78  }
0x26b: {  	_ =	swait.ge [sflag:s10], $0x1388  }
0x26c: {  	[sflag:s10] =	ssyncset.done $0x0  }
0x26d: {  	[sflag:s10] =	ssyncadd.s32 $0xFFFFEC78  }
0x26e: {  	[spmem:s3] =	stream.indirect.scatter.add.f32 [tilespmem:s21], [sflag:$0x5], $0x1, s20, s9, $0xb8;
	[tilespmem:$0x13960] =	vst v63  }
0x26f: {  	s1 =	rddreg [dreg:$0x1c]  }
0x270: {  	[tilespmem:s22], [sflag:$0x6] =	stream.linear.gather [hbm4b:s1+s2], $0x1388, $0x38;
	[tilespmem:$0x13960] =	vst v63  }
0x271: {  	_ =	swait.ge [sflag:s7], $0x1388  }
0x272: {  	[sflag:s7] =	ssyncset.done $0x0  }
0x273: {  	s1 =	rddreg [dreg:$0x1d];
	[sflag:s7] =	ssyncadd.s32 $0xFFFFEC78  }
0x274: {  	[tilespmem:s15], [sflag:$0x6] =	stream.linear.gather [hbm4b:s1+s2], $0x1388, $0x38;
	[tilespmem:$0x13960] =	vst v63  }
0x275: {  	_ =	swait.ge [sflag:s7], $0x1388  }
0x276: {  	[sflag:s7] =	ssyncset.done $0x0  }
0x277: {  	[sflag:s7] =	ssyncadd.s32 $0xFFFFEC78  }
0x278: {  	[tilespmem:s16], [sflag:$0x4] =	stream.indirect.gather [spmem:s4], $0x1, s22, s9, $0xb8;
	[tilespmem:$0x13960] =	vst v63  }
0x279: {  	_ =	swait.ge [sflag:s23], $0x1388  }
0x27a: {  	[sflag:s23] =	ssyncset.done $0x0  }
0x27b: {  	[sflag:s23] =	ssyncadd.s32 $0xFFFFEC78  }
0x27c: {  	_ =	swait.ge [sflag:s10], $0x1388  }
0x27d: {  	[sflag:s10] =	ssyncset.done $0x0  }
0x27e: {  	[sflag:s10] =	ssyncadd.s32 $0xFFFFEC78  }
0x27f: {  	[spmem:s3] =	stream.indirect.scatter.add.f32 [tilespmem:s14], [sflag:$0x5], $0x1, s12, s9, $0xb8;
	[tilespmem:$0x13960] =	vst v63  }
0x280: {  	s1 =	rddreg [dreg:$0x1e]  }
0x281: {  	[tilespmem:s2], [sflag:$0x6] =	stream.linear.gather [hbm4b:s1+s2], $0x1388, $0x38;
	[tilespmem:$0x13960] =	vst v63  }
0x282: {  	_ =	swait.ge [sflag:s7], $0x1388  }
0x283: {  	[sflag:s7] =	ssyncset.done $0x0  }
0x284: {  	s1 =	rddreg [dreg:$0x1f];
	[sflag:s7] =	ssyncadd.s32 $0xFFFFEC78  }
0x285: {  	[tilespmem:s26], [sflag:$0x6] =	stream.linear.gather [hbm4b:s1+s2], $0x1388, $0x38;
	[tilespmem:$0x13960] =	vst v63  }
0x286: {  	_ =	swait.ge [sflag:s7], $0x1388  }
0x287: {  	[sflag:s7] =	ssyncset.done $0x0  }
0x288: {  	[sflag:s7] =	ssyncadd.s32 $0xFFFFEC78  }
0x289: {  	[tilespmem:s28], [sflag:$0x1] =	stream.indirect.gather [spmem:s4], $0x1, s2, s9, $0xb8;
	[tilespmem:$0x13960] =	vst v63  }
0x28a: {  	_ =	swait.ge [sflag:s17], $0x1388  }
0x28b: {  	[sflag:s17] =	ssyncset.done $0x0  }
0x28c: {  	[sflag:s17] =	ssyncadd.s32 $0xFFFFEC78  }
0x28d: {  	_ =	swait.ge [sflag:s10], $0x1388  }
0x28e: {  	[sflag:s10] =	ssyncset.done $0x0  }
0x28f: {  	s1 =	sld [smem:$0x7F4];
	[sflag:s10] =	ssyncadd.s32 $0xFFFFEC78  }
0x290: {  	[spmem:s3] =	stream.indirect.scatter.add.f32 [tilespmem:s16], [sflag:$0x5], $0x1, s15, s9, $0xb8;
	[tilespmem:$0x13960] =	vst v63  }
0x291: {  	_ = 	snop  }
0x292: {  	[tilespmem:s29], [sflag:$0x6] =	stream.linear.gather [hbm4b:s1+s2], $0x1388, $0x38;
	[tilespmem:$0x13960] =	vst v63  }
0x293: {  	_ =	swait.ge [sflag:s7], $0x1388  }
0x294: {  	s1 =	sld [smem:$0x7F5]  }
0x295: {  	[sflag:s7] =	ssyncset.done $0x0  }
0x296: {  	[sflag:s7] =	ssyncadd.s32 $0xFFFFEC78  }
0x297: {  	[tilespmem:s20], [sflag:$0x6] =	stream.linear.gather [hbm4b:s1+s2], $0x1388, $0x38;
	[tilespmem:$0x13960] =	vst v63  }
0x298: {  	_ =	swait.ge [sflag:s7], $0x1388  }
0x299: {  	[sflag:s7] =	ssyncset.done $0x0  }
0x29a: {  	[sflag:s7] =	ssyncadd.s32 $0xFFFFEC78  }
0x29b: {  	[tilespmem:s21], [sflag:$0x2] =	stream.indirect.gather [spmem:s4], $0x1, s29, s9, $0xb8;
	[tilespmem:$0x13960] =	vst v63  }
0x29c: {  	_ =	swait.ge [sflag:s30], $0x1388  }
0x29d: {  	[sflag:s30] =	ssyncset.done $0x0  }
0x29e: {  	[sflag:s30] =	ssyncadd.s32 $0xFFFFEC78  }
0x29f: {  	_ =	swait.ge [sflag:s10], $0x1388  }
0x2a0: {  	[sflag:s10] =	ssyncset.done $0x0  }
0x2a1: {  	s1 =	sld [smem:$0x7F6];
	[sflag:s10] =	ssyncadd.s32 $0xFFFFEC78  }
0x2a2: {  	[spmem:s3] =	stream.indirect.scatter.add.f32 [tilespmem:s28], [sflag:$0x5], $0x1, s26, s9, $0xb8;
	[tilespmem:$0x13960] =	vst v63  }
0x2a3: {  	_ = 	snop  }
0x2a4: {  	[tilespmem:s24], [sflag:$0x6] =	stream.linear.gather [hbm4b:s1+s2], $0x1388, $0x38;
	[tilespmem:$0x13960] =	vst v63  }
0x2a5: {  	_ =	swait.ge [sflag:s7], $0x1388  }
0x2a6: {  	s1 =	sld [smem:$0x7F7]  }
0x2a7: {  	[sflag:s7] =	ssyncset.done $0x0  }
0x2a8: {  	[sflag:s7] =	ssyncadd.s32 $0xFFFFEC78  }
0x2a9: {  	[tilespmem:s12], [sflag:$0x6] =	stream.linear.gather [hbm4b:s1+s2], $0x1388, $0x38;
	[tilespmem:$0x13960] =	vst v63  }
0x2aa: {  	_ =	swait.ge [sflag:s7], $0x1388  }
0x2ab: {  	[sflag:s7] =	ssyncset.done $0x0  }
0x2ac: {  	[sflag:s7] =	ssyncadd.s32 $0xFFFFEC78  }
0x2ad: {  	[tilespmem:s14], [sflag:$0x3] =	stream.indirect.gather [spmem:s4], $0x1, s24, s9, $0xb8;
	[tilespmem:$0x13960] =	vst v63  }
0x2ae: {  	_ =	swait.ge [sflag:s25], $0x1388  }
0x2af: {  	[sflag:s25] =	ssyncset.done $0x0  }
0x2b0: {  	[sflag:s25] =	ssyncadd.s32 $0xFFFFEC78  }
0x2b1: {  	_ =	swait.ge [sflag:s10], $0x1388  }
0x2b2: {  	[sflag:s10] =	ssyncset.done $0x0  }
0x2b3: {  	s1 =	sld [smem:$0x7F8];
	[sflag:s10] =	ssyncadd.s32 $0xFFFFEC78  }
0x2b4: {  	[spmem:s3] =	stream.indirect.scatter.add.f32 [tilespmem:s21], [sflag:$0x5], $0x1, s20, s9, $0xb8;
	[tilespmem:$0x13960] =	vst v63  }
0x2b5: {  	_ = 	snop  }
0x2b6: {  	[tilespmem:s22], [sflag:$0x6] =	stream.linear.gather [hbm4b:s1+s2], $0x1388, $0x38;
	[tilespmem:$0x13960] =	vst v63  }
0x2b7: {  	_ =	swait.ge [sflag:s7], $0x1388  }
0x2b8: {  	s1 =	sld [smem:$0x7F9]  }
0x2b9: {  	[sflag:s7] =	ssyncset.done $0x0  }
0x2ba: {  	[sflag:s7] =	ssyncadd.s32 $0xFFFFEC78  }
0x2bb: {  	[tilespmem:s15], [sflag:$0x6] =	stream.linear.gather [hbm4b:s1+s2], $0x1388, $0x38;
	[tilespmem:$0x13960] =	vst v63  }
0x2bc: {  	_ =	swait.ge [sflag:s7], $0x1388  }
0x2bd: {  	[sflag:s7] =	ssyncset.done $0x0  }
0x2be: {  	[sflag:s7] =	ssyncadd.s32 $0xFFFFEC78  }
0x2bf: {  	[tilespmem:s16], [sflag:$0x4] =	stream.indirect.gather [spmem:s4], $0x1, s22, s9, $0xb8;
	[tilespmem:$0x13960] =	vst v63  }
0x2c0: {  	_ =	swait.ge [sflag:s23], $0x1388  }
0x2c1: {  	[sflag:s23] =	ssyncset.done $0x0  }
0x2c2: {  	[sflag:s23] =	ssyncadd.s32 $0xFFFFEC78  }
0x2c3: {  	_ =	swait.ge [sflag:s10], $0x1388  }
0x2c4: {  	[sflag:s10] =	ssyncset.done $0x0  }
0x2c5: {  	s1 =	sld [smem:$0x7FA];
	[sflag:s10] =	ssyncadd.s32 $0xFFFFEC78  }
0x2c6: {  	[spmem:s3] =	stream.indirect.scatter.add.f32 [tilespmem:s14], [sflag:$0x5], $0x1, s12, s9, $0xb8;
	[tilespmem:$0x13960] =	vst v63  }
0x2c7: {  	_ = 	snop  }
0x2c8: {  	[tilespmem:s2], [sflag:$0x6] =	stream.linear.gather [hbm4b:s1+s2], $0x1388, $0x38;
	[tilespmem:$0x13960] =	vst v63  }
0x2c9: {  	_ =	swait.ge [sflag:s7], $0x1388  }
0x2ca: {  	s1 =	sld [smem:$0x7FB]  }
0x2cb: {  	[sflag:s7] =	ssyncset.done $0x0  }
0x2cc: {  	[sflag:s7] =	ssyncadd.s32 $0xFFFFEC78  }
0x2cd: {  	[tilespmem:s26], [sflag:$0x6] =	stream.linear.gather [hbm4b:s1+s2], $0x1388, $0x38;
	[tilespmem:$0x13960] =	vst v63  }
0x2ce: {  	_ =	swait.ge [sflag:s7], $0x1388  }
0x2cf: {  	[sflag:s7] =	ssyncset.done $0x0  }
0x2d0: {  	[sflag:s7] =	ssyncadd.s32 $0xFFFFEC78  }
0x2d1: {  	[tilespmem:s28], [sflag:$0x1] =	stream.indirect.gather [spmem:s4], $0x1, s2, s9, $0xb8;
	[tilespmem:$0x13960] =	vst v63  }
0x2d2: {  	_ =	swait.ge [sflag:s17], $0x1388  }
0x2d3: {  	[sflag:s17] =	ssyncset.done $0x0  }
0x2d4: {  	[sflag:s17] =	ssyncadd.s32 $0xFFFFEC78  }
0x2d5: {  	_ =	swait.ge [sflag:s10], $0x1388  }
0x2d6: {  	[sflag:s10] =	ssyncset.done $0x0  }
0x2d7: {  	s1 =	sld [smem:$0x7FC];
	[sflag:s10] =	ssyncadd.s32 $0xFFFFEC78  }
0x2d8: {  	[spmem:s3] =	stream.indirect.scatter.add.f32 [tilespmem:s16], [sflag:$0x5], $0x1, s15, s9, $0xb8;
	[tilespmem:$0x13960] =	vst v63  }
0x2d9: {  	_ = 	snop  }
0x2da: {  	[tilespmem:s29], [sflag:$0x6] =	stream.linear.gather [hbm4b:s1+s2], $0x1388, $0x38;
	[tilespmem:$0x13960] =	vst v63  }
0x2db: {  	_ =	swait.ge [sflag:s7], $0x1388  }
0x2dc: {  	s1 =	sld [smem:$0x7FD]  }
0x2dd: {  	[sflag:s7] =	ssyncset.done $0x0  }
0x2de: {  	[sflag:s7] =	ssyncadd.s32 $0xFFFFEC78  }
0x2df: {  	[tilespmem:s20], [sflag:$0x6] =	stream.linear.gather [hbm4b:s1+s2], $0x1388, $0x38;
	[tilespmem:$0x13960] =	vst v63  }
0x2e0: {  	_ =	swait.ge [sflag:s7], $0x1388  }
0x2e1: {  	[sflag:s7] =	ssyncset.done $0x0  }
0x2e2: {  	[sflag:s7] =	ssyncadd.s32 $0xFFFFEC78  }
0x2e3: {  	[tilespmem:s21], [sflag:$0x2] =	stream.indirect.gather [spmem:s4], $0x1, s29, s9, $0xb8;
	[tilespmem:$0x13960] =	vst v63  }
0x2e4: {  	_ =	swait.ge [sflag:s30], $0x1388  }
0x2e5: {  	[sflag:s30] =	ssyncset.done $0x0  }
0x2e6: {  	[sflag:s30] =	ssyncadd.s32 $0xFFFFEC78  }
0x2e7: {  	_ =	swait.ge [sflag:s10], $0x1388  }
0x2e8: {  	[sflag:s10] =	ssyncset.done $0x0  }
0x2e9: {  	[sflag:s10] =	ssyncadd.s32 $0xFFFFEC78  }
0x2ea: {  	[spmem:s3] =	stream.indirect.scatter.add.f32 [tilespmem:s28], [sflag:$0x5], $0x1, s26, s9, $0xb8;
	[tilespmem:$0x13960] =	vst v63  }
0x2eb: {  	_ = 	snop  }
0x2ec: {  	[tilespmem:s24], [sflag:$0x6] =	stream.linear.gather [hbm4b:s19+s2], $0x1388, $0x38;
	[tilespmem:$0x13960] =	vst v63  }
0x2ed: {  	_ =	swait.ge [sflag:s7], $0x1388  }
0x2ee: {  	[sflag:s7] =	ssyncset.done $0x0  }
0x2ef: {  	[sflag:s7] =	ssyncadd.s32 $0xFFFFEC78  }
0x2f0: {  	[tilespmem:s12], [sflag:$0x6] =	stream.linear.gather [hbm4b:s18+s2], $0x1388, $0x38;
	[tilespmem:$0x13960] =	vst v63  }
0x2f1: {  	_ =	swait.ge [sflag:s7], $0x1388  }
0x2f2: {  	[sflag:s7] =	ssyncset.done $0x0  }
0x2f3: {  	[sflag:s7] =	ssyncadd.s32 $0xFFFFEC78  }
0x2f4: {  	[tilespmem:s14], [sflag:$0x3] =	stream.indirect.gather [spmem:s4], $0x1, s24, s9, $0xb8;
	[tilespmem:$0x13960] =	vst v63  }
0x2f5: {  	_ =	swait.ge [sflag:s25], $0x1388  }
0x2f6: {  	[sflag:s25] =	ssyncset.done $0x0  }
0x2f7: {  	[sflag:s25] =	ssyncadd.s32 $0xFFFFEC78  }
0x2f8: {  	_ =	swait.ge [sflag:s10], $0x1388  }
0x2f9: {  	[sflag:s10] =	ssyncset.done $0x0  }
0x2fa: {  	[sflag:s10] =	ssyncadd.s32 $0xFFFFEC78  }
0x2fb: {  	[spmem:s3] =	stream.indirect.scatter.add.f32 [tilespmem:s21], [sflag:$0x5], $0x1, s20, s9, $0xb8;
	[tilespmem:$0x13960] =	vst v63  }
0x2fc: {  	_ = 	snop  }
0x2fd: {  	[tilespmem:s22], [sflag:$0x6] =	stream.linear.gather [hbm4b:s13+s2], $0x1388, $0x38;
	[tilespmem:$0x13960] =	vst v63  }
0x2fe: {  	_ =	swait.ge [sflag:s7], $0x1388  }
0x2ff: {  	[sflag:s7] =	ssyncset.done $0x0  }
0x300: {  	[sflag:s7] =	ssyncadd.s32 $0xFFFFEC78  }
0x301: {  	[tilespmem:s15], [sflag:$0x6] =	stream.linear.gather [hbm4b:s11+s2], $0x1388, $0x38;
	[tilespmem:$0x13960] =	vst v63  }
0x302: {  	_ =	swait.ge [sflag:s7], $0x1388  }
0x303: {  	[sflag:s7] =	ssyncset.done $0x0  }
0x304: {  	[sflag:s7] =	ssyncadd.s32 $0xFFFFEC78  }
0x305: {  	[tilespmem:s16], [sflag:$0x4] =	stream.indirect.gather [spmem:s4], $0x1, s22, s9, $0xb8;
	[tilespmem:$0x13960] =	vst v63  }
0x306: {  	_ =	swait.ge [sflag:s23], $0x1388  }
0x307: {  	[sflag:s23] =	ssyncset.done $0x0  }
0x308: {  	[sflag:s23] =	ssyncadd.s32 $0xFFFFEC78  }
0x309: {  	_ =	swait.ge [sflag:s10], $0x1388  }
0x30a: {  	[sflag:s10] =	ssyncset.done $0x0  }
0x30b: {  	[sflag:s10] =	ssyncadd.s32 $0xFFFFEC78  }
0x30c: {  	[spmem:s3] =	stream.indirect.scatter.add.f32 [tilespmem:s14], [sflag:$0x5], $0x1, s12, s9, $0xb8;
	[tilespmem:$0x13960] =	vst v63  }
0x30d: {  	_ =	swait.ge [sflag:s17], $0x1388  }
0x30e: {  	[sflag:s17] =	ssyncset.done $0x0  }
0x30f: {  	[sflag:s17] =	ssyncadd.s32 $0xFFFFEC78  }
0x310: {  	_ =	swait.ge [sflag:s10], $0x1388  }
0x311: {  	[sflag:s10] =	ssyncset.done $0x0  }
0x312: {  	[sflag:s10] =	ssyncadd.s32 $0xFFFFEC78  }
0x313: {  	[spmem:s3] =	stream.indirect.scatter.add.f32 [tilespmem:s16], [sflag:$0x5], $0x1, s15, s9, $0xb8;
	[tilespmem:$0x13960] =	vst v63  }
0x314: {  	_ =	swait.ge [sflag:s10], $0x1388  }
0x315: {  	[sflag:s10] =	ssyncset.done $0x0  }
0x316: {  	[sflag:s10] =	ssyncadd.s32 $0xFFFFEC78  }
0x317: {  	[bflag:$0x0] =	sbarrier.arrive $0xFFFF  }
0x318: {  	[tilespmem:s8], [sflag:$0x6] =	stream.linear.gather [spmem:s5], $0x1870, $0x38;
	[tilespmem:$0x13960] =	vst v63  }
0x319: {  	p1 =	sne.s32 s0, $0x1;
	_ =	swait.ge [sflag:s7], $0x1870  }
.Ltmp2:
0x31a: {  	[sflag:s7] =	ssyncset.done $0x0;
	(pc) =	sbr.rel @p1 .LBB2_2-.Ltmp2, $4  }
0x31b: {  	[sflag:s7] =	ssyncadd.s32 $0xFFFFE790  }
0x31c: {  	[hbm4b:s6+s2] =	stream.linear.scatter [tilespmem:s8], [sflag:$0x6], $0x1870, $0x38;
	[tilespmem:$0x13960] =	vst v63  }
0x31d: {  	_ =	swait.ge [sflag:s7], $0x1870  }
0x31e: {  	s0 =	sadd.s32 $0xFFFFFFFF, s0;
	s1 =	rddreg [dreg:$0x4];
	[sflag:s7] =	ssyncset.done $0x0  }
.LBB2_3:
0x31f: {  	[sflag:s7] =	ssyncadd.s32 @p0 $0xFFFFE790  }
0x320: {  	[tilespmem:s8], [sflag:$0x6] =	stream.linear.gather [hbm4b:s1+s2], $0x1880, $0x38;
	[tilespmem:$0x13960] =	vst v63  }
0x321: {  	_ =	swait.ge [sflag:s7], $0x1880  }
0x322: {  	[sflag:s7] =	ssyncset.done $0x0  }
0x323: {  	[sflag:s7] =	ssyncadd.s32 $0xFFFFE780  }
0x324: {  	[spmem:s5] =	stream.linear.scatter [tilespmem:s8], [sflag:$0x6], $0x1870, $0x38;
	[tilespmem:$0x13960] =	vst v63  }
0x325: {  	_ =	swait.ge [sflag:s7], $0x1870  }
0x326: {  	[sflag:s7] =	ssyncset.done $0x0  }
0x327: {  	s0 =	rddreg [dreg:$0x5];
	[sflag:s7] =	ssyncadd.s32 $0xFFFFE790  }
0x328: {  	[tilespmem:s8], [sflag:$0x6] =	stream.linear.gather [hbm4b:s0+s2], $0x1870, $0x38;
	[tilespmem:$0x13960] =	vst v63  }
0x329: {  	_ =	swait.ge [sflag:s7], $0x1870  }
0x32a: {  	[sflag:s7] =	ssyncset.done $0x0  }
0x32b: {  	s1 =	rddreg [dreg:$0x6];
	[sflag:s7] =	ssyncadd.s32 $0xFFFFE790  }
0x32c: {  	[spmem:s1] =	stream.linear.scatter [tilespmem:s8], [sflag:$0x6], $0x1870, $0x38;
	[tilespmem:$0x13960] =	vst v63  }
0x32d: {  	_ =	swait.ge [sflag:s7], $0x1870  }
0x32e: {  	[sflag:s7] =	ssyncset.done $0x0  }
0x32f: {  	[sflag:s7] =	ssyncadd.s32 $0xFFFFE790  }
0x330: {  	[bflag:$0x0] =	sbarrier.arrive $0xFFFF  }
0x331: {  	[tilespmem:s2], [sflag:$0x6] =	stream.linear.gather [hbm4b:s31+s2], $0x1388, $0x38;
	[tilespmem:$0x13960] =	vst v63  }
0x332: {  	_ =	swait.ge [sflag:s7], $0x1388  }
0x333: {  	[sflag:s7] =	ssyncset.done $0x0  }
0x334: {  	s1 =	rddreg [dreg:$0x7];
	[sflag:s7] =	ssyncadd.s32 $0xFFFFEC78  }
0x335: {  	[tilespmem:s26], [sflag:$0x6] =	stream.linear.gather [hbm4b:s1+s2], $0x1388, $0x38;
	[tilespmem:$0x13960] =	vst v63  }
0x336: {  	_ =	swait.ge [sflag:s7], $0x1388  }
0x337: {  	[sflag:s7] =	ssyncset.done $0x0  }
0x338: {  	[sflag:s7] =	ssyncadd.s32 $0xFFFFEC78  }
0x339: {  	[tilespmem:s28], [sflag:$0x1] =	stream.indirect.gather [spmem:s4], $0x1, s2, s9, $0xb8;
	[tilespmem:$0x13960] =	vst v63  }
0x33a: {  	s31 =	rddreg [dreg:$0x8]  }
0x33b: {  	[tilespmem:s29], [sflag:$0x6] =	stream.linear.gather [hbm4b:s31+s2], $0x1388, $0x38;
	[tilespmem:$0x13960] =	vst v63  }
0x33c: {  	_ =	swait.ge [sflag:s7], $0x1388  }
0x33d: {  	[sflag:s7] =	ssyncset.done $0x0  }
0x33e: {  	s1 =	rddreg [dreg:$0x9];
	[sflag:s7] =	ssyncadd.s32 $0xFFFFEC78  }
0x33f: {  	[tilespmem:s20], [sflag:$0x6] =	stream.linear.gather [hbm4b:s1+s2], $0x1388, $0x38;
	[tilespmem:$0x13960] =	vst v63  }
0x340: {  	_ =	swait.ge [sflag:s7], $0x1388  }
0x341: {  	[sflag:s7] =	ssyncset.done $0x0  }
0x342: {  	[sflag:s7] =	ssyncadd.s32 $0xFFFFEC78  }
0x343: {  	[tilespmem:s21], [sflag:$0x2] =	stream.indirect.gather [spmem:s4], $0x1, s29, s9, $0xb8;
	[tilespmem:$0x13960] =	vst v63  }
0x344: {  	_ =	swait.ge [sflag:s30], $0x1388  }
0x345: {  	[sflag:s30] =	ssyncset.done $0x0  }
0x346: {  	[sflag:s30] =	ssyncadd.s32 $0xFFFFEC78  }
0x347: {  	[spmem:s3] =	stream.indirect.scatter.add.f32 [tilespmem:s28], [sflag:$0x5], $0x1, s26, s9, $0xb8;
	[tilespmem:$0x13960] =	vst v63  }
0x348: {  	s31 =	rddreg [dreg:$0xa]  }
0x349: {  	[tilespmem:s24], [sflag:$0x6] =	stream.linear.gather [hbm4b:s31+s2], $0x1388, $0x38;
	[tilespmem:$0x13960] =	vst v63  }
0x34a: {  	_ =	swait.ge [sflag:s7], $0x1388  }
0x34b: {  	[sflag:s7] =	ssyncset.done $0x0  }
0x34c: {  	s1 =	rddreg [dreg:$0xb];
	[sflag:s7] =	ssyncadd.s32 $0xFFFFEC78  }
0x34d: {  	[tilespmem:s12], [sflag:$0x6] =	stream.linear.gather [hbm4b:s1+s2], $0x1388, $0x38;
	[tilespmem:$0x13960] =	vst v63  }
0x34e: {  	_ =	swait.ge [sflag:s7], $0x1388  }
0x34f: {  	[sflag:s7] =	ssyncset.done $0x0  }
0x350: {  	[sflag:s7] =	ssyncadd.s32 $0xFFFFEC78  }
0x351: {  	[tilespmem:s14], [sflag:$0x3] =	stream.indirect.gather [spmem:s4], $0x1, s24, s9, $0xb8;
	[tilespmem:$0x13960] =	vst v63  }
0x352: {  	_ =	swait.ge [sflag:s25], $0x1388  }
0x353: {  	[sflag:s25] =	ssyncset.done $0x0  }
0x354: {  	[sflag:s25] =	ssyncadd.s32 $0xFFFFEC78  }
0x355: {  	_ =	swait.ge [sflag:s10], $0x1388  }
0x356: {  	[sflag:s10] =	ssyncset.done $0x0  }
0x357: {  	[sflag:s10] =	ssyncadd.s32 $0xFFFFEC78  }
0x358: {  	[spmem:s3] =	stream.indirect.scatter.add.f32 [tilespmem:s21], [sflag:$0x5], $0x1, s20, s9, $0xb8;
	[tilespmem:$0x13960] =	vst v63  }
0x359: {  	s31 =	rddreg [dreg:$0xc]  }
0x35a: {  	[tilespmem:s22], [sflag:$0x6] =	stream.linear.gather [hbm4b:s31+s2], $0x1388, $0x38;
	[tilespmem:$0x13960] =	vst v63  }
0x35b: {  	_ =	swait.ge [sflag:s7], $0x1388  }
0x35c: {  	[sflag:s7] =	ssyncset.done $0x0  }
0x35d: {  	s1 =	rddreg [dreg:$0xd];
	[sflag:s7] =	ssyncadd.s32 $0xFFFFEC78  }
0x35e: {  	[tilespmem:s15], [sflag:$0x6] =	stream.linear.gather [hbm4b:s1+s2], $0x1388, $0x38;
	[tilespmem:$0x13960] =	vst v63  }
0x35f: {  	_ =	swait.ge [sflag:s7], $0x1388  }
0x360: {  	[sflag:s7] =	ssyncset.done $0x0  }
0x361: {  	[sflag:s7] =	ssyncadd.s32 $0xFFFFEC78  }
0x362: {  	[tilespmem:s16], [sflag:$0x4] =	stream.indirect.gather [spmem:s4], $0x1, s22, s9, $0xb8;
	[tilespmem:$0x13960] =	vst v63  }
0x363: {  	_ =	swait.ge [sflag:s23], $0x1388  }
0x364: {  	[sflag:s23] =	ssyncset.done $0x0  }
0x365: {  	[sflag:s23] =	ssyncadd.s32 $0xFFFFEC78  }
0x366: {  	_ =	swait.ge [sflag:s10], $0x1388  }
0x367: {  	[sflag:s10] =	ssyncset.done $0x0  }
0x368: {  	[sflag:s10] =	ssyncadd.s32 $0xFFFFEC78  }
0x369: {  	[spmem:s3] =	stream.indirect.scatter.add.f32 [tilespmem:s14], [sflag:$0x5], $0x1, s12, s9, $0xb8;
	[tilespmem:$0x13960] =	vst v63  }
0x36a: {  	s31 =	rddreg [dreg:$0xe]  }
0x36b: {  	[tilespmem:s2], [sflag:$0x6] =	stream.linear.gather [hbm4b:s31+s2], $0x1388, $0x38;
	[tilespmem:$0x13960] =	vst v63  }
0x36c: {  	_ =	swait.ge [sflag:s7], $0x1388  }
0x36d: {  	[sflag:s7] =	ssyncset.done $0x0  }
0x36e: {  	s1 =	rddreg [dreg:$0xf];
	[sflag:s7] =	ssyncadd.s32 $0xFFFFEC78  }
0x36f: {  	[tilespmem:s26], [sflag:$0x6] =	stream.linear.gather [hbm4b:s1+s2], $0x1388, $0x38;
	[tilespmem:$0x13960] =	vst v63  }
0x370: {  	_ =	swait.ge [sflag:s7], $0x1388  }
0x371: {  	[sflag:s7] =	ssyncset.done $0x0  }
0x372: {  	[sflag:s7] =	ssyncadd.s32 $0xFFFFEC78  }
0x373: {  	[tilespmem:s28], [sflag:$0x1] =	stream.indirect.gather [spmem:s4], $0x1, s2, s9, $0xb8;
	[tilespmem:$0x13960] =	vst v63  }
0x374: {  	_ =	swait.ge [sflag:s17], $0x1388  }
0x375: {  	[sflag:s17] =	ssyncset.done $0x0  }
0x376: {  	[sflag:s17] =	ssyncadd.s32 $0xFFFFEC78  }
0x377: {  	_ =	swait.ge [sflag:s10], $0x1388  }
0x378: {  	[sflag:s10] =	ssyncset.done $0x0  }
0x379: {  	[sflag:s10] =	ssyncadd.s32 $0xFFFFEC78  }
0x37a: {  	[spmem:s3] =	stream.indirect.scatter.add.f32 [tilespmem:s16], [sflag:$0x5], $0x1, s15, s9, $0xb8;
	[tilespmem:$0x13960] =	vst v63  }
0x37b: {  	s31 =	rddreg [dreg:$0x10]  }
0x37c: {  	[tilespmem:s29], [sflag:$0x6] =	stream.linear.gather [hbm4b:s31+s2], $0x1388, $0x38;
	[tilespmem:$0x13960] =	vst v63  }
0x37d: {  	_ =	swait.ge [sflag:s7], $0x1388  }
0x37e: {  	[sflag:s7] =	ssyncset.done $0x0  }
0x37f: {  	s1 =	rddreg [dreg:$0x11];
	[sflag:s7] =	ssyncadd.s32 $0xFFFFEC78  }
0x380: {  	[tilespmem:s20], [sflag:$0x6] =	stream.linear.gather [hbm4b:s1+s2], $0x1388, $0x38;
	[tilespmem:$0x13960] =	vst v63  }
0x381: {  	_ =	swait.ge [sflag:s7], $0x1388  }
0x382: {  	[sflag:s7] =	ssyncset.done $0x0  }
0x383: {  	[sflag:s7] =	ssyncadd.s32 $0xFFFFEC78  }
0x384: {  	[tilespmem:s21], [sflag:$0x2] =	stream.indirect.gather [spmem:s4], $0x1, s29, s9, $0xb8;
	[tilespmem:$0x13960] =	vst v63  }
0x385: {  	_ =	swait.ge [sflag:s30], $0x1388  }
0x386: {  	[sflag:s30] =	ssyncset.done $0x0  }
0x387: {  	[sflag:s30] =	ssyncadd.s32 $0xFFFFEC78  }
0x388: {  	_ =	swait.ge [sflag:s10], $0x1388  }
0x389: {  	[sflag:s10] =	ssyncset.done $0x0  }
0x38a: {  	[sflag:s10] =	ssyncadd.s32 $0xFFFFEC78  }
0x38b: {  	[spmem:s3] =	stream.indirect.scatter.add.f32 [tilespmem:s28], [sflag:$0x5], $0x1, s26, s9, $0xb8;
	[tilespmem:$0x13960] =	vst v63  }
0x38c: {  	s31 =	rddreg [dreg:$0x12]  }
0x38d: {  	[tilespmem:s24], [sflag:$0x6] =	stream.linear.gather [hbm4b:s31+s2], $0x1388, $0x38;
	[tilespmem:$0x13960] =	vst v63  }
0x38e: {  	_ =	swait.ge [sflag:s7], $0x1388  }
0x38f: {  	[sflag:s7] =	ssyncset.done $0x0  }
0x390: {  	s1 =	rddreg [dreg:$0x13];
	[sflag:s7] =	ssyncadd.s32 $0xFFFFEC78  }
0x391: {  	[tilespmem:s12], [sflag:$0x6] =	stream.linear.gather [hbm4b:s1+s2], $0x1388, $0x38;
	[tilespmem:$0x13960] =	vst v63  }
0x392: {  	_ =	swait.ge [sflag:s7], $0x1388  }
0x393: {  	[sflag:s7] =	ssyncset.done $0x0  }
0x394: {  	[sflag:s7] =	ssyncadd.s32 $0xFFFFEC78  }
0x395: {  	[tilespmem:s14], [sflag:$0x3] =	stream.indirect.gather [spmem:s4], $0x1, s24, s9, $0xb8;
	[tilespmem:$0x13960] =	vst v63  }
0x396: {  	_ =	swait.ge [sflag:s25], $0x1388  }
0x397: {  	[sflag:s25] =	ssyncset.done $0x0  }
0x398: {  	[sflag:s25] =	ssyncadd.s32 $0xFFFFEC78  }
0x399: {  	_ =	swait.ge [sflag:s10], $0x1388  }
0x39a: {  	[sflag:s10] =	ssyncset.done $0x0  }
0x39b: {  	[sflag:s10] =	ssyncadd.s32 $0xFFFFEC78  }
0x39c: {  	[spmem:s3] =	stream.indirect.scatter.add.f32 [tilespmem:s21], [sflag:$0x5], $0x1, s20, s9, $0xb8;
	[tilespmem:$0x13960] =	vst v63  }
0x39d: {  	s31 =	rddreg [dreg:$0x14]  }
0x39e: {  	[tilespmem:s22], [sflag:$0x6] =	stream.linear.gather [hbm4b:s31+s2], $0x1388, $0x38;
	[tilespmem:$0x13960] =	vst v63  }
0x39f: {  	_ =	swait.ge [sflag:s7], $0x1388  }
0x3a0: {  	[sflag:s7] =	ssyncset.done $0x0  }
0x3a1: {  	s1 =	rddreg [dreg:$0x15];
	[sflag:s7] =	ssyncadd.s32 $0xFFFFEC78  }
0x3a2: {  	[tilespmem:s15], [sflag:$0x6] =	stream.linear.gather [hbm4b:s1+s2], $0x1388, $0x38;
	[tilespmem:$0x13960] =	vst v63  }
0x3a3: {  	_ =	swait.ge [sflag:s7], $0x1388  }
0x3a4: {  	[sflag:s7] =	ssyncset.done $0x0  }
0x3a5: {  	[sflag:s7] =	ssyncadd.s32 $0xFFFFEC78  }
0x3a6: {  	[tilespmem:s16], [sflag:$0x4] =	stream.indirect.gather [spmem:s4], $0x1, s22, s9, $0xb8;
	[tilespmem:$0x13960] =	vst v63  }
0x3a7: {  	_ =	swait.ge [sflag:s23], $0x1388  }
0x3a8: {  	[sflag:s23] =	ssyncset.done $0x0  }
0x3a9: {  	[sflag:s23] =	ssyncadd.s32 $0xFFFFEC78  }
0x3aa: {  	_ =	swait.ge [sflag:s10], $0x1388  }
0x3ab: {  	[sflag:s10] =	ssyncset.done $0x0  }
0x3ac: {  	[sflag:s10] =	ssyncadd.s32 $0xFFFFEC78  }
0x3ad: {  	[spmem:s3] =	stream.indirect.scatter.add.f32 [tilespmem:s14], [sflag:$0x5], $0x1, s12, s9, $0xb8;
	[tilespmem:$0x13960] =	vst v63  }
0x3ae: {  	s31 =	rddreg [dreg:$0x16]  }
0x3af: {  	[tilespmem:s2], [sflag:$0x6] =	stream.linear.gather [hbm4b:s31+s2], $0x1388, $0x38;
	[tilespmem:$0x13960] =	vst v63  }
0x3b0: {  	_ =	swait.ge [sflag:s7], $0x1388  }
0x3b1: {  	[sflag:s7] =	ssyncset.done $0x0  }
0x3b2: {  	s1 =	rddreg [dreg:$0x17];
	[sflag:s7] =	ssyncadd.s32 $0xFFFFEC78  }
0x3b3: {  	[tilespmem:s26], [sflag:$0x6] =	stream.linear.gather [hbm4b:s1+s2], $0x1388, $0x38;
	[tilespmem:$0x13960] =	vst v63  }
0x3b4: {  	_ =	swait.ge [sflag:s7], $0x1388  }
0x3b5: {  	[sflag:s7] =	ssyncset.done $0x0  }
0x3b6: {  	[sflag:s7] =	ssyncadd.s32 $0xFFFFEC78  }
0x3b7: {  	[tilespmem:s28], [sflag:$0x1] =	stream.indirect.gather [spmem:s4], $0x1, s2, s9, $0xb8;
	[tilespmem:$0x13960] =	vst v63  }
0x3b8: {  	_ =	swait.ge [sflag:s17], $0x1388  }
0x3b9: {  	[sflag:s17] =	ssyncset.done $0x0  }
0x3ba: {  	[sflag:s17] =	ssyncadd.s32 $0xFFFFEC78  }
0x3bb: {  	_ =	swait.ge [sflag:s10], $0x1388  }
0x3bc: {  	[sflag:s10] =	ssyncset.done $0x0  }
0x3bd: {  	[sflag:s10] =	ssyncadd.s32 $0xFFFFEC78  }
0x3be: {  	[spmem:s3] =	stream.indirect.scatter.add.f32 [tilespmem:s16], [sflag:$0x5], $0x1, s15, s9, $0xb8;
	[tilespmem:$0x13960] =	vst v63  }
0x3bf: {  	s31 =	rddreg [dreg:$0x18]  }
0x3c0: {  	[tilespmem:s29], [sflag:$0x6] =	stream.linear.gather [hbm4b:s31+s2], $0x1388, $0x38;
	[tilespmem:$0x13960] =	vst v63  }
0x3c1: {  	_ =	swait.ge [sflag:s7], $0x1388  }
0x3c2: {  	[sflag:s7] =	ssyncset.done $0x0  }
0x3c3: {  	s1 =	rddreg [dreg:$0x19];
	[sflag:s7] =	ssyncadd.s32 $0xFFFFEC78  }
0x3c4: {  	[tilespmem:s20], [sflag:$0x6] =	stream.linear.gather [hbm4b:s1+s2], $0x1388, $0x38;
	[tilespmem:$0x13960] =	vst v63  }
0x3c5: {  	_ =	swait.ge [sflag:s7], $0x1388  }
0x3c6: {  	[sflag:s7] =	ssyncset.done $0x0  }
0x3c7: {  	[sflag:s7] =	ssyncadd.s32 $0xFFFFEC78  }
0x3c8: {  	[tilespmem:s21], [sflag:$0x2] =	stream.indirect.gather [spmem:s4], $0x1, s29, s9, $0xb8;
	[tilespmem:$0x13960] =	vst v63  }
0x3c9: {  	_ =	swait.ge [sflag:s30], $0x1388  }
0x3ca: {  	[sflag:s30] =	ssyncset.done $0x0  }
0x3cb: {  	[sflag:s30] =	ssyncadd.s32 $0xFFFFEC78  }
0x3cc: {  	_ =	swait.ge [sflag:s10], $0x1388  }
0x3cd: {  	[sflag:s10] =	ssyncset.done $0x0  }
0x3ce: {  	[sflag:s10] =	ssyncadd.s32 $0xFFFFEC78  }
0x3cf: {  	[spmem:s3] =	stream.indirect.scatter.add.f32 [tilespmem:s28], [sflag:$0x5], $0x1, s26, s9, $0xb8;
	[tilespmem:$0x13960] =	vst v63  }
0x3d0: {  	s31 =	rddreg [dreg:$0x1a]  }
0x3d1: {  	[tilespmem:s24], [sflag:$0x6] =	stream.linear.gather [hbm4b:s31+s2], $0x1388, $0x38;
	[tilespmem:$0x13960] =	vst v63  }
0x3d2: {  	_ =	swait.ge [sflag:s7], $0x1388  }
0x3d3: {  	[sflag:s7] =	ssyncset.done $0x0  }
0x3d4: {  	s1 =	rddreg [dreg:$0x1b];
	[sflag:s7] =	ssyncadd.s32 $0xFFFFEC78  }
0x3d5: {  	[tilespmem:s12], [sflag:$0x6] =	stream.linear.gather [hbm4b:s1+s2], $0x1388, $0x38;
	[tilespmem:$0x13960] =	vst v63  }
0x3d6: {  	_ =	swait.ge [sflag:s7], $0x1388  }
0x3d7: {  	[sflag:s7] =	ssyncset.done $0x0  }
0x3d8: {  	[sflag:s7] =	ssyncadd.s32 $0xFFFFEC78  }
0x3d9: {  	[tilespmem:s14], [sflag:$0x3] =	stream.indirect.gather [spmem:s4], $0x1, s24, s9, $0xb8;
	[tilespmem:$0x13960] =	vst v63  }
0x3da: {  	_ =	swait.ge [sflag:s25], $0x1388  }
0x3db: {  	[sflag:s25] =	ssyncset.done $0x0  }
0x3dc: {  	[sflag:s25] =	ssyncadd.s32 $0xFFFFEC78  }
0x3dd: {  	_ =	swait.ge [sflag:s10], $0x1388  }
0x3de: {  	[sflag:s10] =	ssyncset.done $0x0  }
0x3df: {  	[sflag:s10] =	ssyncadd.s32 $0xFFFFEC78  }
0x3e0: {  	[spmem:s3] =	stream.indirect.scatter.add.f32 [tilespmem:s21], [sflag:$0x5], $0x1, s20, s9, $0xb8;
	[tilespmem:$0x13960] =	vst v63  }
0x3e1: {  	s31 =	rddreg [dreg:$0x1c]  }
0x3e2: {  	[tilespmem:s22], [sflag:$0x6] =	stream.linear.gather [hbm4b:s31+s2], $0x1388, $0x38;
	[tilespmem:$0x13960] =	vst v63  }
0x3e3: {  	_ =	swait.ge [sflag:s7], $0x1388  }
0x3e4: {  	[sflag:s7] =	ssyncset.done $0x0  }
0x3e5: {  	s1 =	rddreg [dreg:$0x1d];
	[sflag:s7] =	ssyncadd.s32 $0xFFFFEC78  }
0x3e6: {  	[tilespmem:s15], [sflag:$0x6] =	stream.linear.gather [hbm4b:s1+s2], $0x1388, $0x38;
	[tilespmem:$0x13960] =	vst v63  }
0x3e7: {  	_ =	swait.ge [sflag:s7], $0x1388  }
0x3e8: {  	[sflag:s7] =	ssyncset.done $0x0  }
0x3e9: {  	[sflag:s7] =	ssyncadd.s32 $0xFFFFEC78  }
0x3ea: {  	[tilespmem:s16], [sflag:$0x4] =	stream.indirect.gather [spmem:s4], $0x1, s22, s9, $0xb8;
	[tilespmem:$0x13960] =	vst v63  }
0x3eb: {  	_ =	swait.ge [sflag:s23], $0x1388  }
0x3ec: {  	[sflag:s23] =	ssyncset.done $0x0  }
0x3ed: {  	[sflag:s23] =	ssyncadd.s32 $0xFFFFEC78  }
0x3ee: {  	_ =	swait.ge [sflag:s10], $0x1388  }
0x3ef: {  	[sflag:s10] =	ssyncset.done $0x0  }
0x3f0: {  	[sflag:s10] =	ssyncadd.s32 $0xFFFFEC78  }
0x3f1: {  	[spmem:s3] =	stream.indirect.scatter.add.f32 [tilespmem:s14], [sflag:$0x5], $0x1, s12, s9, $0xb8;
	[tilespmem:$0x13960] =	vst v63  }
0x3f2: {  	s31 =	rddreg [dreg:$0x1e]  }
0x3f3: {  	[tilespmem:s2], [sflag:$0x6] =	stream.linear.gather [hbm4b:s31+s2], $0x1388, $0x38;
	[tilespmem:$0x13960] =	vst v63  }
0x3f4: {  	_ =	swait.ge [sflag:s7], $0x1388  }
0x3f5: {  	[sflag:s7] =	ssyncset.done $0x0  }
0x3f6: {  	s1 =	rddreg [dreg:$0x1f];
	[sflag:s7] =	ssyncadd.s32 $0xFFFFEC78  }
0x3f7: {  	[tilespmem:s26], [sflag:$0x6] =	stream.linear.gather [hbm4b:s1+s2], $0x1388, $0x38;
	[tilespmem:$0x13960] =	vst v63  }
0x3f8: {  	_ =	swait.ge [sflag:s7], $0x1388  }
0x3f9: {  	[sflag:s7] =	ssyncset.done $0x0  }
0x3fa: {  	[sflag:s7] =	ssyncadd.s32 $0xFFFFEC78  }
0x3fb: {  	[tilespmem:s28], [sflag:$0x1] =	stream.indirect.gather [spmem:s4], $0x1, s2, s9, $0xb8;
	[tilespmem:$0x13960] =	vst v63  }
0x3fc: {  	_ =	swait.ge [sflag:s17], $0x1388  }
0x3fd: {  	[sflag:s17] =	ssyncset.done $0x0  }
0x3fe: {  	[sflag:s17] =	ssyncadd.s32 $0xFFFFEC78  }
0x3ff: {  	_ =	swait.ge [sflag:s10], $0x1388  }
0x400: {  	[sflag:s10] =	ssyncset.done $0x0  }
0x401: {  	s31 =	sld [smem:$0x7F4];
	[sflag:s10] =	ssyncadd.s32 $0xFFFFEC78  }
0x402: {  	[spmem:s3] =	stream.indirect.scatter.add.f32 [tilespmem:s16], [sflag:$0x5], $0x1, s15, s9, $0xb8;
	[tilespmem:$0x13960] =	vst v63  }
0x403: {  	_ = 	snop  }
0x404: {  	[tilespmem:s29], [sflag:$0x6] =	stream.linear.gather [hbm4b:s31+s2], $0x1388, $0x38;
	[tilespmem:$0x13960] =	vst v63  }
0x405: {  	_ =	swait.ge [sflag:s7], $0x1388  }
0x406: {  	s1 =	sld [smem:$0x7F5]  }
0x407: {  	[sflag:s7] =	ssyncset.done $0x0  }
0x408: {  	[sflag:s7] =	ssyncadd.s32 $0xFFFFEC78  }
0x409: {  	[tilespmem:s20], [sflag:$0x6] =	stream.linear.gather [hbm4b:s1+s2], $0x1388, $0x38;
	[tilespmem:$0x13960] =	vst v63  }
0x40a: {  	_ =	swait.ge [sflag:s7], $0x1388  }
0x40b: {  	[sflag:s7] =	ssyncset.done $0x0  }
0x40c: {  	[sflag:s7] =	ssyncadd.s32 $0xFFFFEC78  }
0x40d: {  	[tilespmem:s21], [sflag:$0x2] =	stream.indirect.gather [spmem:s4], $0x1, s29, s9, $0xb8;
	[tilespmem:$0x13960] =	vst v63  }
0x40e: {  	_ =	swait.ge [sflag:s30], $0x1388  }
0x40f: {  	[sflag:s30] =	ssyncset.done $0x0  }
0x410: {  	[sflag:s30] =	ssyncadd.s32 $0xFFFFEC78  }
0x411: {  	_ =	swait.ge [sflag:s10], $0x1388  }
0x412: {  	[sflag:s10] =	ssyncset.done $0x0  }
0x413: {  	s31 =	sld [smem:$0x7F6];
	[sflag:s10] =	ssyncadd.s32 $0xFFFFEC78  }
0x414: {  	[spmem:s3] =	stream.indirect.scatter.add.f32 [tilespmem:s28], [sflag:$0x5], $0x1, s26, s9, $0xb8;
	[tilespmem:$0x13960] =	vst v63  }
0x415: {  	_ = 	snop  }
0x416: {  	[tilespmem:s24], [sflag:$0x6] =	stream.linear.gather [hbm4b:s31+s2], $0x1388, $0x38;
	[tilespmem:$0x13960] =	vst v63  }
0x417: {  	_ =	swait.ge [sflag:s7], $0x1388  }
0x418: {  	s1 =	sld [smem:$0x7F7]  }
0x419: {  	[sflag:s7] =	ssyncset.done $0x0  }
0x41a: {  	[sflag:s7] =	ssyncadd.s32 $0xFFFFEC78  }
0x41b: {  	[tilespmem:s12], [sflag:$0x6] =	stream.linear.gather [hbm4b:s1+s2], $0x1388, $0x38;
	[tilespmem:$0x13960] =	vst v63  }
0x41c: {  	_ =	swait.ge [sflag:s7], $0x1388  }
0x41d: {  	[sflag:s7] =	ssyncset.done $0x0  }
0x41e: {  	[sflag:s7] =	ssyncadd.s32 $0xFFFFEC78  }
0x41f: {  	[tilespmem:s14], [sflag:$0x3] =	stream.indirect.gather [spmem:s4], $0x1, s24, s9, $0xb8;
	[tilespmem:$0x13960] =	vst v63  }
0x420: {  	_ =	swait.ge [sflag:s25], $0x1388  }
0x421: {  	[sflag:s25] =	ssyncset.done $0x0  }
0x422: {  	[sflag:s25] =	ssyncadd.s32 $0xFFFFEC78  }
0x423: {  	_ =	swait.ge [sflag:s10], $0x1388  }
0x424: {  	[sflag:s10] =	ssyncset.done $0x0  }
0x425: {  	s31 =	sld [smem:$0x7F8];
	[sflag:s10] =	ssyncadd.s32 $0xFFFFEC78  }
0x426: {  	[spmem:s3] =	stream.indirect.scatter.add.f32 [tilespmem:s21], [sflag:$0x5], $0x1, s20, s9, $0xb8;
	[tilespmem:$0x13960] =	vst v63  }
0x427: {  	_ = 	snop  }
0x428: {  	[tilespmem:s22], [sflag:$0x6] =	stream.linear.gather [hbm4b:s31+s2], $0x1388, $0x38;
	[tilespmem:$0x13960] =	vst v63  }
0x429: {  	_ =	swait.ge [sflag:s7], $0x1388  }
0x42a: {  	s1 =	sld [smem:$0x7F9]  }
0x42b: {  	[sflag:s7] =	ssyncset.done $0x0  }
0x42c: {  	[sflag:s7] =	ssyncadd.s32 $0xFFFFEC78  }
0x42d: {  	[tilespmem:s15], [sflag:$0x6] =	stream.linear.gather [hbm4b:s1+s2], $0x1388, $0x38;
	[tilespmem:$0x13960] =	vst v63  }
0x42e: {  	_ =	swait.ge [sflag:s7], $0x1388  }
0x42f: {  	[sflag:s7] =	ssyncset.done $0x0  }
0x430: {  	[sflag:s7] =	ssyncadd.s32 $0xFFFFEC78  }
0x431: {  	[tilespmem:s16], [sflag:$0x4] =	stream.indirect.gather [spmem:s4], $0x1, s22, s9, $0xb8;
	[tilespmem:$0x13960] =	vst v63  }
0x432: {  	_ =	swait.ge [sflag:s23], $0x1388  }
0x433: {  	[sflag:s23] =	ssyncset.done $0x0  }
0x434: {  	[sflag:s23] =	ssyncadd.s32 $0xFFFFEC78  }
0x435: {  	_ =	swait.ge [sflag:s10], $0x1388  }
0x436: {  	[sflag:s10] =	ssyncset.done $0x0  }
0x437: {  	s31 =	sld [smem:$0x7FA];
	[sflag:s10] =	ssyncadd.s32 $0xFFFFEC78  }
0x438: {  	[spmem:s3] =	stream.indirect.scatter.add.f32 [tilespmem:s14], [sflag:$0x5], $0x1, s12, s9, $0xb8;
	[tilespmem:$0x13960] =	vst v63  }
0x439: {  	_ = 	snop  }
0x43a: {  	[tilespmem:s2], [sflag:$0x6] =	stream.linear.gather [hbm4b:s31+s2], $0x1388, $0x38;
	[tilespmem:$0x13960] =	vst v63  }
0x43b: {  	_ =	swait.ge [sflag:s7], $0x1388  }
0x43c: {  	s1 =	sld [smem:$0x7FB]  }
0x43d: {  	[sflag:s7] =	ssyncset.done $0x0  }
0x43e: {  	[sflag:s7] =	ssyncadd.s32 $0xFFFFEC78  }
0x43f: {  	[tilespmem:s26], [sflag:$0x6] =	stream.linear.gather [hbm4b:s1+s2], $0x1388, $0x38;
	[tilespmem:$0x13960] =	vst v63  }
0x440: {  	_ =	swait.ge [sflag:s7], $0x1388  }
0x441: {  	[sflag:s7] =	ssyncset.done $0x0  }
0x442: {  	[sflag:s7] =	ssyncadd.s32 $0xFFFFEC78  }
0x443: {  	[tilespmem:s28], [sflag:$0x1] =	stream.indirect.gather [spmem:s4], $0x1, s2, s9, $0xb8;
	[tilespmem:$0x13960] =	vst v63  }
0x444: {  	_ =	swait.ge [sflag:s17], $0x1388  }
0x445: {  	[sflag:s17] =	ssyncset.done $0x0  }
0x446: {  	[sflag:s17] =	ssyncadd.s32 $0xFFFFEC78  }
0x447: {  	_ =	swait.ge [sflag:s10], $0x1388  }
0x448: {  	[sflag:s10] =	ssyncset.done $0x0  }
0x449: {  	s31 =	sld [smem:$0x7FC];
	[sflag:s10] =	ssyncadd.s32 $0xFFFFEC78  }
0x44a: {  	[spmem:s3] =	stream.indirect.scatter.add.f32 [tilespmem:s16], [sflag:$0x5], $0x1, s15, s9, $0xb8;
	[tilespmem:$0x13960] =	vst v63  }
0x44b: {  	_ = 	snop  }
0x44c: {  	[tilespmem:s29], [sflag:$0x6] =	stream.linear.gather [hbm4b:s31+s2], $0x1388, $0x38;
	[tilespmem:$0x13960] =	vst v63  }
0x44d: {  	_ =	swait.ge [sflag:s7], $0x1388  }
0x44e: {  	s1 =	sld [smem:$0x7FD]  }
0x44f: {  	[sflag:s7] =	ssyncset.done $0x0  }
0x450: {  	[sflag:s7] =	ssyncadd.s32 $0xFFFFEC78  }
0x451: {  	[tilespmem:s20], [sflag:$0x6] =	stream.linear.gather [hbm4b:s1+s2], $0x1388, $0x38;
	[tilespmem:$0x13960] =	vst v63  }
0x452: {  	_ =	swait.ge [sflag:s7], $0x1388  }
0x453: {  	[sflag:s7] =	ssyncset.done $0x0  }
0x454: {  	[sflag:s7] =	ssyncadd.s32 $0xFFFFEC78  }
0x455: {  	[tilespmem:s21], [sflag:$0x2] =	stream.indirect.gather [spmem:s4], $0x1, s29, s9, $0xb8;
	[tilespmem:$0x13960] =	vst v63  }
0x456: {  	_ =	swait.ge [sflag:s30], $0x1388  }
0x457: {  	[sflag:s30] =	ssyncset.done $0x0  }
0x458: {  	[sflag:s30] =	ssyncadd.s32 $0xFFFFEC78  }
0x459: {  	_ =	swait.ge [sflag:s10], $0x1388  }
0x45a: {  	[sflag:s10] =	ssyncset.done $0x0  }
0x45b: {  	[sflag:s10] =	ssyncadd.s32 $0xFFFFEC78  }
0x45c: {  	[spmem:s3] =	stream.indirect.scatter.add.f32 [tilespmem:s28], [sflag:$0x5], $0x1, s26, s9, $0xb8;
	[tilespmem:$0x13960] =	vst v63  }
0x45d: {  	_ = 	snop  }
0x45e: {  	[tilespmem:s24], [sflag:$0x6] =	stream.linear.gather [hbm4b:s19+s2], $0x1388, $0x38;
	[tilespmem:$0x13960] =	vst v63  }
0x45f: {  	_ =	swait.ge [sflag:s7], $0x1388  }
0x460: {  	[sflag:s7] =	ssyncset.done $0x0  }
0x461: {  	[sflag:s7] =	ssyncadd.s32 $0xFFFFEC78  }
0x462: {  	[tilespmem:s12], [sflag:$0x6] =	stream.linear.gather [hbm4b:s18+s2], $0x1388, $0x38;
	[tilespmem:$0x13960] =	vst v63  }
0x463: {  	_ =	swait.ge [sflag:s7], $0x1388  }
0x464: {  	[sflag:s7] =	ssyncset.done $0x0  }
0x465: {  	[sflag:s7] =	ssyncadd.s32 $0xFFFFEC78  }
0x466: {  	[tilespmem:s14], [sflag:$0x3] =	stream.indirect.gather [spmem:s4], $0x1, s24, s9, $0xb8;
	[tilespmem:$0x13960] =	vst v63  }
0x467: {  	_ =	swait.ge [sflag:s25], $0x1388  }
0x468: {  	[sflag:s25] =	ssyncset.done $0x0  }
0x469: {  	[sflag:s25] =	ssyncadd.s32 $0xFFFFEC78  }
0x46a: {  	_ =	swait.ge [sflag:s10], $0x1388  }
0x46b: {  	[sflag:s10] =	ssyncset.done $0x0  }
0x46c: {  	[sflag:s10] =	ssyncadd.s32 $0xFFFFEC78  }
0x46d: {  	[spmem:s3] =	stream.indirect.scatter.add.f32 [tilespmem:s21], [sflag:$0x5], $0x1, s20, s9, $0xb8;
	[tilespmem:$0x13960] =	vst v63  }
0x46e: {  	_ = 	snop  }
0x46f: {  	[tilespmem:s22], [sflag:$0x6] =	stream.linear.gather [hbm4b:s13+s2], $0x1388, $0x38;
	[tilespmem:$0x13960] =	vst v63  }
0x470: {  	_ =	swait.ge [sflag:s7], $0x1388  }
0x471: {  	[sflag:s7] =	ssyncset.done $0x0  }
0x472: {  	[sflag:s7] =	ssyncadd.s32 $0xFFFFEC78  }
0x473: {  	[tilespmem:s15], [sflag:$0x6] =	stream.linear.gather [hbm4b:s11+s2], $0x1388, $0x38;
	[tilespmem:$0x13960] =	vst v63  }
0x474: {  	_ =	swait.ge [sflag:s7], $0x1388  }
0x475: {  	[sflag:s7] =	ssyncset.done $0x0  }
0x476: {  	[sflag:s7] =	ssyncadd.s32 $0xFFFFEC78  }
0x477: {  	[tilespmem:s16], [sflag:$0x4] =	stream.indirect.gather [spmem:s4], $0x1, s22, s9, $0xb8;
	[tilespmem:$0x13960] =	vst v63  }
0x478: {  	_ =	swait.ge [sflag:s23], $0x1388  }
0x479: {  	[sflag:s23] =	ssyncset.done $0x0  }
0x47a: {  	[sflag:s23] =	ssyncadd.s32 $0xFFFFEC78  }
0x47b: {  	_ =	swait.ge [sflag:s10], $0x1388  }
0x47c: {  	[sflag:s10] =	ssyncset.done $0x0  }
0x47d: {  	[sflag:s10] =	ssyncadd.s32 $0xFFFFEC78  }
0x47e: {  	[spmem:s3] =	stream.indirect.scatter.add.f32 [tilespmem:s14], [sflag:$0x5], $0x1, s12, s9, $0xb8;
	[tilespmem:$0x13960] =	vst v63  }
0x47f: {  	_ =	swait.ge [sflag:s17], $0x1388  }
0x480: {  	[sflag:s17] =	ssyncset.done $0x0  }
0x481: {  	[sflag:s17] =	ssyncadd.s32 $0xFFFFEC78  }
0x482: {  	_ =	swait.ge [sflag:s10], $0x1388  }
0x483: {  	[sflag:s10] =	ssyncset.done $0x0  }
0x484: {  	[sflag:s10] =	ssyncadd.s32 $0xFFFFEC78  }
0x485: {  	[spmem:s3] =	stream.indirect.scatter.add.f32 [tilespmem:s16], [sflag:$0x5], $0x1, s15, s9, $0xb8;
	[tilespmem:$0x13960] =	vst v63  }
0x486: {  	_ =	swait.ge [sflag:s10], $0x1388  }
0x487: {  	[sflag:s10] =	ssyncset.done $0x0  }
0x488: {  	[sflag:s10] =	ssyncadd.s32 $0xFFFFEC78  }
0x489: {  	[bflag:$0x0] =	sbarrier.arrive $0xFFFF  }
0x48a: {  	[tilespmem:s8], [sflag:$0x6] =	stream.linear.gather [spmem:s5], $0x1870, $0x38;
	[tilespmem:$0x13960] =	vst v63  }
0x48b: {  	_ =	swait.ge [sflag:s7], $0x1870  }
0x48c: {  	[sflag:s7] =	ssyncset.done $0x0  }
0x48d: {  	[sflag:s7] =	ssyncadd.s32 $0xFFFFE790  }
0x48e: {  	[hbm4b:s6+s2] =	stream.linear.scatter [tilespmem:s8], [sflag:$0x6], $0x1870, $0x38;
	[tilespmem:$0x13960] =	vst v63  }
0x48f: {  	_ =	swait.ge [sflag:s7], $0x1870  }
0x490: {  	[sflag:s7] =	ssyncset.done $0x0  }
0x491: {  	[sflag:s7] =	ssyncadd.s32 $0xFFFFE790  }
0x492: {  	_ =	sfence.sel $0x180000  }
0x493: {  	[bflag:$0x0] =	sbarrier.arrive $0xFFFF  }
0x494: {  	_ =	strace $0x9000004D  }
0x495: {  	s31 =	stileid.u32;
	[bflag:$0x2] =	sbarrier.arrive $0xFFFF  }
0x496: {  	p0 =	sne.s32 s31, $0x0;
	s0 =	rddreg [dreg:$0x3]  }
0x497: {  	s0 =	sadd.s32 @!p0 $0x100000, s0  }
0x498: {  	[sflag:s0] =	ssyncadd.tile.s32 @!p0 $0x1;
	_ =	shalt  }
.Lfunc_end2:
_tile_overlayer_lowered:
.L_overlay_start_2:
0x499: {  	(tag) =	ssettag $0x2  }
0x49a: {  	s0 =	rddreg [dreg:$0x0];
	s2 =	stileid.u32  }
0x49b: {  	s1 =	rddreg [dreg:$0x1];
	p0 =	sne.s32 s2, $0x0  }
0x49c: {  	s3 =	rddreg [dreg:$0x2];
	[bflag:$0x3] =	sbarrier.arrive $0xFFFF;
	s2 =	simm.s32 @!p0 $0x1C06  }
0x49d: {  	[timem:s3], [sflag:s2] =	dma.local @!p0 [hbm:s0], s1  }
0x49e: {  	s0 =	simm.s32 @!p0 $0x6  }
0x49f: {  	_ =	swait.ge @!p0 [sflag:s0], s1  }
0x4a0: {  	s1 =	ssub.s32 @!p0 $0x0, s1;
	[sflag:s0] =	ssyncset.done @!p0 $0x0  }
0x4a1: {  	[sflag:s0] =	ssyncadd.s32 @!p0 s1  }
0x4a2: {  	[bflag:$0x3] =	sbarrier.arrive $0xFFFF  }
0x4a3: {  	_ =	shalt  }

// kernel: kernel.8.cloned.1.call-start
scs
__scs_entry_jumppad:
0x0: {  	(pc) =	sbr.rel $0x88, $3  }
0x1: {  	(tag) =	ssettag $0x0;
	lr =	simm.s32 $0x1  }
0x2: {  	[smem:$0x3F9B] =	sst lr;
	_ =	strace $0xD0000000  }
0x3: {  	_ = 	snop  }
0x4: {  	_ = 	snop  }
0x5: {  	_ = 	snop  }
0x6: {  	_ = 	snop  }
0x7: {  	_ = 	snop  }
__scs_overlays_trampoline_lowered:
0x8: {  	[smem:$0x3FAA] =	sst s0  }
0x9: {  	[smem:$0x3FAB] =	sst s1  }
0xa: {  	[smem:$0x3FAC] =	sst s2  }
0xb: {  	[smem:$0x3FAD] =	sst s3  }
0xc: {  	[smem:$0x3FAE] =	sst s4  }
0xd: {  	[smem:$0x3FAF] =	sst s5  }
0xe: {  	[smem:$0x3FB0] =	sst s6  }
0xf: {  	[smem:$0x3FB1] =	sst s7  }
0x10: {  	[smem:$0x3FB2] =	sst s8  }
0x11: {  	[smem:$0x3FB3] =	sst s9;
	s0 =	simm.s32 @!p0 $0x0  }
0x12: {  	s1 =	sld [smem:$0x3F99];
	s0 =	simm.s32 @p0 $0x1  }
0x13: {  	[smem:$0x3FB4] =	sst s0;
	s0 =	simm.s32 @!p1 $0x0  }
0x14: {  	s2 =	sld [smem:$0x3F98];
	s0 =	simm.s32 @p1 $0x1  }
0x15: {  	[smem:$0x3FB5] =	sst s0;
	s0 =	simm.s32 @!p2 $0x0  }
0x16: {  	s3 =	sld [smem:$0x3FDB];
	s0 =	simm.s32 @p2 $0x1  }
0x17: {  	s4 =	simm.s32 $0x1BF5;
	[smem:$0x3FB7] =	sst s0  }
0x18: {  	s0 =	sld [smem:$0x3F9A];
	_ =	swait.ge [sflag:s4], $0x0  }
0x19: {  	s7 =	sld [smem:$0x3F9B]  }
0x1a: {  	s8 =	sadd.s32 $0xFFFFE003, lr  }
0x1b: {  	s9 =	sadd.s32 $0xFFFFFEF7, lr;
	s5 =	simm.s32 $0xFFFFFFFF;
	p2 =	slt.u32 s8, $0xFFFFF086  }
0x1c: {  	p1 =	slt.u32 s9, $0xF7A;
	s5 =	simm.s32 @!p2 $0x0  }
0x1d: {  	s5 =	simm.s32 @p1 $0x1;
	p0 =	seq.s32 s7, s2  }
0x1e: {  	s7 =	smul.u32 @!p0 $0xF7A, s2;
	p2 =	seq.s32 @!p0 s5, $0x0  }
0x1f: {  	s9 =	smul.u32 $0xF7A, s1;
	s8 =	simm.s32 @!p0 $0x1BF5;
	p2 =	por !p2, p0  }
0x20: {  	[sflag:s8] =	ssyncset.s32 @!p0 $0xFFFFF086;
	s6 =	sadd.s32 @!p0 s3, s7;
	s7 =	simm.s32 @!p0 $0x108  }
0x21: {  	s3 =	sadd.s32 s3, s9;
	s6 =	sadd.s32 @!p0 $0x88, s6;
	s7 =	simm.s32 @p2 $0x1082  }
0x22: {  	[simem:s7], [sflag:s8] =	dma.local @!p0 [hbm:s6], $0xF7A  }
0x23: {  	s9 =	sor.u32 $0xD0000000, s2;
	s6 =	simm.s32 $0x108;
	_ =	swait.ge @!p0 [sflag:s8], $0x0  }
0x24: {  	s3 =	sadd.s32 $0x88, s3;
	s6 =	simm.s32 @!p1 $0x1082;
	[sflag:s4] =	ssyncset.s32 $0xFFFFF086  }
0x25: {  	[simem:s6], [sflag:s4] =	dma.local [hbm:s3], $0xF7A  }
0x26: {  	[smem:$0x3F9B] =	sst s1;
	(tag) =	ssettag s2;
	_ =	strace s9  }
0x27: {  	s1 =	sld [smem:$0x3FAB]  }
0x28: {  	s2 =	sld [smem:$0x3FAC]  }
0x29: {  	s4 =	sld [smem:$0x3FAE]  }
0x2a: {  	p0 =	seq.s32 s5, $0x0;
	s5 =	sld [smem:$0x3FAF]  }
0x2b: {  	s6 =	sld [smem:$0x3FB0]  }
0x2c: {  	s7 =	sld [smem:$0x3FB1]  }
0x2d: {  	s3 =	simm.s32 $0x108;
	s8 =	sld [smem:$0x3FB2]  }
0x2e: {  	s3 =	simm.s32 @!p0 $0x1082;
	s9 =	sld [smem:$0x3FB3]  }
0x2f: {  	lr =	sadd.s32 s0, s3;
	s0 =	sld [smem:$0x3FAA]  }
0x30: {  	s3 =	sld [smem:$0x3FAD]  }
0x31: {  	[smem:$0x3FB6] =	sst s10  }
0x32: {  	s10 =	sld [smem:$0x3FB4];
	_ =	sdelay $0x3  }
0x33: {  	p0 =	seq.s32 s10, $0x1;
	s10 =	sld [smem:$0x3FB6];
	_ =	sdelay $0x3  }
0x34: {  	[smem:$0x3FB6] =	sst s10  }
0x35: {  	s10 =	sld [smem:$0x3FB5];
	_ =	sdelay $0x3  }
0x36: {  	p1 =	seq.s32 s10, $0x1;
	s10 =	sld [smem:$0x3FB6];
	_ =	sdelay $0x3  }
0x37: {  	[smem:$0x3FB6] =	sst s10  }
0x38: {  	s10 =	sld [smem:$0x3FB7]  }
0x39: {  	_ = 	snop;
	(pc) =	sbr.ind lr, $3  }
0x3a: {  	_ = 	snop  }
0x3b: {  	_ = 	snop  }
0x3c: {  	p2 =	seq.s32 s10, $0x1;
	s10 =	sld [smem:$0x3FB6]  }
0x3d: {  	_ =	shalt  }
0x3e: {  	_ =	shalt  }
0x3f: {  	_ =	shalt  }
0x40: {  	_ =	shalt  }
0x41: {  	_ =	shalt  }
0x42: {  	_ =	shalt  }
0x43: {  	_ =	shalt  }
0x44: {  	_ =	shalt  }
0x45: {  	_ =	shalt  }
0x46: {  	_ =	shalt  }
0x47: {  	_ =	shalt  }
0x48: {  	_ =	shalt  }
0x49: {  	_ =	shalt  }
0x4a: {  	_ =	shalt  }
0x4b: {  	_ =	shalt  }
0x4c: {  	_ =	shalt  }
0x4d: {  	_ =	shalt  }
0x4e: {  	_ =	shalt  }
0x4f: {  	_ =	shalt  }
0x50: {  	_ =	shalt  }
0x51: {  	_ =	shalt  }
0x52: {  	_ =	shalt  }
0x53: {  	_ =	shalt  }
0x54: {  	_ =	shalt  }
0x55: {  	_ =	shalt  }
0x56: {  	_ =	shalt  }
0x57: {  	_ =	shalt  }
0x58: {  	_ =	shalt  }
0x59: {  	_ =	shalt  }
0x5a: {  	_ =	shalt  }
0x5b: {  	_ =	shalt  }
0x5c: {  	_ =	shalt  }
0x5d: {  	_ =	shalt  }
0x5e: {  	_ =	shalt  }
0x5f: {  	_ =	shalt  }
0x60: {  	_ =	shalt  }
0x61: {  	_ =	shalt  }
0x62: {  	_ =	shalt  }
0x63: {  	_ =	shalt  }
0x64: {  	_ =	shalt  }
0x65: {  	_ =	shalt  }
0x66: {  	_ =	shalt  }
0x67: {  	_ =	shalt  }
0x68: {  	_ =	shalt  }
0x69: {  	_ =	shalt  }
0x6a: {  	_ =	shalt  }
0x6b: {  	_ =	shalt  }
0x6c: {  	_ =	shalt  }
0x6d: {  	_ =	shalt  }
0x6e: {  	_ =	shalt  }
0x6f: {  	_ =	shalt  }
0x70: {  	_ =	shalt  }
0x71: {  	_ =	shalt  }
0x72: {  	_ =	shalt  }
0x73: {  	_ =	shalt  }
0x74: {  	_ =	shalt  }
0x75: {  	_ =	shalt  }
0x76: {  	_ =	shalt  }
0x77: {  	_ =	shalt  }
0x78: {  	_ =	shalt  }
0x79: {  	_ =	shalt  }
0x7a: {  	_ =	shalt  }
0x7b: {  	_ =	shalt  }
0x7c: {  	_ =	shalt  }
0x7d: {  	_ =	shalt  }
0x7e: {  	_ =	shalt  }
0x7f: {  	_ =	shalt  }
0x80: {  	_ =	shalt  }
0x81: {  	_ =	shalt  }
0x82: {  	_ =	shalt  }
0x83: {  	_ =	shalt  }
0x84: {  	_ =	shalt  }
0x85: {  	_ =	shalt  }
0x86: {  	_ =	shalt  }
0x87: {  	_ =	shalt  }
.Lfunc_end0:
.L_simem_size_0:
called_computation_lowered:
.L_overlay_start_0:
0x88: {  	s2 =	sld [smem:$0x3FD9]  }
0x89: {  	s3 =	sld [smem:$0x3FFE];
	_ =	sdelay $0x1  }
0x8a: {  	s1 =	srdreg.scid  }
0x8b: {  	s0 =	sand.u32 $0x1, s1  }
0x8c: {  	s17 =	sshll.u32 s0, $0xA;
	s2 =	sadd.s32 s3, s2  }
0x8d: {  	s2 =	sadd.s32 s2, s17  }
0x8e: {  	[smem:$0x3FC2] =	sst s2  }
0x8f: {  	_ = 	snop  }
0x90: {  	s2 =	sld [smem:$0x3FD0];
	(tm) =	ssettm $0x1  }
0x91: {  	s18 =	sld [smem:$0x3FFB];
	_ =	sdelay $0x3  }
0x92: {  	_ =	strace s18  }
0x93: {  	s3 =	sld [smem:$0x3FFC];
	_ =	sdelay $0x3  }
0x94: {  	_ =	strace s3  }
0x95: {  	s3 =	sld [smem:$0x3FFD];
	_ =	sdelay $0x3  }
0x96: {  	_ =	strace s3  }
0x97: {  	_ =	strace $0x8FFFFFFF  }
0x98: {  	s19 =	sld [smem:$0x3FDB];
	_ =	sdelay $0x1  }
0x99: {  	s4 =	simm.s32 $_scs_section_size  }
0x9a: {  	s5 =	simm.s32 $_size__tile_overlayer_lowered;
	s6 =	simm.s32 $_tile_overlayer_lowered  }
0x9b: {  	s22 =	simm.s32 $0x1BFF;
	s21 =	sshll.u32 s6, $0x1;
	s3 =	sadd.s32 s4, s19  }
0x9c: {  	s7 =	simm.s32 $0x0;
	s20 =	sshll.u32 s5, $0x1;
	s5 =	sadd.s32 s21, s3  }
0x9d: {  	[timem:s7], [sflag:s22] =	dma.local [hbm:s5], s20  }
0x9e: {  	_ =	swait.ge [sflag:s22], s20  }
0x9f: {  	s4 =	ssub.s32 $0x0, s20;
	[sflag:s22] =	ssyncset.done $0x0  }
0xa0: {  	[sflag:s22] =	ssyncadd.s32 s4;
	_ =	sdelay $0x1  }
0xa1: {  	s23 =	simm.s32 $0x1B8B  }
0xa2: {  	_ =	swait.ge [sflag:s23], $0x1  }
0xa3: {  	[sflag:s23] =	ssyncset.done $0x0  }
0xa4: {  	s25 =	simm.s32 $0x1B8E;
	s24 =	sld [smem:$0x3FFE];
	[sflag:s23] =	ssyncadd.s32 $0xFFFFFFFF  }
0xa5: {  	s26 =	simm.s32 $execute0_lowered;
	[smem:$0x3FD2] =	sst s25  }
0xa6: {  	s5 =	sshll.u32 s26, $0x1;
	_ =	strace $0x80000046;
	[dreg:$0x1] =	wrdreg $0xFFFFFFFF  }
0xa7: {  	s28 =	simm.s32 $_size_execute0_lowered;
	s3 =	sadd.s32 s3, s5;
	[dreg:$0x0] =	wrdreg $0x0  }
0xa8: {  	s5 =	sshll.u32 s28, $0x1;
	[dreg:$0x2] =	wrdreg s3  }
0xa9: {  	[dreg:$0x3] =	wrdreg s5  }
0xaa: {  	[dreg:$0x4] =	wrdreg $0xC0  }
0xab: {  	_ =	task [dreg:s7], $0x5FFFF  }
0xac: {  	[dreg:$0x1] =	wrdreg $0xFFFFFFFF  }
0xad: {  	[dreg:$0x0] =	wrdreg $0x60  }
0xae: {  	[dreg:$0x2] =	wrdreg s24  }
0xaf: {  	[dreg:$0x3] =	wrdreg s2  }
0xb0: {  	[dreg:$0x4] =	wrdreg $0xDE000  }
0xb1: {  	[dreg:$0x5] =	wrdreg $0x9  }
0xb2: {  	_ =	task.clear_ibuf [dreg:s7], $0x6FFFF;
	_ =	strace $0x90000046  }
0xb3: {  	s29 =	simm.s32 $0x9;
	_ =	strace $0x80000048  }
0xb4: {  	_ =	swait.ge [sflag:s29], $0x1  }
0xb5: {  	[sflag:s29] =	ssyncadd.s32 $0xFFFFFFFF  }
0xb6: {  	_ =	strace $0x90000048  }
0xb7: {  	_ =	sfence  }
0xb8: {  	s30 =	sld [smem:$0x0];
	_ =	sdelay $0x2  }
0xb9: {  	s31 =	sshll.u32 s1, $0xD;
	s1 =	sshrl.u32 s1, $0x2  }
0xba: {  	s3 =	sand.u32 $0x4000, s31;
	s1 =	sadd.s32 s1, s30  }
0xbb: {  	s0 =	sor.u32 s3, s0;
	s1 =	sshll.u32 s1, $0x11  }
0xbc: {  	s0 =	sor.u32 s1, s0  }
0xbd: {  	s0 =	sadd.s32 $0x8F2B, s0  }
0xbe: {  	[sflag:s0] =	ssyncadd.remote.s32 $0x1  }
0xbf: {  	_ =	sfence.sel $0xFFFF  }
0xc0: {  	[dreg:$0x0] =	wrdreg $0xFFFFFFFF;
	(pc) =	sbr.abs _section_cstart, $3  }
0xc1: {  	[dreg:$0x1] =	wrdreg $0xFFFFFFFF  }
0xc2: {  	_ =	task.clear_ibuf [dreg:s7], $0x2FFFF;
	_ =	strace $0x9FFFFFFF  }
0xc3: {  	(tm) =	ssettm $0x7FFFFFFF  }
tec
execute0_lowered:
.L_overlay_start_1:
0x0: {  	(tag) =	ssettag $0x1  }
0x1: {  	s25 =	rddreg [dreg:$0x0]  }
0x2: {  	s1 =	rddreg [dreg:$0x1]  }
0x3: {  	s3 =	rddreg [dreg:$0x2]  }
0x4: {  	s0 =	rddreg [dreg:$0x3];
	s4 =	simm.s32 $0x0  }
0x5: {  	s2 =	stileid.u32;
	s7 =	simm.s32 $0xC580;
	[smem:$0x7FF] =	sst s4  }
0x6: {  	s6 =	simm.s32 $0x2;
	s5 =	sadd.s32 $0xC4E00, s25;
	_ =	strace $0x80000047  }
0x7: {  	[tilespmem:s7], [sflag:$0x2] =	stream.linear.gather [hbm4b:s5+s4], $0x1880, $0x38;
	[tilespmem:$0xF670] =	vst v63  }
0x8: {  	s26 =	smul.u32 $0x1870, s2;
	_ =	swait.ge [sflag:s6], $0x1880  }
0x9: {  	[sflag:s6] =	ssyncset.done $0x0  }
0xa: {  	s9 =	srdreg.scid;
	s8 =	sadd.s32 s26, s3;
	[sflag:s6] =	ssyncadd.s32 $0xFFFFE780  }
0xb: {  	[spmem:s8] =	stream.linear.scatter [tilespmem:s7], [sflag:$0x2], $0x1870, $0x38;
	[tilespmem:$0xF670] =	vst v63  }
0xc: {  	s28 =	sand.u32 $0x1, s9;
	s29 =	sshll.u32 s2, $0x1;
	_ =	swait.ge [sflag:s6], $0x1870  }
0xd: {  	s9 =	sor.u32 s28, s29;
	[sflag:s6] =	ssyncset.done $0x0  }
0xe: {  	s10 =	smul.u32 $0x186A0, s9;
	s9 =	simm.s32 $0x9E00;
	[sflag:s6] =	ssyncadd.s32 $0xFFFFE790  }
0xf: {  	[tilespmem:s9], [sflag:$0x2] =	stream.linear.gather [hbm4b:s1+s4], $0x2780, $0x38;
	[tilespmem:$0xF670] =	vst v63  }
0x10: {  	_ =	swait.ge [sflag:s6], $0x2780  }
0x11: {  	s10 =	sshrl.u32 s10, $0x3;
	[sflag:s6] =	ssyncset.done $0x0  }
0x12: {  	s24 =	sadd.s32 s10, s25;
	[sflag:s6] =	ssyncadd.s32 $0xFFFFD880  }
0x13: {  	s10 =	sadd.s32 $0x63280, s24;
	[bflag:$0x0] =	sbarrier.arrive $0xFFFF  }
0x14: {  	[tilespmem:s4], [sflag:$0x2] =	stream.linear.gather [hbm4b:s10+s4], $0x2710, $0x38;
	[tilespmem:$0xF670] =	vst v63  }
0x15: {  	_ =	swait.ge [sflag:s6], $0x2710  }
0x16: {  	[sflag:s6] =	ssyncset.done $0x0  }
0x17: {  	s11 =	simm.s32 $0x2710;
	[sflag:s6] =	ssyncadd.s32 $0xFFFFD8F0  }
0x18: {  	[spmem:s3] =	stream.indirect.scatter.add.f32 [tilespmem:s9], [sflag:$0x1], $0x1, s4, s11, $0xb8;
	[tilespmem:$0xF670] =	vst v63  }
0x19: {  	s13 =	simm.s32 $0x2780;
	s12 =	sadd.s32 $0x63762, s24  }
0x1a: {  	[tilespmem:s13], [sflag:$0x2] =	stream.linear.gather [hbm4b:s12+s4], $0x2710, $0x38;
	[tilespmem:$0xF670] =	vst v63  }
0x1b: {  	_ =	swait.ge [sflag:s6], $0x2710  }
0x1c: {  	[sflag:s6] =	ssyncset.done $0x0  }
0x1d: {  	s14 =	simm.s32 $0x1;
	[sflag:s6] =	ssyncadd.s32 $0xFFFFD8F0  }
0x1e: {  	_ =	swait.ge [sflag:s14], $0x2710  }
0x1f: {  	[sflag:s14] =	ssyncset.done $0x0  }
0x20: {  	[sflag:s14] =	ssyncadd.s32 $0xFFFFD8F0  }
0x21: {  	[spmem:s3] =	stream.indirect.scatter.add.f32 [tilespmem:s9], [sflag:$0x1], $0x1, s13, s11, $0xb8;
	[tilespmem:$0xF670] =	vst v63  }
0x22: {  	s16 =	simm.s32 $0x4F00;
	s15 =	sadd.s32 $0x63C44, s24  }
0x23: {  	[tilespmem:s16], [sflag:$0x2] =	stream.linear.gather [hbm4b:s15+s4], $0x2710, $0x38;
	[tilespmem:$0xF670] =	vst v63  }
0x24: {  	_ =	swait.ge [sflag:s6], $0x2710  }
0x25: {  	[sflag:s6] =	ssyncset.done $0x0  }
0x26: {  	[sflag:s6] =	ssyncadd.s32 $0xFFFFD8F0  }
0x27: {  	_ =	swait.ge [sflag:s14], $0x2710  }
0x28: {  	[sflag:s14] =	ssyncset.done $0x0  }
0x29: {  	[sflag:s14] =	ssyncadd.s32 $0xFFFFD8F0  }
0x2a: {  	[spmem:s3] =	stream.indirect.scatter.add.f32 [tilespmem:s9], [sflag:$0x1], $0x1, s16, s11, $0xb8;
	[tilespmem:$0xF670] =	vst v63  }
0x2b: {  	s18 =	simm.s32 $0x7680;
	s17 =	sadd.s32 $0x64126, s24  }
0x2c: {  	[tilespmem:s18], [sflag:$0x2] =	stream.linear.gather [hbm4b:s17+s4], $0x2710, $0x38;
	[tilespmem:$0xF670] =	vst v63  }
0x2d: {  	_ =	swait.ge [sflag:s6], $0x2710  }
0x2e: {  	[sflag:s6] =	ssyncset.done $0x0  }
0x2f: {  	[sflag:s6] =	ssyncadd.s32 $0xFFFFD8F0  }
0x30: {  	_ =	swait.ge [sflag:s14], $0x2710  }
0x31: {  	[sflag:s14] =	ssyncset.done $0x0  }
0x32: {  	[sflag:s14] =	ssyncadd.s32 $0xFFFFD8F0  }
0x33: {  	[spmem:s3] =	stream.indirect.scatter.add.f32 [tilespmem:s9], [sflag:$0x1], $0x1, s18, s11, $0xb8;
	[tilespmem:$0xF670] =	vst v63  }
0x34: {  	s19 =	sadd.s32 $0x64608, s24  }
0x35: {  	[tilespmem:s4], [sflag:$0x2] =	stream.linear.gather [hbm4b:s19+s4], $0x2710, $0x38;
	[tilespmem:$0xF670] =	vst v63  }
0x36: {  	_ =	swait.ge [sflag:s6], $0x2710  }
0x37: {  	[sflag:s6] =	ssyncset.done $0x0  }
0x38: {  	[sflag:s6] =	ssyncadd.s32 $0xFFFFD8F0  }
0x39: {  	_ =	swait.ge [sflag:s14], $0x2710  }
0x3a: {  	[sflag:s14] =	ssyncset.done $0x0  }
0x3b: {  	[sflag:s14] =	ssyncadd.s32 $0xFFFFD8F0  }
0x3c: {  	[spmem:s3] =	stream.indirect.scatter.add.f32 [tilespmem:s9], [sflag:$0x1], $0x1, s4, s11, $0xb8;
	[tilespmem:$0xF670] =	vst v63  }
0x3d: {  	s20 =	sadd.s32 $0x64AEA, s24  }
0x3e: {  	[tilespmem:s13], [sflag:$0x2] =	stream.linear.gather [hbm4b:s20+s4], $0x2710, $0x38;
	[tilespmem:$0xF670] =	vst v63  }
0x3f: {  	_ =	swait.ge [sflag:s6], $0x2710  }
0x40: {  	[sflag:s6] =	ssyncset.done $0x0  }
0x41: {  	[sflag:s6] =	ssyncadd.s32 $0xFFFFD8F0  }
0x42: {  	_ =	swait.ge [sflag:s14], $0x2710  }
0x43: {  	[sflag:s14] =	ssyncset.done $0x0  }
0x44: {  	[sflag:s14] =	ssyncadd.s32 $0xFFFFD8F0  }
0x45: {  	[spmem:s3] =	stream.indirect.scatter.add.f32 [tilespmem:s9], [sflag:$0x1], $0x1, s13, s11, $0xb8;
	[tilespmem:$0xF670] =	vst v63  }
0x46: {  	s21 =	sadd.s32 $0x64FCC, s24  }
0x47: {  	[tilespmem:s16], [sflag:$0x2] =	stream.linear.gather [hbm4b:s21+s4], $0x2710, $0x38;
	[tilespmem:$0xF670] =	vst v63  }
0x48: {  	_ =	swait.ge [sflag:s6], $0x2710  }
0x49: {  	[sflag:s6] =	ssyncset.done $0x0  }
0x4a: {  	[sflag:s6] =	ssyncadd.s32 $0xFFFFD8F0  }
0x4b: {  	_ =	swait.ge [sflag:s14], $0x2710  }
0x4c: {  	[sflag:s14] =	ssyncset.done $0x0  }
0x4d: {  	[sflag:s14] =	ssyncadd.s32 $0xFFFFD8F0  }
0x4e: {  	[spmem:s3] =	stream.indirect.scatter.add.f32 [tilespmem:s9], [sflag:$0x1], $0x1, s16, s11, $0xb8;
	[tilespmem:$0xF670] =	vst v63  }
0x4f: {  	s22 =	sadd.s32 $0x654AE, s24  }
0x50: {  	[tilespmem:s18], [sflag:$0x2] =	stream.linear.gather [hbm4b:s22+s4], $0x2710, $0x38;
	[tilespmem:$0xF670] =	vst v63  }
0x51: {  	_ =	swait.ge [sflag:s6], $0x2710  }
0x52: {  	[sflag:s6] =	ssyncset.done $0x0  }
0x53: {  	[sflag:s6] =	ssyncadd.s32 $0xFFFFD8F0  }
0x54: {  	_ =	swait.ge [sflag:s14], $0x2710  }
0x55: {  	[sflag:s14] =	ssyncset.done $0x0  }
0x56: {  	[sflag:s14] =	ssyncadd.s32 $0xFFFFD8F0  }
0x57: {  	[spmem:s3] =	stream.indirect.scatter.add.f32 [tilespmem:s9], [sflag:$0x1], $0x1, s18, s11, $0xb8;
	[tilespmem:$0xF670] =	vst v63  }
0x58: {  	s23 =	sadd.s32 $0x65990, s24  }
0x59: {  	[tilespmem:s4], [sflag:$0x2] =	stream.linear.gather [hbm4b:s23+s4], $0x2710, $0x38;
	[tilespmem:$0xF670] =	vst v63  }
0x5a: {  	_ =	swait.ge [sflag:s6], $0x2710  }
0x5b: {  	[sflag:s6] =	ssyncset.done $0x0  }
0x5c: {  	[sflag:s6] =	ssyncadd.s32 $0xFFFFD8F0  }
0x5d: {  	_ =	swait.ge [sflag:s14], $0x2710  }
0x5e: {  	[sflag:s14] =	ssyncset.done $0x0  }
0x5f: {  	[sflag:s14] =	ssyncadd.s32 $0xFFFFD8F0  }
0x60: {  	[spmem:s3] =	stream.indirect.scatter.add.f32 [tilespmem:s9], [sflag:$0x1], $0x1, s4, s11, $0xb8;
	[tilespmem:$0xF670] =	vst v63  }
0x61: {  	s24 =	sadd.s32 $0x65E72, s24  }
0x62: {  	[tilespmem:s13], [sflag:$0x2] =	stream.linear.gather [hbm4b:s24+s4], $0x2710, $0x38;
	[tilespmem:$0xF670] =	vst v63  }
0x63: {  	_ =	swait.ge [sflag:s6], $0x2710  }
0x64: {  	[sflag:s6] =	ssyncset.done $0x0  }
0x65: {  	[sflag:s6] =	ssyncadd.s32 $0xFFFFD8F0  }
0x66: {  	_ =	swait.ge [sflag:s14], $0x2710  }
0x67: {  	[sflag:s14] =	ssyncset.done $0x0  }
0x68: {  	s29 =	smul.u32 $0x18700, s28;
	[sflag:s14] =	ssyncadd.s32 $0xFFFFD8F0  }
0x69: {  	[spmem:s3] =	stream.indirect.scatter.add.f32 [tilespmem:s9], [sflag:$0x1], $0x1, s13, s11, $0xb8;
	[tilespmem:$0xF670] =	vst v63  }
0x6a: {  	s28 =	ssub.s32 $0x2, s28;
	_ =	swait.ge [sflag:s14], $0x2710  }
0x6b: {  	s30 =	sshrl.u32 s28, $0x1;
	s26 =	sadd.s32 s26, s29;
	[sflag:s14] =	ssyncset.done $0x0  }
0x6c: {  	s31 =	ssub.s32 s28, s30;
	s26 =	sshrl.u32 s26, $0x3;
	[sflag:s14] =	ssyncadd.s32 $0xFFFFD8F0  }
0x6d: {  	s25 =	sadd.s32 s26, s25;
	s26 =	smax.u32 s31, $0x1;
	[bflag:$0x0] =	sbarrier.arrive $0xFFFF  }
0x6e: {  	[tilespmem:s7], [sflag:$0x2] =	stream.linear.gather [spmem:s8], $0x1870, $0x38;
	[tilespmem:$0xF670] =	vst v63  }
0x6f: {  	p0 =	sne.s32 s26, $0x1;
	_ =	swait.ge [sflag:s6], $0x1870  }
.Ltmp0:
0x70: {  	[sflag:s6] =	ssyncset.done $0x0;
	(pc) =	sbr.rel @!p0 .LBB2_2-.Ltmp0, $4  }
0x71: {  	s25 =	sadd.s32 $0xC5200, s25;
	[sflag:s6] =	ssyncadd.s32 $0xFFFFE790  }
0x72: {  	[hbm4b:s25+s4] =	stream.linear.scatter [tilespmem:s7], [sflag:$0x2], $0x1870, $0x38;
	[tilespmem:$0xF670] =	vst v63  }
0x73: {  	_ =	swait.ge [sflag:s6], $0x1870  }
0x74: {  	s26 =	sadd.s32 $0xFFFFFFFF, s26;
	[sflag:s6] =	ssyncset.done $0x0  }
.LBB2_1:
0x75: {  	p0 =	sne.s32 s26, $0x1;
	s26 =	sadd.s32 $0xFFFFFFFF, s26;
	[sflag:s6] =	ssyncadd.s32 $0xFFFFE790  }
0x76: {  	[tilespmem:s7], [sflag:$0x2] =	stream.linear.gather [hbm4b:s5+s4], $0x1880, $0x38;
	[tilespmem:$0xF670] =	vst v63  }
0x77: {  	_ =	swait.ge [sflag:s6], $0x1880  }
0x78: {  	[sflag:s6] =	ssyncset.done $0x0  }
0x79: {  	[sflag:s6] =	ssyncadd.s32 $0xFFFFE780  }
0x7a: {  	[spmem:s8] =	stream.linear.scatter [tilespmem:s7], [sflag:$0x2], $0x1870, $0x38;
	[tilespmem:$0xF670] =	vst v63  }
0x7b: {  	_ =	swait.ge [sflag:s6], $0x1870  }
0x7c: {  	[sflag:s6] =	ssyncset.done $0x0  }
0x7d: {  	[sflag:s6] =	ssyncadd.s32 $0xFFFFE790  }
0x7e: {  	[tilespmem:s9], [sflag:$0x2] =	stream.linear.gather [hbm4b:s1+s4], $0x2780, $0x38;
	[tilespmem:$0xF670] =	vst v63  }
0x7f: {  	_ =	swait.ge [sflag:s6], $0x2780  }
0x80: {  	[sflag:s6] =	ssyncset.done $0x0  }
0x81: {  	[sflag:s6] =	ssyncadd.s32 $0xFFFFD880  }
0x82: {  	[bflag:$0x0] =	sbarrier.arrive $0xFFFF  }
0x83: {  	[tilespmem:s4], [sflag:$0x2] =	stream.linear.gather [hbm4b:s10+s4], $0x2710, $0x38;
	[tilespmem:$0xF670] =	vst v63  }
0x84: {  	_ =	swait.ge [sflag:s6], $0x2710  }
0x85: {  	[sflag:s6] =	ssyncset.done $0x0  }
0x86: {  	[sflag:s6] =	ssyncadd.s32 $0xFFFFD8F0  }
0x87: {  	[spmem:s3] =	stream.indirect.scatter.add.f32 [tilespmem:s9], [sflag:$0x1], $0x1, s4, s11, $0xb8;
	[tilespmem:$0xF670] =	vst v63  }
0x88: {  	_ = 	snop  }
0x89: {  	[tilespmem:s13], [sflag:$0x2] =	stream.linear.gather [hbm4b:s12+s4], $0x2710, $0x38;
	[tilespmem:$0xF670] =	vst v63  }
0x8a: {  	_ =	swait.ge [sflag:s6], $0x2710  }
0x8b: {  	[sflag:s6] =	ssyncset.done $0x0  }
0x8c: {  	[sflag:s6] =	ssyncadd.s32 $0xFFFFD8F0  }
0x8d: {  	_ =	swait.ge [sflag:s14], $0x2710  }
0x8e: {  	[sflag:s14] =	ssyncset.done $0x0  }
0x8f: {  	[sflag:s14] =	ssyncadd.s32 $0xFFFFD8F0  }
0x90: {  	[spmem:s3] =	stream.indirect.scatter.add.f32 [tilespmem:s9], [sflag:$0x1], $0x1, s13, s11, $0xb8;
	[tilespmem:$0xF670] =	vst v63  }
0x91: {  	_ = 	snop  }
0x92: {  	[tilespmem:s16], [sflag:$0x2] =	stream.linear.gather [hbm4b:s15+s4], $0x2710, $0x38;
	[tilespmem:$0xF670] =	vst v63  }
0x93: {  	_ =	swait.ge [sflag:s6], $0x2710  }
0x94: {  	[sflag:s6] =	ssyncset.done $0x0  }
0x95: {  	[sflag:s6] =	ssyncadd.s32 $0xFFFFD8F0  }
0x96: {  	_ =	swait.ge [sflag:s14], $0x2710  }
0x97: {  	[sflag:s14] =	ssyncset.done $0x0  }
0x98: {  	[sflag:s14] =	ssyncadd.s32 $0xFFFFD8F0  }
0x99: {  	[spmem:s3] =	stream.indirect.scatter.add.f32 [tilespmem:s9], [sflag:$0x1], $0x1, s16, s11, $0xb8;
	[tilespmem:$0xF670] =	vst v63  }
0x9a: {  	_ = 	snop  }
0x9b: {  	[tilespmem:s18], [sflag:$0x2] =	stream.linear.gather [hbm4b:s17+s4], $0x2710, $0x38;
	[tilespmem:$0xF670] =	vst v63  }
0x9c: {  	_ =	swait.ge [sflag:s6], $0x2710  }
0x9d: {  	[sflag:s6] =	ssyncset.done $0x0  }
0x9e: {  	[sflag:s6] =	ssyncadd.s32 $0xFFFFD8F0  }
0x9f: {  	_ =	swait.ge [sflag:s14], $0x2710  }
0xa0: {  	[sflag:s14] =	ssyncset.done $0x0  }
0xa1: {  	[sflag:s14] =	ssyncadd.s32 $0xFFFFD8F0  }
0xa2: {  	[spmem:s3] =	stream.indirect.scatter.add.f32 [tilespmem:s9], [sflag:$0x1], $0x1, s18, s11, $0xb8;
	[tilespmem:$0xF670] =	vst v63  }
0xa3: {  	_ = 	snop  }
0xa4: {  	[tilespmem:s4], [sflag:$0x2] =	stream.linear.gather [hbm4b:s19+s4], $0x2710, $0x38;
	[tilespmem:$0xF670] =	vst v63  }
0xa5: {  	_ =	swait.ge [sflag:s6], $0x2710  }
0xa6: {  	[sflag:s6] =	ssyncset.done $0x0  }
0xa7: {  	[sflag:s6] =	ssyncadd.s32 $0xFFFFD8F0  }
0xa8: {  	_ =	swait.ge [sflag:s14], $0x2710  }
0xa9: {  	[sflag:s14] =	ssyncset.done $0x0  }
0xaa: {  	[sflag:s14] =	ssyncadd.s32 $0xFFFFD8F0  }
0xab: {  	[spmem:s3] =	stream.indirect.scatter.add.f32 [tilespmem:s9], [sflag:$0x1], $0x1, s4, s11, $0xb8;
	[tilespmem:$0xF670] =	vst v63  }
0xac: {  	_ = 	snop  }
0xad: {  	[tilespmem:s13], [sflag:$0x2] =	stream.linear.gather [hbm4b:s20+s4], $0x2710, $0x38;
	[tilespmem:$0xF670] =	vst v63  }
0xae: {  	_ =	swait.ge [sflag:s6], $0x2710  }
0xaf: {  	[sflag:s6] =	ssyncset.done $0x0  }
0xb0: {  	[sflag:s6] =	ssyncadd.s32 $0xFFFFD8F0  }
0xb1: {  	_ =	swait.ge [sflag:s14], $0x2710  }
0xb2: {  	[sflag:s14] =	ssyncset.done $0x0  }
0xb3: {  	[sflag:s14] =	ssyncadd.s32 $0xFFFFD8F0  }
0xb4: {  	[spmem:s3] =	stream.indirect.scatter.add.f32 [tilespmem:s9], [sflag:$0x1], $0x1, s13, s11, $0xb8;
	[tilespmem:$0xF670] =	vst v63  }
0xb5: {  	_ = 	snop  }
0xb6: {  	[tilespmem:s16], [sflag:$0x2] =	stream.linear.gather [hbm4b:s21+s4], $0x2710, $0x38;
	[tilespmem:$0xF670] =	vst v63  }
0xb7: {  	_ =	swait.ge [sflag:s6], $0x2710  }
0xb8: {  	[sflag:s6] =	ssyncset.done $0x0  }
0xb9: {  	[sflag:s6] =	ssyncadd.s32 $0xFFFFD8F0  }
0xba: {  	_ =	swait.ge [sflag:s14], $0x2710  }
0xbb: {  	[sflag:s14] =	ssyncset.done $0x0  }
0xbc: {  	[sflag:s14] =	ssyncadd.s32 $0xFFFFD8F0  }
0xbd: {  	[spmem:s3] =	stream.indirect.scatter.add.f32 [tilespmem:s9], [sflag:$0x1], $0x1, s16, s11, $0xb8;
	[tilespmem:$0xF670] =	vst v63  }
0xbe: {  	_ = 	snop  }
0xbf: {  	[tilespmem:s18], [sflag:$0x2] =	stream.linear.gather [hbm4b:s22+s4], $0x2710, $0x38;
	[tilespmem:$0xF670] =	vst v63  }
0xc0: {  	_ =	swait.ge [sflag:s6], $0x2710  }
0xc1: {  	[sflag:s6] =	ssyncset.done $0x0  }
0xc2: {  	[sflag:s6] =	ssyncadd.s32 $0xFFFFD8F0  }
0xc3: {  	_ =	swait.ge [sflag:s14], $0x2710  }
0xc4: {  	[sflag:s14] =	ssyncset.done $0x0  }
0xc5: {  	[sflag:s14] =	ssyncadd.s32 $0xFFFFD8F0  }
0xc6: {  	[spmem:s3] =	stream.indirect.scatter.add.f32 [tilespmem:s9], [sflag:$0x1], $0x1, s18, s11, $0xb8;
	[tilespmem:$0xF670] =	vst v63  }
0xc7: {  	_ = 	snop  }
0xc8: {  	[tilespmem:s4], [sflag:$0x2] =	stream.linear.gather [hbm4b:s23+s4], $0x2710, $0x38;
	[tilespmem:$0xF670] =	vst v63  }
0xc9: {  	_ =	swait.ge [sflag:s6], $0x2710  }
0xca: {  	[sflag:s6] =	ssyncset.done $0x0  }
0xcb: {  	[sflag:s6] =	ssyncadd.s32 $0xFFFFD8F0  }
0xcc: {  	_ =	swait.ge [sflag:s14], $0x2710  }
0xcd: {  	[sflag:s14] =	ssyncset.done $0x0  }
0xce: {  	[sflag:s14] =	ssyncadd.s32 $0xFFFFD8F0  }
0xcf: {  	[spmem:s3] =	stream.indirect.scatter.add.f32 [tilespmem:s9], [sflag:$0x1], $0x1, s4, s11, $0xb8;
	[tilespmem:$0xF670] =	vst v63  }
0xd0: {  	_ = 	snop  }
0xd1: {  	[tilespmem:s13], [sflag:$0x2] =	stream.linear.gather [hbm4b:s24+s4], $0x2710, $0x38;
	[tilespmem:$0xF670] =	vst v63  }
0xd2: {  	_ =	swait.ge [sflag:s6], $0x2710  }
0xd3: {  	[sflag:s6] =	ssyncset.done $0x0  }
0xd4: {  	[sflag:s6] =	ssyncadd.s32 $0xFFFFD8F0  }
0xd5: {  	_ =	swait.ge [sflag:s14], $0x2710  }
0xd6: {  	[sflag:s14] =	ssyncset.done $0x0  }
0xd7: {  	[sflag:s14] =	ssyncadd.s32 $0xFFFFD8F0  }
0xd8: {  	[spmem:s3] =	stream.indirect.scatter.add.f32 [tilespmem:s9], [sflag:$0x1], $0x1, s13, s11, $0xb8;
	[tilespmem:$0xF670] =	vst v63  }
0xd9: {  	_ =	swait.ge [sflag:s14], $0x2710  }
0xda: {  	[sflag:s14] =	ssyncset.done $0x0  }
0xdb: {  	[sflag:s14] =	ssyncadd.s32 $0xFFFFD8F0  }
0xdc: {  	[bflag:$0x0] =	sbarrier.arrive $0xFFFF  }
0xdd: {  	[tilespmem:s7], [sflag:$0x2] =	stream.linear.gather [spmem:s8], $0x1870, $0x38;
	[tilespmem:$0xF670] =	vst v63  }
0xde: {  	_ =	swait.ge [sflag:s6], $0x1870  }
.Ltmp1:
0xdf: {  	[sflag:s6] =	ssyncset.done $0x0;
	(pc) =	sbr.rel @p0 .LBB2_1-.Ltmp1, $4  }
0xe0: {  	[sflag:s6] =	ssyncadd.s32 $0xFFFFE790  }
0xe1: {  	[hbm4b:s25+s4] =	stream.linear.scatter [tilespmem:s7], [sflag:$0x2], $0x1870, $0x38;
	[tilespmem:$0xF670] =	vst v63  }
0xe2: {  	_ =	swait.ge [sflag:s6], $0x1870  }
0xe3: {  	[sflag:s6] =	ssyncset.done $0x0  }
.LBB2_2:
0xe4: {  	[sflag:s6] =	ssyncadd.s32 $0xFFFFE790  }
0xe5: {  	_ =	sfence.sel $0x180000  }
0xe6: {  	[bflag:$0x0] =	sbarrier.arrive $0xFFFF  }
0xe7: {  	p0 =	sne.s32 s2, $0x0;
	_ =	strace $0x90000047  }
0xe8: {  	s0 =	sadd.s32 @!p0 $0x100000, s0;
	[bflag:$0x2] =	sbarrier.arrive $0xFFFF  }
0xe9: {  	[sflag:s0] =	ssyncadd.tile.s32 @!p0 $0x1;
	_ =	shalt  }
.Lfunc_end2:
_tile_overlayer_lowered:
.L_overlay_start_2:
0xea: {  	(tag) =	ssettag $0x2  }
0xeb: {  	s0 =	rddreg [dreg:$0x0];
	s2 =	stileid.u32  }
0xec: {  	s1 =	rddreg [dreg:$0x1];
	p0 =	sne.s32 s2, $0x0  }
0xed: {  	s3 =	rddreg [dreg:$0x2];
	[bflag:$0x3] =	sbarrier.arrive $0xFFFF;
	s2 =	simm.s32 @!p0 $0x1C02  }
0xee: {  	[timem:s3], [sflag:s2] =	dma.local @!p0 [hbm:s0], s1  }
0xef: {  	s0 =	simm.s32 @!p0 $0x2  }
0xf0: {  	_ =	swait.ge @!p0 [sflag:s0], s1  }
0xf1: {  	s1 =	ssub.s32 @!p0 $0x0, s1;
	[sflag:s0] =	ssyncset.done @!p0 $0x0  }
0xf2: {  	[sflag:s0] =	ssyncadd.s32 @!p0 s1  }
0xf3: {  	[bflag:$0x3] =	sbarrier.arrive $0xFFFF  }
0xf4: {  	_ =	shalt  }

</sc_bundles>
